<compile_context>
chip_gen: v7x
topology: tpu7x:2x2x1
jax: 0.10.2.dev20260603
libtpu: 0.0.44.dev20260713+nightly
codegen_flags: <defaults>
</compile_context>

<pallas_src>
import functools

import jax
import jax.numpy as jnp
from jax import lax
from jax.experimental import pallas as pl
from jax.experimental.pallas import tpu as pltpu
from jax.experimental.pallas import tpu_sc as plsc

N = 10000
NP = 10112
E = 160000
CH = 40
CW = 128
EP = 32 * CH * CW
RPT = NP // 16
DUMMY_DST = N + 1


def _make_scatter(D, tiled=False):
    mesh = plsc.VectorSubcoreMesh(core_axis_name="c", subcore_axis_name="s")

    nbuf = 2

    @functools.partial(
        pl.kernel,
        mesh=mesh,
        out_type=jax.ShapeDtypeStruct((2, NP, D), jnp.float32),
        scratch_types=[
            pltpu.VMEM((CH, CW), jnp.int32),
            pltpu.VMEM((CH, CW), jnp.int32),
            pltpu.VMEM((nbuf, CW, D), jnp.float32),
            pltpu.VMEM_SHARED((NP, D), jnp.float32),
        ] + [pltpu.SemaphoreType.DMA] * nbuf,
        compiler_params=pltpu.CompilerParams(use_tc_tiling_on_sc=tiled),
    )
    def sck(g_hbm, src_hbm, dst_hbm, zeros_hbm, out_hbm, src_v, dst_v, rows_v, acc, *sems):
        c = lax.axis_index("c")
        s = lax.axis_index("s")
        wid = c * 16 + s
        base = s * RPT
        pltpu.sync_copy(src_hbm.at[wid], src_v)
        pltpu.sync_copy(dst_hbm.at[wid], dst_v)
        for b in range(nbuf):
            pltpu.async_copy(g_hbm.at[src_v.at[b]], rows_v.at[b], sems[b])
        pltpu.sync_copy(zeros_hbm, acc.at[pl.ds(base, RPT)])
        plsc.subcore_barrier()

        def body(t, carry):
            for b in range(nbuf):
                j = t * nbuf + b
                pltpu.make_async_copy(g_hbm.at[src_v.at[j]], rows_v.at[b], sems[b]).wait()
                pltpu.sync_copy(rows_v.at[b], acc.at[dst_v.at[j]], add=True)
                nj = j + nbuf

                @pl.when(nj < CH)
                def _():
                    pltpu.async_copy(g_hbm.at[src_v.at[nj]], rows_v.at[b], sems[b])

            return carry

        lax.fori_loop(0, CH // nbuf, body, 0)
        plsc.subcore_barrier()
        pltpu.sync_copy(acc.at[pl.ds(base, RPT)], out_hbm.at[c, pl.ds(base, RPT)])

    return sck



def _make_deg():
    mesh = plsc.VectorSubcoreMesh(core_axis_name="c", subcore_axis_name="s")

    @functools.partial(
        pl.kernel,
        mesh=mesh,
        out_type=jax.ShapeDtypeStruct((2, NP, 16), jnp.float32),
        scratch_types=[
            pltpu.VMEM((CH, CW), jnp.int32),
            pltpu.VMEM((CW, 16), jnp.float32),
            pltpu.VMEM_SHARED((NP, 16), jnp.float32),
        ],
        compiler_params=pltpu.CompilerParams(use_tc_tiling_on_sc=False),
    )
    def sck(ones_hbm, dst_hbm, zeros_hbm, out_hbm, dst_v, rows_v, acc):
        c = lax.axis_index("c")
        s = lax.axis_index("s")
        wid = c * 16 + s
        base = s * RPT
        pltpu.sync_copy(dst_hbm.at[wid], dst_v)
        pltpu.sync_copy(ones_hbm, rows_v)
        pltpu.sync_copy(zeros_hbm, acc.at[pl.ds(base, RPT)])
        plsc.subcore_barrier()

        def body(j, carry):
            pltpu.sync_copy(rows_v, acc.at[dst_v.at[j]], add=True)
            return carry

        lax.fori_loop(0, CH, body, 0)
        plsc.subcore_barrier()
        pltpu.sync_copy(acc.at[pl.ds(base, RPT)], out_hbm.at[c, pl.ds(base, RPT)])

    return sck


def _rowcall(fn, nodes, consts, out_dims, bm=400):
    grid = (N // bm,)
    in_specs = []
    for a in nodes:
        if a.ndim == 3:
            in_specs.append(pl.BlockSpec((2, bm, a.shape[2]), lambda i: (0, i, 0)))
        else:
            in_specs.append(pl.BlockSpec((bm, a.shape[1]), lambda i: (i, 0)))
    for a in consts:
        in_specs.append(pl.BlockSpec(a.shape, functools.partial(lambda nd, i: (0,) * nd, a.ndim)))

    nn, nc = len(nodes), len(consts)

    def body(*refs):
        ins = [r[...] for r in refs[: nn + nc]]
        outs = fn(*ins)
        if not isinstance(outs, tuple):
            outs = (outs,)
        for r, o in zip(refs[nn + nc :], outs):
            r[...] = o

    return pl.pallas_call(
        body,
        grid=grid,
        in_specs=in_specs,
        out_specs=[pl.BlockSpec((bm, d), lambda i: (i, 0)) for d in out_dims],
        out_shape=[jax.ShapeDtypeStruct((N, d), jnp.float32) for d in out_dims],
        compiler_params=pltpu.CompilerParams(dimension_semantics=("parallel",)),
    )(*nodes, *consts)


def _mm_big(Bm, W, b):
    bm = 400

    def body(x_ref, w_ref, b_ref, o_ref):
        o_ref[...] = jax.nn.relu(
            jnp.dot(x_ref[...], w_ref[...], preferred_element_type=jnp.float32) + b_ref[...]
        )

    return pl.pallas_call(
        body,
        grid=(N // bm,),
        in_specs=[
            pl.BlockSpec((bm, N), lambda i: (i, 0)),
            pl.BlockSpec((N, 256), lambda i: (0, 0)),
            pl.BlockSpec((1, 256), lambda i: (0, 0)),
        ],
        out_specs=pl.BlockSpec((bm, 256), lambda i: (i, 0)),
        out_shape=jax.ShapeDtypeStruct((N, 256), jnp.float32),
        compiler_params=pltpu.CompilerParams(dimension_semantics=("parallel",)),
    )(Bm, W, b)


def _mm_wide(xm, W, b):
    bm = 400
    K = xm.shape[1]

    def body(x_ref, w_ref, b_ref, o_ref):
        d = jnp.dot(x_ref[...], w_ref[...], preferred_element_type=jnp.float32)
        o_ref[...] = jax.nn.sigmoid(d + b_ref[...])

    return pl.pallas_call(
        body,
        grid=(N // bm,),
        in_specs=[
            pl.BlockSpec((bm, K), lambda i: (i, 0)),
            pl.BlockSpec((K, N), lambda i: (0, 0)),
            pl.BlockSpec((1, N), lambda i: (0, 0)),
        ],
        out_specs=pl.BlockSpec((bm, N), lambda i: (i, 0)),
        out_shape=jax.ShapeDtypeStruct((N, N), jnp.float32),
        compiler_params=pltpu.CompilerParams(dimension_semantics=("parallel",)),
    )(xm, W, b)


def _zzt(z):
    bm = 400

    def body(zi_ref, zj_ref, o_ref):
        d = lax.dot_general(
            zi_ref[...], zj_ref[...], (((1,), (1,)), ((), ())),
            preferred_element_type=jnp.float32,
        )
        o_ref[...] = jax.nn.sigmoid(d)

    return pl.pallas_call(
        body,
        grid=(N // bm,),
        in_specs=[
            pl.BlockSpec((bm, z.shape[1]), lambda i: (i, 0)),
            pl.BlockSpec((N, z.shape[1]), lambda i: (0, 0)),
        ],
        out_specs=pl.BlockSpec((bm, N), lambda i: (i, 0)),
        out_shape=jax.ShapeDtypeStruct((N, N), jnp.float32),
        compiler_params=pltpu.CompilerParams(dimension_semantics=("parallel",)),
    )(z, z)


def kernel(x, B, edge_index, params):
    p = params
    src = edge_index[0]
    dst = edge_index[1]
    pad = EP - E
    srcp = jnp.concatenate([src, jnp.zeros((pad,), jnp.int32)]).reshape(32, CH, CW)
    dstp = jnp.concatenate([dst, jnp.full((pad,), DUMMY_DST, jnp.int32)]).reshape(32, CH, CW)

    z16 = jnp.zeros((RPT, 16), jnp.float32)
    z64 = jnp.zeros((RPT, 64), jnp.float32)
    z128 = jnp.zeros((RPT, 128), jnp.float32)
    ones16 = jnp.ones((CW, 16), jnp.float32)

    scat64 = _make_scatter(64)
    scat128 = _make_scatter(128, tiled=True)

    b2 = {k: v.reshape(1, -1) for k, v in p.items() if k.endswith('_b')}

    degp = _make_deg()(ones16, dstp, z16)

    def f_norm(dg):
        d = dg[0, :, 0:1] + dg[1, :, 0:1]
        return jnp.broadcast_to(lax.rsqrt(jnp.maximum(d, 1.0)), (d.shape[0], 128))

    (norm,) = _rowcall(f_norm, [degp], [], [128])

    hidden1 = _mm_big(B, p['ce1_W'], b2['ce1_b'])

    def f_chain(h1, xx, nrm, ce2w, ce2b, ce3w, ce3b, cd1w, cd1b, cd2w, cd2b):
        h2 = jax.nn.relu(jnp.dot(h1, ce2w, preferred_element_type=jnp.float32) + ce2b)
        za = jax.nn.relu(jnp.dot(h2, ce3w, preferred_element_type=jnp.float32) + ce3b)
        s1 = jax.nn.relu(jnp.dot(za, cd1w, preferred_element_type=jnp.float32) + cd1b)
        s2 = jax.nn.relu(jnp.dot(s1, cd2w, preferred_element_type=jnp.float32) + cd2b)
        g1 = nrm[:, 0:1] * xx
        return h2, za, s1, s2, g1

    hidden2, z_a, se1, se2, g1 = _rowcall(
        f_chain,
        [hidden1, x, norm],
        [p['ce2_W'], b2['ce2_b'], p['ce3_W'], b2['ce3_b'],
         p['cd1_W'], b2['cd1_b'], p['cd2_W'], b2['cd2_b']],
        [128, 64, 128, 256, 128],
    )

    community_recon = _mm_wide(se2, p['cd3_W'], b2['cd3_b'])

    agg1 = scat128(g1, srcp, dstp, z128)

    def f_te1(agg, nrm, h1, w1, bb1, w2):
        n1 = nrm[:, 0:1]
        a = n1 * (agg[0] + agg[1])
        x1 = jax.nn.relu(jnp.dot(a, w1, preferred_element_type=jnp.float32) + bb1)
        h = x1 + h1
        return jnp.dot(n1 * h, w2, preferred_element_type=jnp.float32)

    (g2,) = _rowcall(f_te1, [agg1, norm, hidden1], [p['te1_W'], b2['te1_b'], p['te2_W']], [128])

    agg2 = scat128(g2, srcp, dstp, z128)

    def f_te2(agg, nrm, h2, bb, w):
        n1 = nrm[:, 0:1]
        x2 = jax.nn.relu(n1 * (agg[0] + agg[1]) + bb)
        return jnp.dot(n1 * (x2 + h2), w, preferred_element_type=jnp.float32)

    (g3,) = _rowcall(f_te2, [agg2, norm, hidden2], [b2['te2_b'], p['te3_W']], [64])

    agg3 = scat64(g3, srcp, dstp, z64)

    def f_te3(agg, nrm, za, bb, w):
        n1 = nrm[:, 0:1]
        x3 = jax.nn.relu(n1 * (agg[0] + agg[1]) + bb)
        return jnp.dot(n1 * (x3 + za), w, preferred_element_type=jnp.float32)

    (g4,) = _rowcall(f_te3, [agg3, norm, z_a], [b2['te3_b'], p['te4_W']], [64])

    agg4 = scat64(g4, srcp, dstp, z64)

    def f_te4(agg, nrm, bb, w):
        n1 = nrm[:, 0:1]
        z = jax.nn.relu(n1 * (agg[0] + agg[1]) + bb)
        return z, jnp.dot(n1 * z, w, preferred_element_type=jnp.float32)

    z, g5 = _rowcall(f_te4, [agg4, norm], [b2['te4_b'], p['ad1_W']], [64, 64])

    agg5 = scat64(g5, srcp, dstp, z64)

    def f_ad1(agg, nrm, bb):
        n1 = nrm[:, 0:1]
        a1 = jax.nn.relu(n1 * (agg[0] + agg[1]) + bb)
        return n1 * a1

    (g6,) = _rowcall(f_ad1, [agg5, norm], [b2['ad1_b']], [64])

    agg6 = scat64(g6, srcp, dstp, z64)

    def f_ad2(agg, nrm, w, bb):
        n1 = nrm[:, 0:1]
        a2 = jax.nn.relu(jnp.dot(n1 * (agg[0] + agg[1]), w, preferred_element_type=jnp.float32) + bb)
        return n1 * a2

    (g7,) = _rowcall(f_ad2, [agg6, norm], [p['ad2_W'], b2['ad2_b']], [128])

    agg7 = scat128(g7, srcp, dstp, z128)

    def f_ad3(agg, nrm, w, bb, w4):
        n1 = nrm[:, 0:1]
        a3 = jax.nn.relu(jnp.dot(n1 * (agg[0] + agg[1]), w, preferred_element_type=jnp.float32) + bb)
        return jnp.dot(n1 * a3, w4, preferred_element_type=jnp.float32)

    (g8,) = _rowcall(f_ad3, [agg7, norm], [p['ad3_W'], b2['ad3_b'], p['ad4_W']], [128])

    agg8 = scat128(g8, srcp, dstp, z128)

    def f_ad4(agg, nrm, bb):
        n1 = nrm[:, 0:1]
        return jax.nn.relu(n1 * (agg[0] + agg[1]) + bb)

    (attr_recon,) = _rowcall(f_ad4, [agg8, norm], [b2['ad4_b']], [128])

    struct_recon = _zzt(z)
    return struct_recon, attr_recon, community_recon

# --- scband reference (transcript-rebuilt; emitter-appended) ---
"""Pipeline reference for scband-com-ga-53249004536433 (READ-ONLY COPY).

The authoritative reference and input builder live on the scoring server;
editing this copy changes nothing except your own understanding.
"""

import jax, jax.numpy as jnp
import numpy as np

N = 10000
E = 160000
F_IN = 128
H1, H2, H3 = 256, 128, 64


def _xavier(key, fi, fo):
    s = float(np.sqrt(6.0 / (fi + fo)))
    return jax.random.uniform(key, (fi, fo), minval=-s, maxval=s, dtype=jnp.float32)


def setup_inputs(seed: int = 0):
    key = jax.random.key(seed)
    ks = jax.random.split(key, 4)
    x = jax.random.normal(ks[0], (N, F_IN), dtype=jnp.float32)
    B = jax.random.uniform(ks[1], (N, N), dtype=jnp.float32)
    edge_index = jax.random.randint(ks[2], (2, E), 0, N, dtype=jnp.int32)
    dims = {
        'ce1': (N, H1), 'ce2': (H1, H2), 'ce3': (H2, H3),
        'cd1': (H3, H2), 'cd2': (H2, H1), 'cd3': (H1, N),
        'te1': (F_IN, H1), 'te2': (H1, H2), 'te3': (H2, H3), 'te4': (H3, H3),
        'ad1': (H3, H3), 'ad2': (H3, H2), 'ad3': (H2, H1), 'ad4': (H1, F_IN),
    }
    names = sorted(dims.keys())
    pk = jax.random.split(ks[3], len(names))
    params = {}
    for i, name in enumerate(names):
        fi, fo = dims[name]
        params[name + '_W'] = _xavier(pk[i], fi, fo)
        params[name + '_b'] = jnp.zeros((fo,), dtype=jnp.float32)
    return {'x': x, 'B': B, 'edge_index': edge_index, 'params': params}


def _graph_conv(h, src, dst, norm, W, b):
    # DGL GraphConv with norm='both': D^{-1/2} A D^{-1/2} H W, relu activation
    h = h * norm[:, None]
    agg = jnp.zeros((N, h.shape[1]), dtype=h.dtype).at[dst].add(h[src])
    agg = agg * norm[:, None]
    return jax.nn.relu(agg @ W + b)


def _forward(x, B, params, src, dst, norm):
    p = params
    # CommunityAE (dropout=0.0 -> identity)
    hidden1 = jax.nn.relu(B @ p['ce1_W'] + p['ce1_b'])
    hidden2 = jax.nn.relu(hidden1 @ p['ce2_W'] + p['ce2_b'])
    z_a = jax.nn.relu(hidden2 @ p['ce3_W'] + p['ce3_b'])
    se1 = jax.nn.relu(z_a @ p['cd1_W'] + p['cd1_b'])
    se2 = jax.nn.relu(se1 @ p['cd2_W'] + p['cd2_b'])
    community_recon = jax.nn.sigmoid(se2 @ p['cd3_W'] + p['cd3_b'])
    # tGCNEncoder: fuse community representations layerwise
    x1 = _graph_conv(x, src, dst, norm, p['te1_W'], p['te1_b'])
    h = x1 + hidden1
    x2 = _graph_conv(h, src, dst, norm, p['te2_W'], p['te2_b'])
    h = x2 + hidden2
    x3 = _graph_conv(h, src, dst, norm, p['te3_W'], p['te3_b'])
    h = x3 + z_a
    z = _graph_conv(h, src, dst, norm, p['te4_W'], p['te4_b'])
    # AttrDecoder
    a1 = _graph_conv(z, src, dst, norm, p['ad1_W'], p['ad1_b'])
    a2 = _graph_conv(a1, src, dst, norm, p['ad2_W'], p['ad2_b'])
    a3 = _graph_conv(a2, src, dst, norm, p['ad3_W'], p['ad3_b'])
    attr_recon = _graph_conv(a3, src, dst, norm, p['ad4_W'], p['ad4_b'])
    # StruDecoder
    struct_recon = jax.nn.sigmoid(z @ z.T)
    return struct_recon, attr_recon, community_recon


def reference(x, B, edge_index, params):
    src, dst = edge_index[0], edge_index[1]
    deg = jnp.zeros((N,), dtype=jnp.float32).at[dst].add(1.0)
    norm = jax.lax.rsqrt(jnp.maximum(deg, 1.0))
    return _forward(x, B, params, src, dst, norm)

if __name__ == "__main__":
    import jax
    _d = setup_inputs()
    print(jax.jit(kernel)(*tuple(_d.values())))

</pallas_src>

<mosaic_0001>
#map = affine_map<(d0, d1) -> (0, 0)>
#map1 = affine_map<(d0, d1) -> (0, 0, 0)>
module attributes {stable_mosaic.version = 14 : i64} {
  func.func @sck(%arg0: i32, %arg1: i32, %arg2: memref<10000x128xf32, #tpu.memory_space<hbm>>, %arg3: memref<32x40x128xi32, #tpu.memory_space<hbm>>, %arg4: memref<32x40x128xi32, #tpu.memory_space<hbm>>, %arg5: memref<632x128xf32, #tpu.memory_space<hbm>>, %arg6: memref<2x10112x128xf32, #tpu.memory_space<hbm>>, %arg7: memref<40x128xi32, #tpu.memory_space<vmem>>, %arg8: memref<40x128xi32, #tpu.memory_space<vmem>>, %arg9: memref<2x128x128xf32, #tpu.memory_space<vmem>>, %arg10: memref<10112x128xf32, #tpu.memory_space<vmem_shared>>, %arg11: memref<!tpu.dma_semaphore, #tpu.memory_space<semaphore_mem>>, %arg12: memref<!tpu.dma_semaphore, #tpu.memory_space<semaphore_mem>>) attributes {dimension_semantics = [#tpu.dimension_semantics<core_parallel>, #tpu.dimension_semantics<subcore_parallel>], iteration_bounds = array<i64: 2, 16>, scalar_prefetch = 0 : i64, scratch_operands = 6 : i64, tpu.core_type = #tpu.core_type<sc_vector_subcore>, window_params = [{transform_indices = #map}, {transform_indices = #map1}, {transform_indices = #map1}, {transform_indices = #map}, {transform_indices = #map1}]} {
    %mul3A = arith.constant 16 : i32
    %mul3A_0 = arith.muli %arg0, %mul3A : i32
    %add3A = arith.addi %mul3A_0, %arg1 : i32
    %mul3A_1 = arith.constant 632 : i32
    %mul3A_2 = arith.muli %arg1, %mul3A_1 : i32
    "tpu.region"() ({
      %run_scoped3A = tpu.sem_alloc : memref<!tpu.dma_semaphore, #tpu.memory_space<semaphore_mem>>
      %dma_start3A_32 = arith.constant 0 : i32
      %dma_start3A_33 = arith.constant 0 : i32
      %dma_start3A_34 = tpu.memref_slice %arg3[%add3A, %dma_start3A_32, %dma_start3A_33] : memref<32x40x128xi32, #tpu.memory_space<hbm>> -> memref<1x40x128xi32, #tpu.memory_space<hbm>>
      %dma_start3A_35 = tpu.memref_squeeze %dma_start3A_34 : memref<1x40x128xi32, #tpu.memory_space<hbm>> -> memref<40x128xi32, #tpu.memory_space<hbm>>
      %dma_start3A_36 = arith.constant 0 : i32
      %dma_start3A_37 = arith.constant 0 : i32
      %dma_start3A_38 = tpu.memref_slice %arg3[%add3A, %dma_start3A_36, %dma_start3A_37] : memref<32x40x128xi32, #tpu.memory_space<hbm>> -> memref<1x40x128xi32, #tpu.memory_space<hbm>>
      %dma_start3A_39 = tpu.memref_squeeze %dma_start3A_38 : memref<1x40x128xi32, #tpu.memory_space<hbm>> -> memref<40x128xi32, #tpu.memory_space<hbm>>
      tpu.enqueue_dma source(%dma_start3A_39 : memref<40x128xi32, #tpu.memory_space<hbm>>) target(%arg7 : memref<40x128xi32, #tpu.memory_space<vmem>>) target_semaphore(%run_scoped3A : memref<!tpu.dma_semaphore, #tpu.memory_space<semaphore_mem>>)
      %dma_wait3A = arith.constant 0 : i32
      %dma_wait3A_40 = arith.constant 0 : i32
      %dma_wait3A_41 = tpu.memref_slice %arg3[%add3A, %dma_wait3A, %dma_wait3A_40] : memref<32x40x128xi32, #tpu.memory_space<hbm>> -> memref<1x40x128xi32, #tpu.memory_space<hbm>>
      %dma_wait3A_42 = tpu.memref_squeeze %dma_wait3A_41 : memref<1x40x128xi32, #tpu.memory_space<hbm>> -> memref<40x128xi32, #tpu.memory_space<hbm>>
      %dma_wait3A_43 = arith.constant 0 : i32
      %dma_wait3A_44 = arith.constant 0 : i32
      %dma_wait3A_45 = tpu.memref_slice %arg3[%add3A, %dma_wait3A_43, %dma_wait3A_44] : memref<32x40x128xi32, #tpu.memory_space<hbm>> -> memref<1x40x128xi32, #tpu.memory_space<hbm>>
      %dma_wait3A_46 = tpu.memref_squeeze %dma_wait3A_45 : memref<1x40x128xi32, #tpu.memory_space<hbm>> -> memref<40x128xi32, #tpu.memory_space<hbm>>
      tpu.wait_dma2 semaphore(%run_scoped3A : memref<!tpu.dma_semaphore, #tpu.memory_space<semaphore_mem>>) src(%dma_wait3A_46 : memref<40x128xi32, #tpu.memory_space<hbm>>) dst(%arg7 : memref<40x128xi32, #tpu.memory_space<vmem>>)
      tpu.yield
    }) : () -> ()
    "tpu.region"() ({
      %run_scoped3A = tpu.sem_alloc : memref<!tpu.dma_semaphore, #tpu.memory_space<semaphore_mem>>
      %dma_start3A_32 = arith.constant 0 : i32
      %dma_start3A_33 = arith.constant 0 : i32
      %dma_start3A_34 = tpu.memref_slice %arg4[%add3A, %dma_start3A_32, %dma_start3A_33] : memref<32x40x128xi32, #tpu.memory_space<hbm>> -> memref<1x40x128xi32, #tpu.memory_space<hbm>>
      %dma_start3A_35 = tpu.memref_squeeze %dma_start3A_34 : memref<1x40x128xi32, #tpu.memory_space<hbm>> -> memref<40x128xi32, #tpu.memory_space<hbm>>
      %dma_start3A_36 = arith.constant 0 : i32
      %dma_start3A_37 = arith.constant 0 : i32
      %dma_start3A_38 = tpu.memref_slice %arg4[%add3A, %dma_start3A_36, %dma_start3A_37] : memref<32x40x128xi32, #tpu.memory_space<hbm>> -> memref<1x40x128xi32, #tpu.memory_space<hbm>>
      %dma_start3A_39 = tpu.memref_squeeze %dma_start3A_38 : memref<1x40x128xi32, #tpu.memory_space<hbm>> -> memref<40x128xi32, #tpu.memory_space<hbm>>
      tpu.enqueue_dma source(%dma_start3A_39 : memref<40x128xi32, #tpu.memory_space<hbm>>) target(%arg8 : memref<40x128xi32, #tpu.memory_space<vmem>>) target_semaphore(%run_scoped3A : memref<!tpu.dma_semaphore, #tpu.memory_space<semaphore_mem>>)
      %dma_wait3A = arith.constant 0 : i32
      %dma_wait3A_40 = arith.constant 0 : i32
      %dma_wait3A_41 = tpu.memref_slice %arg4[%add3A, %dma_wait3A, %dma_wait3A_40] : memref<32x40x128xi32, #tpu.memory_space<hbm>> -> memref<1x40x128xi32, #tpu.memory_space<hbm>>
      %dma_wait3A_42 = tpu.memref_squeeze %dma_wait3A_41 : memref<1x40x128xi32, #tpu.memory_space<hbm>> -> memref<40x128xi32, #tpu.memory_space<hbm>>
      %dma_wait3A_43 = arith.constant 0 : i32
      %dma_wait3A_44 = arith.constant 0 : i32
      %dma_wait3A_45 = tpu.memref_slice %arg4[%add3A, %dma_wait3A_43, %dma_wait3A_44] : memref<32x40x128xi32, #tpu.memory_space<hbm>> -> memref<1x40x128xi32, #tpu.memory_space<hbm>>
      %dma_wait3A_46 = tpu.memref_squeeze %dma_wait3A_45 : memref<1x40x128xi32, #tpu.memory_space<hbm>> -> memref<40x128xi32, #tpu.memory_space<hbm>>
      tpu.wait_dma2 semaphore(%run_scoped3A : memref<!tpu.dma_semaphore, #tpu.memory_space<semaphore_mem>>) src(%dma_wait3A_46 : memref<40x128xi32, #tpu.memory_space<hbm>>) dst(%arg8 : memref<40x128xi32, #tpu.memory_space<vmem>>)
      tpu.yield
    }) : () -> ()
    %dma_start3A = arith.constant 0 : i32
    %dma_start3A_3 = arith.constant 0 : i32
    %dma_start3A_4 = arith.constant 0 : i32
    %dma_start3A_5 = arith.constant 0 : i32
    %dma_start3A_6 = tpu.memref_slice %arg9[%dma_start3A_3, %dma_start3A_4, %dma_start3A_5] : memref<2x128x128xf32, #tpu.memory_space<vmem>> -> memref<1x128x128xf32, #tpu.memory_space<vmem>>
    %dma_start3A_7 = tpu.memref_squeeze %dma_start3A_6 : memref<1x128x128xf32, #tpu.memory_space<vmem>> -> memref<128x128xf32, #tpu.memory_space<vmem>>
    %dma_start3A_8 = arith.constant 0 : i32
    %dma_start3A_9 = tpu.memref_slice %arg7[%dma_start3A, %dma_start3A_8] : memref<40x128xi32, #tpu.memory_space<vmem>> -> memref<1x128xi32, #tpu.memory_space<vmem>>
    %dma_start3A_10 = tpu.memref_squeeze %dma_start3A_9 : memref<1x128xi32, #tpu.memory_space<vmem>> -> memref<128xi32, #tpu.memory_space<vmem>>
    %dma_start3A_11 = arith.constant 0 : i32
    %dma_start3A_12 = arith.constant 0 : i32
    %dma_start3A_13 = tpu.memref_slice %arg2[%dma_start3A_11, %dma_start3A_12] : memref<10000x128xf32, #tpu.memory_space<hbm>> -> memref<10000x128xf32, #tpu.memory_space<hbm>>
    tpu.enqueue_indirect_dma source(%dma_start3A_13 : memref<10000x128xf32, #tpu.memory_space<hbm>>) target(%dma_start3A_7 : memref<128x128xf32, #tpu.memory_space<vmem>>) offsets(%dma_start3A_10 : memref<128xi32, #tpu.memory_space<vmem>>) semaphore(%arg11 : memref<!tpu.dma_semaphore, #tpu.memory_space<semaphore_mem>>)
    %dma_start3A_14 = arith.constant 1 : i32
    %dma_start3A_15 = arith.constant 1 : i32
    %dma_start3A_16 = arith.constant 0 : i32
    %dma_start3A_17 = arith.constant 0 : i32
    %dma_start3A_18 = tpu.memref_slice %arg9[%dma_start3A_15, %dma_start3A_16, %dma_start3A_17] : memref<2x128x128xf32, #tpu.memory_space<vmem>> -> memref<1x128x128xf32, #tpu.memory_space<vmem>>
    %dma_start3A_19 = tpu.memref_squeeze %dma_start3A_18 : memref<1x128x128xf32, #tpu.memory_space<vmem>> -> memref<128x128xf32, #tpu.memory_space<vmem>>
    %dma_start3A_20 = arith.constant 0 : i32
    %dma_start3A_21 = tpu.memref_slice %arg7[%dma_start3A_14, %dma_start3A_20] : memref<40x128xi32, #tpu.memory_space<vmem>> -> memref<1x128xi32, #tpu.memory_space<vmem>>
    %dma_start3A_22 = tpu.memref_squeeze %dma_start3A_21 : memref<1x128xi32, #tpu.memory_space<vmem>> -> memref<128xi32, #tpu.memory_space<vmem>>
    %dma_start3A_23 = arith.constant 0 : i32
    %dma_start3A_24 = arith.constant 0 : i32
    %dma_start3A_25 = tpu.memref_slice %arg2[%dma_start3A_23, %dma_start3A_24] : memref<10000x128xf32, #tpu.memory_space<hbm>> -> memref<10000x128xf32, #tpu.memory_space<hbm>>
    tpu.enqueue_indirect_dma source(%dma_start3A_25 : memref<10000x128xf32, #tpu.memory_space<hbm>>) target(%dma_start3A_19 : memref<128x128xf32, #tpu.memory_space<vmem>>) offsets(%dma_start3A_22 : memref<128xi32, #tpu.memory_space<vmem>>) semaphore(%arg12 : memref<!tpu.dma_semaphore, #tpu.memory_space<semaphore_mem>>)
    "tpu.region"() ({
      %run_scoped3A = tpu.sem_alloc : memref<!tpu.dma_semaphore, #tpu.memory_space<semaphore_mem>>
      %dma_start3A_32 = arith.constant 0 : i32
      %dma_start3A_33 = tpu.memref_slice %arg10[%mul3A_2, %dma_start3A_32] : memref<10112x128xf32, #tpu.memory_space<vmem_shared>> -> memref<632x128xf32, #tpu.memory_space<vmem_shared>>
      tpu.enqueue_dma source(%arg5 : memref<632x128xf32, #tpu.memory_space<hbm>>) target(%dma_start3A_33 : memref<632x128xf32, #tpu.memory_space<vmem_shared>>) target_semaphore(%run_scoped3A : memref<!tpu.dma_semaphore, #tpu.memory_space<semaphore_mem>>)
      %dma_wait3A = arith.constant 0 : i32
      %dma_wait3A_34 = tpu.memref_slice %arg10[%mul3A_2, %dma_wait3A] : memref<10112x128xf32, #tpu.memory_space<vmem_shared>> -> memref<632x128xf32, #tpu.memory_space<vmem_shared>>
      tpu.wait_dma2 semaphore(%run_scoped3A : memref<!tpu.dma_semaphore, #tpu.memory_space<semaphore_mem>>) src(%arg5 : memref<632x128xf32, #tpu.memory_space<hbm>>) dst(%dma_wait3A_34 : memref<632x128xf32, #tpu.memory_space<vmem_shared>>)
      tpu.yield
    }) : () -> ()
    %barrier3A = arith.constant 0 : index
    tpu.barrier barrier_id(%barrier3A)
    %scan3A = arith.constant 0 : i32
    %scan3A_26 = arith.constant 0 : i32
    %scan3A_27 = arith.constant 20 : i32
    %scan3A_28 = arith.addi %scan3A_26, %scan3A_27 : i32
    %scan3A_29 = arith.constant 1 : i32
    scf.for %scan3A_32 = %scan3A_26 to %scan3A_28 step %scan3A_29  : i32 {
      %mul3A_33 = arith.constant 2 : i32
      %mul3A_34 = arith.muli %scan3A_32, %mul3A_33 : i32
      %add3A_35 = arith.constant 0 : i32
      %add3A_36 = arith.addi %mul3A_34, %add3A_35 : i32
      %dma_wait3A = arith.constant 0 : i32
      %dma_wait3A_37 = arith.constant 0 : i32
      %dma_wait3A_38 = arith.constant 0 : i32
      %dma_wait3A_39 = tpu.memref_slice %arg9[%dma_wait3A, %dma_wait3A_37, %dma_wait3A_38] : memref<2x128x128xf32, #tpu.memory_space<vmem>> -> memref<1x128x128xf32, #tpu.memory_space<vmem>>
      %dma_wait3A_40 = tpu.memref_squeeze %dma_wait3A_39 : memref<1x128x128xf32, #tpu.memory_space<vmem>> -> memref<128x128xf32, #tpu.memory_space<vmem>>
      %dma_wait3A_41 = arith.constant 0 : i32
      %dma_wait3A_42 = tpu.memref_slice %arg7[%add3A_36, %dma_wait3A_41] : memref<40x128xi32, #tpu.memory_space<vmem>> -> memref<1x128xi32, #tpu.memory_space<vmem>>
      %dma_wait3A_43 = tpu.memref_squeeze %dma_wait3A_42 : memref<1x128xi32, #tpu.memory_space<vmem>> -> memref<128xi32, #tpu.memory_space<vmem>>
      %dma_wait3A_44 = arith.constant 0 : i32
      %dma_wait3A_45 = arith.constant 0 : i32
      %dma_wait3A_46 = tpu.memref_slice %arg2[%dma_wait3A_44, %dma_wait3A_45] : memref<10000x128xf32, #tpu.memory_space<hbm>> -> memref<10000x128xf32, #tpu.memory_space<hbm>>
      tpu.wait_indirect_dma semaphore(%arg11 : memref<!tpu.dma_semaphore, #tpu.memory_space<semaphore_mem>>) src(%dma_wait3A_46 : memref<10000x128xf32, #tpu.memory_space<hbm>>) dst(%dma_wait3A_40 : memref<128x128xf32, #tpu.memory_space<vmem>>)
      %run_scoped3A = arith.constant 0 : i32
      "tpu.region"() ({
        %run_scoped3A_74 = tpu.sem_alloc : memref<!tpu.dma_semaphore, #tpu.memory_space<semaphore_mem>>
        %dma_start3A_75 = arith.constant 0 : i32
        %dma_start3A_76 = arith.constant 0 : i32
        %dma_start3A_77 = tpu.memref_slice %arg9[%run_scoped3A, %dma_start3A_75, %dma_start3A_76] : memref<2x128x128xf32, #tpu.memory_space<vmem>> -> memref<1x128x128xf32, #tpu.memory_space<vmem>>
        %dma_start3A_78 = tpu.memref_squeeze %dma_start3A_77 : memref<1x128x128xf32, #tpu.memory_space<vmem>> -> memref<128x128xf32, #tpu.memory_space<vmem>>
        %dma_start3A_79 = arith.constant 0 : i32
        %dma_start3A_80 = tpu.memref_slice %arg8[%add3A_36, %dma_start3A_79] : memref<40x128xi32, #tpu.memory_space<vmem>> -> memref<1x128xi32, #tpu.memory_space<vmem>>
        %dma_start3A_81 = tpu.memref_squeeze %dma_start3A_80 : memref<1x128xi32, #tpu.memory_space<vmem>> -> memref<128xi32, #tpu.memory_space<vmem>>
        %dma_start3A_82 = arith.constant 0 : i32
        %dma_start3A_83 = arith.constant 0 : i32
        %dma_start3A_84 = tpu.memref_slice %arg10[%dma_start3A_82, %dma_start3A_83] : memref<10112x128xf32, #tpu.memory_space<vmem_shared>> -> memref<10112x128xf32, #tpu.memory_space<vmem_shared>>
        tpu.enqueue_indirect_dma source(%dma_start3A_78 : memref<128x128xf32, #tpu.memory_space<vmem>>) target(%dma_start3A_84 : memref<10112x128xf32, #tpu.memory_space<vmem_shared>>) offsets(%dma_start3A_81 : memref<128xi32, #tpu.memory_space<vmem>>) semaphore(%run_scoped3A_74 : memref<!tpu.dma_semaphore, #tpu.memory_space<semaphore_mem>>) {add = true}
        %dma_wait3A_85 = arith.constant 0 : i32
        %dma_wait3A_86 = arith.constant 0 : i32
        %dma_wait3A_87 = tpu.memref_slice %arg9[%run_scoped3A, %dma_wait3A_85, %dma_wait3A_86] : memref<2x128x128xf32, #tpu.memory_space<vmem>> -> memref<1x128x128xf32, #tpu.memory_space<vmem>>
        %dma_wait3A_88 = tpu.memref_squeeze %dma_wait3A_87 : memref<1x128x128xf32, #tpu.memory_space<vmem>> -> memref<128x128xf32, #tpu.memory_space<vmem>>
        %dma_wait3A_89 = arith.constant 0 : i32
        %dma_wait3A_90 = tpu.memref_slice %arg8[%add3A_36, %dma_wait3A_89] : memref<40x128xi32, #tpu.memory_space<vmem>> -> memref<1x128xi32, #tpu.memory_space<vmem>>
        %dma_wait3A_91 = tpu.memref_squeeze %dma_wait3A_90 : memref<1x128xi32, #tpu.memory_space<vmem>> -> memref<128xi32, #tpu.memory_space<vmem>>
        %dma_wait3A_92 = arith.constant 0 : i32
        %dma_wait3A_93 = arith.constant 0 : i32
        %dma_wait3A_94 = tpu.memref_slice %arg10[%dma_wait3A_92, %dma_wait3A_93] : memref<10112x128xf32, #tpu.memory_space<vmem_shared>> -> memref<10112x128xf32, #tpu.memory_space<vmem_shared>>
        tpu.wait_indirect_dma semaphore(%run_scoped3A_74 : memref<!tpu.dma_semaphore, #tpu.memory_space<semaphore_mem>>) src(%dma_wait3A_88 : memref<128x128xf32, #tpu.memory_space<vmem>>) dst(%dma_wait3A_94 : memref<10112x128xf32, #tpu.memory_space<vmem_shared>>)
        tpu.yield
      }) : () -> ()
      %add3A_47 = arith.constant 2 : i32
      %add3A_48 = arith.addi %add3A_36, %add3A_47 : i32
      %lt3A = arith.constant 40 : i32
      %lt3A_49 = arith.cmpi slt, %add3A_48, %lt3A : i32
      %convert_element_type3A = arith.extui %lt3A_49 : i1 to i32
      %cond3A = arith.constant 0 : i32
      %cond3A_50 = arith.cmpi ne, %convert_element_type3A, %cond3A : i32
      scf.if %cond3A_50 {
        %dma_start3A_74 = arith.constant 0 : i32
        %dma_start3A_75 = arith.constant 0 : i32
        %dma_start3A_76 = arith.constant 0 : i32
        %dma_start3A_77 = tpu.memref_slice %arg9[%dma_start3A_74, %dma_start3A_75, %dma_start3A_76] : memref<2x128x128xf32, #tpu.memory_space<vmem>> -> memref<1x128x128xf32, #tpu.memory_space<vmem>>
        %dma_start3A_78 = tpu.memref_squeeze %dma_start3A_77 : memref<1x128x128xf32, #tpu.memory_space<vmem>> -> memref<128x128xf32, #tpu.memory_space<vmem>>
        %dma_start3A_79 = arith.constant 0 : i32
        %dma_start3A_80 = tpu.memref_slice %arg7[%add3A_48, %dma_start3A_79] : memref<40x128xi32, #tpu.memory_space<vmem>> -> memref<1x128xi32, #tpu.memory_space<vmem>>
        %dma_start3A_81 = tpu.memref_squeeze %dma_start3A_80 : memref<1x128xi32, #tpu.memory_space<vmem>> -> memref<128xi32, #tpu.memory_space<vmem>>
        %dma_start3A_82 = arith.constant 0 : i32
        %dma_start3A_83 = arith.constant 0 : i32
        %dma_start3A_84 = tpu.memref_slice %arg2[%dma_start3A_82, %dma_start3A_83] : memref<10000x128xf32, #tpu.memory_space<hbm>> -> memref<10000x128xf32, #tpu.memory_space<hbm>>
        tpu.enqueue_indirect_dma source(%dma_start3A_84 : memref<10000x128xf32, #tpu.memory_space<hbm>>) target(%dma_start3A_78 : memref<128x128xf32, #tpu.memory_space<vmem>>) offsets(%dma_start3A_81 : memref<128xi32, #tpu.memory_space<vmem>>) semaphore(%arg11 : memref<!tpu.dma_semaphore, #tpu.memory_space<semaphore_mem>>)
      } else {
      }
      %mul3A_51 = arith.constant 2 : i32
      %mul3A_52 = arith.muli %scan3A_32, %mul3A_51 : i32
      %add3A_53 = arith.constant 1 : i32
      %add3A_54 = arith.addi %mul3A_52, %add3A_53 : i32
      %dma_wait3A_55 = arith.constant 1 : i32
      %dma_wait3A_56 = arith.constant 0 : i32
      %dma_wait3A_57 = arith.constant 0 : i32
      %dma_wait3A_58 = tpu.memref_slice %arg9[%dma_wait3A_55, %dma_wait3A_56, %dma_wait3A_57] : memref<2x128x128xf32, #tpu.memory_space<vmem>> -> memref<1x128x128xf32, #tpu.memory_space<vmem>>
      %dma_wait3A_59 = tpu.memref_squeeze %dma_wait3A_58 : memref<1x128x128xf32, #tpu.memory_space<vmem>> -> memref<128x128xf32, #tpu.memory_space<vmem>>
      %dma_wait3A_60 = arith.constant 0 : i32
      %dma_wait3A_61 = tpu.memref_slice %arg7[%add3A_54, %dma_wait3A_60] : memref<40x128xi32, #tpu.memory_space<vmem>> -> memref<1x128xi32, #tpu.memory_space<vmem>>
      %dma_wait3A_62 = tpu.memref_squeeze %dma_wait3A_61 : memref<1x128xi32, #tpu.memory_space<vmem>> -> memref<128xi32, #tpu.memory_space<vmem>>
      %dma_wait3A_63 = arith.constant 0 : i32
      %dma_wait3A_64 = arith.constant 0 : i32
      %dma_wait3A_65 = tpu.memref_slice %arg2[%dma_wait3A_63, %dma_wait3A_64] : memref<10000x128xf32, #tpu.memory_space<hbm>> -> memref<10000x128xf32, #tpu.memory_space<hbm>>
      tpu.wait_indirect_dma semaphore(%arg12 : memref<!tpu.dma_semaphore, #tpu.memory_space<semaphore_mem>>) src(%dma_wait3A_65 : memref<10000x128xf32, #tpu.memory_space<hbm>>) dst(%dma_wait3A_59 : memref<128x128xf32, #tpu.memory_space<vmem>>)
      %run_scoped3A_66 = arith.constant 1 : i32
      "tpu.region"() ({
        %run_scoped3A_74 = tpu.sem_alloc : memref<!tpu.dma_semaphore, #tpu.memory_space<semaphore_mem>>
        %dma_start3A_75 = arith.constant 0 : i32
        %dma_start3A_76 = arith.constant 0 : i32
        %dma_start3A_77 = tpu.memref_slice %arg9[%run_scoped3A_66, %dma_start3A_75, %dma_start3A_76] : memref<2x128x128xf32, #tpu.memory_space<vmem>> -> memref<1x128x128xf32, #tpu.memory_space<vmem>>
        %dma_start3A_78 = tpu.memref_squeeze %dma_start3A_77 : memref<1x128x128xf32, #tpu.memory_space<vmem>> -> memref<128x128xf32, #tpu.memory_space<vmem>>
        %dma_start3A_79 = arith.constant 0 : i32
        %dma_start3A_80 = tpu.memref_slice %arg8[%add3A_54, %dma_start3A_79] : memref<40x128xi32, #tpu.memory_space<vmem>> -> memref<1x128xi32, #tpu.memory_space<vmem>>
        %dma_start3A_81 = tpu.memref_squeeze %dma_start3A_80 : memref<1x128xi32, #tpu.memory_space<vmem>> -> memref<128xi32, #tpu.memory_space<vmem>>
        %dma_start3A_82 = arith.constant 0 : i32
        %dma_start3A_83 = arith.constant 0 : i32
        %dma_start3A_84 = tpu.memref_slice %arg10[%dma_start3A_82, %dma_start3A_83] : memref<10112x128xf32, #tpu.memory_space<vmem_shared>> -> memref<10112x128xf32, #tpu.memory_space<vmem_shared>>
        tpu.enqueue_indirect_dma source(%dma_start3A_78 : memref<128x128xf32, #tpu.memory_space<vmem>>) target(%dma_start3A_84 : memref<10112x128xf32, #tpu.memory_space<vmem_shared>>) offsets(%dma_start3A_81 : memref<128xi32, #tpu.memory_space<vmem>>) semaphore(%run_scoped3A_74 : memref<!tpu.dma_semaphore, #tpu.memory_space<semaphore_mem>>) {add = true}
        %dma_wait3A_85 = arith.constant 0 : i32
        %dma_wait3A_86 = arith.constant 0 : i32
        %dma_wait3A_87 = tpu.memref_slice %arg9[%run_scoped3A_66, %dma_wait3A_85, %dma_wait3A_86] : memref<2x128x128xf32, #tpu.memory_space<vmem>> -> memref<1x128x128xf32, #tpu.memory_space<vmem>>
        %dma_wait3A_88 = tpu.memref_squeeze %dma_wait3A_87 : memref<1x128x128xf32, #tpu.memory_space<vmem>> -> memref<128x128xf32, #tpu.memory_space<vmem>>
        %dma_wait3A_89 = arith.constant 0 : i32
        %dma_wait3A_90 = tpu.memref_slice %arg8[%add3A_54, %dma_wait3A_89] : memref<40x128xi32, #tpu.memory_space<vmem>> -> memref<1x128xi32, #tpu.memory_space<vmem>>
        %dma_wait3A_91 = tpu.memref_squeeze %dma_wait3A_90 : memref<1x128xi32, #tpu.memory_space<vmem>> -> memref<128xi32, #tpu.memory_space<vmem>>
        %dma_wait3A_92 = arith.constant 0 : i32
        %dma_wait3A_93 = arith.constant 0 : i32
        %dma_wait3A_94 = tpu.memref_slice %arg10[%dma_wait3A_92, %dma_wait3A_93] : memref<10112x128xf32, #tpu.memory_space<vmem_shared>> -> memref<10112x128xf32, #tpu.memory_space<vmem_shared>>
        tpu.wait_indirect_dma semaphore(%run_scoped3A_74 : memref<!tpu.dma_semaphore, #tpu.memory_space<semaphore_mem>>) src(%dma_wait3A_88 : memref<128x128xf32, #tpu.memory_space<vmem>>) dst(%dma_wait3A_94 : memref<10112x128xf32, #tpu.memory_space<vmem_shared>>)
        tpu.yield
      }) : () -> ()
      %add3A_67 = arith.constant 2 : i32
      %add3A_68 = arith.addi %add3A_54, %add3A_67 : i32
      %lt3A_69 = arith.constant 40 : i32
      %lt3A_70 = arith.cmpi slt, %add3A_68, %lt3A_69 : i32
      %convert_element_type3A_71 = arith.extui %lt3A_70 : i1 to i32
      %cond3A_72 = arith.constant 0 : i32
      %cond3A_73 = arith.cmpi ne, %convert_element_type3A_71, %cond3A_72 : i32
      scf.if %cond3A_73 {
        %dma_start3A_74 = arith.constant 1 : i32
        %dma_start3A_75 = arith.constant 0 : i32
        %dma_start3A_76 = arith.constant 0 : i32
        %dma_start3A_77 = tpu.memref_slice %arg9[%dma_start3A_74, %dma_start3A_75, %dma_start3A_76] : memref<2x128x128xf32, #tpu.memory_space<vmem>> -> memref<1x128x128xf32, #tpu.memory_space<vmem>>
        %dma_start3A_78 = tpu.memref_squeeze %dma_start3A_77 : memref<1x128x128xf32, #tpu.memory_space<vmem>> -> memref<128x128xf32, #tpu.memory_space<vmem>>
        %dma_start3A_79 = arith.constant 0 : i32
        %dma_start3A_80 = tpu.memref_slice %arg7[%add3A_68, %dma_start3A_79] : memref<40x128xi32, #tpu.memory_space<vmem>> -> memref<1x128xi32, #tpu.memory_space<vmem>>
        %dma_start3A_81 = tpu.memref_squeeze %dma_start3A_80 : memref<1x128xi32, #tpu.memory_space<vmem>> -> memref<128xi32, #tpu.memory_space<vmem>>
        %dma_start3A_82 = arith.constant 0 : i32
        %dma_start3A_83 = arith.constant 0 : i32
        %dma_start3A_84 = tpu.memref_slice %arg2[%dma_start3A_82, %dma_start3A_83] : memref<10000x128xf32, #tpu.memory_space<hbm>> -> memref<10000x128xf32, #tpu.memory_space<hbm>>
        tpu.enqueue_indirect_dma source(%dma_start3A_84 : memref<10000x128xf32, #tpu.memory_space<hbm>>) target(%dma_start3A_78 : memref<128x128xf32, #tpu.memory_space<vmem>>) offsets(%dma_start3A_81 : memref<128xi32, #tpu.memory_space<vmem>>) semaphore(%arg12 : memref<!tpu.dma_semaphore, #tpu.memory_space<semaphore_mem>>)
      } else {
      }
    }
    %scan3A_30 = arith.constant 20 : i32
    %barrier3A_31 = arith.constant 0 : index
    tpu.barrier barrier_id(%barrier3A_31)
    "tpu.region"() ({
      %run_scoped3A = tpu.sem_alloc : memref<!tpu.dma_semaphore, #tpu.memory_space<semaphore_mem>>
      %dma_start3A_32 = arith.constant 0 : i32
      %dma_start3A_33 = tpu.memref_slice %arg6[%arg0, %mul3A_2, %dma_start3A_32] : memref<2x10112x128xf32, #tpu.memory_space<hbm>> -> memref<1x632x128xf32, #tpu.memory_space<hbm>>
      %dma_start3A_34 = tpu.memref_squeeze %dma_start3A_33 : memref<1x632x128xf32, #tpu.memory_space<hbm>> -> memref<632x128xf32, #tpu.memory_space<hbm>>
      %dma_start3A_35 = arith.constant 0 : i32
      %dma_start3A_36 = tpu.memref_slice %arg10[%mul3A_2, %dma_start3A_35] : memref<10112x128xf32, #tpu.memory_space<vmem_shared>> -> memref<632x128xf32, #tpu.memory_space<vmem_shared>>
      tpu.enqueue_dma source(%dma_start3A_36 : memref<632x128xf32, #tpu.memory_space<vmem_shared>>) target(%dma_start3A_34 : memref<632x128xf32, #tpu.memory_space<hbm>>) target_semaphore(%run_scoped3A : memref<!tpu.dma_semaphore, #tpu.memory_space<semaphore_mem>>)
      %dma_wait3A = arith.constant 0 : i32
      %dma_wait3A_37 = tpu.memref_slice %arg6[%arg0, %mul3A_2, %dma_wait3A] : memref<2x10112x128xf32, #tpu.memory_space<hbm>> -> memref<1x632x128xf32, #tpu.memory_space<hbm>>
      %dma_wait3A_38 = tpu.memref_squeeze %dma_wait3A_37 : memref<1x632x128xf32, #tpu.memory_space<hbm>> -> memref<632x128xf32, #tpu.memory_space<hbm>>
      %dma_wait3A_39 = arith.constant 0 : i32
      %dma_wait3A_40 = tpu.memref_slice %arg10[%mul3A_2, %dma_wait3A_39] : memref<10112x128xf32, #tpu.memory_space<vmem_shared>> -> memref<632x128xf32, #tpu.memory_space<vmem_shared>>
      tpu.wait_dma2 semaphore(%run_scoped3A : memref<!tpu.dma_semaphore, #tpu.memory_space<semaphore_mem>>) src(%dma_wait3A_40 : memref<632x128xf32, #tpu.memory_space<vmem_shared>>) dst(%dma_wait3A_38 : memref<632x128xf32, #tpu.memory_space<hbm>>)
      tpu.yield
    }) : () -> ()
    return
  }
}

#map = affine_map<(d0, d1) -> (0, 0)>
#map1 = affine_map<(d0, d1) -> (0, 0, 0)>
module attributes {stable_mosaic.version = 14 : i64} {
  func.func @sck(%arg0: i32, %arg1: i32, %arg2: memref<10000x64xf32, #tpu.memory_space<hbm>>, %arg3: memref<32x40x128xi32, #tpu.memory_space<hbm>>, %arg4: memref<32x40x128xi32, #tpu.memory_space<hbm>>, %arg5: memref<632x64xf32, #tpu.memory_space<hbm>>, %arg6: memref<2x10112x64xf32, #tpu.memory_space<hbm>>, %arg7: memref<40x128xi32, #tpu.memory_space<vmem>>, %arg8: memref<40x128xi32, #tpu.memory_space<vmem>>, %arg9: memref<2x128x64xf32, #tpu.memory_space<vmem>>, %arg10: memref<10112x64xf32, #tpu.memory_space<vmem_shared>>, %arg11: memref<!tpu.dma_semaphore, #tpu.memory_space<semaphore_mem>>, %arg12: memref<!tpu.dma_semaphore, #tpu.memory_space<semaphore_mem>>) attributes {dimension_semantics = [#tpu.dimension_semantics<core_parallel>, #tpu.dimension_semantics<subcore_parallel>], iteration_bounds = array<i64: 2, 16>, scalar_prefetch = 0 : i64, scratch_operands = 6 : i64, tpu.core_type = #tpu.core_type<sc_vector_subcore>, window_params = [{transform_indices = #map}, {transform_indices = #map1}, {transform_indices = #map1}, {transform_indices = #map}, {transform_indices = #map1}]} {
    %mul3A = arith.constant 16 : i32
    %mul3A_0 = arith.muli %arg0, %mul3A : i32
    %add3A = arith.addi %mul3A_0, %arg1 : i32
    %mul3A_1 = arith.constant 632 : i32
    %mul3A_2 = arith.muli %arg1, %mul3A_1 : i32
    "tpu.region"() ({
      %run_scoped3A = tpu.sem_alloc : memref<!tpu.dma_semaphore, #tpu.memory_space<semaphore_mem>>
      %dma_start3A_32 = arith.constant 0 : i32
      %dma_start3A_33 = arith.constant 0 : i32
      %dma_start3A_34 = tpu.memref_slice %arg3[%add3A, %dma_start3A_32, %dma_start3A_33] : memref<32x40x128xi32, #tpu.memory_space<hbm>> -> memref<1x40x128xi32, #tpu.memory_space<hbm>>
      %dma_start3A_35 = tpu.memref_squeeze %dma_start3A_34 : memref<1x40x128xi32, #tpu.memory_space<hbm>> -> memref<40x128xi32, #tpu.memory_space<hbm>>
      %dma_start3A_36 = arith.constant 0 : i32
      %dma_start3A_37 = arith.constant 0 : i32
      %dma_start3A_38 = tpu.memref_slice %arg3[%add3A, %dma_start3A_36, %dma_start3A_37] : memref<32x40x128xi32, #tpu.memory_space<hbm>> -> memref<1x40x128xi32, #tpu.memory_space<hbm>>
      %dma_start3A_39 = tpu.memref_squeeze %dma_start3A_38 : memref<1x40x128xi32, #tpu.memory_space<hbm>> -> memref<40x128xi32, #tpu.memory_space<hbm>>
      tpu.enqueue_dma source(%dma_start3A_39 : memref<40x128xi32, #tpu.memory_space<hbm>>) target(%arg7 : memref<40x128xi32, #tpu.memory_space<vmem>>) target_semaphore(%run_scoped3A : memref<!tpu.dma_semaphore, #tpu.memory_space<semaphore_mem>>)
      %dma_wait3A = arith.constant 0 : i32
      %dma_wait3A_40 = arith.constant 0 : i32
      %dma_wait3A_41 = tpu.memref_slice %arg3[%add3A, %dma_wait3A, %dma_wait3A_40] : memref<32x40x128xi32, #tpu.memory_space<hbm>> -> memref<1x40x128xi32, #tpu.memory_space<hbm>>
      %dma_wait3A_42 = tpu.memref_squeeze %dma_wait3A_41 : memref<1x40x128xi32, #tpu.memory_space<hbm>> -> memref<40x128xi32, #tpu.memory_space<hbm>>
      %dma_wait3A_43 = arith.constant 0 : i32
      %dma_wait3A_44 = arith.constant 0 : i32
      %dma_wait3A_45 = tpu.memref_slice %arg3[%add3A, %dma_wait3A_43, %dma_wait3A_44] : memref<32x40x128xi32, #tpu.memory_space<hbm>> -> memref<1x40x128xi32, #tpu.memory_space<hbm>>
      %dma_wait3A_46 = tpu.memref_squeeze %dma_wait3A_45 : memref<1x40x128xi32, #tpu.memory_space<hbm>> -> memref<40x128xi32, #tpu.memory_space<hbm>>
      tpu.wait_dma2 semaphore(%run_scoped3A : memref<!tpu.dma_semaphore, #tpu.memory_space<semaphore_mem>>) src(%dma_wait3A_46 : memref<40x128xi32, #tpu.memory_space<hbm>>) dst(%arg7 : memref<40x128xi32, #tpu.memory_space<vmem>>)
      tpu.yield
    }) : () -> ()
    "tpu.region"() ({
      %run_scoped3A = tpu.sem_alloc : memref<!tpu.dma_semaphore, #tpu.memory_space<semaphore_mem>>
      %dma_start3A_32 = arith.constant 0 : i32
      %dma_start3A_33 = arith.constant 0 : i32
      %dma_start3A_34 = tpu.memref_slice %arg4[%add3A, %dma_start3A_32, %dma_start3A_33] : memref<32x40x128xi32, #tpu.memory_space<hbm>> -> memref<1x40x128xi32, #tpu.memory_space<hbm>>
      %dma_start3A_35 = tpu.memref_squeeze %dma_start3A_34 : memref<1x40x128xi32, #tpu.memory_space<hbm>> -> memref<40x128xi32, #tpu.memory_space<hbm>>
      %dma_start3A_36 = arith.constant 0 : i32
      %dma_start3A_37 = arith.constant 0 : i32
      %dma_start3A_38 = tpu.memref_slice %arg4[%add3A, %dma_start3A_36, %dma_start3A_37] : memref<32x40x128xi32, #tpu.memory_space<hbm>> -> memref<1x40x128xi32, #tpu.memory_space<hbm>>
      %dma_start3A_39 = tpu.memref_squeeze %dma_start3A_38 : memref<1x40x128xi32, #tpu.memory_space<hbm>> -> memref<40x128xi32, #tpu.memory_space<hbm>>
      tpu.enqueue_dma source(%dma_start3A_39 : memref<40x128xi32, #tpu.memory_space<hbm>>) target(%arg8 : memref<40x128xi32, #tpu.memory_space<vmem>>) target_semaphore(%run_scoped3A : memref<!tpu.dma_semaphore, #tpu.memory_space<semaphore_mem>>)
      %dma_wait3A = arith.constant 0 : i32
      %dma_wait3A_40 = arith.constant 0 : i32
      %dma_wait3A_41 = tpu.memref_slice %arg4[%add3A, %dma_wait3A, %dma_wait3A_40] : memref<32x40x128xi32, #tpu.memory_space<hbm>> -> memref<1x40x128xi32, #tpu.memory_space<hbm>>
      %dma_wait3A_42 = tpu.memref_squeeze %dma_wait3A_41 : memref<1x40x128xi32, #tpu.memory_space<hbm>> -> memref<40x128xi32, #tpu.memory_space<hbm>>
      %dma_wait3A_43 = arith.constant 0 : i32
      %dma_wait3A_44 = arith.constant 0 : i32
      %dma_wait3A_45 = tpu.memref_slice %arg4[%add3A, %dma_wait3A_43, %dma_wait3A_44] : memref<32x40x128xi32, #tpu.memory_space<hbm>> -> memref<1x40x128xi32, #tpu.memory_space<hbm>>
      %dma_wait3A_46 = tpu.memref_squeeze %dma_wait3A_45 : memref<1x40x128xi32, #tpu.memory_space<hbm>> -> memref<40x128xi32, #tpu.memory_space<hbm>>
      tpu.wait_dma2 semaphore(%run_scoped3A : memref<!tpu.dma_semaphore, #tpu.memory_space<semaphore_mem>>) src(%dma_wait3A_46 : memref<40x128xi32, #tpu.memory_space<hbm>>) dst(%arg8 : memref<40x128xi32, #tpu.memory_space<vmem>>)
      tpu.yield
    }) : () -> ()
    %dma_start3A = arith.constant 0 : i32
    %dma_start3A_3 = arith.constant 0 : i32
    %dma_start3A_4 = arith.constant 0 : i32
    %dma_start3A_5 = arith.constant 0 : i32
    %dma_start3A_6 = tpu.memref_slice %arg9[%dma_start3A_3, %dma_start3A_4, %dma_start3A_5] : memref<2x128x64xf32, #tpu.memory_space<vmem>> -> memref<1x128x64xf32, #tpu.memory_space<vmem>>
    %dma_start3A_7 = tpu.memref_squeeze %dma_start3A_6 : memref<1x128x64xf32, #tpu.memory_space<vmem>> -> memref<128x64xf32, #tpu.memory_space<vmem>>
    %dma_start3A_8 = arith.constant 0 : i32
    %dma_start3A_9 = tpu.memref_slice %arg7[%dma_start3A, %dma_start3A_8] : memref<40x128xi32, #tpu.memory_space<vmem>> -> memref<1x128xi32, #tpu.memory_space<vmem>>
    %dma_start3A_10 = tpu.memref_squeeze %dma_start3A_9 : memref<1x128xi32, #tpu.memory_space<vmem>> -> memref<128xi32, #tpu.memory_space<vmem>>
    %dma_start3A_11 = arith.constant 0 : i32
    %dma_start3A_12 = arith.constant 0 : i32
    %dma_start3A_13 = tpu.memref_slice %arg2[%dma_start3A_11, %dma_start3A_12] : memref<10000x64xf32, #tpu.memory_space<hbm>> -> memref<10000x64xf32, #tpu.memory_space<hbm>>
    tpu.enqueue_indirect_dma source(%dma_start3A_13 : memref<10000x64xf32, #tpu.memory_space<hbm>>) target(%dma_start3A_7 : memref<128x64xf32, #tpu.memory_space<vmem>>) offsets(%dma_start3A_10 : memref<128xi32, #tpu.memory_space<vmem>>) semaphore(%arg11 : memref<!tpu.dma_semaphore, #tpu.memory_space<semaphore_mem>>)
    %dma_start3A_14 = arith.constant 1 : i32
    %dma_start3A_15 = arith.constant 1 : i32
    %dma_start3A_16 = arith.constant 0 : i32
    %dma_start3A_17 = arith.constant 0 : i32
    %dma_start3A_18 = tpu.memref_slice %arg9[%dma_start3A_15, %dma_start3A_16, %dma_start3A_17] : memref<2x128x64xf32, #tpu.memory_space<vmem>> -> memref<1x128x64xf32, #tpu.memory_space<vmem>>
    %dma_start3A_19 = tpu.memref_squeeze %dma_start3A_18 : memref<1x128x64xf32, #tpu.memory_space<vmem>> -> memref<128x64xf32, #tpu.memory_space<vmem>>
    %dma_start3A_20 = arith.constant 0 : i32
    %dma_start3A_21 = tpu.memref_slice %arg7[%dma_start3A_14, %dma_start3A_20] : memref<40x128xi32, #tpu.memory_space<vmem>> -> memref<1x128xi32, #tpu.memory_space<vmem>>
    %dma_start3A_22 = tpu.memref_squeeze %dma_start3A_21 : memref<1x128xi32, #tpu.memory_space<vmem>> -> memref<128xi32, #tpu.memory_space<vmem>>
    %dma_start3A_23 = arith.constant 0 : i32
    %dma_start3A_24 = arith.constant 0 : i32
    %dma_start3A_25 = tpu.memref_slice %arg2[%dma_start3A_23, %dma_start3A_24] : memref<10000x64xf32, #tpu.memory_space<hbm>> -> memref<10000x64xf32, #tpu.memory_space<hbm>>
    tpu.enqueue_indirect_dma source(%dma_start3A_25 : memref<10000x64xf32, #tpu.memory_space<hbm>>) target(%dma_start3A_19 : memref<128x64xf32, #tpu.memory_space<vmem>>) offsets(%dma_start3A_22 : memref<128xi32, #tpu.memory_space<vmem>>) semaphore(%arg12 : memref<!tpu.dma_semaphore, #tpu.memory_space<semaphore_mem>>)
    "tpu.region"() ({
      %run_scoped3A = tpu.sem_alloc : memref<!tpu.dma_semaphore, #tpu.memory_space<semaphore_mem>>
      %dma_start3A_32 = arith.constant 0 : i32
      %dma_start3A_33 = tpu.memref_slice %arg10[%mul3A_2, %dma_start3A_32] : memref<10112x64xf32, #tpu.memory_space<vmem_shared>> -> memref<632x64xf32, #tpu.memory_space<vmem_shared>>
      tpu.enqueue_dma source(%arg5 : memref<632x64xf32, #tpu.memory_space<hbm>>) target(%dma_start3A_33 : memref<632x64xf32, #tpu.memory_space<vmem_shared>>) target_semaphore(%run_scoped3A : memref<!tpu.dma_semaphore, #tpu.memory_space<semaphore_mem>>)
      %dma_wait3A = arith.constant 0 : i32
      %dma_wait3A_34 = tpu.memref_slice %arg10[%mul3A_2, %dma_wait3A] : memref<10112x64xf32, #tpu.memory_space<vmem_shared>> -> memref<632x64xf32, #tpu.memory_space<vmem_shared>>
      tpu.wait_dma2 semaphore(%run_scoped3A : memref<!tpu.dma_semaphore, #tpu.memory_space<semaphore_mem>>) src(%arg5 : memref<632x64xf32, #tpu.memory_space<hbm>>) dst(%dma_wait3A_34 : memref<632x64xf32, #tpu.memory_space<vmem_shared>>)
      tpu.yield
    }) : () -> ()
    %barrier3A = arith.constant 0 : index
    tpu.barrier barrier_id(%barrier3A)
    %scan3A = arith.constant 0 : i32
    %scan3A_26 = arith.constant 0 : i32
    %scan3A_27 = arith.constant 20 : i32
    %scan3A_28 = arith.addi %scan3A_26, %scan3A_27 : i32
    %scan3A_29 = arith.constant 1 : i32
    scf.for %scan3A_32 = %scan3A_26 to %scan3A_28 step %scan3A_29  : i32 {
      %mul3A_33 = arith.constant 2 : i32
      %mul3A_34 = arith.muli %scan3A_32, %mul3A_33 : i32
      %add3A_35 = arith.constant 0 : i32
      %add3A_36 = arith.addi %mul3A_34, %add3A_35 : i32
      %dma_wait3A = arith.constant 0 : i32
      %dma_wait3A_37 = arith.constant 0 : i32
      %dma_wait3A_38 = arith.constant 0 : i32
      %dma_wait3A_39 = tpu.memref_slice %arg9[%dma_wait3A, %dma_wait3A_37, %dma_wait3A_38] : memref<2x128x64xf32, #tpu.memory_space<vmem>> -> memref<1x128x64xf32, #tpu.memory_space<vmem>>
      %dma_wait3A_40 = tpu.memref_squeeze %dma_wait3A_39 : memref<1x128x64xf32, #tpu.memory_space<vmem>> -> memref<128x64xf32, #tpu.memory_space<vmem>>
      %dma_wait3A_41 = arith.constant 0 : i32
      %dma_wait3A_42 = tpu.memref_slice %arg7[%add3A_36, %dma_wait3A_41] : memref<40x128xi32, #tpu.memory_space<vmem>> -> memref<1x128xi32, #tpu.memory_space<vmem>>
      %dma_wait3A_43 = tpu.memref_squeeze %dma_wait3A_42 : memref<1x128xi32, #tpu.memory_space<vmem>> -> memref<128xi32, #tpu.memory_space<vmem>>
      %dma_wait3A_44 = arith.constant 0 : i32
      %dma_wait3A_45 = arith.constant 0 : i32
      %dma_wait3A_46 = tpu.memref_slice %arg2[%dma_wait3A_44, %dma_wait3A_45] : memref<10000x64xf32, #tpu.memory_space<hbm>> -> memref<10000x64xf32, #tpu.memory_space<hbm>>
      tpu.wait_indirect_dma semaphore(%arg11 : memref<!tpu.dma_semaphore, #tpu.memory_space<semaphore_mem>>) src(%dma_wait3A_46 : memref<10000x64xf32, #tpu.memory_space<hbm>>) dst(%dma_wait3A_40 : memref<128x64xf32, #tpu.memory_space<vmem>>)
      %run_scoped3A = arith.constant 0 : i32
      "tpu.region"() ({
        %run_scoped3A_74 = tpu.sem_alloc : memref<!tpu.dma_semaphore, #tpu.memory_space<semaphore_mem>>
        %dma_start3A_75 = arith.constant 0 : i32
        %dma_start3A_76 = arith.constant 0 : i32
        %dma_start3A_77 = tpu.memref_slice %arg9[%run_scoped3A, %dma_start3A_75, %dma_start3A_76] : memref<2x128x64xf32, #tpu.memory_space<vmem>> -> memref<1x128x64xf32, #tpu.memory_space<vmem>>
        %dma_start3A_78 = tpu.memref_squeeze %dma_start3A_77 : memref<1x128x64xf32, #tpu.memory_space<vmem>> -> memref<128x64xf32, #tpu.memory_space<vmem>>
        %dma_start3A_79 = arith.constant 0 : i32
        %dma_start3A_80 = tpu.memref_slice %arg8[%add3A_36, %dma_start3A_79] : memref<40x128xi32, #tpu.memory_space<vmem>> -> memref<1x128xi32, #tpu.memory_space<vmem>>
        %dma_start3A_81 = tpu.memref_squeeze %dma_start3A_80 : memref<1x128xi32, #tpu.memory_space<vmem>> -> memref<128xi32, #tpu.memory_space<vmem>>
        %dma_start3A_82 = arith.constant 0 : i32
        %dma_start3A_83 = arith.constant 0 : i32
        %dma_start3A_84 = tpu.memref_slice %arg10[%dma_start3A_82, %dma_start3A_83] : memref<10112x64xf32, #tpu.memory_space<vmem_shared>> -> memref<10112x64xf32, #tpu.memory_space<vmem_shared>>
        tpu.enqueue_indirect_dma source(%dma_start3A_78 : memref<128x64xf32, #tpu.memory_space<vmem>>) target(%dma_start3A_84 : memref<10112x64xf32, #tpu.memory_space<vmem_shared>>) offsets(%dma_start3A_81 : memref<128xi32, #tpu.memory_space<vmem>>) semaphore(%run_scoped3A_74 : memref<!tpu.dma_semaphore, #tpu.memory_space<semaphore_mem>>) {add = true}
        %dma_wait3A_85 = arith.constant 0 : i32
        %dma_wait3A_86 = arith.constant 0 : i32
        %dma_wait3A_87 = tpu.memref_slice %arg9[%run_scoped3A, %dma_wait3A_85, %dma_wait3A_86] : memref<2x128x64xf32, #tpu.memory_space<vmem>> -> memref<1x128x64xf32, #tpu.memory_space<vmem>>
        %dma_wait3A_88 = tpu.memref_squeeze %dma_wait3A_87 : memref<1x128x64xf32, #tpu.memory_space<vmem>> -> memref<128x64xf32, #tpu.memory_space<vmem>>
        %dma_wait3A_89 = arith.constant 0 : i32
        %dma_wait3A_90 = tpu.memref_slice %arg8[%add3A_36, %dma_wait3A_89] : memref<40x128xi32, #tpu.memory_space<vmem>> -> memref<1x128xi32, #tpu.memory_space<vmem>>
        %dma_wait3A_91 = tpu.memref_squeeze %dma_wait3A_90 : memref<1x128xi32, #tpu.memory_space<vmem>> -> memref<128xi32, #tpu.memory_space<vmem>>
        %dma_wait3A_92 = arith.constant 0 : i32
        %dma_wait3A_93 = arith.constant 0 : i32
        %dma_wait3A_94 = tpu.memref_slice %arg10[%dma_wait3A_92, %dma_wait3A_93] : memref<10112x64xf32, #tpu.memory_space<vmem_shared>> -> memref<10112x64xf32, #tpu.memory_space<vmem_shared>>
        tpu.wait_indirect_dma semaphore(%run_scoped3A_74 : memref<!tpu.dma_semaphore, #tpu.memory_space<semaphore_mem>>) src(%dma_wait3A_88 : memref<128x64xf32, #tpu.memory_space<vmem>>) dst(%dma_wait3A_94 : memref<10112x64xf32, #tpu.memory_space<vmem_shared>>)
        tpu.yield
      }) : () -> ()
      %add3A_47 = arith.constant 2 : i32
      %add3A_48 = arith.addi %add3A_36, %add3A_47 : i32
      %lt3A = arith.constant 40 : i32
      %lt3A_49 = arith.cmpi slt, %add3A_48, %lt3A : i32
      %convert_element_type3A = arith.extui %lt3A_49 : i1 to i32
      %cond3A = arith.constant 0 : i32
      %cond3A_50 = arith.cmpi ne, %convert_element_type3A, %cond3A : i32
      scf.if %cond3A_50 {
        %dma_start3A_74 = arith.constant 0 : i32
        %dma_start3A_75 = arith.constant 0 : i32
        %dma_start3A_76 = arith.constant 0 : i32
        %dma_start3A_77 = tpu.memref_slice %arg9[%dma_start3A_74, %dma_start3A_75, %dma_start3A_76] : memref<2x128x64xf32, #tpu.memory_space<vmem>> -> memref<1x128x64xf32, #tpu.memory_space<vmem>>
        %dma_start3A_78 = tpu.memref_squeeze %dma_start3A_77 : memref<1x128x64xf32, #tpu.memory_space<vmem>> -> memref<128x64xf32, #tpu.memory_space<vmem>>
        %dma_start3A_79 = arith.constant 0 : i32
        %dma_start3A_80 = tpu.memref_slice %arg7[%add3A_48, %dma_start3A_79] : memref<40x128xi32, #tpu.memory_space<vmem>> -> memref<1x128xi32, #tpu.memory_space<vmem>>
        %dma_start3A_81 = tpu.memref_squeeze %dma_start3A_80 : memref<1x128xi32, #tpu.memory_space<vmem>> -> memref<128xi32, #tpu.memory_space<vmem>>
        %dma_start3A_82 = arith.constant 0 : i32
        %dma_start3A_83 = arith.constant 0 : i32
        %dma_start3A_84 = tpu.memref_slice %arg2[%dma_start3A_82, %dma_start3A_83] : memref<10000x64xf32, #tpu.memory_space<hbm>> -> memref<10000x64xf32, #tpu.memory_space<hbm>>
        tpu.enqueue_indirect_dma source(%dma_start3A_84 : memref<10000x64xf32, #tpu.memory_space<hbm>>) target(%dma_start3A_78 : memref<128x64xf32, #tpu.memory_space<vmem>>) offsets(%dma_start3A_81 : memref<128xi32, #tpu.memory_space<vmem>>) semaphore(%arg11 : memref<!tpu.dma_semaphore, #tpu.memory_space<semaphore_mem>>)
      } else {
      }
      %mul3A_51 = arith.constant 2 : i32
      %mul3A_52 = arith.muli %scan3A_32, %mul3A_51 : i32
      %add3A_53 = arith.constant 1 : i32
      %add3A_54 = arith.addi %mul3A_52, %add3A_53 : i32
      %dma_wait3A_55 = arith.constant 1 : i32
      %dma_wait3A_56 = arith.constant 0 : i32
      %dma_wait3A_57 = arith.constant 0 : i32
      %dma_wait3A_58 = tpu.memref_slice %arg9[%dma_wait3A_55, %dma_wait3A_56, %dma_wait3A_57] : memref<2x128x64xf32, #tpu.memory_space<vmem>> -> memref<1x128x64xf32, #tpu.memory_space<vmem>>
      %dma_wait3A_59 = tpu.memref_squeeze %dma_wait3A_58 : memref<1x128x64xf32, #tpu.memory_space<vmem>> -> memref<128x64xf32, #tpu.memory_space<vmem>>
      %dma_wait3A_60 = arith.constant 0 : i32
      %dma_wait3A_61 = tpu.memref_slice %arg7[%add3A_54, %dma_wait3A_60] : memref<40x128xi32, #tpu.memory_space<vmem>> -> memref<1x128xi32, #tpu.memory_space<vmem>>
      %dma_wait3A_62 = tpu.memref_squeeze %dma_wait3A_61 : memref<1x128xi32, #tpu.memory_space<vmem>> -> memref<128xi32, #tpu.memory_space<vmem>>
      %dma_wait3A_63 = arith.constant 0 : i32
      %dma_wait3A_64 = arith.constant 0 : i32
      %dma_wait3A_65 = tpu.memref_slice %arg2[%dma_wait3A_63, %dma_wait3A_64] : memref<10000x64xf32, #tpu.memory_space<hbm>> -> memref<10000x64xf32, #tpu.memory_space<hbm>>
      tpu.wait_indirect_dma semaphore(%arg12 : memref<!tpu.dma_semaphore, #tpu.memory_space<semaphore_mem>>) src(%dma_wait3A_65 : memref<10000x64xf32, #tpu.memory_space<hbm>>) dst(%dma_wait3A_59 : memref<128x64xf32, #tpu.memory_space<vmem>>)
      %run_scoped3A_66 = arith.constant 1 : i32
      "tpu.region"() ({
        %run_scoped3A_74 = tpu.sem_alloc : memref<!tpu.dma_semaphore, #tpu.memory_space<semaphore_mem>>
        %dma_start3A_75 = arith.constant 0 : i32
        %dma_start3A_76 = arith.constant 0 : i32
        %dma_start3A_77 = tpu.memref_slice %arg9[%run_scoped3A_66, %dma_start3A_75, %dma_start3A_76] : memref<2x128x64xf32, #tpu.memory_space<vmem>> -> memref<1x128x64xf32, #tpu.memory_space<vmem>>
        %dma_start3A_78 = tpu.memref_squeeze %dma_start3A_77 : memref<1x128x64xf32, #tpu.memory_space<vmem>> -> memref<128x64xf32, #tpu.memory_space<vmem>>
        %dma_start3A_79 = arith.constant 0 : i32
        %dma_start3A_80 = tpu.memref_slice %arg8[%add3A_54, %dma_start3A_79] : memref<40x128xi32, #tpu.memory_space<vmem>> -> memref<1x128xi32, #tpu.memory_space<vmem>>
        %dma_start3A_81 = tpu.memref_squeeze %dma_start3A_80 : memref<1x128xi32, #tpu.memory_space<vmem>> -> memref<128xi32, #tpu.memory_space<vmem>>
        %dma_start3A_82 = arith.constant 0 : i32
        %dma_start3A_83 = arith.constant 0 : i32
        %dma_start3A_84 = tpu.memref_slice %arg10[%dma_start3A_82, %dma_start3A_83] : memref<10112x64xf32, #tpu.memory_space<vmem_shared>> -> memref<10112x64xf32, #tpu.memory_space<vmem_shared>>
        tpu.enqueue_indirect_dma source(%dma_start3A_78 : memref<128x64xf32, #tpu.memory_space<vmem>>) target(%dma_start3A_84 : memref<10112x64xf32, #tpu.memory_space<vmem_shared>>) offsets(%dma_start3A_81 : memref<128xi32, #tpu.memory_space<vmem>>) semaphore(%run_scoped3A_74 : memref<!tpu.dma_semaphore, #tpu.memory_space<semaphore_mem>>) {add = true}
        %dma_wait3A_85 = arith.constant 0 : i32
        %dma_wait3A_86 = arith.constant 0 : i32
        %dma_wait3A_87 = tpu.memref_slice %arg9[%run_scoped3A_66, %dma_wait3A_85, %dma_wait3A_86] : memref<2x128x64xf32, #tpu.memory_space<vmem>> -> memref<1x128x64xf32, #tpu.memory_space<vmem>>
        %dma_wait3A_88 = tpu.memref_squeeze %dma_wait3A_87 : memref<1x128x64xf32, #tpu.memory_space<vmem>> -> memref<128x64xf32, #tpu.memory_space<vmem>>
        %dma_wait3A_89 = arith.constant 0 : i32
        %dma_wait3A_90 = tpu.memref_slice %arg8[%add3A_54, %dma_wait3A_89] : memref<40x128xi32, #tpu.memory_space<vmem>> -> memref<1x128xi32, #tpu.memory_space<vmem>>
        %dma_wait3A_91 = tpu.memref_squeeze %dma_wait3A_90 : memref<1x128xi32, #tpu.memory_space<vmem>> -> memref<128xi32, #tpu.memory_space<vmem>>
        %dma_wait3A_92 = arith.constant 0 : i32
        %dma_wait3A_93 = arith.constant 0 : i32
        %dma_wait3A_94 = tpu.memref_slice %arg10[%dma_wait3A_92, %dma_wait3A_93] : memref<10112x64xf32, #tpu.memory_space<vmem_shared>> -> memref<10112x64xf32, #tpu.memory_space<vmem_shared>>
        tpu.wait_indirect_dma semaphore(%run_scoped3A_74 : memref<!tpu.dma_semaphore, #tpu.memory_space<semaphore_mem>>) src(%dma_wait3A_88 : memref<128x64xf32, #tpu.memory_space<vmem>>) dst(%dma_wait3A_94 : memref<10112x64xf32, #tpu.memory_space<vmem_shared>>)
        tpu.yield
      }) : () -> ()
      %add3A_67 = arith.constant 2 : i32
      %add3A_68 = arith.addi %add3A_54, %add3A_67 : i32
      %lt3A_69 = arith.constant 40 : i32
      %lt3A_70 = arith.cmpi slt, %add3A_68, %lt3A_69 : i32
      %convert_element_type3A_71 = arith.extui %lt3A_70 : i1 to i32
      %cond3A_72 = arith.constant 0 : i32
      %cond3A_73 = arith.cmpi ne, %convert_element_type3A_71, %cond3A_72 : i32
      scf.if %cond3A_73 {
        %dma_start3A_74 = arith.constant 1 : i32
        %dma_start3A_75 = arith.constant 0 : i32
        %dma_start3A_76 = arith.constant 0 : i32
        %dma_start3A_77 = tpu.memref_slice %arg9[%dma_start3A_74, %dma_start3A_75, %dma_start3A_76] : memref<2x128x64xf32, #tpu.memory_space<vmem>> -> memref<1x128x64xf32, #tpu.memory_space<vmem>>
        %dma_start3A_78 = tpu.memref_squeeze %dma_start3A_77 : memref<1x128x64xf32, #tpu.memory_space<vmem>> -> memref<128x64xf32, #tpu.memory_space<vmem>>
        %dma_start3A_79 = arith.constant 0 : i32
        %dma_start3A_80 = tpu.memref_slice %arg7[%add3A_68, %dma_start3A_79] : memref<40x128xi32, #tpu.memory_space<vmem>> -> memref<1x128xi32, #tpu.memory_space<vmem>>
        %dma_start3A_81 = tpu.memref_squeeze %dma_start3A_80 : memref<1x128xi32, #tpu.memory_space<vmem>> -> memref<128xi32, #tpu.memory_space<vmem>>
        %dma_start3A_82 = arith.constant 0 : i32
        %dma_start3A_83 = arith.constant 0 : i32
        %dma_start3A_84 = tpu.memref_slice %arg2[%dma_start3A_82, %dma_start3A_83] : memref<10000x64xf32, #tpu.memory_space<hbm>> -> memref<10000x64xf32, #tpu.memory_space<hbm>>
        tpu.enqueue_indirect_dma source(%dma_start3A_84 : memref<10000x64xf32, #tpu.memory_space<hbm>>) target(%dma_start3A_78 : memref<128x64xf32, #tpu.memory_space<vmem>>) offsets(%dma_start3A_81 : memref<128xi32, #tpu.memory_space<vmem>>) semaphore(%arg12 : memref<!tpu.dma_semaphore, #tpu.memory_space<semaphore_mem>>)
      } else {
      }
    }
    %scan3A_30 = arith.constant 20 : i32
    %barrier3A_31 = arith.constant 0 : index
    tpu.barrier barrier_id(%barrier3A_31)
    "tpu.region"() ({
      %run_scoped3A = tpu.sem_alloc : memref<!tpu.dma_semaphore, #tpu.memory_space<semaphore_mem>>
      %dma_start3A_32 = arith.constant 0 : i32
      %dma_start3A_33 = tpu.memref_slice %arg6[%arg0, %mul3A_2, %dma_start3A_32] : memref<2x10112x64xf32, #tpu.memory_space<hbm>> -> memref<1x632x64xf32, #tpu.memory_space<hbm>>
      %dma_start3A_34 = tpu.memref_squeeze %dma_start3A_33 : memref<1x632x64xf32, #tpu.memory_space<hbm>> -> memref<632x64xf32, #tpu.memory_space<hbm>>
      %dma_start3A_35 = arith.constant 0 : i32
      %dma_start3A_36 = tpu.memref_slice %arg10[%mul3A_2, %dma_start3A_35] : memref<10112x64xf32, #tpu.memory_space<vmem_shared>> -> memref<632x64xf32, #tpu.memory_space<vmem_shared>>
      tpu.enqueue_dma source(%dma_start3A_36 : memref<632x64xf32, #tpu.memory_space<vmem_shared>>) target(%dma_start3A_34 : memref<632x64xf32, #tpu.memory_space<hbm>>) target_semaphore(%run_scoped3A : memref<!tpu.dma_semaphore, #tpu.memory_space<semaphore_mem>>)
      %dma_wait3A = arith.constant 0 : i32
      %dma_wait3A_37 = tpu.memref_slice %arg6[%arg0, %mul3A_2, %dma_wait3A] : memref<2x10112x64xf32, #tpu.memory_space<hbm>> -> memref<1x632x64xf32, #tpu.memory_space<hbm>>
      %dma_wait3A_38 = tpu.memref_squeeze %dma_wait3A_37 : memref<1x632x64xf32, #tpu.memory_space<hbm>> -> memref<632x64xf32, #tpu.memory_space<hbm>>
      %dma_wait3A_39 = arith.constant 0 : i32
      %dma_wait3A_40 = tpu.memref_slice %arg10[%mul3A_2, %dma_wait3A_39] : memref<10112x64xf32, #tpu.memory_space<vmem_shared>> -> memref<632x64xf32, #tpu.memory_space<vmem_shared>>
      tpu.wait_dma2 semaphore(%run_scoped3A : memref<!tpu.dma_semaphore, #tpu.memory_space<semaphore_mem>>) src(%dma_wait3A_40 : memref<632x64xf32, #tpu.memory_space<vmem_shared>>) dst(%dma_wait3A_38 : memref<632x64xf32, #tpu.memory_space<hbm>>)
      tpu.yield
    }) : () -> ()
    return
  }
}

#map = affine_map<(d0, d1) -> (0, 0)>
#map1 = affine_map<(d0, d1) -> (0, 0, 0)>
module attributes {stable_mosaic.version = 14 : i64} {
  func.func @sck(%arg0: i32, %arg1: i32, %arg2: memref<10000x128xf32, #tpu.memory_space<hbm>>, %arg3: memref<32x40x128xi32, #tpu.memory_space<hbm>>, %arg4: memref<32x40x128xi32, #tpu.memory_space<hbm>>, %arg5: memref<632x128xf32, #tpu.memory_space<hbm>>, %arg6: memref<2x10112x128xf32, #tpu.memory_space<hbm>>, %arg7: memref<40x128xi32, #tpu.memory_space<vmem>>, %arg8: memref<40x128xi32, #tpu.memory_space<vmem>>, %arg9: memref<2x128x128xf32, #tpu.memory_space<vmem>>, %arg10: memref<10112x128xf32, #tpu.memory_space<vmem_shared>>, %arg11: memref<!tpu.dma_semaphore, #tpu.memory_space<semaphore_mem>>, %arg12: memref<!tpu.dma_semaphore, #tpu.memory_space<semaphore_mem>>) attributes {dimension_semantics = [#tpu.dimension_semantics<core_parallel>, #tpu.dimension_semantics<subcore_parallel>], iteration_bounds = array<i64: 2, 16>, scalar_prefetch = 0 : i64, scratch_operands = 6 : i64, tpu.core_type = #tpu.core_type<sc_vector_subcore>, window_params = [{transform_indices = #map}, {transform_indices = #map1}, {transform_indices = #map1}, {transform_indices = #map}, {transform_indices = #map1}]} {
    %mul3A = arith.constant 16 : i32
    %mul3A_0 = arith.muli %arg0, %mul3A : i32
    %add3A = arith.addi %mul3A_0, %arg1 : i32
    %mul3A_1 = arith.constant 632 : i32
    %mul3A_2 = arith.muli %arg1, %mul3A_1 : i32
    "tpu.region"() ({
      %run_scoped3A = tpu.sem_alloc : memref<!tpu.dma_semaphore, #tpu.memory_space<semaphore_mem>>
      %dma_start3A_32 = arith.constant 0 : i32
      %dma_start3A_33 = arith.constant 0 : i32
      %dma_start3A_34 = tpu.memref_slice %arg3[%add3A, %dma_start3A_32, %dma_start3A_33] : memref<32x40x128xi32, #tpu.memory_space<hbm>> -> memref<1x40x128xi32, #tpu.memory_space<hbm>>
      %dma_start3A_35 = tpu.memref_squeeze %dma_start3A_34 : memref<1x40x128xi32, #tpu.memory_space<hbm>> -> memref<40x128xi32, #tpu.memory_space<hbm>>
      %dma_start3A_36 = arith.constant 0 : i32
      %dma_start3A_37 = arith.constant 0 : i32
      %dma_start3A_38 = tpu.memref_slice %arg3[%add3A, %dma_start3A_36, %dma_start3A_37] : memref<32x40x128xi32, #tpu.memory_space<hbm>> -> memref<1x40x128xi32, #tpu.memory_space<hbm>>
      %dma_start3A_39 = tpu.memref_squeeze %dma_start3A_38 : memref<1x40x128xi32, #tpu.memory_space<hbm>> -> memref<40x128xi32, #tpu.memory_space<hbm>>
      tpu.enqueue_dma source(%dma_start3A_39 : memref<40x128xi32, #tpu.memory_space<hbm>>) target(%arg7 : memref<40x128xi32, #tpu.memory_space<vmem>>) target_semaphore(%run_scoped3A : memref<!tpu.dma_semaphore, #tpu.memory_space<semaphore_mem>>)
      %dma_wait3A = arith.constant 0 : i32
      %dma_wait3A_40 = arith.constant 0 : i32
      %dma_wait3A_41 = tpu.memref_slice %arg3[%add3A, %dma_wait3A, %dma_wait3A_40] : memref<32x40x128xi32, #tpu.memory_space<hbm>> -> memref<1x40x128xi32, #tpu.memory_space<hbm>>
      %dma_wait3A_42 = tpu.memref_squeeze %dma_wait3A_41 : memref<1x40x128xi32, #tpu.memory_space<hbm>> -> memref<40x128xi32, #tpu.memory_space<hbm>>
      %dma_wait3A_43 = arith.constant 0 : i32
      %dma_wait3A_44 = arith.constant 0 : i32
      %dma_wait3A_45 = tpu.memref_slice %arg3[%add3A, %dma_wait3A_43, %dma_wait3A_44] : memref<32x40x128xi32, #tpu.memory_space<hbm>> -> memref<1x40x128xi32, #tpu.memory_space<hbm>>
      %dma_wait3A_46 = tpu.memref_squeeze %dma_wait3A_45 : memref<1x40x128xi32, #tpu.memory_space<hbm>> -> memref<40x128xi32, #tpu.memory_space<hbm>>
      tpu.wait_dma2 semaphore(%run_scoped3A : memref<!tpu.dma_semaphore, #tpu.memory_space<semaphore_mem>>) src(%dma_wait3A_46 : memref<40x128xi32, #tpu.memory_space<hbm>>) dst(%arg7 : memref<40x128xi32, #tpu.memory_space<vmem>>)
      tpu.yield
    }) : () -> ()
    "tpu.region"() ({
      %run_scoped3A = tpu.sem_alloc : memref<!tpu.dma_semaphore, #tpu.memory_space<semaphore_mem>>
      %dma_start3A_32 = arith.constant 0 : i32
      %dma_start3A_33 = arith.constant 0 : i32
      %dma_start3A_34 = tpu.memref_slice %arg4[%add3A, %dma_start3A_32, %dma_start3A_33] : memref<32x40x128xi32, #tpu.memory_space<hbm>> -> memref<1x40x128xi32, #tpu.memory_space<hbm>>
      %dma_start3A_35 = tpu.memref_squeeze %dma_start3A_34 : memref<1x40x128xi32, #tpu.memory_space<hbm>> -> memref<40x128xi32, #tpu.memory_space<hbm>>
      %dma_start3A_36 = arith.constant 0 : i32
      %dma_start3A_37 = arith.constant 0 : i32
      %dma_start3A_38 = tpu.memref_slice %arg4[%add3A, %dma_start3A_36, %dma_start3A_37] : memref<32x40x128xi32, #tpu.memory_space<hbm>> -> memref<1x40x128xi32, #tpu.memory_space<hbm>>
      %dma_start3A_39 = tpu.memref_squeeze %dma_start3A_38 : memref<1x40x128xi32, #tpu.memory_space<hbm>> -> memref<40x128xi32, #tpu.memory_space<hbm>>
      tpu.enqueue_dma source(%dma_start3A_39 : memref<40x128xi32, #tpu.memory_space<hbm>>) target(%arg8 : memref<40x128xi32, #tpu.memory_space<vmem>>) target_semaphore(%run_scoped3A : memref<!tpu.dma_semaphore, #tpu.memory_space<semaphore_mem>>)
      %dma_wait3A = arith.constant 0 : i32
      %dma_wait3A_40 = arith.constant 0 : i32
      %dma_wait3A_41 = tpu.memref_slice %arg4[%add3A, %dma_wait3A, %dma_wait3A_40] : memref<32x40x128xi32, #tpu.memory_space<hbm>> -> memref<1x40x128xi32, #tpu.memory_space<hbm>>
      %dma_wait3A_42 = tpu.memref_squeeze %dma_wait3A_41 : memref<1x40x128xi32, #tpu.memory_space<hbm>> -> memref<40x128xi32, #tpu.memory_space<hbm>>
      %dma_wait3A_43 = arith.constant 0 : i32
      %dma_wait3A_44 = arith.constant 0 : i32
      %dma_wait3A_45 = tpu.memref_slice %arg4[%add3A, %dma_wait3A_43, %dma_wait3A_44] : memref<32x40x128xi32, #tpu.memory_space<hbm>> -> memref<1x40x128xi32, #tpu.memory_space<hbm>>
      %dma_wait3A_46 = tpu.memref_squeeze %dma_wait3A_45 : memref<1x40x128xi32, #tpu.memory_space<hbm>> -> memref<40x128xi32, #tpu.memory_space<hbm>>
      tpu.wait_dma2 semaphore(%run_scoped3A : memref<!tpu.dma_semaphore, #tpu.memory_space<semaphore_mem>>) src(%dma_wait3A_46 : memref<40x128xi32, #tpu.memory_space<hbm>>) dst(%arg8 : memref<40x128xi32, #tpu.memory_space<vmem>>)
      tpu.yield
    }) : () -> ()
    %dma_start3A = arith.constant 0 : i32
    %dma_start3A_3 = arith.constant 0 : i32
    %dma_start3A_4 = arith.constant 0 : i32
    %dma_start3A_5 = arith.constant 0 : i32
    %dma_start3A_6 = tpu.memref_slice %arg9[%dma_start3A_3, %dma_start3A_4, %dma_start3A_5] : memref<2x128x128xf32, #tpu.memory_space<vmem>> -> memref<1x128x128xf32, #tpu.memory_space<vmem>>
    %dma_start3A_7 = tpu.memref_squeeze %dma_start3A_6 : memref<1x128x128xf32, #tpu.memory_space<vmem>> -> memref<128x128xf32, #tpu.memory_space<vmem>>
    %dma_start3A_8 = arith.constant 0 : i32
    %dma_start3A_9 = tpu.memref_slice %arg7[%dma_start3A, %dma_start3A_8] : memref<40x128xi32, #tpu.memory_space<vmem>> -> memref<1x128xi32, #tpu.memory_space<vmem>>
    %dma_start3A_10 = tpu.memref_squeeze %dma_start3A_9 : memref<1x128xi32, #tpu.memory_space<vmem>> -> memref<128xi32, #tpu.memory_space<vmem>>
    %dma_start3A_11 = arith.constant 0 : i32
    %dma_start3A_12 = arith.constant 0 : i32
    %dma_start3A_13 = tpu.memref_slice %arg2[%dma_start3A_11, %dma_start3A_12] : memref<10000x128xf32, #tpu.memory_space<hbm>> -> memref<10000x128xf32, #tpu.memory_space<hbm>>
    tpu.enqueue_indirect_dma source(%dma_start3A_13 : memref<10000x128xf32, #tpu.memory_space<hbm>>) target(%dma_start3A_7 : memref<128x128xf32, #tpu.memory_space<vmem>>) offsets(%dma_start3A_10 : memref<128xi32, #tpu.memory_space<vmem>>) semaphore(%arg11 : memref<!tpu.dma_semaphore, #tpu.memory_space<semaphore_mem>>)
    %dma_start3A_14 = arith.constant 1 : i32
    %dma_start3A_15 = arith.constant 1 : i32
    %dma_start3A_16 = arith.constant 0 : i32
    %dma_start3A_17 = arith.constant 0 : i32
    %dma_start3A_18 = tpu.memref_slice %arg9[%dma_start3A_15, %dma_start3A_16, %dma_start3A_17] : memref<2x128x128xf32, #tpu.memory_space<vmem>> -> memref<1x128x128xf32, #tpu.memory_space<vmem>>
    %dma_start3A_19 = tpu.memref_squeeze %dma_start3A_18 : memref<1x128x128xf32, #tpu.memory_space<vmem>> -> memref<128x128xf32, #tpu.memory_space<vmem>>
    %dma_start3A_20 = arith.constant 0 : i32
    %dma_start3A_21 = tpu.memref_slice %arg7[%dma_start3A_14, %dma_start3A_20] : memref<40x128xi32, #tpu.memory_space<vmem>> -> memref<1x128xi32, #tpu.memory_space<vmem>>
    %dma_start3A_22 = tpu.memref_squeeze %dma_start3A_21 : memref<1x128xi32, #tpu.memory_space<vmem>> -> memref<128xi32, #tpu.memory_space<vmem>>
    %dma_start3A_23 = arith.constant 0 : i32
    %dma_start3A_24 = arith.constant 0 : i32
    %dma_start3A_25 = tpu.memref_slice %arg2[%dma_start3A_23, %dma_start3A_24] : memref<10000x128xf32, #tpu.memory_space<hbm>> -> memref<10000x128xf32, #tpu.memory_space<hbm>>
    tpu.enqueue_indirect_dma source(%dma_start3A_25 : memref<10000x128xf32, #tpu.memory_space<hbm>>) target(%dma_start3A_19 : memref<128x128xf32, #tpu.memory_space<vmem>>) offsets(%dma_start3A_22 : memref<128xi32, #tpu.memory_space<vmem>>) semaphore(%arg12 : memref<!tpu.dma_semaphore, #tpu.memory_space<semaphore_mem>>)
    "tpu.region"() ({
      %run_scoped3A = tpu.sem_alloc : memref<!tpu.dma_semaphore, #tpu.memory_space<semaphore_mem>>
      %dma_start3A_32 = arith.constant 0 : i32
      %dma_start3A_33 = tpu.memref_slice %arg10[%mul3A_2, %dma_start3A_32] : memref<10112x128xf32, #tpu.memory_space<vmem_shared>> -> memref<632x128xf32, #tpu.memory_space<vmem_shared>>
      tpu.enqueue_dma source(%arg5 : memref<632x128xf32, #tpu.memory_space<hbm>>) target(%dma_start3A_33 : memref<632x128xf32, #tpu.memory_space<vmem_shared>>) target_semaphore(%run_scoped3A : memref<!tpu.dma_semaphore, #tpu.memory_space<semaphore_mem>>)
      %dma_wait3A = arith.constant 0 : i32
      %dma_wait3A_34 = tpu.memref_slice %arg10[%mul3A_2, %dma_wait3A] : memref<10112x128xf32, #tpu.memory_space<vmem_shared>> -> memref<632x128xf32, #tpu.memory_space<vmem_shared>>
      tpu.wait_dma2 semaphore(%run_scoped3A : memref<!tpu.dma_semaphore, #tpu.memory_space<semaphore_mem>>) src(%arg5 : memref<632x128xf32, #tpu.memory_space<hbm>>) dst(%dma_wait3A_34 : memref<632x128xf32, #tpu.memory_space<vmem_shared>>)
      tpu.yield
    }) : () -> ()
    %barrier3A = arith.constant 0 : index
    tpu.barrier barrier_id(%barrier3A)
    %scan3A = arith.constant 0 : i32
    %scan3A_26 = arith.constant 0 : i32
    %scan3A_27 = arith.constant 20 : i32
    %scan3A_28 = arith.addi %scan3A_26, %scan3A_27 : i32
    %scan3A_29 = arith.constant 1 : i32
    scf.for %scan3A_32 = %scan3A_26 to %scan3A_28 step %scan3A_29  : i32 {
      %mul3A_33 = arith.constant 2 : i32
      %mul3A_34 = arith.muli %scan3A_32, %mul3A_33 : i32
      %add3A_35 = arith.constant 0 : i32
      %add3A_36 = arith.addi %mul3A_34, %add3A_35 : i32
      %dma_wait3A = arith.constant 0 : i32
      %dma_wait3A_37 = arith.constant 0 : i32
      %dma_wait3A_38 = arith.constant 0 : i32
      %dma_wait3A_39 = tpu.memref_slice %arg9[%dma_wait3A, %dma_wait3A_37, %dma_wait3A_38] : memref<2x128x128xf32, #tpu.memory_space<vmem>> -> memref<1x128x128xf32, #tpu.memory_space<vmem>>
      %dma_wait3A_40 = tpu.memref_squeeze %dma_wait3A_39 : memref<1x128x128xf32, #tpu.memory_space<vmem>> -> memref<128x128xf32, #tpu.memory_space<vmem>>
      %dma_wait3A_41 = arith.constant 0 : i32
      %dma_wait3A_42 = tpu.memref_slice %arg7[%add3A_36, %dma_wait3A_41] : memref<40x128xi32, #tpu.memory_space<vmem>> -> memref<1x128xi32, #tpu.memory_space<vmem>>
      %dma_wait3A_43 = tpu.memref_squeeze %dma_wait3A_42 : memref<1x128xi32, #tpu.memory_space<vmem>> -> memref<128xi32, #tpu.memory_space<vmem>>
      %dma_wait3A_44 = arith.constant 0 : i32
      %dma_wait3A_45 = arith.constant 0 : i32
      %dma_wait3A_46 = tpu.memref_slice %arg2[%dma_wait3A_44, %dma_wait3A_45] : memref<10000x128xf32, #tpu.memory_space<hbm>> -> memref<10000x128xf32, #tpu.memory_space<hbm>>
      tpu.wait_indirect_dma semaphore(%arg11 : memref<!tpu.dma_semaphore, #tpu.memory_space<semaphore_mem>>) src(%dma_wait3A_46 : memref<10000x128xf32, #tpu.memory_space<hbm>>) dst(%dma_wait3A_40 : memref<128x128xf32, #tpu.memory_space<vmem>>)
      %run_scoped3A = arith.constant 0 : i32
      "tpu.region"() ({
        %run_scoped3A_74 = tpu.sem_alloc : memref<!tpu.dma_semaphore, #tpu.memory_space<semaphore_mem>>
        %dma_start3A_75 = arith.constant 0 : i32
        %dma_start3A_76 = arith.constant 0 : i32
        %dma_start3A_77 = tpu.memref_slice %arg9[%run_scoped3A, %dma_start3A_75, %dma_start3A_76] : memref<2x128x128xf32, #tpu.memory_space<vmem>> -> memref<1x128x128xf32, #tpu.memory_space<vmem>>
        %dma_start3A_78 = tpu.memref_squeeze %dma_start3A_77 : memref<1x128x128xf32, #tpu.memory_space<vmem>> -> memref<128x128xf32, #tpu.memory_space<vmem>>
        %dma_start3A_79 = arith.constant 0 : i32
        %dma_start3A_80 = tpu.memref_slice %arg8[%add3A_36, %dma_start3A_79] : memref<40x128xi32, #tpu.memory_space<vmem>> -> memref<1x128xi32, #tpu.memory_space<vmem>>
        %dma_start3A_81 = tpu.memref_squeeze %dma_start3A_80 : memref<1x128xi32, #tpu.memory_space<vmem>> -> memref<128xi32, #tpu.memory_space<vmem>>
        %dma_start3A_82 = arith.constant 0 : i32
        %dma_start3A_83 = arith.constant 0 : i32
        %dma_start3A_84 = tpu.memref_slice %arg10[%dma_start3A_82, %dma_start3A_83] : memref<10112x128xf32, #tpu.memory_space<vmem_shared>> -> memref<10112x128xf32, #tpu.memory_space<vmem_shared>>
        tpu.enqueue_indirect_dma source(%dma_start3A_78 : memref<128x128xf32, #tpu.memory_space<vmem>>) target(%dma_start3A_84 : memref<10112x128xf32, #tpu.memory_space<vmem_shared>>) offsets(%dma_start3A_81 : memref<128xi32, #tpu.memory_space<vmem>>) semaphore(%run_scoped3A_74 : memref<!tpu.dma_semaphore, #tpu.memory_space<semaphore_mem>>) {add = true}
        %dma_wait3A_85 = arith.constant 0 : i32
        %dma_wait3A_86 = arith.constant 0 : i32
        %dma_wait3A_87 = tpu.memref_slice %arg9[%run_scoped3A, %dma_wait3A_85, %dma_wait3A_86] : memref<2x128x128xf32, #tpu.memory_space<vmem>> -> memref<1x128x128xf32, #tpu.memory_space<vmem>>
        %dma_wait3A_88 = tpu.memref_squeeze %dma_wait3A_87 : memref<1x128x128xf32, #tpu.memory_space<vmem>> -> memref<128x128xf32, #tpu.memory_space<vmem>>
        %dma_wait3A_89 = arith.constant 0 : i32
        %dma_wait3A_90 = tpu.memref_slice %arg8[%add3A_36, %dma_wait3A_89] : memref<40x128xi32, #tpu.memory_space<vmem>> -> memref<1x128xi32, #tpu.memory_space<vmem>>
        %dma_wait3A_91 = tpu.memref_squeeze %dma_wait3A_90 : memref<1x128xi32, #tpu.memory_space<vmem>> -> memref<128xi32, #tpu.memory_space<vmem>>
        %dma_wait3A_92 = arith.constant 0 : i32
        %dma_wait3A_93 = arith.constant 0 : i32
        %dma_wait3A_94 = tpu.memref_slice %arg10[%dma_wait3A_92, %dma_wait3A_93] : memref<10112x128xf32, #tpu.memory_space<vmem_shared>> -> memref<10112x128xf32, #tpu.memory_space<vmem_shared>>
        tpu.wait_indirect_dma semaphore(%run_scoped3A_74 : memref<!tpu.dma_semaphore, #tpu.memory_space<semaphore_mem>>) src(%dma_wait3A_88 : memref<128x128xf32, #tpu.memory_space<vmem>>) dst(%dma_wait3A_94 : memref<10112x128xf32, #tpu.memory_space<vmem_shared>>)
        tpu.yield
      }) : () -> ()
      %add3A_47 = arith.constant 2 : i32
      %add3A_48 = arith.addi %add3A_36, %add3A_47 : i32
      %lt3A = arith.constant 40 : i32
      %lt3A_49 = arith.cmpi slt, %add3A_48, %lt3A : i32
      %convert_element_type3A = arith.extui %lt3A_49 : i1 to i32
      %cond3A = arith.constant 0 : i32
      %cond3A_50 = arith.cmpi ne, %convert_element_type3A, %cond3A : i32
      scf.if %cond3A_50 {
        %dma_start3A_74 = arith.constant 0 : i32
        %dma_start3A_75 = arith.constant 0 : i32
        %dma_start3A_76 = arith.constant 0 : i32
        %dma_start3A_77 = tpu.memref_slice %arg9[%dma_start3A_74, %dma_start3A_75, %dma_start3A_76] : memref<2x128x128xf32, #tpu.memory_space<vmem>> -> memref<1x128x128xf32, #tpu.memory_space<vmem>>
        %dma_start3A_78 = tpu.memref_squeeze %dma_start3A_77 : memref<1x128x128xf32, #tpu.memory_space<vmem>> -> memref<128x128xf32, #tpu.memory_space<vmem>>
        %dma_start3A_79 = arith.constant 0 : i32
        %dma_start3A_80 = tpu.memref_slice %arg7[%add3A_48, %dma_start3A_79] : memref<40x128xi32, #tpu.memory_space<vmem>> -> memref<1x128xi32, #tpu.memory_space<vmem>>
        %dma_start3A_81 = tpu.memref_squeeze %dma_start3A_80 : memref<1x128xi32, #tpu.memory_space<vmem>> -> memref<128xi32, #tpu.memory_space<vmem>>
        %dma_start3A_82 = arith.constant 0 : i32
        %dma_start3A_83 = arith.constant 0 : i32
        %dma_start3A_84 = tpu.memref_slice %arg2[%dma_start3A_82, %dma_start3A_83] : memref<10000x128xf32, #tpu.memory_space<hbm>> -> memref<10000x128xf32, #tpu.memory_space<hbm>>
        tpu.enqueue_indirect_dma source(%dma_start3A_84 : memref<10000x128xf32, #tpu.memory_space<hbm>>) target(%dma_start3A_78 : memref<128x128xf32, #tpu.memory_space<vmem>>) offsets(%dma_start3A_81 : memref<128xi32, #tpu.memory_space<vmem>>) semaphore(%arg11 : memref<!tpu.dma_semaphore, #tpu.memory_space<semaphore_mem>>)
      } else {
      }
      %mul3A_51 = arith.constant 2 : i32
      %mul3A_52 = arith.muli %scan3A_32, %mul3A_51 : i32
      %add3A_53 = arith.constant 1 : i32
      %add3A_54 = arith.addi %mul3A_52, %add3A_53 : i32
      %dma_wait3A_55 = arith.constant 1 : i32
      %dma_wait3A_56 = arith.constant 0 : i32
      %dma_wait3A_57 = arith.constant 0 : i32
      %dma_wait3A_58 = tpu.memref_slice %arg9[%dma_wait3A_55, %dma_wait3A_56, %dma_wait3A_57] : memref<2x128x128xf32, #tpu.memory_space<vmem>> -> memref<1x128x128xf32, #tpu.memory_space<vmem>>
      %dma_wait3A_59 = tpu.memref_squeeze %dma_wait3A_58 : memref<1x128x128xf32, #tpu.memory_space<vmem>> -> memref<128x128xf32, #tpu.memory_space<vmem>>
      %dma_wait3A_60 = arith.constant 0 : i32
      %dma_wait3A_61 = tpu.memref_slice %arg7[%add3A_54, %dma_wait3A_60] : memref<40x128xi32, #tpu.memory_space<vmem>> -> memref<1x128xi32, #tpu.memory_space<vmem>>
      %dma_wait3A_62 = tpu.memref_squeeze %dma_wait3A_61 : memref<1x128xi32, #tpu.memory_space<vmem>> -> memref<128xi32, #tpu.memory_space<vmem>>
      %dma_wait3A_63 = arith.constant 0 : i32
      %dma_wait3A_64 = arith.constant 0 : i32
      %dma_wait3A_65 = tpu.memref_slice %arg2[%dma_wait3A_63, %dma_wait3A_64] : memref<10000x128xf32, #tpu.memory_space<hbm>> -> memref<10000x128xf32, #tpu.memory_space<hbm>>
      tpu.wait_indirect_dma semaphore(%arg12 : memref<!tpu.dma_semaphore, #tpu.memory_space<semaphore_mem>>) src(%dma_wait3A_65 : memref<10000x128xf32, #tpu.memory_space<hbm>>) dst(%dma_wait3A_59 : memref<128x128xf32, #tpu.memory_space<vmem>>)
      %run_scoped3A_66 = arith.constant 1 : i32
      "tpu.region"() ({
        %run_scoped3A_74 = tpu.sem_alloc : memref<!tpu.dma_semaphore, #tpu.memory_space<semaphore_mem>>
        %dma_start3A_75 = arith.constant 0 : i32
        %dma_start3A_76 = arith.constant 0 : i32
        %dma_start3A_77 = tpu.memref_slice %arg9[%run_scoped3A_66, %dma_start3A_75, %dma_start3A_76] : memref<2x128x128xf32, #tpu.memory_space<vmem>> -> memref<1x128x128xf32, #tpu.memory_space<vmem>>
        %dma_start3A_78 = tpu.memref_squeeze %dma_start3A_77 : memref<1x128x128xf32, #tpu.memory_space<vmem>> -> memref<128x128xf32, #tpu.memory_space<vmem>>
        %dma_start3A_79 = arith.constant 0 : i32
        %dma_start3A_80 = tpu.memref_slice %arg8[%add3A_54, %dma_start3A_79] : memref<40x128xi32, #tpu.memory_space<vmem>> -> memref<1x128xi32, #tpu.memory_space<vmem>>
        %dma_start3A_81 = tpu.memref_squeeze %dma_start3A_80 : memref<1x128xi32, #tpu.memory_space<vmem>> -> memref<128xi32, #tpu.memory_space<vmem>>
        %dma_start3A_82 = arith.constant 0 : i32
        %dma_start3A_83 = arith.constant 0 : i32
        %dma_start3A_84 = tpu.memref_slice %arg10[%dma_start3A_82, %dma_start3A_83] : memref<10112x128xf32, #tpu.memory_space<vmem_shared>> -> memref<10112x128xf32, #tpu.memory_space<vmem_shared>>
        tpu.enqueue_indirect_dma source(%dma_start3A_78 : memref<128x128xf32, #tpu.memory_space<vmem>>) target(%dma_start3A_84 : memref<10112x128xf32, #tpu.memory_space<vmem_shared>>) offsets(%dma_start3A_81 : memref<128xi32, #tpu.memory_space<vmem>>) semaphore(%run_scoped3A_74 : memref<!tpu.dma_semaphore, #tpu.memory_space<semaphore_mem>>) {add = true}
        %dma_wait3A_85 = arith.constant 0 : i32
        %dma_wait3A_86 = arith.constant 0 : i32
        %dma_wait3A_87 = tpu.memref_slice %arg9[%run_scoped3A_66, %dma_wait3A_85, %dma_wait3A_86] : memref<2x128x128xf32, #tpu.memory_space<vmem>> -> memref<1x128x128xf32, #tpu.memory_space<vmem>>
        %dma_wait3A_88 = tpu.memref_squeeze %dma_wait3A_87 : memref<1x128x128xf32, #tpu.memory_space<vmem>> -> memref<128x128xf32, #tpu.memory_space<vmem>>
        %dma_wait3A_89 = arith.constant 0 : i32
        %dma_wait3A_90 = tpu.memref_slice %arg8[%add3A_54, %dma_wait3A_89] : memref<40x128xi32, #tpu.memory_space<vmem>> -> memref<1x128xi32, #tpu.memory_space<vmem>>
        %dma_wait3A_91 = tpu.memref_squeeze %dma_wait3A_90 : memref<1x128xi32, #tpu.memory_space<vmem>> -> memref<128xi32, #tpu.memory_space<vmem>>
        %dma_wait3A_92 = arith.constant 0 : i32
        %dma_wait3A_93 = arith.constant 0 : i32
        %dma_wait3A_94 = tpu.memref_slice %arg10[%dma_wait3A_92, %dma_wait3A_93] : memref<10112x128xf32, #tpu.memory_space<vmem_shared>> -> memref<10112x128xf32, #tpu.memory_space<vmem_shared>>
        tpu.wait_indirect_dma semaphore(%run_scoped3A_74 : memref<!tpu.dma_semaphore, #tpu.memory_space<semaphore_mem>>) src(%dma_wait3A_88 : memref<128x128xf32, #tpu.memory_space<vmem>>) dst(%dma_wait3A_94 : memref<10112x128xf32, #tpu.memory_space<vmem_shared>>)
        tpu.yield
      }) : () -> ()
      %add3A_67 = arith.constant 2 : i32
      %add3A_68 = arith.addi %add3A_54, %add3A_67 : i32
      %lt3A_69 = arith.constant 40 : i32
      %lt3A_70 = arith.cmpi slt, %add3A_68, %lt3A_69 : i32
      %convert_element_type3A_71 = arith.extui %lt3A_70 : i1 to i32
      %cond3A_72 = arith.constant 0 : i32
      %cond3A_73 = arith.cmpi ne, %convert_element_type3A_71, %cond3A_72 : i32
      scf.if %cond3A_73 {
        %dma_start3A_74 = arith.constant 1 : i32
        %dma_start3A_75 = arith.constant 0 : i32
        %dma_start3A_76 = arith.constant 0 : i32
        %dma_start3A_77 = tpu.memref_slice %arg9[%dma_start3A_74, %dma_start3A_75, %dma_start3A_76] : memref<2x128x128xf32, #tpu.memory_space<vmem>> -> memref<1x128x128xf32, #tpu.memory_space<vmem>>
        %dma_start3A_78 = tpu.memref_squeeze %dma_start3A_77 : memref<1x128x128xf32, #tpu.memory_space<vmem>> -> memref<128x128xf32, #tpu.memory_space<vmem>>
        %dma_start3A_79 = arith.constant 0 : i32
        %dma_start3A_80 = tpu.memref_slice %arg7[%add3A_68, %dma_start3A_79] : memref<40x128xi32, #tpu.memory_space<vmem>> -> memref<1x128xi32, #tpu.memory_space<vmem>>
        %dma_start3A_81 = tpu.memref_squeeze %dma_start3A_80 : memref<1x128xi32, #tpu.memory_space<vmem>> -> memref<128xi32, #tpu.memory_space<vmem>>
        %dma_start3A_82 = arith.constant 0 : i32
        %dma_start3A_83 = arith.constant 0 : i32
        %dma_start3A_84 = tpu.memref_slice %arg2[%dma_start3A_82, %dma_start3A_83] : memref<10000x128xf32, #tpu.memory_space<hbm>> -> memref<10000x128xf32, #tpu.memory_space<hbm>>
        tpu.enqueue_indirect_dma source(%dma_start3A_84 : memref<10000x128xf32, #tpu.memory_space<hbm>>) target(%dma_start3A_78 : memref<128x128xf32, #tpu.memory_space<vmem>>) offsets(%dma_start3A_81 : memref<128xi32, #tpu.memory_space<vmem>>) semaphore(%arg12 : memref<!tpu.dma_semaphore, #tpu.memory_space<semaphore_mem>>)
      } else {
      }
    }
    %scan3A_30 = arith.constant 20 : i32
    %barrier3A_31 = arith.constant 0 : index
    tpu.barrier barrier_id(%barrier3A_31)
    "tpu.region"() ({
      %run_scoped3A = tpu.sem_alloc : memref<!tpu.dma_semaphore, #tpu.memory_space<semaphore_mem>>
      %dma_start3A_32 = arith.constant 0 : i32
      %dma_start3A_33 = tpu.memref_slice %arg6[%arg0, %mul3A_2, %dma_start3A_32] : memref<2x10112x128xf32, #tpu.memory_space<hbm>> -> memref<1x632x128xf32, #tpu.memory_space<hbm>>
      %dma_start3A_34 = tpu.memref_squeeze %dma_start3A_33 : memref<1x632x128xf32, #tpu.memory_space<hbm>> -> memref<632x128xf32, #tpu.memory_space<hbm>>
      %dma_start3A_35 = arith.constant 0 : i32
      %dma_start3A_36 = tpu.memref_slice %arg10[%mul3A_2, %dma_start3A_35] : memref<10112x128xf32, #tpu.memory_space<vmem_shared>> -> memref<632x128xf32, #tpu.memory_space<vmem_shared>>
      tpu.enqueue_dma source(%dma_start3A_36 : memref<632x128xf32, #tpu.memory_space<vmem_shared>>) target(%dma_start3A_34 : memref<632x128xf32, #tpu.memory_space<hbm>>) target_semaphore(%run_scoped3A : memref<!tpu.dma_semaphore, #tpu.memory_space<semaphore_mem>>)
      %dma_wait3A = arith.constant 0 : i32
      %dma_wait3A_37 = tpu.memref_slice %arg6[%arg0, %mul3A_2, %dma_wait3A] : memref<2x10112x128xf32, #tpu.memory_space<hbm>> -> memref<1x632x128xf32, #tpu.memory_space<hbm>>
      %dma_wait3A_38 = tpu.memref_squeeze %dma_wait3A_37 : memref<1x632x128xf32, #tpu.memory_space<hbm>> -> memref<632x128xf32, #tpu.memory_space<hbm>>
      %dma_wait3A_39 = arith.constant 0 : i32
      %dma_wait3A_40 = tpu.memref_slice %arg10[%mul3A_2, %dma_wait3A_39] : memref<10112x128xf32, #tpu.memory_space<vmem_shared>> -> memref<632x128xf32, #tpu.memory_space<vmem_shared>>
      tpu.wait_dma2 semaphore(%run_scoped3A : memref<!tpu.dma_semaphore, #tpu.memory_space<semaphore_mem>>) src(%dma_wait3A_40 : memref<632x128xf32, #tpu.memory_space<vmem_shared>>) dst(%dma_wait3A_38 : memref<632x128xf32, #tpu.memory_space<hbm>>)
      tpu.yield
    }) : () -> ()
    return
  }
}

#map = affine_map<(d0, d1) -> (0, 0)>
#map1 = affine_map<(d0, d1) -> (0, 0, 0)>
module attributes {stable_mosaic.version = 14 : i64} {
  func.func @sck(%arg0: i32, %arg1: i32, %arg2: memref<128x16xf32, #tpu.memory_space<hbm>>, %arg3: memref<32x40x128xi32, #tpu.memory_space<hbm>>, %arg4: memref<632x16xf32, #tpu.memory_space<hbm>>, %arg5: memref<2x10112x16xf32, #tpu.memory_space<hbm>>, %arg6: memref<40x128xi32, #tpu.memory_space<vmem>>, %arg7: memref<128x16xf32, #tpu.memory_space<vmem>>, %arg8: memref<10112x16xf32, #tpu.memory_space<vmem_shared>>) attributes {dimension_semantics = [#tpu.dimension_semantics<core_parallel>, #tpu.dimension_semantics<subcore_parallel>], iteration_bounds = array<i64: 2, 16>, scalar_prefetch = 0 : i64, scratch_operands = 3 : i64, tpu.core_type = #tpu.core_type<sc_vector_subcore>, window_params = [{transform_indices = #map}, {transform_indices = #map1}, {transform_indices = #map}, {transform_indices = #map1}]} {
    %mul3A = arith.constant 16 : i32
    %mul3A_0 = arith.muli %arg0, %mul3A : i32
    %add3A = arith.addi %mul3A_0, %arg1 : i32
    %mul3A_1 = arith.constant 632 : i32
    %mul3A_2 = arith.muli %arg1, %mul3A_1 : i32
    "tpu.region"() ({
      %run_scoped3A = tpu.sem_alloc : memref<!tpu.dma_semaphore, #tpu.memory_space<semaphore_mem>>
      %dma_start3A = arith.constant 0 : i32
      %dma_start3A_9 = arith.constant 0 : i32
      %dma_start3A_10 = tpu.memref_slice %arg3[%add3A, %dma_start3A, %dma_start3A_9] : memref<32x40x128xi32, #tpu.memory_space<hbm>> -> memref<1x40x128xi32, #tpu.memory_space<hbm>>
      %dma_start3A_11 = tpu.memref_squeeze %dma_start3A_10 : memref<1x40x128xi32, #tpu.memory_space<hbm>> -> memref<40x128xi32, #tpu.memory_space<hbm>>
      %dma_start3A_12 = arith.constant 0 : i32
      %dma_start3A_13 = arith.constant 0 : i32
      %dma_start3A_14 = tpu.memref_slice %arg3[%add3A, %dma_start3A_12, %dma_start3A_13] : memref<32x40x128xi32, #tpu.memory_space<hbm>> -> memref<1x40x128xi32, #tpu.memory_space<hbm>>
      %dma_start3A_15 = tpu.memref_squeeze %dma_start3A_14 : memref<1x40x128xi32, #tpu.memory_space<hbm>> -> memref<40x128xi32, #tpu.memory_space<hbm>>
      tpu.enqueue_dma source(%dma_start3A_15 : memref<40x128xi32, #tpu.memory_space<hbm>>) target(%arg6 : memref<40x128xi32, #tpu.memory_space<vmem>>) target_semaphore(%run_scoped3A : memref<!tpu.dma_semaphore, #tpu.memory_space<semaphore_mem>>)
      %dma_wait3A = arith.constant 0 : i32
      %dma_wait3A_16 = arith.constant 0 : i32
      %dma_wait3A_17 = tpu.memref_slice %arg3[%add3A, %dma_wait3A, %dma_wait3A_16] : memref<32x40x128xi32, #tpu.memory_space<hbm>> -> memref<1x40x128xi32, #tpu.memory_space<hbm>>
      %dma_wait3A_18 = tpu.memref_squeeze %dma_wait3A_17 : memref<1x40x128xi32, #tpu.memory_space<hbm>> -> memref<40x128xi32, #tpu.memory_space<hbm>>
      %dma_wait3A_19 = arith.constant 0 : i32
      %dma_wait3A_20 = arith.constant 0 : i32
      %dma_wait3A_21 = tpu.memref_slice %arg3[%add3A, %dma_wait3A_19, %dma_wait3A_20] : memref<32x40x128xi32, #tpu.memory_space<hbm>> -> memref<1x40x128xi32, #tpu.memory_space<hbm>>
      %dma_wait3A_22 = tpu.memref_squeeze %dma_wait3A_21 : memref<1x40x128xi32, #tpu.memory_space<hbm>> -> memref<40x128xi32, #tpu.memory_space<hbm>>
      tpu.wait_dma2 semaphore(%run_scoped3A : memref<!tpu.dma_semaphore, #tpu.memory_space<semaphore_mem>>) src(%dma_wait3A_22 : memref<40x128xi32, #tpu.memory_space<hbm>>) dst(%arg6 : memref<40x128xi32, #tpu.memory_space<vmem>>)
      tpu.yield
    }) : () -> ()
    "tpu.region"() ({
      %run_scoped3A = tpu.sem_alloc : memref<!tpu.dma_semaphore, #tpu.memory_space<semaphore_mem>>
      tpu.enqueue_dma source(%arg2 : memref<128x16xf32, #tpu.memory_space<hbm>>) target(%arg7 : memref<128x16xf32, #tpu.memory_space<vmem>>) target_semaphore(%run_scoped3A : memref<!tpu.dma_semaphore, #tpu.memory_space<semaphore_mem>>)
      tpu.wait_dma2 semaphore(%run_scoped3A : memref<!tpu.dma_semaphore, #tpu.memory_space<semaphore_mem>>) src(%arg2 : memref<128x16xf32, #tpu.memory_space<hbm>>) dst(%arg7 : memref<128x16xf32, #tpu.memory_space<vmem>>)
      tpu.yield
    }) : () -> ()
    "tpu.region"() ({
      %run_scoped3A = tpu.sem_alloc : memref<!tpu.dma_semaphore, #tpu.memory_space<semaphore_mem>>
      %dma_start3A = arith.constant 0 : i32
      %dma_start3A_9 = tpu.memref_slice %arg8[%mul3A_2, %dma_start3A] : memref<10112x16xf32, #tpu.memory_space<vmem_shared>> -> memref<632x16xf32, #tpu.memory_space<vmem_shared>>
      tpu.enqueue_dma source(%arg4 : memref<632x16xf32, #tpu.memory_space<hbm>>) target(%dma_start3A_9 : memref<632x16xf32, #tpu.memory_space<vmem_shared>>) target_semaphore(%run_scoped3A : memref<!tpu.dma_semaphore, #tpu.memory_space<semaphore_mem>>)
      %dma_wait3A = arith.constant 0 : i32
      %dma_wait3A_10 = tpu.memref_slice %arg8[%mul3A_2, %dma_wait3A] : memref<10112x16xf32, #tpu.memory_space<vmem_shared>> -> memref<632x16xf32, #tpu.memory_space<vmem_shared>>
      tpu.wait_dma2 semaphore(%run_scoped3A : memref<!tpu.dma_semaphore, #tpu.memory_space<semaphore_mem>>) src(%arg4 : memref<632x16xf32, #tpu.memory_space<hbm>>) dst(%dma_wait3A_10 : memref<632x16xf32, #tpu.memory_space<vmem_shared>>)
      tpu.yield
    }) : () -> ()
    %barrier3A = arith.constant 0 : index
    tpu.barrier barrier_id(%barrier3A)
    %scan3A = arith.constant 0 : i32
    %scan3A_3 = arith.constant 0 : i32
    %scan3A_4 = arith.constant 40 : i32
    %scan3A_5 = arith.addi %scan3A_3, %scan3A_4 : i32
    %scan3A_6 = arith.constant 1 : i32
    scf.for %scan3A_9 = %scan3A_3 to %scan3A_5 step %scan3A_6  : i32 {
      "tpu.region"() ({
        %run_scoped3A = tpu.sem_alloc : memref<!tpu.dma_semaphore, #tpu.memory_space<semaphore_mem>>
        %dma_start3A = arith.constant 0 : i32
        %dma_start3A_10 = tpu.memref_slice %arg6[%scan3A_9, %dma_start3A] : memref<40x128xi32, #tpu.memory_space<vmem>> -> memref<1x128xi32, #tpu.memory_space<vmem>>
        %dma_start3A_11 = tpu.memref_squeeze %dma_start3A_10 : memref<1x128xi32, #tpu.memory_space<vmem>> -> memref<128xi32, #tpu.memory_space<vmem>>
        %dma_start3A_12 = arith.constant 0 : i32
        %dma_start3A_13 = arith.constant 0 : i32
        %dma_start3A_14 = tpu.memref_slice %arg8[%dma_start3A_12, %dma_start3A_13] : memref<10112x16xf32, #tpu.memory_space<vmem_shared>> -> memref<10112x16xf32, #tpu.memory_space<vmem_shared>>
        tpu.enqueue_indirect_dma source(%arg7 : memref<128x16xf32, #tpu.memory_space<vmem>>) target(%dma_start3A_14 : memref<10112x16xf32, #tpu.memory_space<vmem_shared>>) offsets(%dma_start3A_11 : memref<128xi32, #tpu.memory_space<vmem>>) semaphore(%run_scoped3A : memref<!tpu.dma_semaphore, #tpu.memory_space<semaphore_mem>>) {add = true}
        %dma_wait3A = arith.constant 0 : i32
        %dma_wait3A_15 = tpu.memref_slice %arg6[%scan3A_9, %dma_wait3A] : memref<40x128xi32, #tpu.memory_space<vmem>> -> memref<1x128xi32, #tpu.memory_space<vmem>>
        %dma_wait3A_16 = tpu.memref_squeeze %dma_wait3A_15 : memref<1x128xi32, #tpu.memory_space<vmem>> -> memref<128xi32, #tpu.memory_space<vmem>>
        %dma_wait3A_17 = arith.constant 0 : i32
        %dma_wait3A_18 = arith.constant 0 : i32
        %dma_wait3A_19 = tpu.memref_slice %arg8[%dma_wait3A_17, %dma_wait3A_18] : memref<10112x16xf32, #tpu.memory_space<vmem_shared>> -> memref<10112x16xf32, #tpu.memory_space<vmem_shared>>
        tpu.wait_indirect_dma semaphore(%run_scoped3A : memref<!tpu.dma_semaphore, #tpu.memory_space<semaphore_mem>>) src(%arg7 : memref<128x16xf32, #tpu.memory_space<vmem>>) dst(%dma_wait3A_19 : memref<10112x16xf32, #tpu.memory_space<vmem_shared>>)
        tpu.yield
      }) : () -> ()
    }
    %scan3A_7 = arith.constant 40 : i32
    %barrier3A_8 = arith.constant 0 : index
    tpu.barrier barrier_id(%barrier3A_8)
    "tpu.region"() ({
      %run_scoped3A = tpu.sem_alloc : memref<!tpu.dma_semaphore, #tpu.memory_space<semaphore_mem>>
      %dma_start3A = arith.constant 0 : i32
      %dma_start3A_9 = tpu.memref_slice %arg5[%arg0, %mul3A_2, %dma_start3A] : memref<2x10112x16xf32, #tpu.memory_space<hbm>> -> memref<1x632x16xf32, #tpu.memory_space<hbm>>
      %dma_start3A_10 = tpu.memref_squeeze %dma_start3A_9 : memref<1x632x16xf32, #tpu.memory_space<hbm>> -> memref<632x16xf32, #tpu.memory_space<hbm>>
      %dma_start3A_11 = arith.constant 0 : i32
      %dma_start3A_12 = tpu.memref_slice %arg8[%mul3A_2, %dma_start3A_11] : memref<10112x16xf32, #tpu.memory_space<vmem_shared>> -> memref<632x16xf32, #tpu.memory_space<vmem_shared>>
      tpu.enqueue_dma source(%dma_start3A_12 : memref<632x16xf32, #tpu.memory_space<vmem_shared>>) target(%dma_start3A_10 : memref<632x16xf32, #tpu.memory_space<hbm>>) target_semaphore(%run_scoped3A : memref<!tpu.dma_semaphore, #tpu.memory_space<semaphore_mem>>)
      %dma_wait3A = arith.constant 0 : i32
      %dma_wait3A_13 = tpu.memref_slice %arg5[%arg0, %mul3A_2, %dma_wait3A] : memref<2x10112x16xf32, #tpu.memory_space<hbm>> -> memref<1x632x16xf32, #tpu.memory_space<hbm>>
      %dma_wait3A_14 = tpu.memref_squeeze %dma_wait3A_13 : memref<1x632x16xf32, #tpu.memory_space<hbm>> -> memref<632x16xf32, #tpu.memory_space<hbm>>
      %dma_wait3A_15 = arith.constant 0 : i32
      %dma_wait3A_16 = tpu.memref_slice %arg8[%mul3A_2, %dma_wait3A_15] : memref<10112x16xf32, #tpu.memory_space<vmem_shared>> -> memref<632x16xf32, #tpu.memory_space<vmem_shared>>
      tpu.wait_dma2 semaphore(%run_scoped3A : memref<!tpu.dma_semaphore, #tpu.memory_space<semaphore_mem>>) src(%dma_wait3A_16 : memref<632x16xf32, #tpu.memory_space<vmem_shared>>) dst(%dma_wait3A_14 : memref<632x16xf32, #tpu.memory_space<hbm>>)
      tpu.yield
    }) : () -> ()
    return
  }
}

#map = affine_map<(d0, d1) -> (0, 0)>
#map1 = affine_map<(d0, d1) -> (0, 0, 0)>
module attributes {stable_mosaic.version = 14 : i64} {
  func.func @sck(%arg0: i32, %arg1: i32, %arg2: memref<10000x64xf32, #tpu.memory_space<hbm>>, %arg3: memref<32x40x128xi32, #tpu.memory_space<hbm>>, %arg4: memref<32x40x128xi32, #tpu.memory_space<hbm>>, %arg5: memref<632x64xf32, #tpu.memory_space<hbm>>, %arg6: memref<2x10112x64xf32, #tpu.memory_space<hbm>>, %arg7: memref<40x128xi32, #tpu.memory_space<vmem>>, %arg8: memref<40x128xi32, #tpu.memory_space<vmem>>, %arg9: memref<2x128x64xf32, #tpu.memory_space<vmem>>, %arg10: memref<10112x64xf32, #tpu.memory_space<vmem_shared>>, %arg11: memref<!tpu.dma_semaphore, #tpu.memory_space<semaphore_mem>>, %arg12: memref<!tpu.dma_semaphore, #tpu.memory_space<semaphore_mem>>) attributes {dimension_semantics = [#tpu.dimension_semantics<core_parallel>, #tpu.dimension_semantics<subcore_parallel>], iteration_bounds = array<i64: 2, 16>, scalar_prefetch = 0 : i64, scratch_operands = 6 : i64, tpu.core_type = #tpu.core_type<sc_vector_subcore>, window_params = [{transform_indices = #map}, {transform_indices = #map1}, {transform_indices = #map1}, {transform_indices = #map}, {transform_indices = #map1}]} {
    %mul3A = arith.constant 16 : i32
    %mul3A_0 = arith.muli %arg0, %mul3A : i32
    %add3A = arith.addi %mul3A_0, %arg1 : i32
    %mul3A_1 = arith.constant 632 : i32
    %mul3A_2 = arith.muli %arg1, %mul3A_1 : i32
    "tpu.region"() ({
      %run_scoped3A = tpu.sem_alloc : memref<!tpu.dma_semaphore, #tpu.memory_space<semaphore_mem>>
      %dma_start3A_32 = arith.constant 0 : i32
      %dma_start3A_33 = arith.constant 0 : i32
      %dma_start3A_34 = tpu.memref_slice %arg3[%add3A, %dma_start3A_32, %dma_start3A_33] : memref<32x40x128xi32, #tpu.memory_space<hbm>> -> memref<1x40x128xi32, #tpu.memory_space<hbm>>
      %dma_start3A_35 = tpu.memref_squeeze %dma_start3A_34 : memref<1x40x128xi32, #tpu.memory_space<hbm>> -> memref<40x128xi32, #tpu.memory_space<hbm>>
      %dma_start3A_36 = arith.constant 0 : i32
      %dma_start3A_37 = arith.constant 0 : i32
      %dma_start3A_38 = tpu.memref_slice %arg3[%add3A, %dma_start3A_36, %dma_start3A_37] : memref<32x40x128xi32, #tpu.memory_space<hbm>> -> memref<1x40x128xi32, #tpu.memory_space<hbm>>
      %dma_start3A_39 = tpu.memref_squeeze %dma_start3A_38 : memref<1x40x128xi32, #tpu.memory_space<hbm>> -> memref<40x128xi32, #tpu.memory_space<hbm>>
      tpu.enqueue_dma source(%dma_start3A_39 : memref<40x128xi32, #tpu.memory_space<hbm>>) target(%arg7 : memref<40x128xi32, #tpu.memory_space<vmem>>) target_semaphore(%run_scoped3A : memref<!tpu.dma_semaphore, #tpu.memory_space<semaphore_mem>>)
      %dma_wait3A = arith.constant 0 : i32
      %dma_wait3A_40 = arith.constant 0 : i32
      %dma_wait3A_41 = tpu.memref_slice %arg3[%add3A, %dma_wait3A, %dma_wait3A_40] : memref<32x40x128xi32, #tpu.memory_space<hbm>> -> memref<1x40x128xi32, #tpu.memory_space<hbm>>
      %dma_wait3A_42 = tpu.memref_squeeze %dma_wait3A_41 : memref<1x40x128xi32, #tpu.memory_space<hbm>> -> memref<40x128xi32, #tpu.memory_space<hbm>>
      %dma_wait3A_43 = arith.constant 0 : i32
      %dma_wait3A_44 = arith.constant 0 : i32
      %dma_wait3A_45 = tpu.memref_slice %arg3[%add3A, %dma_wait3A_43, %dma_wait3A_44] : memref<32x40x128xi32, #tpu.memory_space<hbm>> -> memref<1x40x128xi32, #tpu.memory_space<hbm>>
      %dma_wait3A_46 = tpu.memref_squeeze %dma_wait3A_45 : memref<1x40x128xi32, #tpu.memory_space<hbm>> -> memref<40x128xi32, #tpu.memory_space<hbm>>
      tpu.wait_dma2 semaphore(%run_scoped3A : memref<!tpu.dma_semaphore, #tpu.memory_space<semaphore_mem>>) src(%dma_wait3A_46 : memref<40x128xi32, #tpu.memory_space<hbm>>) dst(%arg7 : memref<40x128xi32, #tpu.memory_space<vmem>>)
      tpu.yield
    }) : () -> ()
    "tpu.region"() ({
      %run_scoped3A = tpu.sem_alloc : memref<!tpu.dma_semaphore, #tpu.memory_space<semaphore_mem>>
      %dma_start3A_32 = arith.constant 0 : i32
      %dma_start3A_33 = arith.constant 0 : i32
      %dma_start3A_34 = tpu.memref_slice %arg4[%add3A, %dma_start3A_32, %dma_start3A_33] : memref<32x40x128xi32, #tpu.memory_space<hbm>> -> memref<1x40x128xi32, #tpu.memory_space<hbm>>
      %dma_start3A_35 = tpu.memref_squeeze %dma_start3A_34 : memref<1x40x128xi32, #tpu.memory_space<hbm>> -> memref<40x128xi32, #tpu.memory_space<hbm>>
      %dma_start3A_36 = arith.constant 0 : i32
      %dma_start3A_37 = arith.constant 0 : i32
      %dma_start3A_38 = tpu.memref_slice %arg4[%add3A, %dma_start3A_36, %dma_start3A_37] : memref<32x40x128xi32, #tpu.memory_space<hbm>> -> memref<1x40x128xi32, #tpu.memory_space<hbm>>
      %dma_start3A_39 = tpu.memref_squeeze %dma_start3A_38 : memref<1x40x128xi32, #tpu.memory_space<hbm>> -> memref<40x128xi32, #tpu.memory_space<hbm>>
      tpu.enqueue_dma source(%dma_start3A_39 : memref<40x128xi32, #tpu.memory_space<hbm>>) target(%arg8 : memref<40x128xi32, #tpu.memory_space<vmem>>) target_semaphore(%run_scoped3A : memref<!tpu.dma_semaphore, #tpu.memory_space<semaphore_mem>>)
      %dma_wait3A = arith.constant 0 : i32
      %dma_wait3A_40 = arith.constant 0 : i32
      %dma_wait3A_41 = tpu.memref_slice %arg4[%add3A, %dma_wait3A, %dma_wait3A_40] : memref<32x40x128xi32, #tpu.memory_space<hbm>> -> memref<1x40x128xi32, #tpu.memory_space<hbm>>
      %dma_wait3A_42 = tpu.memref_squeeze %dma_wait3A_41 : memref<1x40x128xi32, #tpu.memory_space<hbm>> -> memref<40x128xi32, #tpu.memory_space<hbm>>
      %dma_wait3A_43 = arith.constant 0 : i32
      %dma_wait3A_44 = arith.constant 0 : i32
      %dma_wait3A_45 = tpu.memref_slice %arg4[%add3A, %dma_wait3A_43, %dma_wait3A_44] : memref<32x40x128xi32, #tpu.memory_space<hbm>> -> memref<1x40x128xi32, #tpu.memory_space<hbm>>
      %dma_wait3A_46 = tpu.memref_squeeze %dma_wait3A_45 : memref<1x40x128xi32, #tpu.memory_space<hbm>> -> memref<40x128xi32, #tpu.memory_space<hbm>>
      tpu.wait_dma2 semaphore(%run_scoped3A : memref<!tpu.dma_semaphore, #tpu.memory_space<semaphore_mem>>) src(%dma_wait3A_46 : memref<40x128xi32, #tpu.memory_space<hbm>>) dst(%arg8 : memref<40x128xi32, #tpu.memory_space<vmem>>)
      tpu.yield
    }) : () -> ()
    %dma_start3A = arith.constant 0 : i32
    %dma_start3A_3 = arith.constant 0 : i32
    %dma_start3A_4 = arith.constant 0 : i32
    %dma_start3A_5 = arith.constant 0 : i32
    %dma_start3A_6 = tpu.memref_slice %arg9[%dma_start3A_3, %dma_start3A_4, %dma_start3A_5] : memref<2x128x64xf32, #tpu.memory_space<vmem>> -> memref<1x128x64xf32, #tpu.memory_space<vmem>>
    %dma_start3A_7 = tpu.memref_squeeze %dma_start3A_6 : memref<1x128x64xf32, #tpu.memory_space<vmem>> -> memref<128x64xf32, #tpu.memory_space<vmem>>
    %dma_start3A_8 = arith.constant 0 : i32
    %dma_start3A_9 = tpu.memref_slice %arg7[%dma_start3A, %dma_start3A_8] : memref<40x128xi32, #tpu.memory_space<vmem>> -> memref<1x128xi32, #tpu.memory_space<vmem>>
    %dma_start3A_10 = tpu.memref_squeeze %dma_start3A_9 : memref<1x128xi32, #tpu.memory_space<vmem>> -> memref<128xi32, #tpu.memory_space<vmem>>
    %dma_start3A_11 = arith.constant 0 : i32
    %dma_start3A_12 = arith.constant 0 : i32
    %dma_start3A_13 = tpu.memref_slice %arg2[%dma_start3A_11, %dma_start3A_12] : memref<10000x64xf32, #tpu.memory_space<hbm>> -> memref<10000x64xf32, #tpu.memory_space<hbm>>
    tpu.enqueue_indirect_dma source(%dma_start3A_13 : memref<10000x64xf32, #tpu.memory_space<hbm>>) target(%dma_start3A_7 : memref<128x64xf32, #tpu.memory_space<vmem>>) offsets(%dma_start3A_10 : memref<128xi32, #tpu.memory_space<vmem>>) semaphore(%arg11 : memref<!tpu.dma_semaphore, #tpu.memory_space<semaphore_mem>>)
    %dma_start3A_14 = arith.constant 1 : i32
    %dma_start3A_15 = arith.constant 1 : i32
    %dma_start3A_16 = arith.constant 0 : i32
    %dma_start3A_17 = arith.constant 0 : i32
    %dma_start3A_18 = tpu.memref_slice %arg9[%dma_start3A_15, %dma_start3A_16, %dma_start3A_17] : memref<2x128x64xf32, #tpu.memory_space<vmem>> -> memref<1x128x64xf32, #tpu.memory_space<vmem>>
    %dma_start3A_19 = tpu.memref_squeeze %dma_start3A_18 : memref<1x128x64xf32, #tpu.memory_space<vmem>> -> memref<128x64xf32, #tpu.memory_space<vmem>>
    %dma_start3A_20 = arith.constant 0 : i32
    %dma_start3A_21 = tpu.memref_slice %arg7[%dma_start3A_14, %dma_start3A_20] : memref<40x128xi32, #tpu.memory_space<vmem>> -> memref<1x128xi32, #tpu.memory_space<vmem>>
    %dma_start3A_22 = tpu.memref_squeeze %dma_start3A_21 : memref<1x128xi32, #tpu.memory_space<vmem>> -> memref<128xi32, #tpu.memory_space<vmem>>
    %dma_start3A_23 = arith.constant 0 : i32
    %dma_start3A_24 = arith.constant 0 : i32
    %dma_start3A_25 = tpu.memref_slice %arg2[%dma_start3A_23, %dma_start3A_24] : memref<10000x64xf32, #tpu.memory_space<hbm>> -> memref<10000x64xf32, #tpu.memory_space<hbm>>
    tpu.enqueue_indirect_dma source(%dma_start3A_25 : memref<10000x64xf32, #tpu.memory_space<hbm>>) target(%dma_start3A_19 : memref<128x64xf32, #tpu.memory_space<vmem>>) offsets(%dma_start3A_22 : memref<128xi32, #tpu.memory_space<vmem>>) semaphore(%arg12 : memref<!tpu.dma_semaphore, #tpu.memory_space<semaphore_mem>>)
    "tpu.region"() ({
      %run_scoped3A = tpu.sem_alloc : memref<!tpu.dma_semaphore, #tpu.memory_space<semaphore_mem>>
      %dma_start3A_32 = arith.constant 0 : i32
      %dma_start3A_33 = tpu.memref_slice %arg10[%mul3A_2, %dma_start3A_32] : memref<10112x64xf32, #tpu.memory_space<vmem_shared>> -> memref<632x64xf32, #tpu.memory_space<vmem_shared>>
      tpu.enqueue_dma source(%arg5 : memref<632x64xf32, #tpu.memory_space<hbm>>) target(%dma_start3A_33 : memref<632x64xf32, #tpu.memory_space<vmem_shared>>) target_semaphore(%run_scoped3A : memref<!tpu.dma_semaphore, #tpu.memory_space<semaphore_mem>>)
      %dma_wait3A = arith.constant 0 : i32
      %dma_wait3A_34 = tpu.memref_slice %arg10[%mul3A_2, %dma_wait3A] : memref<10112x64xf32, #tpu.memory_space<vmem_shared>> -> memref<632x64xf32, #tpu.memory_space<vmem_shared>>
      tpu.wait_dma2 semaphore(%run_scoped3A : memref<!tpu.dma_semaphore, #tpu.memory_space<semaphore_mem>>) src(%arg5 : memref<632x64xf32, #tpu.memory_space<hbm>>) dst(%dma_wait3A_34 : memref<632x64xf32, #tpu.memory_space<vmem_shared>>)
      tpu.yield
    }) : () -> ()
    %barrier3A = arith.constant 0 : index
    tpu.barrier barrier_id(%barrier3A)
    %scan3A = arith.constant 0 : i32
    %scan3A_26 = arith.constant 0 : i32
    %scan3A_27 = arith.constant 20 : i32
    %scan3A_28 = arith.addi %scan3A_26, %scan3A_27 : i32
    %scan3A_29 = arith.constant 1 : i32
    scf.for %scan3A_32 = %scan3A_26 to %scan3A_28 step %scan3A_29  : i32 {
      %mul3A_33 = arith.constant 2 : i32
      %mul3A_34 = arith.muli %scan3A_32, %mul3A_33 : i32
      %add3A_35 = arith.constant 0 : i32
      %add3A_36 = arith.addi %mul3A_34, %add3A_35 : i32
      %dma_wait3A = arith.constant 0 : i32
      %dma_wait3A_37 = arith.constant 0 : i32
      %dma_wait3A_38 = arith.constant 0 : i32
      %dma_wait3A_39 = tpu.memref_slice %arg9[%dma_wait3A, %dma_wait3A_37, %dma_wait3A_38] : memref<2x128x64xf32, #tpu.memory_space<vmem>> -> memref<1x128x64xf32, #tpu.memory_space<vmem>>
      %dma_wait3A_40 = tpu.memref_squeeze %dma_wait3A_39 : memref<1x128x64xf32, #tpu.memory_space<vmem>> -> memref<128x64xf32, #tpu.memory_space<vmem>>
      %dma_wait3A_41 = arith.constant 0 : i32
      %dma_wait3A_42 = tpu.memref_slice %arg7[%add3A_36, %dma_wait3A_41] : memref<40x128xi32, #tpu.memory_space<vmem>> -> memref<1x128xi32, #tpu.memory_space<vmem>>
      %dma_wait3A_43 = tpu.memref_squeeze %dma_wait3A_42 : memref<1x128xi32, #tpu.memory_space<vmem>> -> memref<128xi32, #tpu.memory_space<vmem>>
      %dma_wait3A_44 = arith.constant 0 : i32
      %dma_wait3A_45 = arith.constant 0 : i32
      %dma_wait3A_46 = tpu.memref_slice %arg2[%dma_wait3A_44, %dma_wait3A_45] : memref<10000x64xf32, #tpu.memory_space<hbm>> -> memref<10000x64xf32, #tpu.memory_space<hbm>>
      tpu.wait_indirect_dma semaphore(%arg11 : memref<!tpu.dma_semaphore, #tpu.memory_space<semaphore_mem>>) src(%dma_wait3A_46 : memref<10000x64xf32, #tpu.memory_space<hbm>>) dst(%dma_wait3A_40 : memref<128x64xf32, #tpu.memory_space<vmem>>)
      %run_scoped3A = arith.constant 0 : i32
      "tpu.region"() ({
        %run_scoped3A_74 = tpu.sem_alloc : memref<!tpu.dma_semaphore, #tpu.memory_space<semaphore_mem>>
        %dma_start3A_75 = arith.constant 0 : i32
        %dma_start3A_76 = arith.constant 0 : i32
        %dma_start3A_77 = tpu.memref_slice %arg9[%run_scoped3A, %dma_start3A_75, %dma_start3A_76] : memref<2x128x64xf32, #tpu.memory_space<vmem>> -> memref<1x128x64xf32, #tpu.memory_space<vmem>>
        %dma_start3A_78 = tpu.memref_squeeze %dma_start3A_77 : memref<1x128x64xf32, #tpu.memory_space<vmem>> -> memref<128x64xf32, #tpu.memory_space<vmem>>
        %dma_start3A_79 = arith.constant 0 : i32
        %dma_start3A_80 = tpu.memref_slice %arg8[%add3A_36, %dma_start3A_79] : memref<40x128xi32, #tpu.memory_space<vmem>> -> memref<1x128xi32, #tpu.memory_space<vmem>>
        %dma_start3A_81 = tpu.memref_squeeze %dma_start3A_80 : memref<1x128xi32, #tpu.memory_space<vmem>> -> memref<128xi32, #tpu.memory_space<vmem>>
        %dma_start3A_82 = arith.constant 0 : i32
        %dma_start3A_83 = arith.constant 0 : i32
        %dma_start3A_84 = tpu.memref_slice %arg10[%dma_start3A_82, %dma_start3A_83] : memref<10112x64xf32, #tpu.memory_space<vmem_shared>> -> memref<10112x64xf32, #tpu.memory_space<vmem_shared>>
        tpu.enqueue_indirect_dma source(%dma_start3A_78 : memref<128x64xf32, #tpu.memory_space<vmem>>) target(%dma_start3A_84 : memref<10112x64xf32, #tpu.memory_space<vmem_shared>>) offsets(%dma_start3A_81 : memref<128xi32, #tpu.memory_space<vmem>>) semaphore(%run_scoped3A_74 : memref<!tpu.dma_semaphore, #tpu.memory_space<semaphore_mem>>) {add = true}
        %dma_wait3A_85 = arith.constant 0 : i32
        %dma_wait3A_86 = arith.constant 0 : i32
        %dma_wait3A_87 = tpu.memref_slice %arg9[%run_scoped3A, %dma_wait3A_85, %dma_wait3A_86] : memref<2x128x64xf32, #tpu.memory_space<vmem>> -> memref<1x128x64xf32, #tpu.memory_space<vmem>>
        %dma_wait3A_88 = tpu.memref_squeeze %dma_wait3A_87 : memref<1x128x64xf32, #tpu.memory_space<vmem>> -> memref<128x64xf32, #tpu.memory_space<vmem>>
        %dma_wait3A_89 = arith.constant 0 : i32
        %dma_wait3A_90 = tpu.memref_slice %arg8[%add3A_36, %dma_wait3A_89] : memref<40x128xi32, #tpu.memory_space<vmem>> -> memref<1x128xi32, #tpu.memory_space<vmem>>
        %dma_wait3A_91 = tpu.memref_squeeze %dma_wait3A_90 : memref<1x128xi32, #tpu.memory_space<vmem>> -> memref<128xi32, #tpu.memory_space<vmem>>
        %dma_wait3A_92 = arith.constant 0 : i32
        %dma_wait3A_93 = arith.constant 0 : i32
        %dma_wait3A_94 = tpu.memref_slice %arg10[%dma_wait3A_92, %dma_wait3A_93] : memref<10112x64xf32, #tpu.memory_space<vmem_shared>> -> memref<10112x64xf32, #tpu.memory_space<vmem_shared>>
        tpu.wait_indirect_dma semaphore(%run_scoped3A_74 : memref<!tpu.dma_semaphore, #tpu.memory_space<semaphore_mem>>) src(%dma_wait3A_88 : memref<128x64xf32, #tpu.memory_space<vmem>>) dst(%dma_wait3A_94 : memref<10112x64xf32, #tpu.memory_space<vmem_shared>>)
        tpu.yield
      }) : () -> ()
      %add3A_47 = arith.constant 2 : i32
      %add3A_48 = arith.addi %add3A_36, %add3A_47 : i32
      %lt3A = arith.constant 40 : i32
      %lt3A_49 = arith.cmpi slt, %add3A_48, %lt3A : i32
      %convert_element_type3A = arith.extui %lt3A_49 : i1 to i32
      %cond3A = arith.constant 0 : i32
      %cond3A_50 = arith.cmpi ne, %convert_element_type3A, %cond3A : i32
      scf.if %cond3A_50 {
        %dma_start3A_74 = arith.constant 0 : i32
        %dma_start3A_75 = arith.constant 0 : i32
        %dma_start3A_76 = arith.constant 0 : i32
        %dma_start3A_77 = tpu.memref_slice %arg9[%dma_start3A_74, %dma_start3A_75, %dma_start3A_76] : memref<2x128x64xf32, #tpu.memory_space<vmem>> -> memref<1x128x64xf32, #tpu.memory_space<vmem>>
        %dma_start3A_78 = tpu.memref_squeeze %dma_start3A_77 : memref<1x128x64xf32, #tpu.memory_space<vmem>> -> memref<128x64xf32, #tpu.memory_space<vmem>>
        %dma_start3A_79 = arith.constant 0 : i32
        %dma_start3A_80 = tpu.memref_slice %arg7[%add3A_48, %dma_start3A_79] : memref<40x128xi32, #tpu.memory_space<vmem>> -> memref<1x128xi32, #tpu.memory_space<vmem>>
        %dma_start3A_81 = tpu.memref_squeeze %dma_start3A_80 : memref<1x128xi32, #tpu.memory_space<vmem>> -> memref<128xi32, #tpu.memory_space<vmem>>
        %dma_start3A_82 = arith.constant 0 : i32
        %dma_start3A_83 = arith.constant 0 : i32
        %dma_start3A_84 = tpu.memref_slice %arg2[%dma_start3A_82, %dma_start3A_83] : memref<10000x64xf32, #tpu.memory_space<hbm>> -> memref<10000x64xf32, #tpu.memory_space<hbm>>
        tpu.enqueue_indirect_dma source(%dma_start3A_84 : memref<10000x64xf32, #tpu.memory_space<hbm>>) target(%dma_start3A_78 : memref<128x64xf32, #tpu.memory_space<vmem>>) offsets(%dma_start3A_81 : memref<128xi32, #tpu.memory_space<vmem>>) semaphore(%arg11 : memref<!tpu.dma_semaphore, #tpu.memory_space<semaphore_mem>>)
      } else {
      }
      %mul3A_51 = arith.constant 2 : i32
      %mul3A_52 = arith.muli %scan3A_32, %mul3A_51 : i32
      %add3A_53 = arith.constant 1 : i32
      %add3A_54 = arith.addi %mul3A_52, %add3A_53 : i32
      %dma_wait3A_55 = arith.constant 1 : i32
      %dma_wait3A_56 = arith.constant 0 : i32
      %dma_wait3A_57 = arith.constant 0 : i32
      %dma_wait3A_58 = tpu.memref_slice %arg9[%dma_wait3A_55, %dma_wait3A_56, %dma_wait3A_57] : memref<2x128x64xf32, #tpu.memory_space<vmem>> -> memref<1x128x64xf32, #tpu.memory_space<vmem>>
      %dma_wait3A_59 = tpu.memref_squeeze %dma_wait3A_58 : memref<1x128x64xf32, #tpu.memory_space<vmem>> -> memref<128x64xf32, #tpu.memory_space<vmem>>
      %dma_wait3A_60 = arith.constant 0 : i32
      %dma_wait3A_61 = tpu.memref_slice %arg7[%add3A_54, %dma_wait3A_60] : memref<40x128xi32, #tpu.memory_space<vmem>> -> memref<1x128xi32, #tpu.memory_space<vmem>>
      %dma_wait3A_62 = tpu.memref_squeeze %dma_wait3A_61 : memref<1x128xi32, #tpu.memory_space<vmem>> -> memref<128xi32, #tpu.memory_space<vmem>>
      %dma_wait3A_63 = arith.constant 0 : i32
      %dma_wait3A_64 = arith.constant 0 : i32
      %dma_wait3A_65 = tpu.memref_slice %arg2[%dma_wait3A_63, %dma_wait3A_64] : memref<10000x64xf32, #tpu.memory_space<hbm>> -> memref<10000x64xf32, #tpu.memory_space<hbm>>
      tpu.wait_indirect_dma semaphore(%arg12 : memref<!tpu.dma_semaphore, #tpu.memory_space<semaphore_mem>>) src(%dma_wait3A_65 : memref<10000x64xf32, #tpu.memory_space<hbm>>) dst(%dma_wait3A_59 : memref<128x64xf32, #tpu.memory_space<vmem>>)
      %run_scoped3A_66 = arith.constant 1 : i32
      "tpu.region"() ({
        %run_scoped3A_74 = tpu.sem_alloc : memref<!tpu.dma_semaphore, #tpu.memory_space<semaphore_mem>>
        %dma_start3A_75 = arith.constant 0 : i32
        %dma_start3A_76 = arith.constant 0 : i32
        %dma_start3A_77 = tpu.memref_slice %arg9[%run_scoped3A_66, %dma_start3A_75, %dma_start3A_76] : memref<2x128x64xf32, #tpu.memory_space<vmem>> -> memref<1x128x64xf32, #tpu.memory_space<vmem>>
        %dma_start3A_78 = tpu.memref_squeeze %dma_start3A_77 : memref<1x128x64xf32, #tpu.memory_space<vmem>> -> memref<128x64xf32, #tpu.memory_space<vmem>>
        %dma_start3A_79 = arith.constant 0 : i32
        %dma_start3A_80 = tpu.memref_slice %arg8[%add3A_54, %dma_start3A_79] : memref<40x128xi32, #tpu.memory_space<vmem>> -> memref<1x128xi32, #tpu.memory_space<vmem>>
        %dma_start3A_81 = tpu.memref_squeeze %dma_start3A_80 : memref<1x128xi32, #tpu.memory_space<vmem>> -> memref<128xi32, #tpu.memory_space<vmem>>
        %dma_start3A_82 = arith.constant 0 : i32
        %dma_start3A_83 = arith.constant 0 : i32
        %dma_start3A_84 = tpu.memref_slice %arg10[%dma_start3A_82, %dma_start3A_83] : memref<10112x64xf32, #tpu.memory_space<vmem_shared>> -> memref<10112x64xf32, #tpu.memory_space<vmem_shared>>
        tpu.enqueue_indirect_dma source(%dma_start3A_78 : memref<128x64xf32, #tpu.memory_space<vmem>>) target(%dma_start3A_84 : memref<10112x64xf32, #tpu.memory_space<vmem_shared>>) offsets(%dma_start3A_81 : memref<128xi32, #tpu.memory_space<vmem>>) semaphore(%run_scoped3A_74 : memref<!tpu.dma_semaphore, #tpu.memory_space<semaphore_mem>>) {add = true}
        %dma_wait3A_85 = arith.constant 0 : i32
        %dma_wait3A_86 = arith.constant 0 : i32
        %dma_wait3A_87 = tpu.memref_slice %arg9[%run_scoped3A_66, %dma_wait3A_85, %dma_wait3A_86] : memref<2x128x64xf32, #tpu.memory_space<vmem>> -> memref<1x128x64xf32, #tpu.memory_space<vmem>>
        %dma_wait3A_88 = tpu.memref_squeeze %dma_wait3A_87 : memref<1x128x64xf32, #tpu.memory_space<vmem>> -> memref<128x64xf32, #tpu.memory_space<vmem>>
        %dma_wait3A_89 = arith.constant 0 : i32
        %dma_wait3A_90 = tpu.memref_slice %arg8[%add3A_54, %dma_wait3A_89] : memref<40x128xi32, #tpu.memory_space<vmem>> -> memref<1x128xi32, #tpu.memory_space<vmem>>
        %dma_wait3A_91 = tpu.memref_squeeze %dma_wait3A_90 : memref<1x128xi32, #tpu.memory_space<vmem>> -> memref<128xi32, #tpu.memory_space<vmem>>
        %dma_wait3A_92 = arith.constant 0 : i32
        %dma_wait3A_93 = arith.constant 0 : i32
        %dma_wait3A_94 = tpu.memref_slice %arg10[%dma_wait3A_92, %dma_wait3A_93] : memref<10112x64xf32, #tpu.memory_space<vmem_shared>> -> memref<10112x64xf32, #tpu.memory_space<vmem_shared>>
        tpu.wait_indirect_dma semaphore(%run_scoped3A_74 : memref<!tpu.dma_semaphore, #tpu.memory_space<semaphore_mem>>) src(%dma_wait3A_88 : memref<128x64xf32, #tpu.memory_space<vmem>>) dst(%dma_wait3A_94 : memref<10112x64xf32, #tpu.memory_space<vmem_shared>>)
        tpu.yield
      }) : () -> ()
      %add3A_67 = arith.constant 2 : i32
      %add3A_68 = arith.addi %add3A_54, %add3A_67 : i32
      %lt3A_69 = arith.constant 40 : i32
      %lt3A_70 = arith.cmpi slt, %add3A_68, %lt3A_69 : i32
      %convert_element_type3A_71 = arith.extui %lt3A_70 : i1 to i32
      %cond3A_72 = arith.constant 0 : i32
      %cond3A_73 = arith.cmpi ne, %convert_element_type3A_71, %cond3A_72 : i32
      scf.if %cond3A_73 {
        %dma_start3A_74 = arith.constant 1 : i32
        %dma_start3A_75 = arith.constant 0 : i32
        %dma_start3A_76 = arith.constant 0 : i32
        %dma_start3A_77 = tpu.memref_slice %arg9[%dma_start3A_74, %dma_start3A_75, %dma_start3A_76] : memref<2x128x64xf32, #tpu.memory_space<vmem>> -> memref<1x128x64xf32, #tpu.memory_space<vmem>>
        %dma_start3A_78 = tpu.memref_squeeze %dma_start3A_77 : memref<1x128x64xf32, #tpu.memory_space<vmem>> -> memref<128x64xf32, #tpu.memory_space<vmem>>
        %dma_start3A_79 = arith.constant 0 : i32
        %dma_start3A_80 = tpu.memref_slice %arg7[%add3A_68, %dma_start3A_79] : memref<40x128xi32, #tpu.memory_space<vmem>> -> memref<1x128xi32, #tpu.memory_space<vmem>>
        %dma_start3A_81 = tpu.memref_squeeze %dma_start3A_80 : memref<1x128xi32, #tpu.memory_space<vmem>> -> memref<128xi32, #tpu.memory_space<vmem>>
        %dma_start3A_82 = arith.constant 0 : i32
        %dma_start3A_83 = arith.constant 0 : i32
        %dma_start3A_84 = tpu.memref_slice %arg2[%dma_start3A_82, %dma_start3A_83] : memref<10000x64xf32, #tpu.memory_space<hbm>> -> memref<10000x64xf32, #tpu.memory_space<hbm>>
        tpu.enqueue_indirect_dma source(%dma_start3A_84 : memref<10000x64xf32, #tpu.memory_space<hbm>>) target(%dma_start3A_78 : memref<128x64xf32, #tpu.memory_space<vmem>>) offsets(%dma_start3A_81 : memref<128xi32, #tpu.memory_space<vmem>>) semaphore(%arg12 : memref<!tpu.dma_semaphore, #tpu.memory_space<semaphore_mem>>)
      } else {
      }
    }
    %scan3A_30 = arith.constant 20 : i32
    %barrier3A_31 = arith.constant 0 : index
    tpu.barrier barrier_id(%barrier3A_31)
    "tpu.region"() ({
      %run_scoped3A = tpu.sem_alloc : memref<!tpu.dma_semaphore, #tpu.memory_space<semaphore_mem>>
      %dma_start3A_32 = arith.constant 0 : i32
      %dma_start3A_33 = tpu.memref_slice %arg6[%arg0, %mul3A_2, %dma_start3A_32] : memref<2x10112x64xf32, #tpu.memory_space<hbm>> -> memref<1x632x64xf32, #tpu.memory_space<hbm>>
      %dma_start3A_34 = tpu.memref_squeeze %dma_start3A_33 : memref<1x632x64xf32, #tpu.memory_space<hbm>> -> memref<632x64xf32, #tpu.memory_space<hbm>>
      %dma_start3A_35 = arith.constant 0 : i32
      %dma_start3A_36 = tpu.memref_slice %arg10[%mul3A_2, %dma_start3A_35] : memref<10112x64xf32, #tpu.memory_space<vmem_shared>> -> memref<632x64xf32, #tpu.memory_space<vmem_shared>>
      tpu.enqueue_dma source(%dma_start3A_36 : memref<632x64xf32, #tpu.memory_space<vmem_shared>>) target(%dma_start3A_34 : memref<632x64xf32, #tpu.memory_space<hbm>>) target_semaphore(%run_scoped3A : memref<!tpu.dma_semaphore, #tpu.memory_space<semaphore_mem>>)
      %dma_wait3A = arith.constant 0 : i32
      %dma_wait3A_37 = tpu.memref_slice %arg6[%arg0, %mul3A_2, %dma_wait3A] : memref<2x10112x64xf32, #tpu.memory_space<hbm>> -> memref<1x632x64xf32, #tpu.memory_space<hbm>>
      %dma_wait3A_38 = tpu.memref_squeeze %dma_wait3A_37 : memref<1x632x64xf32, #tpu.memory_space<hbm>> -> memref<632x64xf32, #tpu.memory_space<hbm>>
      %dma_wait3A_39 = arith.constant 0 : i32
      %dma_wait3A_40 = tpu.memref_slice %arg10[%mul3A_2, %dma_wait3A_39] : memref<10112x64xf32, #tpu.memory_space<vmem_shared>> -> memref<632x64xf32, #tpu.memory_space<vmem_shared>>
      tpu.wait_dma2 semaphore(%run_scoped3A : memref<!tpu.dma_semaphore, #tpu.memory_space<semaphore_mem>>) src(%dma_wait3A_40 : memref<632x64xf32, #tpu.memory_space<vmem_shared>>) dst(%dma_wait3A_38 : memref<632x64xf32, #tpu.memory_space<hbm>>)
      tpu.yield
    }) : () -> ()
    return
  }
}

#map = affine_map<(d0, d1) -> (0, 0)>
#map1 = affine_map<(d0, d1) -> (0, 0, 0)>
module attributes {stable_mosaic.version = 14 : i64} {
  func.func @sck(%arg0: i32, %arg1: i32, %arg2: memref<10000x64xf32, #tpu.memory_space<hbm>>, %arg3: memref<32x40x128xi32, #tpu.memory_space<hbm>>, %arg4: memref<32x40x128xi32, #tpu.memory_space<hbm>>, %arg5: memref<632x64xf32, #tpu.memory_space<hbm>>, %arg6: memref<2x10112x64xf32, #tpu.memory_space<hbm>>, %arg7: memref<40x128xi32, #tpu.memory_space<vmem>>, %arg8: memref<40x128xi32, #tpu.memory_space<vmem>>, %arg9: memref<2x128x64xf32, #tpu.memory_space<vmem>>, %arg10: memref<10112x64xf32, #tpu.memory_space<vmem_shared>>, %arg11: memref<!tpu.dma_semaphore, #tpu.memory_space<semaphore_mem>>, %arg12: memref<!tpu.dma_semaphore, #tpu.memory_space<semaphore_mem>>) attributes {dimension_semantics = [#tpu.dimension_semantics<core_parallel>, #tpu.dimension_semantics<subcore_parallel>], iteration_bounds = array<i64: 2, 16>, scalar_prefetch = 0 : i64, scratch_operands = 6 : i64, tpu.core_type = #tpu.core_type<sc_vector_subcore>, window_params = [{transform_indices = #map}, {transform_indices = #map1}, {transform_indices = #map1}, {transform_indices = #map}, {transform_indices = #map1}]} {
    %mul3A = arith.constant 16 : i32
    %mul3A_0 = arith.muli %arg0, %mul3A : i32
    %add3A = arith.addi %mul3A_0, %arg1 : i32
    %mul3A_1 = arith.constant 632 : i32
    %mul3A_2 = arith.muli %arg1, %mul3A_1 : i32
    "tpu.region"() ({
      %run_scoped3A = tpu.sem_alloc : memref<!tpu.dma_semaphore, #tpu.memory_space<semaphore_mem>>
      %dma_start3A_32 = arith.constant 0 : i32
      %dma_start3A_33 = arith.constant 0 : i32
      %dma_start3A_34 = tpu.memref_slice %arg3[%add3A, %dma_start3A_32, %dma_start3A_33] : memref<32x40x128xi32, #tpu.memory_space<hbm>> -> memref<1x40x128xi32, #tpu.memory_space<hbm>>
      %dma_start3A_35 = tpu.memref_squeeze %dma_start3A_34 : memref<1x40x128xi32, #tpu.memory_space<hbm>> -> memref<40x128xi32, #tpu.memory_space<hbm>>
      %dma_start3A_36 = arith.constant 0 : i32
      %dma_start3A_37 = arith.constant 0 : i32
      %dma_start3A_38 = tpu.memref_slice %arg3[%add3A, %dma_start3A_36, %dma_start3A_37] : memref<32x40x128xi32, #tpu.memory_space<hbm>> -> memref<1x40x128xi32, #tpu.memory_space<hbm>>
      %dma_start3A_39 = tpu.memref_squeeze %dma_start3A_38 : memref<1x40x128xi32, #tpu.memory_space<hbm>> -> memref<40x128xi32, #tpu.memory_space<hbm>>
      tpu.enqueue_dma source(%dma_start3A_39 : memref<40x128xi32, #tpu.memory_space<hbm>>) target(%arg7 : memref<40x128xi32, #tpu.memory_space<vmem>>) target_semaphore(%run_scoped3A : memref<!tpu.dma_semaphore, #tpu.memory_space<semaphore_mem>>)
      %dma_wait3A = arith.constant 0 : i32
      %dma_wait3A_40 = arith.constant 0 : i32
      %dma_wait3A_41 = tpu.memref_slice %arg3[%add3A, %dma_wait3A, %dma_wait3A_40] : memref<32x40x128xi32, #tpu.memory_space<hbm>> -> memref<1x40x128xi32, #tpu.memory_space<hbm>>
      %dma_wait3A_42 = tpu.memref_squeeze %dma_wait3A_41 : memref<1x40x128xi32, #tpu.memory_space<hbm>> -> memref<40x128xi32, #tpu.memory_space<hbm>>
      %dma_wait3A_43 = arith.constant 0 : i32
      %dma_wait3A_44 = arith.constant 0 : i32
      %dma_wait3A_45 = tpu.memref_slice %arg3[%add3A, %dma_wait3A_43, %dma_wait3A_44] : memref<32x40x128xi32, #tpu.memory_space<hbm>> -> memref<1x40x128xi32, #tpu.memory_space<hbm>>
      %dma_wait3A_46 = tpu.memref_squeeze %dma_wait3A_45 : memref<1x40x128xi32, #tpu.memory_space<hbm>> -> memref<40x128xi32, #tpu.memory_space<hbm>>
      tpu.wait_dma2 semaphore(%run_scoped3A : memref<!tpu.dma_semaphore, #tpu.memory_space<semaphore_mem>>) src(%dma_wait3A_46 : memref<40x128xi32, #tpu.memory_space<hbm>>) dst(%arg7 : memref<40x128xi32, #tpu.memory_space<vmem>>)
      tpu.yield
    }) : () -> ()
    "tpu.region"() ({
      %run_scoped3A = tpu.sem_alloc : memref<!tpu.dma_semaphore, #tpu.memory_space<semaphore_mem>>
      %dma_start3A_32 = arith.constant 0 : i32
      %dma_start3A_33 = arith.constant 0 : i32
      %dma_start3A_34 = tpu.memref_slice %arg4[%add3A, %dma_start3A_32, %dma_start3A_33] : memref<32x40x128xi32, #tpu.memory_space<hbm>> -> memref<1x40x128xi32, #tpu.memory_space<hbm>>
      %dma_start3A_35 = tpu.memref_squeeze %dma_start3A_34 : memref<1x40x128xi32, #tpu.memory_space<hbm>> -> memref<40x128xi32, #tpu.memory_space<hbm>>
      %dma_start3A_36 = arith.constant 0 : i32
      %dma_start3A_37 = arith.constant 0 : i32
      %dma_start3A_38 = tpu.memref_slice %arg4[%add3A, %dma_start3A_36, %dma_start3A_37] : memref<32x40x128xi32, #tpu.memory_space<hbm>> -> memref<1x40x128xi32, #tpu.memory_space<hbm>>
      %dma_start3A_39 = tpu.memref_squeeze %dma_start3A_38 : memref<1x40x128xi32, #tpu.memory_space<hbm>> -> memref<40x128xi32, #tpu.memory_space<hbm>>
      tpu.enqueue_dma source(%dma_start3A_39 : memref<40x128xi32, #tpu.memory_space<hbm>>) target(%arg8 : memref<40x128xi32, #tpu.memory_space<vmem>>) target_semaphore(%run_scoped3A : memref<!tpu.dma_semaphore, #tpu.memory_space<semaphore_mem>>)
      %dma_wait3A = arith.constant 0 : i32
      %dma_wait3A_40 = arith.constant 0 : i32
      %dma_wait3A_41 = tpu.memref_slice %arg4[%add3A, %dma_wait3A, %dma_wait3A_40] : memref<32x40x128xi32, #tpu.memory_space<hbm>> -> memref<1x40x128xi32, #tpu.memory_space<hbm>>
      %dma_wait3A_42 = tpu.memref_squeeze %dma_wait3A_41 : memref<1x40x128xi32, #tpu.memory_space<hbm>> -> memref<40x128xi32, #tpu.memory_space<hbm>>
      %dma_wait3A_43 = arith.constant 0 : i32
      %dma_wait3A_44 = arith.constant 0 : i32
      %dma_wait3A_45 = tpu.memref_slice %arg4[%add3A, %dma_wait3A_43, %dma_wait3A_44] : memref<32x40x128xi32, #tpu.memory_space<hbm>> -> memref<1x40x128xi32, #tpu.memory_space<hbm>>
      %dma_wait3A_46 = tpu.memref_squeeze %dma_wait3A_45 : memref<1x40x128xi32, #tpu.memory_space<hbm>> -> memref<40x128xi32, #tpu.memory_space<hbm>>
      tpu.wait_dma2 semaphore(%run_scoped3A : memref<!tpu.dma_semaphore, #tpu.memory_space<semaphore_mem>>) src(%dma_wait3A_46 : memref<40x128xi32, #tpu.memory_space<hbm>>) dst(%arg8 : memref<40x128xi32, #tpu.memory_space<vmem>>)
      tpu.yield
    }) : () -> ()
    %dma_start3A = arith.constant 0 : i32
    %dma_start3A_3 = arith.constant 0 : i32
    %dma_start3A_4 = arith.constant 0 : i32
    %dma_start3A_5 = arith.constant 0 : i32
    %dma_start3A_6 = tpu.memref_slice %arg9[%dma_start3A_3, %dma_start3A_4, %dma_start3A_5] : memref<2x128x64xf32, #tpu.memory_space<vmem>> -> memref<1x128x64xf32, #tpu.memory_space<vmem>>
    %dma_start3A_7 = tpu.memref_squeeze %dma_start3A_6 : memref<1x128x64xf32, #tpu.memory_space<vmem>> -> memref<128x64xf32, #tpu.memory_space<vmem>>
    %dma_start3A_8 = arith.constant 0 : i32
    %dma_start3A_9 = tpu.memref_slice %arg7[%dma_start3A, %dma_start3A_8] : memref<40x128xi32, #tpu.memory_space<vmem>> -> memref<1x128xi32, #tpu.memory_space<vmem>>
    %dma_start3A_10 = tpu.memref_squeeze %dma_start3A_9 : memref<1x128xi32, #tpu.memory_space<vmem>> -> memref<128xi32, #tpu.memory_space<vmem>>
    %dma_start3A_11 = arith.constant 0 : i32
    %dma_start3A_12 = arith.constant 0 : i32
    %dma_start3A_13 = tpu.memref_slice %arg2[%dma_start3A_11, %dma_start3A_12] : memref<10000x64xf32, #tpu.memory_space<hbm>> -> memref<10000x64xf32, #tpu.memory_space<hbm>>
    tpu.enqueue_indirect_dma source(%dma_start3A_13 : memref<10000x64xf32, #tpu.memory_space<hbm>>) target(%dma_start3A_7 : memref<128x64xf32, #tpu.memory_space<vmem>>) offsets(%dma_start3A_10 : memref<128xi32, #tpu.memory_space<vmem>>) semaphore(%arg11 : memref<!tpu.dma_semaphore, #tpu.memory_space<semaphore_mem>>)
    %dma_start3A_14 = arith.constant 1 : i32
    %dma_start3A_15 = arith.constant 1 : i32
    %dma_start3A_16 = arith.constant 0 : i32
    %dma_start3A_17 = arith.constant 0 : i32
    %dma_start3A_18 = tpu.memref_slice %arg9[%dma_start3A_15, %dma_start3A_16, %dma_start3A_17] : memref<2x128x64xf32, #tpu.memory_space<vmem>> -> memref<1x128x64xf32, #tpu.memory_space<vmem>>
    %dma_start3A_19 = tpu.memref_squeeze %dma_start3A_18 : memref<1x128x64xf32, #tpu.memory_space<vmem>> -> memref<128x64xf32, #tpu.memory_space<vmem>>
    %dma_start3A_20 = arith.constant 0 : i32
    %dma_start3A_21 = tpu.memref_slice %arg7[%dma_start3A_14, %dma_start3A_20] : memref<40x128xi32, #tpu.memory_space<vmem>> -> memref<1x128xi32, #tpu.memory_space<vmem>>
    %dma_start3A_22 = tpu.memref_squeeze %dma_start3A_21 : memref<1x128xi32, #tpu.memory_space<vmem>> -> memref<128xi32, #tpu.memory_space<vmem>>
    %dma_start3A_23 = arith.constant 0 : i32
    %dma_start3A_24 = arith.constant 0 : i32
    %dma_start3A_25 = tpu.memref_slice %arg2[%dma_start3A_23, %dma_start3A_24] : memref<10000x64xf32, #tpu.memory_space<hbm>> -> memref<10000x64xf32, #tpu.memory_space<hbm>>
    tpu.enqueue_indirect_dma source(%dma_start3A_25 : memref<10000x64xf32, #tpu.memory_space<hbm>>) target(%dma_start3A_19 : memref<128x64xf32, #tpu.memory_space<vmem>>) offsets(%dma_start3A_22 : memref<128xi32, #tpu.memory_space<vmem>>) semaphore(%arg12 : memref<!tpu.dma_semaphore, #tpu.memory_space<semaphore_mem>>)
    "tpu.region"() ({
      %run_scoped3A = tpu.sem_alloc : memref<!tpu.dma_semaphore, #tpu.memory_space<semaphore_mem>>
      %dma_start3A_32 = arith.constant 0 : i32
      %dma_start3A_33 = tpu.memref_slice %arg10[%mul3A_2, %dma_start3A_32] : memref<10112x64xf32, #tpu.memory_space<vmem_shared>> -> memref<632x64xf32, #tpu.memory_space<vmem_shared>>
      tpu.enqueue_dma source(%arg5 : memref<632x64xf32, #tpu.memory_space<hbm>>) target(%dma_start3A_33 : memref<632x64xf32, #tpu.memory_space<vmem_shared>>) target_semaphore(%run_scoped3A : memref<!tpu.dma_semaphore, #tpu.memory_space<semaphore_mem>>)
      %dma_wait3A = arith.constant 0 : i32
      %dma_wait3A_34 = tpu.memref_slice %arg10[%mul3A_2, %dma_wait3A] : memref<10112x64xf32, #tpu.memory_space<vmem_shared>> -> memref<632x64xf32, #tpu.memory_space<vmem_shared>>
      tpu.wait_dma2 semaphore(%run_scoped3A : memref<!tpu.dma_semaphore, #tpu.memory_space<semaphore_mem>>) src(%arg5 : memref<632x64xf32, #tpu.memory_space<hbm>>) dst(%dma_wait3A_34 : memref<632x64xf32, #tpu.memory_space<vmem_shared>>)
      tpu.yield
    }) : () -> ()
    %barrier3A = arith.constant 0 : index
    tpu.barrier barrier_id(%barrier3A)
    %scan3A = arith.constant 0 : i32
    %scan3A_26 = arith.constant 0 : i32
    %scan3A_27 = arith.constant 20 : i32
    %scan3A_28 = arith.addi %scan3A_26, %scan3A_27 : i32
    %scan3A_29 = arith.constant 1 : i32
    scf.for %scan3A_32 = %scan3A_26 to %scan3A_28 step %scan3A_29  : i32 {
      %mul3A_33 = arith.constant 2 : i32
      %mul3A_34 = arith.muli %scan3A_32, %mul3A_33 : i32
      %add3A_35 = arith.constant 0 : i32
      %add3A_36 = arith.addi %mul3A_34, %add3A_35 : i32
      %dma_wait3A = arith.constant 0 : i32
      %dma_wait3A_37 = arith.constant 0 : i32
      %dma_wait3A_38 = arith.constant 0 : i32
      %dma_wait3A_39 = tpu.memref_slice %arg9[%dma_wait3A, %dma_wait3A_37, %dma_wait3A_38] : memref<2x128x64xf32, #tpu.memory_space<vmem>> -> memref<1x128x64xf32, #tpu.memory_space<vmem>>
      %dma_wait3A_40 = tpu.memref_squeeze %dma_wait3A_39 : memref<1x128x64xf32, #tpu.memory_space<vmem>> -> memref<128x64xf32, #tpu.memory_space<vmem>>
      %dma_wait3A_41 = arith.constant 0 : i32
      %dma_wait3A_42 = tpu.memref_slice %arg7[%add3A_36, %dma_wait3A_41] : memref<40x128xi32, #tpu.memory_space<vmem>> -> memref<1x128xi32, #tpu.memory_space<vmem>>
      %dma_wait3A_43 = tpu.memref_squeeze %dma_wait3A_42 : memref<1x128xi32, #tpu.memory_space<vmem>> -> memref<128xi32, #tpu.memory_space<vmem>>
      %dma_wait3A_44 = arith.constant 0 : i32
      %dma_wait3A_45 = arith.constant 0 : i32
      %dma_wait3A_46 = tpu.memref_slice %arg2[%dma_wait3A_44, %dma_wait3A_45] : memref<10000x64xf32, #tpu.memory_space<hbm>> -> memref<10000x64xf32, #tpu.memory_space<hbm>>
      tpu.wait_indirect_dma semaphore(%arg11 : memref<!tpu.dma_semaphore, #tpu.memory_space<semaphore_mem>>) src(%dma_wait3A_46 : memref<10000x64xf32, #tpu.memory_space<hbm>>) dst(%dma_wait3A_40 : memref<128x64xf32, #tpu.memory_space<vmem>>)
      %run_scoped3A = arith.constant 0 : i32
      "tpu.region"() ({
        %run_scoped3A_74 = tpu.sem_alloc : memref<!tpu.dma_semaphore, #tpu.memory_space<semaphore_mem>>
        %dma_start3A_75 = arith.constant 0 : i32
        %dma_start3A_76 = arith.constant 0 : i32
        %dma_start3A_77 = tpu.memref_slice %arg9[%run_scoped3A, %dma_start3A_75, %dma_start3A_76] : memref<2x128x64xf32, #tpu.memory_space<vmem>> -> memref<1x128x64xf32, #tpu.memory_space<vmem>>
        %dma_start3A_78 = tpu.memref_squeeze %dma_start3A_77 : memref<1x128x64xf32, #tpu.memory_space<vmem>> -> memref<128x64xf32, #tpu.memory_space<vmem>>
        %dma_start3A_79 = arith.constant 0 : i32
        %dma_start3A_80 = tpu.memref_slice %arg8[%add3A_36, %dma_start3A_79] : memref<40x128xi32, #tpu.memory_space<vmem>> -> memref<1x128xi32, #tpu.memory_space<vmem>>
        %dma_start3A_81 = tpu.memref_squeeze %dma_start3A_80 : memref<1x128xi32, #tpu.memory_space<vmem>> -> memref<128xi32, #tpu.memory_space<vmem>>
        %dma_start3A_82 = arith.constant 0 : i32
        %dma_start3A_83 = arith.constant 0 : i32
        %dma_start3A_84 = tpu.memref_slice %arg10[%dma_start3A_82, %dma_start3A_83] : memref<10112x64xf32, #tpu.memory_space<vmem_shared>> -> memref<10112x64xf32, #tpu.memory_space<vmem_shared>>
        tpu.enqueue_indirect_dma source(%dma_start3A_78 : memref<128x64xf32, #tpu.memory_space<vmem>>) target(%dma_start3A_84 : memref<10112x64xf32, #tpu.memory_space<vmem_shared>>) offsets(%dma_start3A_81 : memref<128xi32, #tpu.memory_space<vmem>>) semaphore(%run_scoped3A_74 : memref<!tpu.dma_semaphore, #tpu.memory_space<semaphore_mem>>) {add = true}
        %dma_wait3A_85 = arith.constant 0 : i32
        %dma_wait3A_86 = arith.constant 0 : i32
        %dma_wait3A_87 = tpu.memref_slice %arg9[%run_scoped3A, %dma_wait3A_85, %dma_wait3A_86] : memref<2x128x64xf32, #tpu.memory_space<vmem>> -> memref<1x128x64xf32, #tpu.memory_space<vmem>>
        %dma_wait3A_88 = tpu.memref_squeeze %dma_wait3A_87 : memref<1x128x64xf32, #tpu.memory_space<vmem>> -> memref<128x64xf32, #tpu.memory_space<vmem>>
        %dma_wait3A_89 = arith.constant 0 : i32
        %dma_wait3A_90 = tpu.memref_slice %arg8[%add3A_36, %dma_wait3A_89] : memref<40x128xi32, #tpu.memory_space<vmem>> -> memref<1x128xi32, #tpu.memory_space<vmem>>
        %dma_wait3A_91 = tpu.memref_squeeze %dma_wait3A_90 : memref<1x128xi32, #tpu.memory_space<vmem>> -> memref<128xi32, #tpu.memory_space<vmem>>
        %dma_wait3A_92 = arith.constant 0 : i32
        %dma_wait3A_93 = arith.constant 0 : i32
        %dma_wait3A_94 = tpu.memref_slice %arg10[%dma_wait3A_92, %dma_wait3A_93] : memref<10112x64xf32, #tpu.memory_space<vmem_shared>> -> memref<10112x64xf32, #tpu.memory_space<vmem_shared>>
        tpu.wait_indirect_dma semaphore(%run_scoped3A_74 : memref<!tpu.dma_semaphore, #tpu.memory_space<semaphore_mem>>) src(%dma_wait3A_88 : memref<128x64xf32, #tpu.memory_space<vmem>>) dst(%dma_wait3A_94 : memref<10112x64xf32, #tpu.memory_space<vmem_shared>>)
        tpu.yield
      }) : () -> ()
      %add3A_47 = arith.constant 2 : i32
      %add3A_48 = arith.addi %add3A_36, %add3A_47 : i32
      %lt3A = arith.constant 40 : i32
      %lt3A_49 = arith.cmpi slt, %add3A_48, %lt3A : i32
      %convert_element_type3A = arith.extui %lt3A_49 : i1 to i32
      %cond3A = arith.constant 0 : i32
      %cond3A_50 = arith.cmpi ne, %convert_element_type3A, %cond3A : i32
      scf.if %cond3A_50 {
        %dma_start3A_74 = arith.constant 0 : i32
        %dma_start3A_75 = arith.constant 0 : i32
        %dma_start3A_76 = arith.constant 0 : i32
        %dma_start3A_77 = tpu.memref_slice %arg9[%dma_start3A_74, %dma_start3A_75, %dma_start3A_76] : memref<2x128x64xf32, #tpu.memory_space<vmem>> -> memref<1x128x64xf32, #tpu.memory_space<vmem>>
        %dma_start3A_78 = tpu.memref_squeeze %dma_start3A_77 : memref<1x128x64xf32, #tpu.memory_space<vmem>> -> memref<128x64xf32, #tpu.memory_space<vmem>>
        %dma_start3A_79 = arith.constant 0 : i32
        %dma_start3A_80 = tpu.memref_slice %arg7[%add3A_48, %dma_start3A_79] : memref<40x128xi32, #tpu.memory_space<vmem>> -> memref<1x128xi32, #tpu.memory_space<vmem>>
        %dma_start3A_81 = tpu.memref_squeeze %dma_start3A_80 : memref<1x128xi32, #tpu.memory_space<vmem>> -> memref<128xi32, #tpu.memory_space<vmem>>
        %dma_start3A_82 = arith.constant 0 : i32
        %dma_start3A_83 = arith.constant 0 : i32
        %dma_start3A_84 = tpu.memref_slice %arg2[%dma_start3A_82, %dma_start3A_83] : memref<10000x64xf32, #tpu.memory_space<hbm>> -> memref<10000x64xf32, #tpu.memory_space<hbm>>
        tpu.enqueue_indirect_dma source(%dma_start3A_84 : memref<10000x64xf32, #tpu.memory_space<hbm>>) target(%dma_start3A_78 : memref<128x64xf32, #tpu.memory_space<vmem>>) offsets(%dma_start3A_81 : memref<128xi32, #tpu.memory_space<vmem>>) semaphore(%arg11 : memref<!tpu.dma_semaphore, #tpu.memory_space<semaphore_mem>>)
      } else {
      }
      %mul3A_51 = arith.constant 2 : i32
      %mul3A_52 = arith.muli %scan3A_32, %mul3A_51 : i32
      %add3A_53 = arith.constant 1 : i32
      %add3A_54 = arith.addi %mul3A_52, %add3A_53 : i32
      %dma_wait3A_55 = arith.constant 1 : i32
      %dma_wait3A_56 = arith.constant 0 : i32
      %dma_wait3A_57 = arith.constant 0 : i32
      %dma_wait3A_58 = tpu.memref_slice %arg9[%dma_wait3A_55, %dma_wait3A_56, %dma_wait3A_57] : memref<2x128x64xf32, #tpu.memory_space<vmem>> -> memref<1x128x64xf32, #tpu.memory_space<vmem>>
      %dma_wait3A_59 = tpu.memref_squeeze %dma_wait3A_58 : memref<1x128x64xf32, #tpu.memory_space<vmem>> -> memref<128x64xf32, #tpu.memory_space<vmem>>
      %dma_wait3A_60 = arith.constant 0 : i32
      %dma_wait3A_61 = tpu.memref_slice %arg7[%add3A_54, %dma_wait3A_60] : memref<40x128xi32, #tpu.memory_space<vmem>> -> memref<1x128xi32, #tpu.memory_space<vmem>>
      %dma_wait3A_62 = tpu.memref_squeeze %dma_wait3A_61 : memref<1x128xi32, #tpu.memory_space<vmem>> -> memref<128xi32, #tpu.memory_space<vmem>>
      %dma_wait3A_63 = arith.constant 0 : i32
      %dma_wait3A_64 = arith.constant 0 : i32
      %dma_wait3A_65 = tpu.memref_slice %arg2[%dma_wait3A_63, %dma_wait3A_64] : memref<10000x64xf32, #tpu.memory_space<hbm>> -> memref<10000x64xf32, #tpu.memory_space<hbm>>
      tpu.wait_indirect_dma semaphore(%arg12 : memref<!tpu.dma_semaphore, #tpu.memory_space<semaphore_mem>>) src(%dma_wait3A_65 : memref<10000x64xf32, #tpu.memory_space<hbm>>) dst(%dma_wait3A_59 : memref<128x64xf32, #tpu.memory_space<vmem>>)
      %run_scoped3A_66 = arith.constant 1 : i32
      "tpu.region"() ({
        %run_scoped3A_74 = tpu.sem_alloc : memref<!tpu.dma_semaphore, #tpu.memory_space<semaphore_mem>>
        %dma_start3A_75 = arith.constant 0 : i32
        %dma_start3A_76 = arith.constant 0 : i32
        %dma_start3A_77 = tpu.memref_slice %arg9[%run_scoped3A_66, %dma_start3A_75, %dma_start3A_76] : memref<2x128x64xf32, #tpu.memory_space<vmem>> -> memref<1x128x64xf32, #tpu.memory_space<vmem>>
        %dma_start3A_78 = tpu.memref_squeeze %dma_start3A_77 : memref<1x128x64xf32, #tpu.memory_space<vmem>> -> memref<128x64xf32, #tpu.memory_space<vmem>>
        %dma_start3A_79 = arith.constant 0 : i32
        %dma_start3A_80 = tpu.memref_slice %arg8[%add3A_54, %dma_start3A_79] : memref<40x128xi32, #tpu.memory_space<vmem>> -> memref<1x128xi32, #tpu.memory_space<vmem>>
        %dma_start3A_81 = tpu.memref_squeeze %dma_start3A_80 : memref<1x128xi32, #tpu.memory_space<vmem>> -> memref<128xi32, #tpu.memory_space<vmem>>
        %dma_start3A_82 = arith.constant 0 : i32
        %dma_start3A_83 = arith.constant 0 : i32
        %dma_start3A_84 = tpu.memref_slice %arg10[%dma_start3A_82, %dma_start3A_83] : memref<10112x64xf32, #tpu.memory_space<vmem_shared>> -> memref<10112x64xf32, #tpu.memory_space<vmem_shared>>
        tpu.enqueue_indirect_dma source(%dma_start3A_78 : memref<128x64xf32, #tpu.memory_space<vmem>>) target(%dma_start3A_84 : memref<10112x64xf32, #tpu.memory_space<vmem_shared>>) offsets(%dma_start3A_81 : memref<128xi32, #tpu.memory_space<vmem>>) semaphore(%run_scoped3A_74 : memref<!tpu.dma_semaphore, #tpu.memory_space<semaphore_mem>>) {add = true}
        %dma_wait3A_85 = arith.constant 0 : i32
        %dma_wait3A_86 = arith.constant 0 : i32
        %dma_wait3A_87 = tpu.memref_slice %arg9[%run_scoped3A_66, %dma_wait3A_85, %dma_wait3A_86] : memref<2x128x64xf32, #tpu.memory_space<vmem>> -> memref<1x128x64xf32, #tpu.memory_space<vmem>>
        %dma_wait3A_88 = tpu.memref_squeeze %dma_wait3A_87 : memref<1x128x64xf32, #tpu.memory_space<vmem>> -> memref<128x64xf32, #tpu.memory_space<vmem>>
        %dma_wait3A_89 = arith.constant 0 : i32
        %dma_wait3A_90 = tpu.memref_slice %arg8[%add3A_54, %dma_wait3A_89] : memref<40x128xi32, #tpu.memory_space<vmem>> -> memref<1x128xi32, #tpu.memory_space<vmem>>
        %dma_wait3A_91 = tpu.memref_squeeze %dma_wait3A_90 : memref<1x128xi32, #tpu.memory_space<vmem>> -> memref<128xi32, #tpu.memory_space<vmem>>
        %dma_wait3A_92 = arith.constant 0 : i32
        %dma_wait3A_93 = arith.constant 0 : i32
        %dma_wait3A_94 = tpu.memref_slice %arg10[%dma_wait3A_92, %dma_wait3A_93] : memref<10112x64xf32, #tpu.memory_space<vmem_shared>> -> memref<10112x64xf32, #tpu.memory_space<vmem_shared>>
        tpu.wait_indirect_dma semaphore(%run_scoped3A_74 : memref<!tpu.dma_semaphore, #tpu.memory_space<semaphore_mem>>) src(%dma_wait3A_88 : memref<128x64xf32, #tpu.memory_space<vmem>>) dst(%dma_wait3A_94 : memref<10112x64xf32, #tpu.memory_space<vmem_shared>>)
        tpu.yield
      }) : () -> ()
      %add3A_67 = arith.constant 2 : i32
      %add3A_68 = arith.addi %add3A_54, %add3A_67 : i32
      %lt3A_69 = arith.constant 40 : i32
      %lt3A_70 = arith.cmpi slt, %add3A_68, %lt3A_69 : i32
      %convert_element_type3A_71 = arith.extui %lt3A_70 : i1 to i32
      %cond3A_72 = arith.constant 0 : i32
      %cond3A_73 = arith.cmpi ne, %convert_element_type3A_71, %cond3A_72 : i32
      scf.if %cond3A_73 {
        %dma_start3A_74 = arith.constant 1 : i32
        %dma_start3A_75 = arith.constant 0 : i32
        %dma_start3A_76 = arith.constant 0 : i32
        %dma_start3A_77 = tpu.memref_slice %arg9[%dma_start3A_74, %dma_start3A_75, %dma_start3A_76] : memref<2x128x64xf32, #tpu.memory_space<vmem>> -> memref<1x128x64xf32, #tpu.memory_space<vmem>>
        %dma_start3A_78 = tpu.memref_squeeze %dma_start3A_77 : memref<1x128x64xf32, #tpu.memory_space<vmem>> -> memref<128x64xf32, #tpu.memory_space<vmem>>
        %dma_start3A_79 = arith.constant 0 : i32
        %dma_start3A_80 = tpu.memref_slice %arg7[%add3A_68, %dma_start3A_79] : memref<40x128xi32, #tpu.memory_space<vmem>> -> memref<1x128xi32, #tpu.memory_space<vmem>>
        %dma_start3A_81 = tpu.memref_squeeze %dma_start3A_80 : memref<1x128xi32, #tpu.memory_space<vmem>> -> memref<128xi32, #tpu.memory_space<vmem>>
        %dma_start3A_82 = arith.constant 0 : i32
        %dma_start3A_83 = arith.constant 0 : i32
        %dma_start3A_84 = tpu.memref_slice %arg2[%dma_start3A_82, %dma_start3A_83] : memref<10000x64xf32, #tpu.memory_space<hbm>> -> memref<10000x64xf32, #tpu.memory_space<hbm>>
        tpu.enqueue_indirect_dma source(%dma_start3A_84 : memref<10000x64xf32, #tpu.memory_space<hbm>>) target(%dma_start3A_78 : memref<128x64xf32, #tpu.memory_space<vmem>>) offsets(%dma_start3A_81 : memref<128xi32, #tpu.memory_space<vmem>>) semaphore(%arg12 : memref<!tpu.dma_semaphore, #tpu.memory_space<semaphore_mem>>)
      } else {
      }
    }
    %scan3A_30 = arith.constant 20 : i32
    %barrier3A_31 = arith.constant 0 : index
    tpu.barrier barrier_id(%barrier3A_31)
    "tpu.region"() ({
      %run_scoped3A = tpu.sem_alloc : memref<!tpu.dma_semaphore, #tpu.memory_space<semaphore_mem>>
      %dma_start3A_32 = arith.constant 0 : i32
      %dma_start3A_33 = tpu.memref_slice %arg6[%arg0, %mul3A_2, %dma_start3A_32] : memref<2x10112x64xf32, #tpu.memory_space<hbm>> -> memref<1x632x64xf32, #tpu.memory_space<hbm>>
      %dma_start3A_34 = tpu.memref_squeeze %dma_start3A_33 : memref<1x632x64xf32, #tpu.memory_space<hbm>> -> memref<632x64xf32, #tpu.memory_space<hbm>>
      %dma_start3A_35 = arith.constant 0 : i32
      %dma_start3A_36 = tpu.memref_slice %arg10[%mul3A_2, %dma_start3A_35] : memref<10112x64xf32, #tpu.memory_space<vmem_shared>> -> memref<632x64xf32, #tpu.memory_space<vmem_shared>>
      tpu.enqueue_dma source(%dma_start3A_36 : memref<632x64xf32, #tpu.memory_space<vmem_shared>>) target(%dma_start3A_34 : memref<632x64xf32, #tpu.memory_space<hbm>>) target_semaphore(%run_scoped3A : memref<!tpu.dma_semaphore, #tpu.memory_space<semaphore_mem>>)
      %dma_wait3A = arith.constant 0 : i32
      %dma_wait3A_37 = tpu.memref_slice %arg6[%arg0, %mul3A_2, %dma_wait3A] : memref<2x10112x64xf32, #tpu.memory_space<hbm>> -> memref<1x632x64xf32, #tpu.memory_space<hbm>>
      %dma_wait3A_38 = tpu.memref_squeeze %dma_wait3A_37 : memref<1x632x64xf32, #tpu.memory_space<hbm>> -> memref<632x64xf32, #tpu.memory_space<hbm>>
      %dma_wait3A_39 = arith.constant 0 : i32
      %dma_wait3A_40 = tpu.memref_slice %arg10[%mul3A_2, %dma_wait3A_39] : memref<10112x64xf32, #tpu.memory_space<vmem_shared>> -> memref<632x64xf32, #tpu.memory_space<vmem_shared>>
      tpu.wait_dma2 semaphore(%run_scoped3A : memref<!tpu.dma_semaphore, #tpu.memory_space<semaphore_mem>>) src(%dma_wait3A_40 : memref<632x64xf32, #tpu.memory_space<vmem_shared>>) dst(%dma_wait3A_38 : memref<632x64xf32, #tpu.memory_space<hbm>>)
      tpu.yield
    }) : () -> ()
    return
  }
}

#map = affine_map<(d0, d1) -> (0, 0)>
#map1 = affine_map<(d0, d1) -> (0, 0, 0)>
module attributes {stable_mosaic.version = 14 : i64} {
  func.func @sck(%arg0: i32, %arg1: i32, %arg2: memref<10000x64xf32, #tpu.memory_space<hbm>>, %arg3: memref<32x40x128xi32, #tpu.memory_space<hbm>>, %arg4: memref<32x40x128xi32, #tpu.memory_space<hbm>>, %arg5: memref<632x64xf32, #tpu.memory_space<hbm>>, %arg6: memref<2x10112x64xf32, #tpu.memory_space<hbm>>, %arg7: memref<40x128xi32, #tpu.memory_space<vmem>>, %arg8: memref<40x128xi32, #tpu.memory_space<vmem>>, %arg9: memref<2x128x64xf32, #tpu.memory_space<vmem>>, %arg10: memref<10112x64xf32, #tpu.memory_space<vmem_shared>>, %arg11: memref<!tpu.dma_semaphore, #tpu.memory_space<semaphore_mem>>, %arg12: memref<!tpu.dma_semaphore, #tpu.memory_space<semaphore_mem>>) attributes {dimension_semantics = [#tpu.dimension_semantics<core_parallel>, #tpu.dimension_semantics<subcore_parallel>], iteration_bounds = array<i64: 2, 16>, scalar_prefetch = 0 : i64, scratch_operands = 6 : i64, tpu.core_type = #tpu.core_type<sc_vector_subcore>, window_params = [{transform_indices = #map}, {transform_indices = #map1}, {transform_indices = #map1}, {transform_indices = #map}, {transform_indices = #map1}]} {
    %mul3A = arith.constant 16 : i32
    %mul3A_0 = arith.muli %arg0, %mul3A : i32
    %add3A = arith.addi %mul3A_0, %arg1 : i32
    %mul3A_1 = arith.constant 632 : i32
    %mul3A_2 = arith.muli %arg1, %mul3A_1 : i32
    "tpu.region"() ({
      %run_scoped3A = tpu.sem_alloc : memref<!tpu.dma_semaphore, #tpu.memory_space<semaphore_mem>>
      %dma_start3A_32 = arith.constant 0 : i32
      %dma_start3A_33 = arith.constant 0 : i32
      %dma_start3A_34 = tpu.memref_slice %arg3[%add3A, %dma_start3A_32, %dma_start3A_33] : memref<32x40x128xi32, #tpu.memory_space<hbm>> -> memref<1x40x128xi32, #tpu.memory_space<hbm>>
      %dma_start3A_35 = tpu.memref_squeeze %dma_start3A_34 : memref<1x40x128xi32, #tpu.memory_space<hbm>> -> memref<40x128xi32, #tpu.memory_space<hbm>>
      %dma_start3A_36 = arith.constant 0 : i32
      %dma_start3A_37 = arith.constant 0 : i32
      %dma_start3A_38 = tpu.memref_slice %arg3[%add3A, %dma_start3A_36, %dma_start3A_37] : memref<32x40x128xi32, #tpu.memory_space<hbm>> -> memref<1x40x128xi32, #tpu.memory_space<hbm>>
      %dma_start3A_39 = tpu.memref_squeeze %dma_start3A_38 : memref<1x40x128xi32, #tpu.memory_space<hbm>> -> memref<40x128xi32, #tpu.memory_space<hbm>>
      tpu.enqueue_dma source(%dma_start3A_39 : memref<40x128xi32, #tpu.memory_space<hbm>>) target(%arg7 : memref<40x128xi32, #tpu.memory_space<vmem>>) target_semaphore(%run_scoped3A : memref<!tpu.dma_semaphore, #tpu.memory_space<semaphore_mem>>)
      %dma_wait3A = arith.constant 0 : i32
      %dma_wait3A_40 = arith.constant 0 : i32
      %dma_wait3A_41 = tpu.memref_slice %arg3[%add3A, %dma_wait3A, %dma_wait3A_40] : memref<32x40x128xi32, #tpu.memory_space<hbm>> -> memref<1x40x128xi32, #tpu.memory_space<hbm>>
      %dma_wait3A_42 = tpu.memref_squeeze %dma_wait3A_41 : memref<1x40x128xi32, #tpu.memory_space<hbm>> -> memref<40x128xi32, #tpu.memory_space<hbm>>
      %dma_wait3A_43 = arith.constant 0 : i32
      %dma_wait3A_44 = arith.constant 0 : i32
      %dma_wait3A_45 = tpu.memref_slice %arg3[%add3A, %dma_wait3A_43, %dma_wait3A_44] : memref<32x40x128xi32, #tpu.memory_space<hbm>> -> memref<1x40x128xi32, #tpu.memory_space<hbm>>
      %dma_wait3A_46 = tpu.memref_squeeze %dma_wait3A_45 : memref<1x40x128xi32, #tpu.memory_space<hbm>> -> memref<40x128xi32, #tpu.memory_space<hbm>>
      tpu.wait_dma2 semaphore(%run_scoped3A : memref<!tpu.dma_semaphore, #tpu.memory_space<semaphore_mem>>) src(%dma_wait3A_46 : memref<40x128xi32, #tpu.memory_space<hbm>>) dst(%arg7 : memref<40x128xi32, #tpu.memory_space<vmem>>)
      tpu.yield
    }) : () -> ()
    "tpu.region"() ({
      %run_scoped3A = tpu.sem_alloc : memref<!tpu.dma_semaphore, #tpu.memory_space<semaphore_mem>>
      %dma_start3A_32 = arith.constant 0 : i32
      %dma_start3A_33 = arith.constant 0 : i32
      %dma_start3A_34 = tpu.memref_slice %arg4[%add3A, %dma_start3A_32, %dma_start3A_33] : memref<32x40x128xi32, #tpu.memory_space<hbm>> -> memref<1x40x128xi32, #tpu.memory_space<hbm>>
      %dma_start3A_35 = tpu.memref_squeeze %dma_start3A_34 : memref<1x40x128xi32, #tpu.memory_space<hbm>> -> memref<40x128xi32, #tpu.memory_space<hbm>>
      %dma_start3A_36 = arith.constant 0 : i32
      %dma_start3A_37 = arith.constant 0 : i32
      %dma_start3A_38 = tpu.memref_slice %arg4[%add3A, %dma_start3A_36, %dma_start3A_37] : memref<32x40x128xi32, #tpu.memory_space<hbm>> -> memref<1x40x128xi32, #tpu.memory_space<hbm>>
      %dma_start3A_39 = tpu.memref_squeeze %dma_start3A_38 : memref<1x40x128xi32, #tpu.memory_space<hbm>> -> memref<40x128xi32, #tpu.memory_space<hbm>>
      tpu.enqueue_dma source(%dma_start3A_39 : memref<40x128xi32, #tpu.memory_space<hbm>>) target(%arg8 : memref<40x128xi32, #tpu.memory_space<vmem>>) target_semaphore(%run_scoped3A : memref<!tpu.dma_semaphore, #tpu.memory_space<semaphore_mem>>)
      %dma_wait3A = arith.constant 0 : i32
      %dma_wait3A_40 = arith.constant 0 : i32
      %dma_wait3A_41 = tpu.memref_slice %arg4[%add3A, %dma_wait3A, %dma_wait3A_40] : memref<32x40x128xi32, #tpu.memory_space<hbm>> -> memref<1x40x128xi32, #tpu.memory_space<hbm>>
      %dma_wait3A_42 = tpu.memref_squeeze %dma_wait3A_41 : memref<1x40x128xi32, #tpu.memory_space<hbm>> -> memref<40x128xi32, #tpu.memory_space<hbm>>
      %dma_wait3A_43 = arith.constant 0 : i32
      %dma_wait3A_44 = arith.constant 0 : i32
      %dma_wait3A_45 = tpu.memref_slice %arg4[%add3A, %dma_wait3A_43, %dma_wait3A_44] : memref<32x40x128xi32, #tpu.memory_space<hbm>> -> memref<1x40x128xi32, #tpu.memory_space<hbm>>
      %dma_wait3A_46 = tpu.memref_squeeze %dma_wait3A_45 : memref<1x40x128xi32, #tpu.memory_space<hbm>> -> memref<40x128xi32, #tpu.memory_space<hbm>>
      tpu.wait_dma2 semaphore(%run_scoped3A : memref<!tpu.dma_semaphore, #tpu.memory_space<semaphore_mem>>) src(%dma_wait3A_46 : memref<40x128xi32, #tpu.memory_space<hbm>>) dst(%arg8 : memref<40x128xi32, #tpu.memory_space<vmem>>)
      tpu.yield
    }) : () -> ()
    %dma_start3A = arith.constant 0 : i32
    %dma_start3A_3 = arith.constant 0 : i32
    %dma_start3A_4 = arith.constant 0 : i32
    %dma_start3A_5 = arith.constant 0 : i32
    %dma_start3A_6 = tpu.memref_slice %arg9[%dma_start3A_3, %dma_start3A_4, %dma_start3A_5] : memref<2x128x64xf32, #tpu.memory_space<vmem>> -> memref<1x128x64xf32, #tpu.memory_space<vmem>>
    %dma_start3A_7 = tpu.memref_squeeze %dma_start3A_6 : memref<1x128x64xf32, #tpu.memory_space<vmem>> -> memref<128x64xf32, #tpu.memory_space<vmem>>
    %dma_start3A_8 = arith.constant 0 : i32
    %dma_start3A_9 = tpu.memref_slice %arg7[%dma_start3A, %dma_start3A_8] : memref<40x128xi32, #tpu.memory_space<vmem>> -> memref<1x128xi32, #tpu.memory_space<vmem>>
    %dma_start3A_10 = tpu.memref_squeeze %dma_start3A_9 : memref<1x128xi32, #tpu.memory_space<vmem>> -> memref<128xi32, #tpu.memory_space<vmem>>
    %dma_start3A_11 = arith.constant 0 : i32
    %dma_start3A_12 = arith.constant 0 : i32
    %dma_start3A_13 = tpu.memref_slice %arg2[%dma_start3A_11, %dma_start3A_12] : memref<10000x64xf32, #tpu.memory_space<hbm>> -> memref<10000x64xf32, #tpu.memory_space<hbm>>
    tpu.enqueue_indirect_dma source(%dma_start3A_13 : memref<10000x64xf32, #tpu.memory_space<hbm>>) target(%dma_start3A_7 : memref<128x64xf32, #tpu.memory_space<vmem>>) offsets(%dma_start3A_10 : memref<128xi32, #tpu.memory_space<vmem>>) semaphore(%arg11 : memref<!tpu.dma_semaphore, #tpu.memory_space<semaphore_mem>>)
    %dma_start3A_14 = arith.constant 1 : i32
    %dma_start3A_15 = arith.constant 1 : i32
    %dma_start3A_16 = arith.constant 0 : i32
    %dma_start3A_17 = arith.constant 0 : i32
    %dma_start3A_18 = tpu.memref_slice %arg9[%dma_start3A_15, %dma_start3A_16, %dma_start3A_17] : memref<2x128x64xf32, #tpu.memory_space<vmem>> -> memref<1x128x64xf32, #tpu.memory_space<vmem>>
    %dma_start3A_19 = tpu.memref_squeeze %dma_start3A_18 : memref<1x128x64xf32, #tpu.memory_space<vmem>> -> memref<128x64xf32, #tpu.memory_space<vmem>>
    %dma_start3A_20 = arith.constant 0 : i32
    %dma_start3A_21 = tpu.memref_slice %arg7[%dma_start3A_14, %dma_start3A_20] : memref<40x128xi32, #tpu.memory_space<vmem>> -> memref<1x128xi32, #tpu.memory_space<vmem>>
    %dma_start3A_22 = tpu.memref_squeeze %dma_start3A_21 : memref<1x128xi32, #tpu.memory_space<vmem>> -> memref<128xi32, #tpu.memory_space<vmem>>
    %dma_start3A_23 = arith.constant 0 : i32
    %dma_start3A_24 = arith.constant 0 : i32
    %dma_start3A_25 = tpu.memref_slice %arg2[%dma_start3A_23, %dma_start3A_24] : memref<10000x64xf32, #tpu.memory_space<hbm>> -> memref<10000x64xf32, #tpu.memory_space<hbm>>
    tpu.enqueue_indirect_dma source(%dma_start3A_25 : memref<10000x64xf32, #tpu.memory_space<hbm>>) target(%dma_start3A_19 : memref<128x64xf32, #tpu.memory_space<vmem>>) offsets(%dma_start3A_22 : memref<128xi32, #tpu.memory_space<vmem>>) semaphore(%arg12 : memref<!tpu.dma_semaphore, #tpu.memory_space<semaphore_mem>>)
    "tpu.region"() ({
      %run_scoped3A = tpu.sem_alloc : memref<!tpu.dma_semaphore, #tpu.memory_space<semaphore_mem>>
      %dma_start3A_32 = arith.constant 0 : i32
      %dma_start3A_33 = tpu.memref_slice %arg10[%mul3A_2, %dma_start3A_32] : memref<10112x64xf32, #tpu.memory_space<vmem_shared>> -> memref<632x64xf32, #tpu.memory_space<vmem_shared>>
      tpu.enqueue_dma source(%arg5 : memref<632x64xf32, #tpu.memory_space<hbm>>) target(%dma_start3A_33 : memref<632x64xf32, #tpu.memory_space<vmem_shared>>) target_semaphore(%run_scoped3A : memref<!tpu.dma_semaphore, #tpu.memory_space<semaphore_mem>>)
      %dma_wait3A = arith.constant 0 : i32
      %dma_wait3A_34 = tpu.memref_slice %arg10[%mul3A_2, %dma_wait3A] : memref<10112x64xf32, #tpu.memory_space<vmem_shared>> -> memref<632x64xf32, #tpu.memory_space<vmem_shared>>
      tpu.wait_dma2 semaphore(%run_scoped3A : memref<!tpu.dma_semaphore, #tpu.memory_space<semaphore_mem>>) src(%arg5 : memref<632x64xf32, #tpu.memory_space<hbm>>) dst(%dma_wait3A_34 : memref<632x64xf32, #tpu.memory_space<vmem_shared>>)
      tpu.yield
    }) : () -> ()
    %barrier3A = arith.constant 0 : index
    tpu.barrier barrier_id(%barrier3A)
    %scan3A = arith.constant 0 : i32
    %scan3A_26 = arith.constant 0 : i32
    %scan3A_27 = arith.constant 20 : i32
    %scan3A_28 = arith.addi %scan3A_26, %scan3A_27 : i32
    %scan3A_29 = arith.constant 1 : i32
    scf.for %scan3A_32 = %scan3A_26 to %scan3A_28 step %scan3A_29  : i32 {
      %mul3A_33 = arith.constant 2 : i32
      %mul3A_34 = arith.muli %scan3A_32, %mul3A_33 : i32
      %add3A_35 = arith.constant 0 : i32
      %add3A_36 = arith.addi %mul3A_34, %add3A_35 : i32
      %dma_wait3A = arith.constant 0 : i32
      %dma_wait3A_37 = arith.constant 0 : i32
      %dma_wait3A_38 = arith.constant 0 : i32
      %dma_wait3A_39 = tpu.memref_slice %arg9[%dma_wait3A, %dma_wait3A_37, %dma_wait3A_38] : memref<2x128x64xf32, #tpu.memory_space<vmem>> -> memref<1x128x64xf32, #tpu.memory_space<vmem>>
      %dma_wait3A_40 = tpu.memref_squeeze %dma_wait3A_39 : memref<1x128x64xf32, #tpu.memory_space<vmem>> -> memref<128x64xf32, #tpu.memory_space<vmem>>
      %dma_wait3A_41 = arith.constant 0 : i32
      %dma_wait3A_42 = tpu.memref_slice %arg7[%add3A_36, %dma_wait3A_41] : memref<40x128xi32, #tpu.memory_space<vmem>> -> memref<1x128xi32, #tpu.memory_space<vmem>>
      %dma_wait3A_43 = tpu.memref_squeeze %dma_wait3A_42 : memref<1x128xi32, #tpu.memory_space<vmem>> -> memref<128xi32, #tpu.memory_space<vmem>>
      %dma_wait3A_44 = arith.constant 0 : i32
      %dma_wait3A_45 = arith.constant 0 : i32
      %dma_wait3A_46 = tpu.memref_slice %arg2[%dma_wait3A_44, %dma_wait3A_45] : memref<10000x64xf32, #tpu.memory_space<hbm>> -> memref<10000x64xf32, #tpu.memory_space<hbm>>
      tpu.wait_indirect_dma semaphore(%arg11 : memref<!tpu.dma_semaphore, #tpu.memory_space<semaphore_mem>>) src(%dma_wait3A_46 : memref<10000x64xf32, #tpu.memory_space<hbm>>) dst(%dma_wait3A_40 : memref<128x64xf32, #tpu.memory_space<vmem>>)
      %run_scoped3A = arith.constant 0 : i32
      "tpu.region"() ({
        %run_scoped3A_74 = tpu.sem_alloc : memref<!tpu.dma_semaphore, #tpu.memory_space<semaphore_mem>>
        %dma_start3A_75 = arith.constant 0 : i32
        %dma_start3A_76 = arith.constant 0 : i32
        %dma_start3A_77 = tpu.memref_slice %arg9[%run_scoped3A, %dma_start3A_75, %dma_start3A_76] : memref<2x128x64xf32, #tpu.memory_space<vmem>> -> memref<1x128x64xf32, #tpu.memory_space<vmem>>
        %dma_start3A_78 = tpu.memref_squeeze %dma_start3A_77 : memref<1x128x64xf32, #tpu.memory_space<vmem>> -> memref<128x64xf32, #tpu.memory_space<vmem>>
        %dma_start3A_79 = arith.constant 0 : i32
        %dma_start3A_80 = tpu.memref_slice %arg8[%add3A_36, %dma_start3A_79] : memref<40x128xi32, #tpu.memory_space<vmem>> -> memref<1x128xi32, #tpu.memory_space<vmem>>
        %dma_start3A_81 = tpu.memref_squeeze %dma_start3A_80 : memref<1x128xi32, #tpu.memory_space<vmem>> -> memref<128xi32, #tpu.memory_space<vmem>>
        %dma_start3A_82 = arith.constant 0 : i32
        %dma_start3A_83 = arith.constant 0 : i32
        %dma_start3A_84 = tpu.memref_slice %arg10[%dma_start3A_82, %dma_start3A_83] : memref<10112x64xf32, #tpu.memory_space<vmem_shared>> -> memref<10112x64xf32, #tpu.memory_space<vmem_shared>>
        tpu.enqueue_indirect_dma source(%dma_start3A_78 : memref<128x64xf32, #tpu.memory_space<vmem>>) target(%dma_start3A_84 : memref<10112x64xf32, #tpu.memory_space<vmem_shared>>) offsets(%dma_start3A_81 : memref<128xi32, #tpu.memory_space<vmem>>) semaphore(%run_scoped3A_74 : memref<!tpu.dma_semaphore, #tpu.memory_space<semaphore_mem>>) {add = true}
        %dma_wait3A_85 = arith.constant 0 : i32
        %dma_wait3A_86 = arith.constant 0 : i32
        %dma_wait3A_87 = tpu.memref_slice %arg9[%run_scoped3A, %dma_wait3A_85, %dma_wait3A_86] : memref<2x128x64xf32, #tpu.memory_space<vmem>> -> memref<1x128x64xf32, #tpu.memory_space<vmem>>
        %dma_wait3A_88 = tpu.memref_squeeze %dma_wait3A_87 : memref<1x128x64xf32, #tpu.memory_space<vmem>> -> memref<128x64xf32, #tpu.memory_space<vmem>>
        %dma_wait3A_89 = arith.constant 0 : i32
        %dma_wait3A_90 = tpu.memref_slice %arg8[%add3A_36, %dma_wait3A_89] : memref<40x128xi32, #tpu.memory_space<vmem>> -> memref<1x128xi32, #tpu.memory_space<vmem>>
        %dma_wait3A_91 = tpu.memref_squeeze %dma_wait3A_90 : memref<1x128xi32, #tpu.memory_space<vmem>> -> memref<128xi32, #tpu.memory_space<vmem>>
        %dma_wait3A_92 = arith.constant 0 : i32
        %dma_wait3A_93 = arith.constant 0 : i32
        %dma_wait3A_94 = tpu.memref_slice %arg10[%dma_wait3A_92, %dma_wait3A_93] : memref<10112x64xf32, #tpu.memory_space<vmem_shared>> -> memref<10112x64xf32, #tpu.memory_space<vmem_shared>>
        tpu.wait_indirect_dma semaphore(%run_scoped3A_74 : memref<!tpu.dma_semaphore, #tpu.memory_space<semaphore_mem>>) src(%dma_wait3A_88 : memref<128x64xf32, #tpu.memory_space<vmem>>) dst(%dma_wait3A_94 : memref<10112x64xf32, #tpu.memory_space<vmem_shared>>)
        tpu.yield
      }) : () -> ()
      %add3A_47 = arith.constant 2 : i32
      %add3A_48 = arith.addi %add3A_36, %add3A_47 : i32
      %lt3A = arith.constant 40 : i32
      %lt3A_49 = arith.cmpi slt, %add3A_48, %lt3A : i32
      %convert_element_type3A = arith.extui %lt3A_49 : i1 to i32
      %cond3A = arith.constant 0 : i32
      %cond3A_50 = arith.cmpi ne, %convert_element_type3A, %cond3A : i32
      scf.if %cond3A_50 {
        %dma_start3A_74 = arith.constant 0 : i32
        %dma_start3A_75 = arith.constant 0 : i32
        %dma_start3A_76 = arith.constant 0 : i32
        %dma_start3A_77 = tpu.memref_slice %arg9[%dma_start3A_74, %dma_start3A_75, %dma_start3A_76] : memref<2x128x64xf32, #tpu.memory_space<vmem>> -> memref<1x128x64xf32, #tpu.memory_space<vmem>>
        %dma_start3A_78 = tpu.memref_squeeze %dma_start3A_77 : memref<1x128x64xf32, #tpu.memory_space<vmem>> -> memref<128x64xf32, #tpu.memory_space<vmem>>
        %dma_start3A_79 = arith.constant 0 : i32
        %dma_start3A_80 = tpu.memref_slice %arg7[%add3A_48, %dma_start3A_79] : memref<40x128xi32, #tpu.memory_space<vmem>> -> memref<1x128xi32, #tpu.memory_space<vmem>>
        %dma_start3A_81 = tpu.memref_squeeze %dma_start3A_80 : memref<1x128xi32, #tpu.memory_space<vmem>> -> memref<128xi32, #tpu.memory_space<vmem>>
        %dma_start3A_82 = arith.constant 0 : i32
        %dma_start3A_83 = arith.constant 0 : i32
        %dma_start3A_84 = tpu.memref_slice %arg2[%dma_start3A_82, %dma_start3A_83] : memref<10000x64xf32, #tpu.memory_space<hbm>> -> memref<10000x64xf32, #tpu.memory_space<hbm>>
        tpu.enqueue_indirect_dma source(%dma_start3A_84 : memref<10000x64xf32, #tpu.memory_space<hbm>>) target(%dma_start3A_78 : memref<128x64xf32, #tpu.memory_space<vmem>>) offsets(%dma_start3A_81 : memref<128xi32, #tpu.memory_space<vmem>>) semaphore(%arg11 : memref<!tpu.dma_semaphore, #tpu.memory_space<semaphore_mem>>)
      } else {
      }
      %mul3A_51 = arith.constant 2 : i32
      %mul3A_52 = arith.muli %scan3A_32, %mul3A_51 : i32
      %add3A_53 = arith.constant 1 : i32
      %add3A_54 = arith.addi %mul3A_52, %add3A_53 : i32
      %dma_wait3A_55 = arith.constant 1 : i32
      %dma_wait3A_56 = arith.constant 0 : i32
      %dma_wait3A_57 = arith.constant 0 : i32
      %dma_wait3A_58 = tpu.memref_slice %arg9[%dma_wait3A_55, %dma_wait3A_56, %dma_wait3A_57] : memref<2x128x64xf32, #tpu.memory_space<vmem>> -> memref<1x128x64xf32, #tpu.memory_space<vmem>>
      %dma_wait3A_59 = tpu.memref_squeeze %dma_wait3A_58 : memref<1x128x64xf32, #tpu.memory_space<vmem>> -> memref<128x64xf32, #tpu.memory_space<vmem>>
      %dma_wait3A_60 = arith.constant 0 : i32
      %dma_wait3A_61 = tpu.memref_slice %arg7[%add3A_54, %dma_wait3A_60] : memref<40x128xi32, #tpu.memory_space<vmem>> -> memref<1x128xi32, #tpu.memory_space<vmem>>
      %dma_wait3A_62 = tpu.memref_squeeze %dma_wait3A_61 : memref<1x128xi32, #tpu.memory_space<vmem>> -> memref<128xi32, #tpu.memory_space<vmem>>
      %dma_wait3A_63 = arith.constant 0 : i32
      %dma_wait3A_64 = arith.constant 0 : i32
      %dma_wait3A_65 = tpu.memref_slice %arg2[%dma_wait3A_63, %dma_wait3A_64] : memref<10000x64xf32, #tpu.memory_space<hbm>> -> memref<10000x64xf32, #tpu.memory_space<hbm>>
      tpu.wait_indirect_dma semaphore(%arg12 : memref<!tpu.dma_semaphore, #tpu.memory_space<semaphore_mem>>) src(%dma_wait3A_65 : memref<10000x64xf32, #tpu.memory_space<hbm>>) dst(%dma_wait3A_59 : memref<128x64xf32, #tpu.memory_space<vmem>>)
      %run_scoped3A_66 = arith.constant 1 : i32
      "tpu.region"() ({
        %run_scoped3A_74 = tpu.sem_alloc : memref<!tpu.dma_semaphore, #tpu.memory_space<semaphore_mem>>
        %dma_start3A_75 = arith.constant 0 : i32
        %dma_start3A_76 = arith.constant 0 : i32
        %dma_start3A_77 = tpu.memref_slice %arg9[%run_scoped3A_66, %dma_start3A_75, %dma_start3A_76] : memref<2x128x64xf32, #tpu.memory_space<vmem>> -> memref<1x128x64xf32, #tpu.memory_space<vmem>>
        %dma_start3A_78 = tpu.memref_squeeze %dma_start3A_77 : memref<1x128x64xf32, #tpu.memory_space<vmem>> -> memref<128x64xf32, #tpu.memory_space<vmem>>
        %dma_start3A_79 = arith.constant 0 : i32
        %dma_start3A_80 = tpu.memref_slice %arg8[%add3A_54, %dma_start3A_79] : memref<40x128xi32, #tpu.memory_space<vmem>> -> memref<1x128xi32, #tpu.memory_space<vmem>>
        %dma_start3A_81 = tpu.memref_squeeze %dma_start3A_80 : memref<1x128xi32, #tpu.memory_space<vmem>> -> memref<128xi32, #tpu.memory_space<vmem>>
        %dma_start3A_82 = arith.constant 0 : i32
        %dma_start3A_83 = arith.constant 0 : i32
        %dma_start3A_84 = tpu.memref_slice %arg10[%dma_start3A_82, %dma_start3A_83] : memref<10112x64xf32, #tpu.memory_space<vmem_shared>> -> memref<10112x64xf32, #tpu.memory_space<vmem_shared>>
        tpu.enqueue_indirect_dma source(%dma_start3A_78 : memref<128x64xf32, #tpu.memory_space<vmem>>) target(%dma_start3A_84 : memref<10112x64xf32, #tpu.memory_space<vmem_shared>>) offsets(%dma_start3A_81 : memref<128xi32, #tpu.memory_space<vmem>>) semaphore(%run_scoped3A_74 : memref<!tpu.dma_semaphore, #tpu.memory_space<semaphore_mem>>) {add = true}
        %dma_wait3A_85 = arith.constant 0 : i32
        %dma_wait3A_86 = arith.constant 0 : i32
        %dma_wait3A_87 = tpu.memref_slice %arg9[%run_scoped3A_66, %dma_wait3A_85, %dma_wait3A_86] : memref<2x128x64xf32, #tpu.memory_space<vmem>> -> memref<1x128x64xf32, #tpu.memory_space<vmem>>
        %dma_wait3A_88 = tpu.memref_squeeze %dma_wait3A_87 : memref<1x128x64xf32, #tpu.memory_space<vmem>> -> memref<128x64xf32, #tpu.memory_space<vmem>>
        %dma_wait3A_89 = arith.constant 0 : i32
        %dma_wait3A_90 = tpu.memref_slice %arg8[%add3A_54, %dma_wait3A_89] : memref<40x128xi32, #tpu.memory_space<vmem>> -> memref<1x128xi32, #tpu.memory_space<vmem>>
        %dma_wait3A_91 = tpu.memref_squeeze %dma_wait3A_90 : memref<1x128xi32, #tpu.memory_space<vmem>> -> memref<128xi32, #tpu.memory_space<vmem>>
        %dma_wait3A_92 = arith.constant 0 : i32
        %dma_wait3A_93 = arith.constant 0 : i32
        %dma_wait3A_94 = tpu.memref_slice %arg10[%dma_wait3A_92, %dma_wait3A_93] : memref<10112x64xf32, #tpu.memory_space<vmem_shared>> -> memref<10112x64xf32, #tpu.memory_space<vmem_shared>>
        tpu.wait_indirect_dma semaphore(%run_scoped3A_74 : memref<!tpu.dma_semaphore, #tpu.memory_space<semaphore_mem>>) src(%dma_wait3A_88 : memref<128x64xf32, #tpu.memory_space<vmem>>) dst(%dma_wait3A_94 : memref<10112x64xf32, #tpu.memory_space<vmem_shared>>)
        tpu.yield
      }) : () -> ()
      %add3A_67 = arith.constant 2 : i32
      %add3A_68 = arith.addi %add3A_54, %add3A_67 : i32
      %lt3A_69 = arith.constant 40 : i32
      %lt3A_70 = arith.cmpi slt, %add3A_68, %lt3A_69 : i32
      %convert_element_type3A_71 = arith.extui %lt3A_70 : i1 to i32
      %cond3A_72 = arith.constant 0 : i32
      %cond3A_73 = arith.cmpi ne, %convert_element_type3A_71, %cond3A_72 : i32
      scf.if %cond3A_73 {
        %dma_start3A_74 = arith.constant 1 : i32
        %dma_start3A_75 = arith.constant 0 : i32
        %dma_start3A_76 = arith.constant 0 : i32
        %dma_start3A_77 = tpu.memref_slice %arg9[%dma_start3A_74, %dma_start3A_75, %dma_start3A_76] : memref<2x128x64xf32, #tpu.memory_space<vmem>> -> memref<1x128x64xf32, #tpu.memory_space<vmem>>
        %dma_start3A_78 = tpu.memref_squeeze %dma_start3A_77 : memref<1x128x64xf32, #tpu.memory_space<vmem>> -> memref<128x64xf32, #tpu.memory_space<vmem>>
        %dma_start3A_79 = arith.constant 0 : i32
        %dma_start3A_80 = tpu.memref_slice %arg7[%add3A_68, %dma_start3A_79] : memref<40x128xi32, #tpu.memory_space<vmem>> -> memref<1x128xi32, #tpu.memory_space<vmem>>
        %dma_start3A_81 = tpu.memref_squeeze %dma_start3A_80 : memref<1x128xi32, #tpu.memory_space<vmem>> -> memref<128xi32, #tpu.memory_space<vmem>>
        %dma_start3A_82 = arith.constant 0 : i32
        %dma_start3A_83 = arith.constant 0 : i32
        %dma_start3A_84 = tpu.memref_slice %arg2[%dma_start3A_82, %dma_start3A_83] : memref<10000x64xf32, #tpu.memory_space<hbm>> -> memref<10000x64xf32, #tpu.memory_space<hbm>>
        tpu.enqueue_indirect_dma source(%dma_start3A_84 : memref<10000x64xf32, #tpu.memory_space<hbm>>) target(%dma_start3A_78 : memref<128x64xf32, #tpu.memory_space<vmem>>) offsets(%dma_start3A_81 : memref<128xi32, #tpu.memory_space<vmem>>) semaphore(%arg12 : memref<!tpu.dma_semaphore, #tpu.memory_space<semaphore_mem>>)
      } else {
      }
    }
    %scan3A_30 = arith.constant 20 : i32
    %barrier3A_31 = arith.constant 0 : index
    tpu.barrier barrier_id(%barrier3A_31)
    "tpu.region"() ({
      %run_scoped3A = tpu.sem_alloc : memref<!tpu.dma_semaphore, #tpu.memory_space<semaphore_mem>>
      %dma_start3A_32 = arith.constant 0 : i32
      %dma_start3A_33 = tpu.memref_slice %arg6[%arg0, %mul3A_2, %dma_start3A_32] : memref<2x10112x64xf32, #tpu.memory_space<hbm>> -> memref<1x632x64xf32, #tpu.memory_space<hbm>>
      %dma_start3A_34 = tpu.memref_squeeze %dma_start3A_33 : memref<1x632x64xf32, #tpu.memory_space<hbm>> -> memref<632x64xf32, #tpu.memory_space<hbm>>
      %dma_start3A_35 = arith.constant 0 : i32
      %dma_start3A_36 = tpu.memref_slice %arg10[%mul3A_2, %dma_start3A_35] : memref<10112x64xf32, #tpu.memory_space<vmem_shared>> -> memref<632x64xf32, #tpu.memory_space<vmem_shared>>
      tpu.enqueue_dma source(%dma_start3A_36 : memref<632x64xf32, #tpu.memory_space<vmem_shared>>) target(%dma_start3A_34 : memref<632x64xf32, #tpu.memory_space<hbm>>) target_semaphore(%run_scoped3A : memref<!tpu.dma_semaphore, #tpu.memory_space<semaphore_mem>>)
      %dma_wait3A = arith.constant 0 : i32
      %dma_wait3A_37 = tpu.memref_slice %arg6[%arg0, %mul3A_2, %dma_wait3A] : memref<2x10112x64xf32, #tpu.memory_space<hbm>> -> memref<1x632x64xf32, #tpu.memory_space<hbm>>
      %dma_wait3A_38 = tpu.memref_squeeze %dma_wait3A_37 : memref<1x632x64xf32, #tpu.memory_space<hbm>> -> memref<632x64xf32, #tpu.memory_space<hbm>>
      %dma_wait3A_39 = arith.constant 0 : i32
      %dma_wait3A_40 = tpu.memref_slice %arg10[%mul3A_2, %dma_wait3A_39] : memref<10112x64xf32, #tpu.memory_space<vmem_shared>> -> memref<632x64xf32, #tpu.memory_space<vmem_shared>>
      tpu.wait_dma2 semaphore(%run_scoped3A : memref<!tpu.dma_semaphore, #tpu.memory_space<semaphore_mem>>) src(%dma_wait3A_40 : memref<632x64xf32, #tpu.memory_space<vmem_shared>>) dst(%dma_wait3A_38 : memref<632x64xf32, #tpu.memory_space<hbm>>)
      tpu.yield
    }) : () -> ()
    return
  }
}

#map = affine_map<(d0, d1) -> (0, 0)>
#map1 = affine_map<(d0, d1) -> (0, 0, 0)>
module attributes {stable_mosaic.version = 14 : i64} {
  func.func @sck(%arg0: i32, %arg1: i32, %arg2: memref<10000x128xf32, #tpu.memory_space<hbm>>, %arg3: memref<32x40x128xi32, #tpu.memory_space<hbm>>, %arg4: memref<32x40x128xi32, #tpu.memory_space<hbm>>, %arg5: memref<632x128xf32, #tpu.memory_space<hbm>>, %arg6: memref<2x10112x128xf32, #tpu.memory_space<hbm>>, %arg7: memref<40x128xi32, #tpu.memory_space<vmem>>, %arg8: memref<40x128xi32, #tpu.memory_space<vmem>>, %arg9: memref<2x128x128xf32, #tpu.memory_space<vmem>>, %arg10: memref<10112x128xf32, #tpu.memory_space<vmem_shared>>, %arg11: memref<!tpu.dma_semaphore, #tpu.memory_space<semaphore_mem>>, %arg12: memref<!tpu.dma_semaphore, #tpu.memory_space<semaphore_mem>>) attributes {dimension_semantics = [#tpu.dimension_semantics<core_parallel>, #tpu.dimension_semantics<subcore_parallel>], iteration_bounds = array<i64: 2, 16>, scalar_prefetch = 0 : i64, scratch_operands = 6 : i64, tpu.core_type = #tpu.core_type<sc_vector_subcore>, window_params = [{transform_indices = #map}, {transform_indices = #map1}, {transform_indices = #map1}, {transform_indices = #map}, {transform_indices = #map1}]} {
    %mul3A = arith.constant 16 : i32
    %mul3A_0 = arith.muli %arg0, %mul3A : i32
    %add3A = arith.addi %mul3A_0, %arg1 : i32
    %mul3A_1 = arith.constant 632 : i32
    %mul3A_2 = arith.muli %arg1, %mul3A_1 : i32
    "tpu.region"() ({
      %run_scoped3A = tpu.sem_alloc : memref<!tpu.dma_semaphore, #tpu.memory_space<semaphore_mem>>
      %dma_start3A_32 = arith.constant 0 : i32
      %dma_start3A_33 = arith.constant 0 : i32
      %dma_start3A_34 = tpu.memref_slice %arg3[%add3A, %dma_start3A_32, %dma_start3A_33] : memref<32x40x128xi32, #tpu.memory_space<hbm>> -> memref<1x40x128xi32, #tpu.memory_space<hbm>>
      %dma_start3A_35 = tpu.memref_squeeze %dma_start3A_34 : memref<1x40x128xi32, #tpu.memory_space<hbm>> -> memref<40x128xi32, #tpu.memory_space<hbm>>
      %dma_start3A_36 = arith.constant 0 : i32
      %dma_start3A_37 = arith.constant 0 : i32
      %dma_start3A_38 = tpu.memref_slice %arg3[%add3A, %dma_start3A_36, %dma_start3A_37] : memref<32x40x128xi32, #tpu.memory_space<hbm>> -> memref<1x40x128xi32, #tpu.memory_space<hbm>>
      %dma_start3A_39 = tpu.memref_squeeze %dma_start3A_38 : memref<1x40x128xi32, #tpu.memory_space<hbm>> -> memref<40x128xi32, #tpu.memory_space<hbm>>
      tpu.enqueue_dma source(%dma_start3A_39 : memref<40x128xi32, #tpu.memory_space<hbm>>) target(%arg7 : memref<40x128xi32, #tpu.memory_space<vmem>>) target_semaphore(%run_scoped3A : memref<!tpu.dma_semaphore, #tpu.memory_space<semaphore_mem>>)
      %dma_wait3A = arith.constant 0 : i32
      %dma_wait3A_40 = arith.constant 0 : i32
      %dma_wait3A_41 = tpu.memref_slice %arg3[%add3A, %dma_wait3A, %dma_wait3A_40] : memref<32x40x128xi32, #tpu.memory_space<hbm>> -> memref<1x40x128xi32, #tpu.memory_space<hbm>>
      %dma_wait3A_42 = tpu.memref_squeeze %dma_wait3A_41 : memref<1x40x128xi32, #tpu.memory_space<hbm>> -> memref<40x128xi32, #tpu.memory_space<hbm>>
      %dma_wait3A_43 = arith.constant 0 : i32
      %dma_wait3A_44 = arith.constant 0 : i32
      %dma_wait3A_45 = tpu.memref_slice %arg3[%add3A, %dma_wait3A_43, %dma_wait3A_44] : memref<32x40x128xi32, #tpu.memory_space<hbm>> -> memref<1x40x128xi32, #tpu.memory_space<hbm>>
      %dma_wait3A_46 = tpu.memref_squeeze %dma_wait3A_45 : memref<1x40x128xi32, #tpu.memory_space<hbm>> -> memref<40x128xi32, #tpu.memory_space<hbm>>
      tpu.wait_dma2 semaphore(%run_scoped3A : memref<!tpu.dma_semaphore, #tpu.memory_space<semaphore_mem>>) src(%dma_wait3A_46 : memref<40x128xi32, #tpu.memory_space<hbm>>) dst(%arg7 : memref<40x128xi32, #tpu.memory_space<vmem>>)
      tpu.yield
    }) : () -> ()
    "tpu.region"() ({
      %run_scoped3A = tpu.sem_alloc : memref<!tpu.dma_semaphore, #tpu.memory_space<semaphore_mem>>
      %dma_start3A_32 = arith.constant 0 : i32
      %dma_start3A_33 = arith.constant 0 : i32
      %dma_start3A_34 = tpu.memref_slice %arg4[%add3A, %dma_start3A_32, %dma_start3A_33] : memref<32x40x128xi32, #tpu.memory_space<hbm>> -> memref<1x40x128xi32, #tpu.memory_space<hbm>>
      %dma_start3A_35 = tpu.memref_squeeze %dma_start3A_34 : memref<1x40x128xi32, #tpu.memory_space<hbm>> -> memref<40x128xi32, #tpu.memory_space<hbm>>
      %dma_start3A_36 = arith.constant 0 : i32
      %dma_start3A_37 = arith.constant 0 : i32
      %dma_start3A_38 = tpu.memref_slice %arg4[%add3A, %dma_start3A_36, %dma_start3A_37] : memref<32x40x128xi32, #tpu.memory_space<hbm>> -> memref<1x40x128xi32, #tpu.memory_space<hbm>>
      %dma_start3A_39 = tpu.memref_squeeze %dma_start3A_38 : memref<1x40x128xi32, #tpu.memory_space<hbm>> -> memref<40x128xi32, #tpu.memory_space<hbm>>
      tpu.enqueue_dma source(%dma_start3A_39 : memref<40x128xi32, #tpu.memory_space<hbm>>) target(%arg8 : memref<40x128xi32, #tpu.memory_space<vmem>>) target_semaphore(%run_scoped3A : memref<!tpu.dma_semaphore, #tpu.memory_space<semaphore_mem>>)
      %dma_wait3A = arith.constant 0 : i32
      %dma_wait3A_40 = arith.constant 0 : i32
      %dma_wait3A_41 = tpu.memref_slice %arg4[%add3A, %dma_wait3A, %dma_wait3A_40] : memref<32x40x128xi32, #tpu.memory_space<hbm>> -> memref<1x40x128xi32, #tpu.memory_space<hbm>>
      %dma_wait3A_42 = tpu.memref_squeeze %dma_wait3A_41 : memref<1x40x128xi32, #tpu.memory_space<hbm>> -> memref<40x128xi32, #tpu.memory_space<hbm>>
      %dma_wait3A_43 = arith.constant 0 : i32
      %dma_wait3A_44 = arith.constant 0 : i32
      %dma_wait3A_45 = tpu.memref_slice %arg4[%add3A, %dma_wait3A_43, %dma_wait3A_44] : memref<32x40x128xi32, #tpu.memory_space<hbm>> -> memref<1x40x128xi32, #tpu.memory_space<hbm>>
      %dma_wait3A_46 = tpu.memref_squeeze %dma_wait3A_45 : memref<1x40x128xi32, #tpu.memory_space<hbm>> -> memref<40x128xi32, #tpu.memory_space<hbm>>
      tpu.wait_dma2 semaphore(%run_scoped3A : memref<!tpu.dma_semaphore, #tpu.memory_space<semaphore_mem>>) src(%dma_wait3A_46 : memref<40x128xi32, #tpu.memory_space<hbm>>) dst(%arg8 : memref<40x128xi32, #tpu.memory_space<vmem>>)
      tpu.yield
    }) : () -> ()
    %dma_start3A = arith.constant 0 : i32
    %dma_start3A_3 = arith.constant 0 : i32
    %dma_start3A_4 = arith.constant 0 : i32
    %dma_start3A_5 = arith.constant 0 : i32
    %dma_start3A_6 = tpu.memref_slice %arg9[%dma_start3A_3, %dma_start3A_4, %dma_start3A_5] : memref<2x128x128xf32, #tpu.memory_space<vmem>> -> memref<1x128x128xf32, #tpu.memory_space<vmem>>
    %dma_start3A_7 = tpu.memref_squeeze %dma_start3A_6 : memref<1x128x128xf32, #tpu.memory_space<vmem>> -> memref<128x128xf32, #tpu.memory_space<vmem>>
    %dma_start3A_8 = arith.constant 0 : i32
    %dma_start3A_9 = tpu.memref_slice %arg7[%dma_start3A, %dma_start3A_8] : memref<40x128xi32, #tpu.memory_space<vmem>> -> memref<1x128xi32, #tpu.memory_space<vmem>>
    %dma_start3A_10 = tpu.memref_squeeze %dma_start3A_9 : memref<1x128xi32, #tpu.memory_space<vmem>> -> memref<128xi32, #tpu.memory_space<vmem>>
    %dma_start3A_11 = arith.constant 0 : i32
    %dma_start3A_12 = arith.constant 0 : i32
    %dma_start3A_13 = tpu.memref_slice %arg2[%dma_start3A_11, %dma_start3A_12] : memref<10000x128xf32, #tpu.memory_space<hbm>> -> memref<10000x128xf32, #tpu.memory_space<hbm>>
    tpu.enqueue_indirect_dma source(%dma_start3A_13 : memref<10000x128xf32, #tpu.memory_space<hbm>>) target(%dma_start3A_7 : memref<128x128xf32, #tpu.memory_space<vmem>>) offsets(%dma_start3A_10 : memref<128xi32, #tpu.memory_space<vmem>>) semaphore(%arg11 : memref<!tpu.dma_semaphore, #tpu.memory_space<semaphore_mem>>)
    %dma_start3A_14 = arith.constant 1 : i32
    %dma_start3A_15 = arith.constant 1 : i32
    %dma_start3A_16 = arith.constant 0 : i32
    %dma_start3A_17 = arith.constant 0 : i32
    %dma_start3A_18 = tpu.memref_slice %arg9[%dma_start3A_15, %dma_start3A_16, %dma_start3A_17] : memref<2x128x128xf32, #tpu.memory_space<vmem>> -> memref<1x128x128xf32, #tpu.memory_space<vmem>>
    %dma_start3A_19 = tpu.memref_squeeze %dma_start3A_18 : memref<1x128x128xf32, #tpu.memory_space<vmem>> -> memref<128x128xf32, #tpu.memory_space<vmem>>
    %dma_start3A_20 = arith.constant 0 : i32
    %dma_start3A_21 = tpu.memref_slice %arg7[%dma_start3A_14, %dma_start3A_20] : memref<40x128xi32, #tpu.memory_space<vmem>> -> memref<1x128xi32, #tpu.memory_space<vmem>>
    %dma_start3A_22 = tpu.memref_squeeze %dma_start3A_21 : memref<1x128xi32, #tpu.memory_space<vmem>> -> memref<128xi32, #tpu.memory_space<vmem>>
    %dma_start3A_23 = arith.constant 0 : i32
    %dma_start3A_24 = arith.constant 0 : i32
    %dma_start3A_25 = tpu.memref_slice %arg2[%dma_start3A_23, %dma_start3A_24] : memref<10000x128xf32, #tpu.memory_space<hbm>> -> memref<10000x128xf32, #tpu.memory_space<hbm>>
    tpu.enqueue_indirect_dma source(%dma_start3A_25 : memref<10000x128xf32, #tpu.memory_space<hbm>>) target(%dma_start3A_19 : memref<128x128xf32, #tpu.memory_space<vmem>>) offsets(%dma_start3A_22 : memref<128xi32, #tpu.memory_space<vmem>>) semaphore(%arg12 : memref<!tpu.dma_semaphore, #tpu.memory_space<semaphore_mem>>)
    "tpu.region"() ({
      %run_scoped3A = tpu.sem_alloc : memref<!tpu.dma_semaphore, #tpu.memory_space<semaphore_mem>>
      %dma_start3A_32 = arith.constant 0 : i32
      %dma_start3A_33 = tpu.memref_slice %arg10[%mul3A_2, %dma_start3A_32] : memref<10112x128xf32, #tpu.memory_space<vmem_shared>> -> memref<632x128xf32, #tpu.memory_space<vmem_shared>>
      tpu.enqueue_dma source(%arg5 : memref<632x128xf32, #tpu.memory_space<hbm>>) target(%dma_start3A_33 : memref<632x128xf32, #tpu.memory_space<vmem_shared>>) target_semaphore(%run_scoped3A : memref<!tpu.dma_semaphore, #tpu.memory_space<semaphore_mem>>)
      %dma_wait3A = arith.constant 0 : i32
      %dma_wait3A_34 = tpu.memref_slice %arg10[%mul3A_2, %dma_wait3A] : memref<10112x128xf32, #tpu.memory_space<vmem_shared>> -> memref<632x128xf32, #tpu.memory_space<vmem_shared>>
      tpu.wait_dma2 semaphore(%run_scoped3A : memref<!tpu.dma_semaphore, #tpu.memory_space<semaphore_mem>>) src(%arg5 : memref<632x128xf32, #tpu.memory_space<hbm>>) dst(%dma_wait3A_34 : memref<632x128xf32, #tpu.memory_space<vmem_shared>>)
      tpu.yield
    }) : () -> ()
    %barrier3A = arith.constant 0 : index
    tpu.barrier barrier_id(%barrier3A)
    %scan3A = arith.constant 0 : i32
    %scan3A_26 = arith.constant 0 : i32
    %scan3A_27 = arith.constant 20 : i32
    %scan3A_28 = arith.addi %scan3A_26, %scan3A_27 : i32
    %scan3A_29 = arith.constant 1 : i32
    scf.for %scan3A_32 = %scan3A_26 to %scan3A_28 step %scan3A_29  : i32 {
      %mul3A_33 = arith.constant 2 : i32
      %mul3A_34 = arith.muli %scan3A_32, %mul3A_33 : i32
      %add3A_35 = arith.constant 0 : i32
      %add3A_36 = arith.addi %mul3A_34, %add3A_35 : i32
      %dma_wait3A = arith.constant 0 : i32
      %dma_wait3A_37 = arith.constant 0 : i32
      %dma_wait3A_38 = arith.constant 0 : i32
      %dma_wait3A_39 = tpu.memref_slice %arg9[%dma_wait3A, %dma_wait3A_37, %dma_wait3A_38] : memref<2x128x128xf32, #tpu.memory_space<vmem>> -> memref<1x128x128xf32, #tpu.memory_space<vmem>>
      %dma_wait3A_40 = tpu.memref_squeeze %dma_wait3A_39 : memref<1x128x128xf32, #tpu.memory_space<vmem>> -> memref<128x128xf32, #tpu.memory_space<vmem>>
      %dma_wait3A_41 = arith.constant 0 : i32
      %dma_wait3A_42 = tpu.memref_slice %arg7[%add3A_36, %dma_wait3A_41] : memref<40x128xi32, #tpu.memory_space<vmem>> -> memref<1x128xi32, #tpu.memory_space<vmem>>
      %dma_wait3A_43 = tpu.memref_squeeze %dma_wait3A_42 : memref<1x128xi32, #tpu.memory_space<vmem>> -> memref<128xi32, #tpu.memory_space<vmem>>
      %dma_wait3A_44 = arith.constant 0 : i32
      %dma_wait3A_45 = arith.constant 0 : i32
      %dma_wait3A_46 = tpu.memref_slice %arg2[%dma_wait3A_44, %dma_wait3A_45] : memref<10000x128xf32, #tpu.memory_space<hbm>> -> memref<10000x128xf32, #tpu.memory_space<hbm>>
      tpu.wait_indirect_dma semaphore(%arg11 : memref<!tpu.dma_semaphore, #tpu.memory_space<semaphore_mem>>) src(%dma_wait3A_46 : memref<10000x128xf32, #tpu.memory_space<hbm>>) dst(%dma_wait3A_40 : memref<128x128xf32, #tpu.memory_space<vmem>>)
      %run_scoped3A = arith.constant 0 : i32
      "tpu.region"() ({
        %run_scoped3A_74 = tpu.sem_alloc : memref<!tpu.dma_semaphore, #tpu.memory_space<semaphore_mem>>
        %dma_start3A_75 = arith.constant 0 : i32
        %dma_start3A_76 = arith.constant 0 : i32
        %dma_start3A_77 = tpu.memref_slice %arg9[%run_scoped3A, %dma_start3A_75, %dma_start3A_76] : memref<2x128x128xf32, #tpu.memory_space<vmem>> -> memref<1x128x128xf32, #tpu.memory_space<vmem>>
        %dma_start3A_78 = tpu.memref_squeeze %dma_start3A_77 : memref<1x128x128xf32, #tpu.memory_space<vmem>> -> memref<128x128xf32, #tpu.memory_space<vmem>>
        %dma_start3A_79 = arith.constant 0 : i32
        %dma_start3A_80 = tpu.memref_slice %arg8[%add3A_36, %dma_start3A_79] : memref<40x128xi32, #tpu.memory_space<vmem>> -> memref<1x128xi32, #tpu.memory_space<vmem>>
        %dma_start3A_81 = tpu.memref_squeeze %dma_start3A_80 : memref<1x128xi32, #tpu.memory_space<vmem>> -> memref<128xi32, #tpu.memory_space<vmem>>
        %dma_start3A_82 = arith.constant 0 : i32
        %dma_start3A_83 = arith.constant 0 : i32
        %dma_start3A_84 = tpu.memref_slice %arg10[%dma_start3A_82, %dma_start3A_83] : memref<10112x128xf32, #tpu.memory_space<vmem_shared>> -> memref<10112x128xf32, #tpu.memory_space<vmem_shared>>
        tpu.enqueue_indirect_dma source(%dma_start3A_78 : memref<128x128xf32, #tpu.memory_space<vmem>>) target(%dma_start3A_84 : memref<10112x128xf32, #tpu.memory_space<vmem_shared>>) offsets(%dma_start3A_81 : memref<128xi32, #tpu.memory_space<vmem>>) semaphore(%run_scoped3A_74 : memref<!tpu.dma_semaphore, #tpu.memory_space<semaphore_mem>>) {add = true}
        %dma_wait3A_85 = arith.constant 0 : i32
        %dma_wait3A_86 = arith.constant 0 : i32
        %dma_wait3A_87 = tpu.memref_slice %arg9[%run_scoped3A, %dma_wait3A_85, %dma_wait3A_86] : memref<2x128x128xf32, #tpu.memory_space<vmem>> -> memref<1x128x128xf32, #tpu.memory_space<vmem>>
        %dma_wait3A_88 = tpu.memref_squeeze %dma_wait3A_87 : memref<1x128x128xf32, #tpu.memory_space<vmem>> -> memref<128x128xf32, #tpu.memory_space<vmem>>
        %dma_wait3A_89 = arith.constant 0 : i32
        %dma_wait3A_90 = tpu.memref_slice %arg8[%add3A_36, %dma_wait3A_89] : memref<40x128xi32, #tpu.memory_space<vmem>> -> memref<1x128xi32, #tpu.memory_space<vmem>>
        %dma_wait3A_91 = tpu.memref_squeeze %dma_wait3A_90 : memref<1x128xi32, #tpu.memory_space<vmem>> -> memref<128xi32, #tpu.memory_space<vmem>>
        %dma_wait3A_92 = arith.constant 0 : i32
        %dma_wait3A_93 = arith.constant 0 : i32
        %dma_wait3A_94 = tpu.memref_slice %arg10[%dma_wait3A_92, %dma_wait3A_93] : memref<10112x128xf32, #tpu.memory_space<vmem_shared>> -> memref<10112x128xf32, #tpu.memory_space<vmem_shared>>
        tpu.wait_indirect_dma semaphore(%run_scoped3A_74 : memref<!tpu.dma_semaphore, #tpu.memory_space<semaphore_mem>>) src(%dma_wait3A_88 : memref<128x128xf32, #tpu.memory_space<vmem>>) dst(%dma_wait3A_94 : memref<10112x128xf32, #tpu.memory_space<vmem_shared>>)
        tpu.yield
      }) : () -> ()
      %add3A_47 = arith.constant 2 : i32
      %add3A_48 = arith.addi %add3A_36, %add3A_47 : i32
      %lt3A = arith.constant 40 : i32
      %lt3A_49 = arith.cmpi slt, %add3A_48, %lt3A : i32
      %convert_element_type3A = arith.extui %lt3A_49 : i1 to i32
      %cond3A = arith.constant 0 : i32
      %cond3A_50 = arith.cmpi ne, %convert_element_type3A, %cond3A : i32
      scf.if %cond3A_50 {
        %dma_start3A_74 = arith.constant 0 : i32
        %dma_start3A_75 = arith.constant 0 : i32
        %dma_start3A_76 = arith.constant 0 : i32
        %dma_start3A_77 = tpu.memref_slice %arg9[%dma_start3A_74, %dma_start3A_75, %dma_start3A_76] : memref<2x128x128xf32, #tpu.memory_space<vmem>> -> memref<1x128x128xf32, #tpu.memory_space<vmem>>
        %dma_start3A_78 = tpu.memref_squeeze %dma_start3A_77 : memref<1x128x128xf32, #tpu.memory_space<vmem>> -> memref<128x128xf32, #tpu.memory_space<vmem>>
        %dma_start3A_79 = arith.constant 0 : i32
        %dma_start3A_80 = tpu.memref_slice %arg7[%add3A_48, %dma_start3A_79] : memref<40x128xi32, #tpu.memory_space<vmem>> -> memref<1x128xi32, #tpu.memory_space<vmem>>
        %dma_start3A_81 = tpu.memref_squeeze %dma_start3A_80 : memref<1x128xi32, #tpu.memory_space<vmem>> -> memref<128xi32, #tpu.memory_space<vmem>>
        %dma_start3A_82 = arith.constant 0 : i32
        %dma_start3A_83 = arith.constant 0 : i32
        %dma_start3A_84 = tpu.memref_slice %arg2[%dma_start3A_82, %dma_start3A_83] : memref<10000x128xf32, #tpu.memory_space<hbm>> -> memref<10000x128xf32, #tpu.memory_space<hbm>>
        tpu.enqueue_indirect_dma source(%dma_start3A_84 : memref<10000x128xf32, #tpu.memory_space<hbm>>) target(%dma_start3A_78 : memref<128x128xf32, #tpu.memory_space<vmem>>) offsets(%dma_start3A_81 : memref<128xi32, #tpu.memory_space<vmem>>) semaphore(%arg11 : memref<!tpu.dma_semaphore, #tpu.memory_space<semaphore_mem>>)
      } else {
      }
      %mul3A_51 = arith.constant 2 : i32
      %mul3A_52 = arith.muli %scan3A_32, %mul3A_51 : i32
      %add3A_53 = arith.constant 1 : i32
      %add3A_54 = arith.addi %mul3A_52, %add3A_53 : i32
      %dma_wait3A_55 = arith.constant 1 : i32
      %dma_wait3A_56 = arith.constant 0 : i32
      %dma_wait3A_57 = arith.constant 0 : i32
      %dma_wait3A_58 = tpu.memref_slice %arg9[%dma_wait3A_55, %dma_wait3A_56, %dma_wait3A_57] : memref<2x128x128xf32, #tpu.memory_space<vmem>> -> memref<1x128x128xf32, #tpu.memory_space<vmem>>
      %dma_wait3A_59 = tpu.memref_squeeze %dma_wait3A_58 : memref<1x128x128xf32, #tpu.memory_space<vmem>> -> memref<128x128xf32, #tpu.memory_space<vmem>>
      %dma_wait3A_60 = arith.constant 0 : i32
      %dma_wait3A_61 = tpu.memref_slice %arg7[%add3A_54, %dma_wait3A_60] : memref<40x128xi32, #tpu.memory_space<vmem>> -> memref<1x128xi32, #tpu.memory_space<vmem>>
      %dma_wait3A_62 = tpu.memref_squeeze %dma_wait3A_61 : memref<1x128xi32, #tpu.memory_space<vmem>> -> memref<128xi32, #tpu.memory_space<vmem>>
      %dma_wait3A_63 = arith.constant 0 : i32
      %dma_wait3A_64 = arith.constant 0 : i32
      %dma_wait3A_65 = tpu.memref_slice %arg2[%dma_wait3A_63, %dma_wait3A_64] : memref<10000x128xf32, #tpu.memory_space<hbm>> -> memref<10000x128xf32, #tpu.memory_space<hbm>>
      tpu.wait_indirect_dma semaphore(%arg12 : memref<!tpu.dma_semaphore, #tpu.memory_space<semaphore_mem>>) src(%dma_wait3A_65 : memref<10000x128xf32, #tpu.memory_space<hbm>>) dst(%dma_wait3A_59 : memref<128x128xf32, #tpu.memory_space<vmem>>)
      %run_scoped3A_66 = arith.constant 1 : i32
      "tpu.region"() ({
        %run_scoped3A_74 = tpu.sem_alloc : memref<!tpu.dma_semaphore, #tpu.memory_space<semaphore_mem>>
        %dma_start3A_75 = arith.constant 0 : i32
        %dma_start3A_76 = arith.constant 0 : i32
        %dma_start3A_77 = tpu.memref_slice %arg9[%run_scoped3A_66, %dma_start3A_75, %dma_start3A_76] : memref<2x128x128xf32, #tpu.memory_space<vmem>> -> memref<1x128x128xf32, #tpu.memory_space<vmem>>
        %dma_start3A_78 = tpu.memref_squeeze %dma_start3A_77 : memref<1x128x128xf32, #tpu.memory_space<vmem>> -> memref<128x128xf32, #tpu.memory_space<vmem>>
        %dma_start3A_79 = arith.constant 0 : i32
        %dma_start3A_80 = tpu.memref_slice %arg8[%add3A_54, %dma_start3A_79] : memref<40x128xi32, #tpu.memory_space<vmem>> -> memref<1x128xi32, #tpu.memory_space<vmem>>
        %dma_start3A_81 = tpu.memref_squeeze %dma_start3A_80 : memref<1x128xi32, #tpu.memory_space<vmem>> -> memref<128xi32, #tpu.memory_space<vmem>>
        %dma_start3A_82 = arith.constant 0 : i32
        %dma_start3A_83 = arith.constant 0 : i32
        %dma_start3A_84 = tpu.memref_slice %arg10[%dma_start3A_82, %dma_start3A_83] : memref<10112x128xf32, #tpu.memory_space<vmem_shared>> -> memref<10112x128xf32, #tpu.memory_space<vmem_shared>>
        tpu.enqueue_indirect_dma source(%dma_start3A_78 : memref<128x128xf32, #tpu.memory_space<vmem>>) target(%dma_start3A_84 : memref<10112x128xf32, #tpu.memory_space<vmem_shared>>) offsets(%dma_start3A_81 : memref<128xi32, #tpu.memory_space<vmem>>) semaphore(%run_scoped3A_74 : memref<!tpu.dma_semaphore, #tpu.memory_space<semaphore_mem>>) {add = true}
        %dma_wait3A_85 = arith.constant 0 : i32
        %dma_wait3A_86 = arith.constant 0 : i32
        %dma_wait3A_87 = tpu.memref_slice %arg9[%run_scoped3A_66, %dma_wait3A_85, %dma_wait3A_86] : memref<2x128x128xf32, #tpu.memory_space<vmem>> -> memref<1x128x128xf32, #tpu.memory_space<vmem>>
        %dma_wait3A_88 = tpu.memref_squeeze %dma_wait3A_87 : memref<1x128x128xf32, #tpu.memory_space<vmem>> -> memref<128x128xf32, #tpu.memory_space<vmem>>
        %dma_wait3A_89 = arith.constant 0 : i32
        %dma_wait3A_90 = tpu.memref_slice %arg8[%add3A_54, %dma_wait3A_89] : memref<40x128xi32, #tpu.memory_space<vmem>> -> memref<1x128xi32, #tpu.memory_space<vmem>>
        %dma_wait3A_91 = tpu.memref_squeeze %dma_wait3A_90 : memref<1x128xi32, #tpu.memory_space<vmem>> -> memref<128xi32, #tpu.memory_space<vmem>>
        %dma_wait3A_92 = arith.constant 0 : i32
        %dma_wait3A_93 = arith.constant 0 : i32
        %dma_wait3A_94 = tpu.memref_slice %arg10[%dma_wait3A_92, %dma_wait3A_93] : memref<10112x128xf32, #tpu.memory_space<vmem_shared>> -> memref<10112x128xf32, #tpu.memory_space<vmem_shared>>
        tpu.wait_indirect_dma semaphore(%run_scoped3A_74 : memref<!tpu.dma_semaphore, #tpu.memory_space<semaphore_mem>>) src(%dma_wait3A_88 : memref<128x128xf32, #tpu.memory_space<vmem>>) dst(%dma_wait3A_94 : memref<10112x128xf32, #tpu.memory_space<vmem_shared>>)
        tpu.yield
      }) : () -> ()
      %add3A_67 = arith.constant 2 : i32
      %add3A_68 = arith.addi %add3A_54, %add3A_67 : i32
      %lt3A_69 = arith.constant 40 : i32
      %lt3A_70 = arith.cmpi slt, %add3A_68, %lt3A_69 : i32
      %convert_element_type3A_71 = arith.extui %lt3A_70 : i1 to i32
      %cond3A_72 = arith.constant 0 : i32
      %cond3A_73 = arith.cmpi ne, %convert_element_type3A_71, %cond3A_72 : i32
      scf.if %cond3A_73 {
        %dma_start3A_74 = arith.constant 1 : i32
        %dma_start3A_75 = arith.constant 0 : i32
        %dma_start3A_76 = arith.constant 0 : i32
        %dma_start3A_77 = tpu.memref_slice %arg9[%dma_start3A_74, %dma_start3A_75, %dma_start3A_76] : memref<2x128x128xf32, #tpu.memory_space<vmem>> -> memref<1x128x128xf32, #tpu.memory_space<vmem>>
        %dma_start3A_78 = tpu.memref_squeeze %dma_start3A_77 : memref<1x128x128xf32, #tpu.memory_space<vmem>> -> memref<128x128xf32, #tpu.memory_space<vmem>>
        %dma_start3A_79 = arith.constant 0 : i32
        %dma_start3A_80 = tpu.memref_slice %arg7[%add3A_68, %dma_start3A_79] : memref<40x128xi32, #tpu.memory_space<vmem>> -> memref<1x128xi32, #tpu.memory_space<vmem>>
        %dma_start3A_81 = tpu.memref_squeeze %dma_start3A_80 : memref<1x128xi32, #tpu.memory_space<vmem>> -> memref<128xi32, #tpu.memory_space<vmem>>
        %dma_start3A_82 = arith.constant 0 : i32
        %dma_start3A_83 = arith.constant 0 : i32
        %dma_start3A_84 = tpu.memref_slice %arg2[%dma_start3A_82, %dma_start3A_83] : memref<10000x128xf32, #tpu.memory_space<hbm>> -> memref<10000x128xf32, #tpu.memory_space<hbm>>
        tpu.enqueue_indirect_dma source(%dma_start3A_84 : memref<10000x128xf32, #tpu.memory_space<hbm>>) target(%dma_start3A_78 : memref<128x128xf32, #tpu.memory_space<vmem>>) offsets(%dma_start3A_81 : memref<128xi32, #tpu.memory_space<vmem>>) semaphore(%arg12 : memref<!tpu.dma_semaphore, #tpu.memory_space<semaphore_mem>>)
      } else {
      }
    }
    %scan3A_30 = arith.constant 20 : i32
    %barrier3A_31 = arith.constant 0 : index
    tpu.barrier barrier_id(%barrier3A_31)
    "tpu.region"() ({
      %run_scoped3A = tpu.sem_alloc : memref<!tpu.dma_semaphore, #tpu.memory_space<semaphore_mem>>
      %dma_start3A_32 = arith.constant 0 : i32
      %dma_start3A_33 = tpu.memref_slice %arg6[%arg0, %mul3A_2, %dma_start3A_32] : memref<2x10112x128xf32, #tpu.memory_space<hbm>> -> memref<1x632x128xf32, #tpu.memory_space<hbm>>
      %dma_start3A_34 = tpu.memref_squeeze %dma_start3A_33 : memref<1x632x128xf32, #tpu.memory_space<hbm>> -> memref<632x128xf32, #tpu.memory_space<hbm>>
      %dma_start3A_35 = arith.constant 0 : i32
      %dma_start3A_36 = tpu.memref_slice %arg10[%mul3A_2, %dma_start3A_35] : memref<10112x128xf32, #tpu.memory_space<vmem_shared>> -> memref<632x128xf32, #tpu.memory_space<vmem_shared>>
      tpu.enqueue_dma source(%dma_start3A_36 : memref<632x128xf32, #tpu.memory_space<vmem_shared>>) target(%dma_start3A_34 : memref<632x128xf32, #tpu.memory_space<hbm>>) target_semaphore(%run_scoped3A : memref<!tpu.dma_semaphore, #tpu.memory_space<semaphore_mem>>)
      %dma_wait3A = arith.constant 0 : i32
      %dma_wait3A_37 = tpu.memref_slice %arg6[%arg0, %mul3A_2, %dma_wait3A] : memref<2x10112x128xf32, #tpu.memory_space<hbm>> -> memref<1x632x128xf32, #tpu.memory_space<hbm>>
      %dma_wait3A_38 = tpu.memref_squeeze %dma_wait3A_37 : memref<1x632x128xf32, #tpu.memory_space<hbm>> -> memref<632x128xf32, #tpu.memory_space<hbm>>
      %dma_wait3A_39 = arith.constant 0 : i32
      %dma_wait3A_40 = tpu.memref_slice %arg10[%mul3A_2, %dma_wait3A_39] : memref<10112x128xf32, #tpu.memory_space<vmem_shared>> -> memref<632x128xf32, #tpu.memory_space<vmem_shared>>
      tpu.wait_dma2 semaphore(%run_scoped3A : memref<!tpu.dma_semaphore, #tpu.memory_space<semaphore_mem>>) src(%dma_wait3A_40 : memref<632x128xf32, #tpu.memory_space<vmem_shared>>) dst(%dma_wait3A_38 : memref<632x128xf32, #tpu.memory_space<hbm>>)
      tpu.yield
    }) : () -> ()
    return
  }
}

#map = affine_map<(d0, d1) -> (0, 0)>
#map1 = affine_map<(d0, d1) -> (0, 0, 0)>
module attributes {stable_mosaic.version = 14 : i64} {
  func.func @sck(%arg0: i32, %arg1: i32, %arg2: memref<10000x128xf32, #tpu.memory_space<hbm>>, %arg3: memref<32x40x128xi32, #tpu.memory_space<hbm>>, %arg4: memref<32x40x128xi32, #tpu.memory_space<hbm>>, %arg5: memref<632x128xf32, #tpu.memory_space<hbm>>, %arg6: memref<2x10112x128xf32, #tpu.memory_space<hbm>>, %arg7: memref<40x128xi32, #tpu.memory_space<vmem>>, %arg8: memref<40x128xi32, #tpu.memory_space<vmem>>, %arg9: memref<2x128x128xf32, #tpu.memory_space<vmem>>, %arg10: memref<10112x128xf32, #tpu.memory_space<vmem_shared>>, %arg11: memref<!tpu.dma_semaphore, #tpu.memory_space<semaphore_mem>>, %arg12: memref<!tpu.dma_semaphore, #tpu.memory_space<semaphore_mem>>) attributes {dimension_semantics = [#tpu.dimension_semantics<core_parallel>, #tpu.dimension_semantics<subcore_parallel>], iteration_bounds = array<i64: 2, 16>, scalar_prefetch = 0 : i64, scratch_operands = 6 : i64, tpu.core_type = #tpu.core_type<sc_vector_subcore>, window_params = [{transform_indices = #map}, {transform_indices = #map1}, {transform_indices = #map1}, {transform_indices = #map}, {transform_indices = #map1}]} {
    %mul3A = arith.constant 16 : i32
    %mul3A_0 = arith.muli %arg0, %mul3A : i32
    %add3A = arith.addi %mul3A_0, %arg1 : i32
    %mul3A_1 = arith.constant 632 : i32
    %mul3A_2 = arith.muli %arg1, %mul3A_1 : i32
    "tpu.region"() ({
      %run_scoped3A = tpu.sem_alloc : memref<!tpu.dma_semaphore, #tpu.memory_space<semaphore_mem>>
      %dma_start3A_32 = arith.constant 0 : i32
      %dma_start3A_33 = arith.constant 0 : i32
      %dma_start3A_34 = tpu.memref_slice %arg3[%add3A, %dma_start3A_32, %dma_start3A_33] : memref<32x40x128xi32, #tpu.memory_space<hbm>> -> memref<1x40x128xi32, #tpu.memory_space<hbm>>
      %dma_start3A_35 = tpu.memref_squeeze %dma_start3A_34 : memref<1x40x128xi32, #tpu.memory_space<hbm>> -> memref<40x128xi32, #tpu.memory_space<hbm>>
      %dma_start3A_36 = arith.constant 0 : i32
      %dma_start3A_37 = arith.constant 0 : i32
      %dma_start3A_38 = tpu.memref_slice %arg3[%add3A, %dma_start3A_36, %dma_start3A_37] : memref<32x40x128xi32, #tpu.memory_space<hbm>> -> memref<1x40x128xi32, #tpu.memory_space<hbm>>
      %dma_start3A_39 = tpu.memref_squeeze %dma_start3A_38 : memref<1x40x128xi32, #tpu.memory_space<hbm>> -> memref<40x128xi32, #tpu.memory_space<hbm>>
      tpu.enqueue_dma source(%dma_start3A_39 : memref<40x128xi32, #tpu.memory_space<hbm>>) target(%arg7 : memref<40x128xi32, #tpu.memory_space<vmem>>) target_semaphore(%run_scoped3A : memref<!tpu.dma_semaphore, #tpu.memory_space<semaphore_mem>>)
      %dma_wait3A = arith.constant 0 : i32
      %dma_wait3A_40 = arith.constant 0 : i32
      %dma_wait3A_41 = tpu.memref_slice %arg3[%add3A, %dma_wait3A, %dma_wait3A_40] : memref<32x40x128xi32, #tpu.memory_space<hbm>> -> memref<1x40x128xi32, #tpu.memory_space<hbm>>
      %dma_wait3A_42 = tpu.memref_squeeze %dma_wait3A_41 : memref<1x40x128xi32, #tpu.memory_space<hbm>> -> memref<40x128xi32, #tpu.memory_space<hbm>>
      %dma_wait3A_43 = arith.constant 0 : i32
      %dma_wait3A_44 = arith.constant 0 : i32
      %dma_wait3A_45 = tpu.memref_slice %arg3[%add3A, %dma_wait3A_43, %dma_wait3A_44] : memref<32x40x128xi32, #tpu.memory_space<hbm>> -> memref<1x40x128xi32, #tpu.memory_space<hbm>>
      %dma_wait3A_46 = tpu.memref_squeeze %dma_wait3A_45 : memref<1x40x128xi32, #tpu.memory_space<hbm>> -> memref<40x128xi32, #tpu.memory_space<hbm>>
      tpu.wait_dma2 semaphore(%run_scoped3A : memref<!tpu.dma_semaphore, #tpu.memory_space<semaphore_mem>>) src(%dma_wait3A_46 : memref<40x128xi32, #tpu.memory_space<hbm>>) dst(%arg7 : memref<40x128xi32, #tpu.memory_space<vmem>>)
      tpu.yield
    }) : () -> ()
    "tpu.region"() ({
      %run_scoped3A = tpu.sem_alloc : memref<!tpu.dma_semaphore, #tpu.memory_space<semaphore_mem>>
      %dma_start3A_32 = arith.constant 0 : i32
      %dma_start3A_33 = arith.constant 0 : i32
      %dma_start3A_34 = tpu.memref_slice %arg4[%add3A, %dma_start3A_32, %dma_start3A_33] : memref<32x40x128xi32, #tpu.memory_space<hbm>> -> memref<1x40x128xi32, #tpu.memory_space<hbm>>
      %dma_start3A_35 = tpu.memref_squeeze %dma_start3A_34 : memref<1x40x128xi32, #tpu.memory_space<hbm>> -> memref<40x128xi32, #tpu.memory_space<hbm>>
      %dma_start3A_36 = arith.constant 0 : i32
      %dma_start3A_37 = arith.constant 0 : i32
      %dma_start3A_38 = tpu.memref_slice %arg4[%add3A, %dma_start3A_36, %dma_start3A_37] : memref<32x40x128xi32, #tpu.memory_space<hbm>> -> memref<1x40x128xi32, #tpu.memory_space<hbm>>
      %dma_start3A_39 = tpu.memref_squeeze %dma_start3A_38 : memref<1x40x128xi32, #tpu.memory_space<hbm>> -> memref<40x128xi32, #tpu.memory_space<hbm>>
      tpu.enqueue_dma source(%dma_start3A_39 : memref<40x128xi32, #tpu.memory_space<hbm>>) target(%arg8 : memref<40x128xi32, #tpu.memory_space<vmem>>) target_semaphore(%run_scoped3A : memref<!tpu.dma_semaphore, #tpu.memory_space<semaphore_mem>>)
      %dma_wait3A = arith.constant 0 : i32
      %dma_wait3A_40 = arith.constant 0 : i32
      %dma_wait3A_41 = tpu.memref_slice %arg4[%add3A, %dma_wait3A, %dma_wait3A_40] : memref<32x40x128xi32, #tpu.memory_space<hbm>> -> memref<1x40x128xi32, #tpu.memory_space<hbm>>
      %dma_wait3A_42 = tpu.memref_squeeze %dma_wait3A_41 : memref<1x40x128xi32, #tpu.memory_space<hbm>> -> memref<40x128xi32, #tpu.memory_space<hbm>>
      %dma_wait3A_43 = arith.constant 0 : i32
      %dma_wait3A_44 = arith.constant 0 : i32
      %dma_wait3A_45 = tpu.memref_slice %arg4[%add3A, %dma_wait3A_43, %dma_wait3A_44] : memref<32x40x128xi32, #tpu.memory_space<hbm>> -> memref<1x40x128xi32, #tpu.memory_space<hbm>>
      %dma_wait3A_46 = tpu.memref_squeeze %dma_wait3A_45 : memref<1x40x128xi32, #tpu.memory_space<hbm>> -> memref<40x128xi32, #tpu.memory_space<hbm>>
      tpu.wait_dma2 semaphore(%run_scoped3A : memref<!tpu.dma_semaphore, #tpu.memory_space<semaphore_mem>>) src(%dma_wait3A_46 : memref<40x128xi32, #tpu.memory_space<hbm>>) dst(%arg8 : memref<40x128xi32, #tpu.memory_space<vmem>>)
      tpu.yield
    }) : () -> ()
    %dma_start3A = arith.constant 0 : i32
    %dma_start3A_3 = arith.constant 0 : i32
    %dma_start3A_4 = arith.constant 0 : i32
    %dma_start3A_5 = arith.constant 0 : i32
    %dma_start3A_6 = tpu.memref_slice %arg9[%dma_start3A_3, %dma_start3A_4, %dma_start3A_5] : memref<2x128x128xf32, #tpu.memory_space<vmem>> -> memref<1x128x128xf32, #tpu.memory_space<vmem>>
    %dma_start3A_7 = tpu.memref_squeeze %dma_start3A_6 : memref<1x128x128xf32, #tpu.memory_space<vmem>> -> memref<128x128xf32, #tpu.memory_space<vmem>>
    %dma_start3A_8 = arith.constant 0 : i32
    %dma_start3A_9 = tpu.memref_slice %arg7[%dma_start3A, %dma_start3A_8] : memref<40x128xi32, #tpu.memory_space<vmem>> -> memref<1x128xi32, #tpu.memory_space<vmem>>
    %dma_start3A_10 = tpu.memref_squeeze %dma_start3A_9 : memref<1x128xi32, #tpu.memory_space<vmem>> -> memref<128xi32, #tpu.memory_space<vmem>>
    %dma_start3A_11 = arith.constant 0 : i32
    %dma_start3A_12 = arith.constant 0 : i32
    %dma_start3A_13 = tpu.memref_slice %arg2[%dma_start3A_11, %dma_start3A_12] : memref<10000x128xf32, #tpu.memory_space<hbm>> -> memref<10000x128xf32, #tpu.memory_space<hbm>>
    tpu.enqueue_indirect_dma source(%dma_start3A_13 : memref<10000x128xf32, #tpu.memory_space<hbm>>) target(%dma_start3A_7 : memref<128x128xf32, #tpu.memory_space<vmem>>) offsets(%dma_start3A_10 : memref<128xi32, #tpu.memory_space<vmem>>) semaphore(%arg11 : memref<!tpu.dma_semaphore, #tpu.memory_space<semaphore_mem>>)
    %dma_start3A_14 = arith.constant 1 : i32
    %dma_start3A_15 = arith.constant 1 : i32
    %dma_start3A_16 = arith.constant 0 : i32
    %dma_start3A_17 = arith.constant 0 : i32
    %dma_start3A_18 = tpu.memref_slice %arg9[%dma_start3A_15, %dma_start3A_16, %dma_start3A_17] : memref<2x128x128xf32, #tpu.memory_space<vmem>> -> memref<1x128x128xf32, #tpu.memory_space<vmem>>
    %dma_start3A_19 = tpu.memref_squeeze %dma_start3A_18 : memref<1x128x128xf32, #tpu.memory_space<vmem>> -> memref<128x128xf32, #tpu.memory_space<vmem>>
    %dma_start3A_20 = arith.constant 0 : i32
    %dma_start3A_21 = tpu.memref_slice %arg7[%dma_start3A_14, %dma_start3A_20] : memref<40x128xi32, #tpu.memory_space<vmem>> -> memref<1x128xi32, #tpu.memory_space<vmem>>
    %dma_start3A_22 = tpu.memref_squeeze %dma_start3A_21 : memref<1x128xi32, #tpu.memory_space<vmem>> -> memref<128xi32, #tpu.memory_space<vmem>>
    %dma_start3A_23 = arith.constant 0 : i32
    %dma_start3A_24 = arith.constant 0 : i32
    %dma_start3A_25 = tpu.memref_slice %arg2[%dma_start3A_23, %dma_start3A_24] : memref<10000x128xf32, #tpu.memory_space<hbm>> -> memref<10000x128xf32, #tpu.memory_space<hbm>>
    tpu.enqueue_indirect_dma source(%dma_start3A_25 : memref<10000x128xf32, #tpu.memory_space<hbm>>) target(%dma_start3A_19 : memref<128x128xf32, #tpu.memory_space<vmem>>) offsets(%dma_start3A_22 : memref<128xi32, #tpu.memory_space<vmem>>) semaphore(%arg12 : memref<!tpu.dma_semaphore, #tpu.memory_space<semaphore_mem>>)
    "tpu.region"() ({
      %run_scoped3A = tpu.sem_alloc : memref<!tpu.dma_semaphore, #tpu.memory_space<semaphore_mem>>
      %dma_start3A_32 = arith.constant 0 : i32
      %dma_start3A_33 = tpu.memref_slice %arg10[%mul3A_2, %dma_start3A_32] : memref<10112x128xf32, #tpu.memory_space<vmem_shared>> -> memref<632x128xf32, #tpu.memory_space<vmem_shared>>
      tpu.enqueue_dma source(%arg5 : memref<632x128xf32, #tpu.memory_space<hbm>>) target(%dma_start3A_33 : memref<632x128xf32, #tpu.memory_space<vmem_shared>>) target_semaphore(%run_scoped3A : memref<!tpu.dma_semaphore, #tpu.memory_space<semaphore_mem>>)
      %dma_wait3A = arith.constant 0 : i32
      %dma_wait3A_34 = tpu.memref_slice %arg10[%mul3A_2, %dma_wait3A] : memref<10112x128xf32, #tpu.memory_space<vmem_shared>> -> memref<632x128xf32, #tpu.memory_space<vmem_shared>>
      tpu.wait_dma2 semaphore(%run_scoped3A : memref<!tpu.dma_semaphore, #tpu.memory_space<semaphore_mem>>) src(%arg5 : memref<632x128xf32, #tpu.memory_space<hbm>>) dst(%dma_wait3A_34 : memref<632x128xf32, #tpu.memory_space<vmem_shared>>)
      tpu.yield
    }) : () -> ()
    %barrier3A = arith.constant 0 : index
    tpu.barrier barrier_id(%barrier3A)
    %scan3A = arith.constant 0 : i32
    %scan3A_26 = arith.constant 0 : i32
    %scan3A_27 = arith.constant 20 : i32
    %scan3A_28 = arith.addi %scan3A_26, %scan3A_27 : i32
    %scan3A_29 = arith.constant 1 : i32
    scf.for %scan3A_32 = %scan3A_26 to %scan3A_28 step %scan3A_29  : i32 {
      %mul3A_33 = arith.constant 2 : i32
      %mul3A_34 = arith.muli %scan3A_32, %mul3A_33 : i32
      %add3A_35 = arith.constant 0 : i32
      %add3A_36 = arith.addi %mul3A_34, %add3A_35 : i32
      %dma_wait3A = arith.constant 0 : i32
      %dma_wait3A_37 = arith.constant 0 : i32
      %dma_wait3A_38 = arith.constant 0 : i32
      %dma_wait3A_39 = tpu.memref_slice %arg9[%dma_wait3A, %dma_wait3A_37, %dma_wait3A_38] : memref<2x128x128xf32, #tpu.memory_space<vmem>> -> memref<1x128x128xf32, #tpu.memory_space<vmem>>
      %dma_wait3A_40 = tpu.memref_squeeze %dma_wait3A_39 : memref<1x128x128xf32, #tpu.memory_space<vmem>> -> memref<128x128xf32, #tpu.memory_space<vmem>>
      %dma_wait3A_41 = arith.constant 0 : i32
      %dma_wait3A_42 = tpu.memref_slice %arg7[%add3A_36, %dma_wait3A_41] : memref<40x128xi32, #tpu.memory_space<vmem>> -> memref<1x128xi32, #tpu.memory_space<vmem>>
      %dma_wait3A_43 = tpu.memref_squeeze %dma_wait3A_42 : memref<1x128xi32, #tpu.memory_space<vmem>> -> memref<128xi32, #tpu.memory_space<vmem>>
      %dma_wait3A_44 = arith.constant 0 : i32
      %dma_wait3A_45 = arith.constant 0 : i32
      %dma_wait3A_46 = tpu.memref_slice %arg2[%dma_wait3A_44, %dma_wait3A_45] : memref<10000x128xf32, #tpu.memory_space<hbm>> -> memref<10000x128xf32, #tpu.memory_space<hbm>>
      tpu.wait_indirect_dma semaphore(%arg11 : memref<!tpu.dma_semaphore, #tpu.memory_space<semaphore_mem>>) src(%dma_wait3A_46 : memref<10000x128xf32, #tpu.memory_space<hbm>>) dst(%dma_wait3A_40 : memref<128x128xf32, #tpu.memory_space<vmem>>)
      %run_scoped3A = arith.constant 0 : i32
      "tpu.region"() ({
        %run_scoped3A_74 = tpu.sem_alloc : memref<!tpu.dma_semaphore, #tpu.memory_space<semaphore_mem>>
        %dma_start3A_75 = arith.constant 0 : i32
        %dma_start3A_76 = arith.constant 0 : i32
        %dma_start3A_77 = tpu.memref_slice %arg9[%run_scoped3A, %dma_start3A_75, %dma_start3A_76] : memref<2x128x128xf32, #tpu.memory_space<vmem>> -> memref<1x128x128xf32, #tpu.memory_space<vmem>>
        %dma_start3A_78 = tpu.memref_squeeze %dma_start3A_77 : memref<1x128x128xf32, #tpu.memory_space<vmem>> -> memref<128x128xf32, #tpu.memory_space<vmem>>
        %dma_start3A_79 = arith.constant 0 : i32
        %dma_start3A_80 = tpu.memref_slice %arg8[%add3A_36, %dma_start3A_79] : memref<40x128xi32, #tpu.memory_space<vmem>> -> memref<1x128xi32, #tpu.memory_space<vmem>>
        %dma_start3A_81 = tpu.memref_squeeze %dma_start3A_80 : memref<1x128xi32, #tpu.memory_space<vmem>> -> memref<128xi32, #tpu.memory_space<vmem>>
        %dma_start3A_82 = arith.constant 0 : i32
        %dma_start3A_83 = arith.constant 0 : i32
        %dma_start3A_84 = tpu.memref_slice %arg10[%dma_start3A_82, %dma_start3A_83] : memref<10112x128xf32, #tpu.memory_space<vmem_shared>> -> memref<10112x128xf32, #tpu.memory_space<vmem_shared>>
        tpu.enqueue_indirect_dma source(%dma_start3A_78 : memref<128x128xf32, #tpu.memory_space<vmem>>) target(%dma_start3A_84 : memref<10112x128xf32, #tpu.memory_space<vmem_shared>>) offsets(%dma_start3A_81 : memref<128xi32, #tpu.memory_space<vmem>>) semaphore(%run_scoped3A_74 : memref<!tpu.dma_semaphore, #tpu.memory_space<semaphore_mem>>) {add = true}
        %dma_wait3A_85 = arith.constant 0 : i32
        %dma_wait3A_86 = arith.constant 0 : i32
        %dma_wait3A_87 = tpu.memref_slice %arg9[%run_scoped3A, %dma_wait3A_85, %dma_wait3A_86] : memref<2x128x128xf32, #tpu.memory_space<vmem>> -> memref<1x128x128xf32, #tpu.memory_space<vmem>>
        %dma_wait3A_88 = tpu.memref_squeeze %dma_wait3A_87 : memref<1x128x128xf32, #tpu.memory_space<vmem>> -> memref<128x128xf32, #tpu.memory_space<vmem>>
        %dma_wait3A_89 = arith.constant 0 : i32
        %dma_wait3A_90 = tpu.memref_slice %arg8[%add3A_36, %dma_wait3A_89] : memref<40x128xi32, #tpu.memory_space<vmem>> -> memref<1x128xi32, #tpu.memory_space<vmem>>
        %dma_wait3A_91 = tpu.memref_squeeze %dma_wait3A_90 : memref<1x128xi32, #tpu.memory_space<vmem>> -> memref<128xi32, #tpu.memory_space<vmem>>
        %dma_wait3A_92 = arith.constant 0 : i32
        %dma_wait3A_93 = arith.constant 0 : i32
        %dma_wait3A_94 = tpu.memref_slice %arg10[%dma_wait3A_92, %dma_wait3A_93] : memref<10112x128xf32, #tpu.memory_space<vmem_shared>> -> memref<10112x128xf32, #tpu.memory_space<vmem_shared>>
        tpu.wait_indirect_dma semaphore(%run_scoped3A_74 : memref<!tpu.dma_semaphore, #tpu.memory_space<semaphore_mem>>) src(%dma_wait3A_88 : memref<128x128xf32, #tpu.memory_space<vmem>>) dst(%dma_wait3A_94 : memref<10112x128xf32, #tpu.memory_space<vmem_shared>>)
        tpu.yield
      }) : () -> ()
      %add3A_47 = arith.constant 2 : i32
      %add3A_48 = arith.addi %add3A_36, %add3A_47 : i32
      %lt3A = arith.constant 40 : i32
      %lt3A_49 = arith.cmpi slt, %add3A_48, %lt3A : i32
      %convert_element_type3A = arith.extui %lt3A_49 : i1 to i32
      %cond3A = arith.constant 0 : i32
      %cond3A_50 = arith.cmpi ne, %convert_element_type3A, %cond3A : i32
      scf.if %cond3A_50 {
        %dma_start3A_74 = arith.constant 0 : i32
        %dma_start3A_75 = arith.constant 0 : i32
        %dma_start3A_76 = arith.constant 0 : i32
        %dma_start3A_77 = tpu.memref_slice %arg9[%dma_start3A_74, %dma_start3A_75, %dma_start3A_76] : memref<2x128x128xf32, #tpu.memory_space<vmem>> -> memref<1x128x128xf32, #tpu.memory_space<vmem>>
        %dma_start3A_78 = tpu.memref_squeeze %dma_start3A_77 : memref<1x128x128xf32, #tpu.memory_space<vmem>> -> memref<128x128xf32, #tpu.memory_space<vmem>>
        %dma_start3A_79 = arith.constant 0 : i32
        %dma_start3A_80 = tpu.memref_slice %arg7[%add3A_48, %dma_start3A_79] : memref<40x128xi32, #tpu.memory_space<vmem>> -> memref<1x128xi32, #tpu.memory_space<vmem>>
        %dma_start3A_81 = tpu.memref_squeeze %dma_start3A_80 : memref<1x128xi32, #tpu.memory_space<vmem>> -> memref<128xi32, #tpu.memory_space<vmem>>
        %dma_start3A_82 = arith.constant 0 : i32
        %dma_start3A_83 = arith.constant 0 : i32
        %dma_start3A_84 = tpu.memref_slice %arg2[%dma_start3A_82, %dma_start3A_83] : memref<10000x128xf32, #tpu.memory_space<hbm>> -> memref<10000x128xf32, #tpu.memory_space<hbm>>
        tpu.enqueue_indirect_dma source(%dma_start3A_84 : memref<10000x128xf32, #tpu.memory_space<hbm>>) target(%dma_start3A_78 : memref<128x128xf32, #tpu.memory_space<vmem>>) offsets(%dma_start3A_81 : memref<128xi32, #tpu.memory_space<vmem>>) semaphore(%arg11 : memref<!tpu.dma_semaphore, #tpu.memory_space<semaphore_mem>>)
      } else {
      }
      %mul3A_51 = arith.constant 2 : i32
      %mul3A_52 = arith.muli %scan3A_32, %mul3A_51 : i32
      %add3A_53 = arith.constant 1 : i32
      %add3A_54 = arith.addi %mul3A_52, %add3A_53 : i32
      %dma_wait3A_55 = arith.constant 1 : i32
      %dma_wait3A_56 = arith.constant 0 : i32
      %dma_wait3A_57 = arith.constant 0 : i32
      %dma_wait3A_58 = tpu.memref_slice %arg9[%dma_wait3A_55, %dma_wait3A_56, %dma_wait3A_57] : memref<2x128x128xf32, #tpu.memory_space<vmem>> -> memref<1x128x128xf32, #tpu.memory_space<vmem>>
      %dma_wait3A_59 = tpu.memref_squeeze %dma_wait3A_58 : memref<1x128x128xf32, #tpu.memory_space<vmem>> -> memref<128x128xf32, #tpu.memory_space<vmem>>
      %dma_wait3A_60 = arith.constant 0 : i32
      %dma_wait3A_61 = tpu.memref_slice %arg7[%add3A_54, %dma_wait3A_60] : memref<40x128xi32, #tpu.memory_space<vmem>> -> memref<1x128xi32, #tpu.memory_space<vmem>>
      %dma_wait3A_62 = tpu.memref_squeeze %dma_wait3A_61 : memref<1x128xi32, #tpu.memory_space<vmem>> -> memref<128xi32, #tpu.memory_space<vmem>>
      %dma_wait3A_63 = arith.constant 0 : i32
      %dma_wait3A_64 = arith.constant 0 : i32
      %dma_wait3A_65 = tpu.memref_slice %arg2[%dma_wait3A_63, %dma_wait3A_64] : memref<10000x128xf32, #tpu.memory_space<hbm>> -> memref<10000x128xf32, #tpu.memory_space<hbm>>
      tpu.wait_indirect_dma semaphore(%arg12 : memref<!tpu.dma_semaphore, #tpu.memory_space<semaphore_mem>>) src(%dma_wait3A_65 : memref<10000x128xf32, #tpu.memory_space<hbm>>) dst(%dma_wait3A_59 : memref<128x128xf32, #tpu.memory_space<vmem>>)
      %run_scoped3A_66 = arith.constant 1 : i32
      "tpu.region"() ({
        %run_scoped3A_74 = tpu.sem_alloc : memref<!tpu.dma_semaphore, #tpu.memory_space<semaphore_mem>>
        %dma_start3A_75 = arith.constant 0 : i32
        %dma_start3A_76 = arith.constant 0 : i32
        %dma_start3A_77 = tpu.memref_slice %arg9[%run_scoped3A_66, %dma_start3A_75, %dma_start3A_76] : memref<2x128x128xf32, #tpu.memory_space<vmem>> -> memref<1x128x128xf32, #tpu.memory_space<vmem>>
        %dma_start3A_78 = tpu.memref_squeeze %dma_start3A_77 : memref<1x128x128xf32, #tpu.memory_space<vmem>> -> memref<128x128xf32, #tpu.memory_space<vmem>>
        %dma_start3A_79 = arith.constant 0 : i32
        %dma_start3A_80 = tpu.memref_slice %arg8[%add3A_54, %dma_start3A_79] : memref<40x128xi32, #tpu.memory_space<vmem>> -> memref<1x128xi32, #tpu.memory_space<vmem>>
        %dma_start3A_81 = tpu.memref_squeeze %dma_start3A_80 : memref<1x128xi32, #tpu.memory_space<vmem>> -> memref<128xi32, #tpu.memory_space<vmem>>
        %dma_start3A_82 = arith.constant 0 : i32
        %dma_start3A_83 = arith.constant 0 : i32
        %dma_start3A_84 = tpu.memref_slice %arg10[%dma_start3A_82, %dma_start3A_83] : memref<10112x128xf32, #tpu.memory_space<vmem_shared>> -> memref<10112x128xf32, #tpu.memory_space<vmem_shared>>
        tpu.enqueue_indirect_dma source(%dma_start3A_78 : memref<128x128xf32, #tpu.memory_space<vmem>>) target(%dma_start3A_84 : memref<10112x128xf32, #tpu.memory_space<vmem_shared>>) offsets(%dma_start3A_81 : memref<128xi32, #tpu.memory_space<vmem>>) semaphore(%run_scoped3A_74 : memref<!tpu.dma_semaphore, #tpu.memory_space<semaphore_mem>>) {add = true}
        %dma_wait3A_85 = arith.constant 0 : i32
        %dma_wait3A_86 = arith.constant 0 : i32
        %dma_wait3A_87 = tpu.memref_slice %arg9[%run_scoped3A_66, %dma_wait3A_85, %dma_wait3A_86] : memref<2x128x128xf32, #tpu.memory_space<vmem>> -> memref<1x128x128xf32, #tpu.memory_space<vmem>>
        %dma_wait3A_88 = tpu.memref_squeeze %dma_wait3A_87 : memref<1x128x128xf32, #tpu.memory_space<vmem>> -> memref<128x128xf32, #tpu.memory_space<vmem>>
        %dma_wait3A_89 = arith.constant 0 : i32
        %dma_wait3A_90 = tpu.memref_slice %arg8[%add3A_54, %dma_wait3A_89] : memref<40x128xi32, #tpu.memory_space<vmem>> -> memref<1x128xi32, #tpu.memory_space<vmem>>
        %dma_wait3A_91 = tpu.memref_squeeze %dma_wait3A_90 : memref<1x128xi32, #tpu.memory_space<vmem>> -> memref<128xi32, #tpu.memory_space<vmem>>
        %dma_wait3A_92 = arith.constant 0 : i32
        %dma_wait3A_93 = arith.constant 0 : i32
        %dma_wait3A_94 = tpu.memref_slice %arg10[%dma_wait3A_92, %dma_wait3A_93] : memref<10112x128xf32, #tpu.memory_space<vmem_shared>> -> memref<10112x128xf32, #tpu.memory_space<vmem_shared>>
        tpu.wait_indirect_dma semaphore(%run_scoped3A_74 : memref<!tpu.dma_semaphore, #tpu.memory_space<semaphore_mem>>) src(%dma_wait3A_88 : memref<128x128xf32, #tpu.memory_space<vmem>>) dst(%dma_wait3A_94 : memref<10112x128xf32, #tpu.memory_space<vmem_shared>>)
        tpu.yield
      }) : () -> ()
      %add3A_67 = arith.constant 2 : i32
      %add3A_68 = arith.addi %add3A_54, %add3A_67 : i32
      %lt3A_69 = arith.constant 40 : i32
      %lt3A_70 = arith.cmpi slt, %add3A_68, %lt3A_69 : i32
      %convert_element_type3A_71 = arith.extui %lt3A_70 : i1 to i32
      %cond3A_72 = arith.constant 0 : i32
      %cond3A_73 = arith.cmpi ne, %convert_element_type3A_71, %cond3A_72 : i32
      scf.if %cond3A_73 {
        %dma_start3A_74 = arith.constant 1 : i32
        %dma_start3A_75 = arith.constant 0 : i32
        %dma_start3A_76 = arith.constant 0 : i32
        %dma_start3A_77 = tpu.memref_slice %arg9[%dma_start3A_74, %dma_start3A_75, %dma_start3A_76] : memref<2x128x128xf32, #tpu.memory_space<vmem>> -> memref<1x128x128xf32, #tpu.memory_space<vmem>>
        %dma_start3A_78 = tpu.memref_squeeze %dma_start3A_77 : memref<1x128x128xf32, #tpu.memory_space<vmem>> -> memref<128x128xf32, #tpu.memory_space<vmem>>
        %dma_start3A_79 = arith.constant 0 : i32
        %dma_start3A_80 = tpu.memref_slice %arg7[%add3A_68, %dma_start3A_79] : memref<40x128xi32, #tpu.memory_space<vmem>> -> memref<1x128xi32, #tpu.memory_space<vmem>>
        %dma_start3A_81 = tpu.memref_squeeze %dma_start3A_80 : memref<1x128xi32, #tpu.memory_space<vmem>> -> memref<128xi32, #tpu.memory_space<vmem>>
        %dma_start3A_82 = arith.constant 0 : i32
        %dma_start3A_83 = arith.constant 0 : i32
        %dma_start3A_84 = tpu.memref_slice %arg2[%dma_start3A_82, %dma_start3A_83] : memref<10000x128xf32, #tpu.memory_space<hbm>> -> memref<10000x128xf32, #tpu.memory_space<hbm>>
        tpu.enqueue_indirect_dma source(%dma_start3A_84 : memref<10000x128xf32, #tpu.memory_space<hbm>>) target(%dma_start3A_78 : memref<128x128xf32, #tpu.memory_space<vmem>>) offsets(%dma_start3A_81 : memref<128xi32, #tpu.memory_space<vmem>>) semaphore(%arg12 : memref<!tpu.dma_semaphore, #tpu.memory_space<semaphore_mem>>)
      } else {
      }
    }
    %scan3A_30 = arith.constant 20 : i32
    %barrier3A_31 = arith.constant 0 : index
    tpu.barrier barrier_id(%barrier3A_31)
    "tpu.region"() ({
      %run_scoped3A = tpu.sem_alloc : memref<!tpu.dma_semaphore, #tpu.memory_space<semaphore_mem>>
      %dma_start3A_32 = arith.constant 0 : i32
      %dma_start3A_33 = tpu.memref_slice %arg6[%arg0, %mul3A_2, %dma_start3A_32] : memref<2x10112x128xf32, #tpu.memory_space<hbm>> -> memref<1x632x128xf32, #tpu.memory_space<hbm>>
      %dma_start3A_34 = tpu.memref_squeeze %dma_start3A_33 : memref<1x632x128xf32, #tpu.memory_space<hbm>> -> memref<632x128xf32, #tpu.memory_space<hbm>>
      %dma_start3A_35 = arith.constant 0 : i32
      %dma_start3A_36 = tpu.memref_slice %arg10[%mul3A_2, %dma_start3A_35] : memref<10112x128xf32, #tpu.memory_space<vmem_shared>> -> memref<632x128xf32, #tpu.memory_space<vmem_shared>>
      tpu.enqueue_dma source(%dma_start3A_36 : memref<632x128xf32, #tpu.memory_space<vmem_shared>>) target(%dma_start3A_34 : memref<632x128xf32, #tpu.memory_space<hbm>>) target_semaphore(%run_scoped3A : memref<!tpu.dma_semaphore, #tpu.memory_space<semaphore_mem>>)
      %dma_wait3A = arith.constant 0 : i32
      %dma_wait3A_37 = tpu.memref_slice %arg6[%arg0, %mul3A_2, %dma_wait3A] : memref<2x10112x128xf32, #tpu.memory_space<hbm>> -> memref<1x632x128xf32, #tpu.memory_space<hbm>>
      %dma_wait3A_38 = tpu.memref_squeeze %dma_wait3A_37 : memref<1x632x128xf32, #tpu.memory_space<hbm>> -> memref<632x128xf32, #tpu.memory_space<hbm>>
      %dma_wait3A_39 = arith.constant 0 : i32
      %dma_wait3A_40 = tpu.memref_slice %arg10[%mul3A_2, %dma_wait3A_39] : memref<10112x128xf32, #tpu.memory_space<vmem_shared>> -> memref<632x128xf32, #tpu.memory_space<vmem_shared>>
      tpu.wait_dma2 semaphore(%run_scoped3A : memref<!tpu.dma_semaphore, #tpu.memory_space<semaphore_mem>>) src(%dma_wait3A_40 : memref<632x128xf32, #tpu.memory_space<vmem_shared>>) dst(%dma_wait3A_38 : memref<632x128xf32, #tpu.memory_space<hbm>>)
      tpu.yield
    }) : () -> ()
    return
  }
}

module attributes {stable_mosaic.version = 14 : i64} {
  func.func @body(%arg0: i32, %arg1: memref<400x10000xf32, #tpu.memory_space<vmem>>, %arg2: memref<10000x256xf32, #tpu.memory_space<vmem>>, %arg3: memref<1x256xf32, #tpu.memory_space<vmem>>, %arg4: memref<400x256xf32, #tpu.memory_space<vmem>>) attributes {dimension_semantics = [#tpu.dimension_semantics<parallel>], iteration_bounds = array<i64: 25>, scalar_prefetch = 0 : i64, scratch_operands = 0 : i64, tpu.core_type = #tpu.core_type<tc>, window_params = [{transform_indices = @transform_0, window_bounds = array<i64: 400, 10000>}, {pipeline_mode = #tpu.pipeline_mode<synchronous>, transform_indices = @transform_1, window_bounds = array<i64: 10000, 256>}, {pipeline_mode = #tpu.pipeline_mode<synchronous>, transform_indices = @transform_2, window_bounds = array<i64: 1, 256>}, {transform_indices = @transform_3, window_bounds = array<i64: 400, 256>}]} {
    %get3A = arith.constant 0 : index
    %get3A_0 = arith.constant 0 : index
    %get3A_1 = vector.load %arg1[%get3A, %get3A_0] : memref<400x10000xf32, #tpu.memory_space<vmem>>, vector<400x10000xf32>
    %get3A_2 = arith.constant 0 : index
    %get3A_3 = arith.constant 0 : index
    %get3A_4 = vector.load %arg2[%get3A_2, %get3A_3] : memref<10000x256xf32, #tpu.memory_space<vmem>>, vector<10000x256xf32>
    %dot_general3A = arith.constant dense<0.000000e+00> : vector<400x256xf32>
    %dot_general3A_5 = tpu.matmul %get3A_1, %get3A_4, %dot_general3A {dimension_numbers = #tpu.dot_dimension_numbers<[1], [0], [0], [1], [0, 0, 1, 1], [], []>, transpose_lhs_hint = false} : vector<400x10000xf32>, vector<10000x256xf32>, vector<400x256xf32> -> vector<400x256xf32>
    %get3A_6 = arith.constant 0 : index
    %get3A_7 = arith.constant 0 : index
    %get3A_8 = vector.load %arg3[%get3A_6, %get3A_7] : memref<1x256xf32, #tpu.memory_space<vmem>>, vector<1x256xf32>
    %add3A = vector.broadcast %get3A_8 : vector<1x256xf32> to vector<400x256xf32>
    %add3A_9 = arith.addf %dot_general3A_5, %add3A : vector<400x256xf32>
    %max3A = arith.constant 0.000000e+00 : f32
    %max3A_10 = vector.broadcast %max3A : f32 to vector<400x256xf32>
    %max3A_11 = arith.maximumf %add3A_9, %max3A_10 : vector<400x256xf32>
    %swap3A = arith.constant 0 : index
    %swap3A_12 = arith.constant 0 : index
    %swap3A_13 = vector.load %arg4[%swap3A, %swap3A_12] : memref<400x256xf32, #tpu.memory_space<vmem>>, vector<400x256xf32>
    tpu.vector_store %arg4[%swap3A, %swap3A_12], %max3A_11 {strides = array<i32>} : memref<400x256xf32, #tpu.memory_space<vmem>>, vector<400x256xf32>,
    return
  }
  func.func @transform_0(%arg0: i32) -> (i32, i32) {
    %c0_i32 = arith.constant 0 : i32
    %c0_i32_0 = arith.constant 0 : i32
    return %arg0, %c0_i32 : i32, i32
  }
  func.func @transform_1(%arg0: i32) -> (i32, i32) {
    %c0_i32 = arith.constant 0 : i32
    %c0_i32_0 = arith.constant 0 : i32
    %c0_i32_1 = arith.constant 0 : i32
    return %c0_i32, %c0_i32_0 : i32, i32
  }
  func.func @transform_2(%arg0: i32) -> (i32, i32) {
    %c0_i32 = arith.constant 0 : i32
    %c0_i32_0 = arith.constant 0 : i32
    %c0_i32_1 = arith.constant 0 : i32
    return %c0_i32, %c0_i32_0 : i32, i32
  }
  func.func @transform_3(%arg0: i32) -> (i32, i32) {
    %c0_i32 = arith.constant 0 : i32
    %c0_i32_0 = arith.constant 0 : i32
    return %arg0, %c0_i32 : i32, i32
  }
}

module attributes {stable_mosaic.version = 14 : i64} {
  func.func @body(%arg0: i32, %arg1: memref<2x400x16xf32, #tpu.memory_space<vmem>>, %arg2: memref<400x128xf32, #tpu.memory_space<vmem>>) attributes {dimension_semantics = [#tpu.dimension_semantics<parallel>], iteration_bounds = array<i64: 25>, scalar_prefetch = 0 : i64, scratch_operands = 0 : i64, tpu.core_type = #tpu.core_type<tc>, window_params = [{transform_indices = @transform_0, window_bounds = array<i64: 2, 400, 16>}, {transform_indices = @transform_1, window_bounds = array<i64: 400, 128>}]} {
    %get3A = arith.constant 0 : index
    %get3A_0 = arith.constant 0 : index
    %get3A_1 = arith.constant 0 : index
    %get3A_2 = vector.load %arg1[%get3A, %get3A_0, %get3A_1] : memref<2x400x16xf32, #tpu.memory_space<vmem>>, vector<2x400x16xf32>
    %slice3A = vector.extract_strided_slice %get3A_2 {offsets = [0, 0, 0], sizes = [1, 400, 1], strides = [1, 1, 1]} : vector<2x400x16xf32> to vector<1x400x1xf32>
    %squeeze3A = vector.shape_cast %slice3A : vector<1x400x1xf32> to vector<400x1xf32>
    %slice3A_3 = vector.extract_strided_slice %get3A_2 {offsets = [1, 0, 0], sizes = [1, 400, 1], strides = [1, 1, 1]} : vector<2x400x16xf32> to vector<1x400x1xf32>
    %squeeze3A_4 = vector.shape_cast %slice3A_3 : vector<1x400x1xf32> to vector<400x1xf32>
    %add3A = arith.addf %squeeze3A, %squeeze3A_4 : vector<400x1xf32>
    %max3A = arith.constant 1.000000e+00 : f32
    %max3A_5 = vector.broadcast %max3A : f32 to vector<400x1xf32>
    %max3A_6 = arith.maximumf %add3A, %max3A_5 : vector<400x1xf32>
    %rsqrt3A = math.rsqrt %max3A_6 : vector<400x1xf32>
    %broadcast_in_dim3A = vector.shape_cast %rsqrt3A : vector<400x1xf32> to vector<400x1xf32>
    %broadcast_in_dim3A_7 = vector.broadcast %broadcast_in_dim3A : vector<400x1xf32> to vector<400x128xf32>
    %swap3A = arith.constant 0 : index
    %swap3A_8 = arith.constant 0 : index
    %swap3A_9 = vector.load %arg2[%swap3A, %swap3A_8] : memref<400x128xf32, #tpu.memory_space<vmem>>, vector<400x128xf32>
    tpu.vector_store %arg2[%swap3A, %swap3A_8], %broadcast_in_dim3A_7 {strides = array<i32>} : memref<400x128xf32, #tpu.memory_space<vmem>>, vector<400x128xf32>,
    return
  }
  func.func @transform_0(%arg0: i32) -> (i32, i32, i32) {
    %c0_i32 = arith.constant 0 : i32
    %c0_i32_0 = arith.constant 0 : i32
    %c0_i32_1 = arith.constant 0 : i32
    return %c0_i32, %arg0, %c0_i32_0 : i32, i32, i32
  }
  func.func @transform_1(%arg0: i32) -> (i32, i32) {
    %c0_i32 = arith.constant 0 : i32
    %c0_i32_0 = arith.constant 0 : i32
    return %arg0, %c0_i32 : i32, i32
  }
}

module attributes {stable_mosaic.version = 14 : i64} {
  func.func @body(%arg0: i32, %arg1: memref<400x256xf32, #tpu.memory_space<vmem>>, %arg2: memref<400x128xf32, #tpu.memory_space<vmem>>, %arg3: memref<400x128xf32, #tpu.memory_space<vmem>>, %arg4: memref<256x128xf32, #tpu.memory_space<vmem>>, %arg5: memref<1x128xf32, #tpu.memory_space<vmem>>, %arg6: memref<128x64xf32, #tpu.memory_space<vmem>>, %arg7: memref<1x64xf32, #tpu.memory_space<vmem>>, %arg8: memref<64x128xf32, #tpu.memory_space<vmem>>, %arg9: memref<1x128xf32, #tpu.memory_space<vmem>>, %arg10: memref<128x256xf32, #tpu.memory_space<vmem>>, %arg11: memref<1x256xf32, #tpu.memory_space<vmem>>, %arg12: memref<400x128xf32, #tpu.memory_space<vmem>>, %arg13: memref<400x64xf32, #tpu.memory_space<vmem>>, %arg14: memref<400x128xf32, #tpu.memory_space<vmem>>, %arg15: memref<400x256xf32, #tpu.memory_space<vmem>>, %arg16: memref<400x128xf32, #tpu.memory_space<vmem>>) attributes {dimension_semantics = [#tpu.dimension_semantics<parallel>], iteration_bounds = array<i64: 25>, scalar_prefetch = 0 : i64, scratch_operands = 0 : i64, tpu.core_type = #tpu.core_type<tc>, window_params = [{transform_indices = @transform_0, window_bounds = array<i64: 400, 256>}, {transform_indices = @transform_1, window_bounds = array<i64: 400, 128>}, {transform_indices = @transform_2, window_bounds = array<i64: 400, 128>}, {pipeline_mode = #tpu.pipeline_mode<synchronous>, transform_indices = @transform_3, window_bounds = array<i64: 256, 128>}, {pipeline_mode = #tpu.pipeline_mode<synchronous>, transform_indices = @transform_4, window_bounds = array<i64: 1, 128>}, {pipeline_mode = #tpu.pipeline_mode<synchronous>, transform_indices = @transform_5, window_bounds = array<i64: 128, 64>}, {pipeline_mode = #tpu.pipeline_mode<synchronous>, transform_indices = @transform_6, window_bounds = array<i64: 1, 64>}, {pipeline_mode = #tpu.pipeline_mode<synchronous>, transform_indices = @transform_7, window_bounds = array<i64: 64, 128>}, {pipeline_mode = #tpu.pipeline_mode<synchronous>, transform_indices = @transform_8, window_bounds = array<i64: 1, 128>}, {pipeline_mode = #tpu.pipeline_mode<synchronous>, transform_indices = @transform_9, window_bounds = array<i64: 128, 256>}, {pipeline_mode = #tpu.pipeline_mode<synchronous>, transform_indices = @transform_10, window_bounds = array<i64: 1, 256>}, {transform_indices = @transform_11, window_bounds = array<i64: 400, 128>}, {transform_indices = @transform_12, window_bounds = array<i64: 400, 64>}, {transform_indices = @transform_13, window_bounds = array<i64: 400, 128>}, {transform_indices = @transform_14, window_bounds = array<i64: 400, 256>}, {transform_indices = @transform_15, window_bounds = array<i64: 400, 128>}]} {
    %get3A = arith.constant 0 : index
    %get3A_0 = arith.constant 0 : index
    %get3A_1 = vector.load %arg1[%get3A, %get3A_0] : memref<400x256xf32, #tpu.memory_space<vmem>>, vector<400x256xf32>
    %get3A_2 = arith.constant 0 : index
    %get3A_3 = arith.constant 0 : index
    %get3A_4 = vector.load %arg2[%get3A_2, %get3A_3] : memref<400x128xf32, #tpu.memory_space<vmem>>, vector<400x128xf32>
    %get3A_5 = arith.constant 0 : index
    %get3A_6 = arith.constant 0 : index
    %get3A_7 = vector.load %arg3[%get3A_5, %get3A_6] : memref<400x128xf32, #tpu.memory_space<vmem>>, vector<400x128xf32>
    %get3A_8 = arith.constant 0 : index
    %get3A_9 = arith.constant 0 : index
    %get3A_10 = vector.load %arg4[%get3A_8, %get3A_9] : memref<256x128xf32, #tpu.memory_space<vmem>>, vector<256x128xf32>
    %get3A_11 = arith.constant 0 : index
    %get3A_12 = arith.constant 0 : index
    %get3A_13 = vector.load %arg5[%get3A_11, %get3A_12] : memref<1x128xf32, #tpu.memory_space<vmem>>, vector<1x128xf32>
    %get3A_14 = arith.constant 0 : index
    %get3A_15 = arith.constant 0 : index
    %get3A_16 = vector.load %arg6[%get3A_14, %get3A_15] : memref<128x64xf32, #tpu.memory_space<vmem>>, vector<128x64xf32>
    %get3A_17 = arith.constant 0 : index
    %get3A_18 = arith.constant 0 : index
    %get3A_19 = vector.load %arg7[%get3A_17, %get3A_18] : memref<1x64xf32, #tpu.memory_space<vmem>>, vector<1x64xf32>
    %get3A_20 = arith.constant 0 : index
    %get3A_21 = arith.constant 0 : index
    %get3A_22 = vector.load %arg8[%get3A_20, %get3A_21] : memref<64x128xf32, #tpu.memory_space<vmem>>, vector<64x128xf32>
    %get3A_23 = arith.constant 0 : index
    %get3A_24 = arith.constant 0 : index
    %get3A_25 = vector.load %arg9[%get3A_23, %get3A_24] : memref<1x128xf32, #tpu.memory_space<vmem>>, vector<1x128xf32>
    %get3A_26 = arith.constant 0 : index
    %get3A_27 = arith.constant 0 : index
    %get3A_28 = vector.load %arg10[%get3A_26, %get3A_27] : memref<128x256xf32, #tpu.memory_space<vmem>>, vector<128x256xf32>
    %get3A_29 = arith.constant 0 : index
    %get3A_30 = arith.constant 0 : index
    %get3A_31 = vector.load %arg11[%get3A_29, %get3A_30] : memref<1x256xf32, #tpu.memory_space<vmem>>, vector<1x256xf32>
    %dot_general3A = arith.constant dense<0.000000e+00> : vector<400x128xf32>
    %dot_general3A_32 = tpu.matmul %get3A_1, %get3A_10, %dot_general3A {dimension_numbers = #tpu.dot_dimension_numbers<[1], [0], [0], [1], [0, 0, 1, 1], [], []>, transpose_lhs_hint = false} : vector<400x256xf32>, vector<256x128xf32>, vector<400x128xf32> -> vector<400x128xf32>
    %add3A = vector.broadcast %get3A_13 : vector<1x128xf32> to vector<400x128xf32>
    %add3A_33 = arith.addf %dot_general3A_32, %add3A : vector<400x128xf32>
    %max3A = arith.constant 0.000000e+00 : f32
    %max3A_34 = vector.broadcast %max3A : f32 to vector<400x128xf32>
    %max3A_35 = arith.maximumf %add3A_33, %max3A_34 : vector<400x128xf32>
    %dot_general3A_36 = arith.constant dense<0.000000e+00> : vector<400x64xf32>
    %dot_general3A_37 = tpu.matmul %max3A_35, %get3A_16, %dot_general3A_36 {dimension_numbers = #tpu.dot_dimension_numbers<[1], [0], [0], [1], [0, 0, 1, 1], [], []>, transpose_lhs_hint = false} : vector<400x128xf32>, vector<128x64xf32>, vector<400x64xf32> -> vector<400x64xf32>
    %add3A_38 = vector.broadcast %get3A_19 : vector<1x64xf32> to vector<400x64xf32>
    %add3A_39 = arith.addf %dot_general3A_37, %add3A_38 : vector<400x64xf32>
    %max3A_40 = arith.constant 0.000000e+00 : f32
    %max3A_41 = vector.broadcast %max3A_40 : f32 to vector<400x64xf32>
    %max3A_42 = arith.maximumf %add3A_39, %max3A_41 : vector<400x64xf32>
    %dot_general3A_43 = arith.constant dense<0.000000e+00> : vector<400x128xf32>
    %dot_general3A_44 = tpu.matmul %max3A_42, %get3A_22, %dot_general3A_43 {dimension_numbers = #tpu.dot_dimension_numbers<[1], [0], [0], [1], [0, 0, 1, 1], [], []>, transpose_lhs_hint = false} : vector<400x64xf32>, vector<64x128xf32>, vector<400x128xf32> -> vector<400x128xf32>
    %add3A_45 = vector.broadcast %get3A_25 : vector<1x128xf32> to vector<400x128xf32>
    %add3A_46 = arith.addf %dot_general3A_44, %add3A_45 : vector<400x128xf32>
    %max3A_47 = arith.constant 0.000000e+00 : f32
    %max3A_48 = vector.broadcast %max3A_47 : f32 to vector<400x128xf32>
    %max3A_49 = arith.maximumf %add3A_46, %max3A_48 : vector<400x128xf32>
    %dot_general3A_50 = arith.constant dense<0.000000e+00> : vector<400x256xf32>
    %dot_general3A_51 = tpu.matmul %max3A_49, %get3A_28, %dot_general3A_50 {dimension_numbers = #tpu.dot_dimension_numbers<[1], [0], [0], [1], [0, 0, 1, 1], [], []>, transpose_lhs_hint = false} : vector<400x128xf32>, vector<128x256xf32>, vector<400x256xf32> -> vector<400x256xf32>
    %add3A_52 = vector.broadcast %get3A_31 : vector<1x256xf32> to vector<400x256xf32>
    %add3A_53 = arith.addf %dot_general3A_51, %add3A_52 : vector<400x256xf32>
    %max3A_54 = arith.constant 0.000000e+00 : f32
    %max3A_55 = vector.broadcast %max3A_54 : f32 to vector<400x256xf32>
    %max3A_56 = arith.maximumf %add3A_53, %max3A_55 : vector<400x256xf32>
    %slice3A = vector.extract_strided_slice %get3A_7 {offsets = [0, 0], sizes = [400, 1], strides = [1, 1]} : vector<400x128xf32> to vector<400x1xf32>
    %mul3A = vector.broadcast %slice3A : vector<400x1xf32> to vector<400x128xf32>
    %mul3A_57 = arith.mulf %mul3A, %get3A_4 : vector<400x128xf32>
    %swap3A = arith.constant 0 : index
    %swap3A_58 = arith.constant 0 : index
    %swap3A_59 = vector.load %arg12[%swap3A, %swap3A_58] : memref<400x128xf32, #tpu.memory_space<vmem>>, vector<400x128xf32>
    tpu.vector_store %arg12[%swap3A, %swap3A_58], %max3A_35 {strides = array<i32>} : memref<400x128xf32, #tpu.memory_space<vmem>>, vector<400x128xf32>,
    %swap3A_60 = arith.constant 0 : index
    %swap3A_61 = arith.constant 0 : index
    %swap3A_62 = vector.load %arg13[%swap3A_60, %swap3A_61] : memref<400x64xf32, #tpu.memory_space<vmem>>, vector<400x64xf32>
    tpu.vector_store %arg13[%swap3A_60, %swap3A_61], %max3A_42 {strides = array<i32>} : memref<400x64xf32, #tpu.memory_space<vmem>>, vector<400x64xf32>,
    %swap3A_63 = arith.constant 0 : index
    %swap3A_64 = arith.constant 0 : index
    %swap3A_65 = vector.load %arg14[%swap3A_63, %swap3A_64] : memref<400x128xf32, #tpu.memory_space<vmem>>, vector<400x128xf32>
    tpu.vector_store %arg14[%swap3A_63, %swap3A_64], %max3A_49 {strides = array<i32>} : memref<400x128xf32, #tpu.memory_space<vmem>>, vector<400x128xf32>,
    %swap3A_66 = arith.constant 0 : index
    %swap3A_67 = arith.constant 0 : index
    %swap3A_68 = vector.load %arg15[%swap3A_66, %swap3A_67] : memref<400x256xf32, #tpu.memory_space<vmem>>, vector<400x256xf32>
    tpu.vector_store %arg15[%swap3A_66, %swap3A_67], %max3A_56 {strides = array<i32>} : memref<400x256xf32, #tpu.memory_space<vmem>>, vector<400x256xf32>,
    %swap3A_69 = arith.constant 0 : index
    %swap3A_70 = arith.constant 0 : index
    %swap3A_71 = vector.load %arg16[%swap3A_69, %swap3A_70] : memref<400x128xf32, #tpu.memory_space<vmem>>, vector<400x128xf32>
    tpu.vector_store %arg16[%swap3A_69, %swap3A_70], %mul3A_57 {strides = array<i32>} : memref<400x128xf32, #tpu.memory_space<vmem>>, vector<400x128xf32>,
    return
  }
  func.func @transform_0(%arg0: i32) -> (i32, i32) {
    %c0_i32 = arith.constant 0 : i32
    %c0_i32_0 = arith.constant 0 : i32
    return %arg0, %c0_i32 : i32, i32
  }
  func.func @transform_1(%arg0: i32) -> (i32, i32) {
    %c0_i32 = arith.constant 0 : i32
    %c0_i32_0 = arith.constant 0 : i32
    return %arg0, %c0_i32 : i32, i32
  }
  func.func @transform_2(%arg0: i32) -> (i32, i32) {
    %c0_i32 = arith.constant 0 : i32
    %c0_i32_0 = arith.constant 0 : i32
    return %arg0, %c0_i32 : i32, i32
  }
  func.func @transform_3(%arg0: i32) -> (i32, i32) {
    %c0_i32 = arith.constant 0 : i32
    %c0_i32_0 = arith.constant 0 : i32
    %c0_i32_1 = arith.constant 0 : i32
    return %c0_i32, %c0_i32_0 : i32, i32
  }
  func.func @transform_4(%arg0: i32) -> (i32, i32) {
    %c0_i32 = arith.constant 0 : i32
    %c0_i32_0 = arith.constant 0 : i32
    %c0_i32_1 = arith.constant 0 : i32
    return %c0_i32, %c0_i32_0 : i32, i32
  }
  func.func @transform_5(%arg0: i32) -> (i32, i32) {
    %c0_i32 = arith.constant 0 : i32
    %c0_i32_0 = arith.constant 0 : i32
    %c0_i32_1 = arith.constant 0 : i32
    return %c0_i32, %c0_i32_0 : i32, i32
  }
  func.func @transform_6(%arg0: i32) -> (i32, i32) {
    %c0_i32 = arith.constant 0 : i32
    %c0_i32_0 = arith.constant 0 : i32
    %c0_i32_1 = arith.constant 0 : i32
    return %c0_i32, %c0_i32_0 : i32, i32
  }
  func.func @transform_7(%arg0: i32) -> (i32, i32) {
    %c0_i32 = arith.constant 0 : i32
    %c0_i32_0 = arith.constant 0 : i32
    %c0_i32_1 = arith.constant 0 : i32
    return %c0_i32, %c0_i32_0 : i32, i32
  }
  func.func @transform_8(%arg0: i32) -> (i32, i32) {
    %c0_i32 = arith.constant 0 : i32
    %c0_i32_0 = arith.constant 0 : i32
    %c0_i32_1 = arith.constant 0 : i32
    return %c0_i32, %c0_i32_0 : i32, i32
  }
  func.func @transform_9(%arg0: i32) -> (i32, i32) {
    %c0_i32 = arith.constant 0 : i32
    %c0_i32_0 = arith.constant 0 : i32
    %c0_i32_1 = arith.constant 0 : i32
    return %c0_i32, %c0_i32_0 : i32, i32
  }
  func.func @transform_10(%arg0: i32) -> (i32, i32) {
    %c0_i32 = arith.constant 0 : i32
    %c0_i32_0 = arith.constant 0 : i32
    %c0_i32_1 = arith.constant 0 : i32
    return %c0_i32, %c0_i32_0 : i32, i32
  }
  func.func @transform_11(%arg0: i32) -> (i32, i32) {
    %c0_i32 = arith.constant 0 : i32
    %c0_i32_0 = arith.constant 0 : i32
    return %arg0, %c0_i32 : i32, i32
  }
  func.func @transform_12(%arg0: i32) -> (i32, i32) {
    %c0_i32 = arith.constant 0 : i32
    %c0_i32_0 = arith.constant 0 : i32
    return %arg0, %c0_i32 : i32, i32
  }
  func.func @transform_13(%arg0: i32) -> (i32, i32) {
    %c0_i32 = arith.constant 0 : i32
    %c0_i32_0 = arith.constant 0 : i32
    return %arg0, %c0_i32 : i32, i32
  }
  func.func @transform_14(%arg0: i32) -> (i32, i32) {
    %c0_i32 = arith.constant 0 : i32
    %c0_i32_0 = arith.constant 0 : i32
    return %arg0, %c0_i32 : i32, i32
  }
  func.func @transform_15(%arg0: i32) -> (i32, i32) {
    %c0_i32 = arith.constant 0 : i32
    %c0_i32_0 = arith.constant 0 : i32
    return %arg0, %c0_i32 : i32, i32
  }
}

module attributes {stable_mosaic.version = 14 : i64} {
  func.func @body(%arg0: i32, %arg1: memref<2x400x128xf32, #tpu.memory_space<vmem>>, %arg2: memref<400x128xf32, #tpu.memory_space<vmem>>, %arg3: memref<400x256xf32, #tpu.memory_space<vmem>>, %arg4: memref<128x256xf32, #tpu.memory_space<vmem>>, %arg5: memref<1x256xf32, #tpu.memory_space<vmem>>, %arg6: memref<256x128xf32, #tpu.memory_space<vmem>>, %arg7: memref<400x128xf32, #tpu.memory_space<vmem>>) attributes {dimension_semantics = [#tpu.dimension_semantics<parallel>], iteration_bounds = array<i64: 25>, scalar_prefetch = 0 : i64, scratch_operands = 0 : i64, tpu.core_type = #tpu.core_type<tc>, window_params = [{transform_indices = @transform_0, window_bounds = array<i64: 2, 400, 128>}, {transform_indices = @transform_1, window_bounds = array<i64: 400, 128>}, {transform_indices = @transform_2, window_bounds = array<i64: 400, 256>}, {pipeline_mode = #tpu.pipeline_mode<synchronous>, transform_indices = @transform_3, window_bounds = array<i64: 128, 256>}, {pipeline_mode = #tpu.pipeline_mode<synchronous>, transform_indices = @transform_4, window_bounds = array<i64: 1, 256>}, {pipeline_mode = #tpu.pipeline_mode<synchronous>, transform_indices = @transform_5, window_bounds = array<i64: 256, 128>}, {transform_indices = @transform_6, window_bounds = array<i64: 400, 128>}]} {
    %get3A = arith.constant 0 : index
    %get3A_0 = arith.constant 0 : index
    %get3A_1 = arith.constant 0 : index
    %get3A_2 = vector.load %arg1[%get3A, %get3A_0, %get3A_1] : memref<2x400x128xf32, #tpu.memory_space<vmem>>, vector<2x400x128xf32>
    %get3A_3 = arith.constant 0 : index
    %get3A_4 = arith.constant 0 : index
    %get3A_5 = vector.load %arg2[%get3A_3, %get3A_4] : memref<400x128xf32, #tpu.memory_space<vmem>>, vector<400x128xf32>
    %get3A_6 = arith.constant 0 : index
    %get3A_7 = arith.constant 0 : index
    %get3A_8 = vector.load %arg3[%get3A_6, %get3A_7] : memref<400x256xf32, #tpu.memory_space<vmem>>, vector<400x256xf32>
    %get3A_9 = arith.constant 0 : index
    %get3A_10 = arith.constant 0 : index
    %get3A_11 = vector.load %arg4[%get3A_9, %get3A_10] : memref<128x256xf32, #tpu.memory_space<vmem>>, vector<128x256xf32>
    %get3A_12 = arith.constant 0 : index
    %get3A_13 = arith.constant 0 : index
    %get3A_14 = vector.load %arg5[%get3A_12, %get3A_13] : memref<1x256xf32, #tpu.memory_space<vmem>>, vector<1x256xf32>
    %get3A_15 = arith.constant 0 : index
    %get3A_16 = arith.constant 0 : index
    %get3A_17 = vector.load %arg6[%get3A_15, %get3A_16] : memref<256x128xf32, #tpu.memory_space<vmem>>, vector<256x128xf32>
    %slice3A = vector.extract_strided_slice %get3A_5 {offsets = [0, 0], sizes = [400, 1], strides = [1, 1]} : vector<400x128xf32> to vector<400x1xf32>
    %slice3A_18 = vector.extract_strided_slice %get3A_2 {offsets = [0, 0, 0], sizes = [1, 400, 128], strides = [1, 1, 1]} : vector<2x400x128xf32> to vector<1x400x128xf32>
    %squeeze3A = vector.shape_cast %slice3A_18 : vector<1x400x128xf32> to vector<400x128xf32>
    %slice3A_19 = vector.extract_strided_slice %get3A_2 {offsets = [1, 0, 0], sizes = [1, 400, 128], strides = [1, 1, 1]} : vector<2x400x128xf32> to vector<1x400x128xf32>
    %squeeze3A_20 = vector.shape_cast %slice3A_19 : vector<1x400x128xf32> to vector<400x128xf32>
    %add3A = arith.addf %squeeze3A, %squeeze3A_20 : vector<400x128xf32>
    %mul3A = vector.broadcast %slice3A : vector<400x1xf32> to vector<400x128xf32>
    %mul3A_21 = arith.mulf %mul3A, %add3A : vector<400x128xf32>
    %dot_general3A = arith.constant dense<0.000000e+00> : vector<400x256xf32>
    %dot_general3A_22 = tpu.matmul %mul3A_21, %get3A_11, %dot_general3A {dimension_numbers = #tpu.dot_dimension_numbers<[1], [0], [0], [1], [0, 0, 1, 1], [], []>, transpose_lhs_hint = false} : vector<400x128xf32>, vector<128x256xf32>, vector<400x256xf32> -> vector<400x256xf32>
    %add3A_23 = vector.broadcast %get3A_14 : vector<1x256xf32> to vector<400x256xf32>
    %add3A_24 = arith.addf %dot_general3A_22, %add3A_23 : vector<400x256xf32>
    %max3A = arith.constant 0.000000e+00 : f32
    %max3A_25 = vector.broadcast %max3A : f32 to vector<400x256xf32>
    %max3A_26 = arith.maximumf %add3A_24, %max3A_25 : vector<400x256xf32>
    %add3A_27 = arith.addf %max3A_26, %get3A_8 : vector<400x256xf32>
    %mul3A_28 = vector.broadcast %slice3A : vector<400x1xf32> to vector<400x256xf32>
    %mul3A_29 = arith.mulf %mul3A_28, %add3A_27 : vector<400x256xf32>
    %dot_general3A_30 = arith.constant dense<0.000000e+00> : vector<400x128xf32>
    %dot_general3A_31 = tpu.matmul %mul3A_29, %get3A_17, %dot_general3A_30 {dimension_numbers = #tpu.dot_dimension_numbers<[1], [0], [0], [1], [0, 0, 1, 1], [], []>, transpose_lhs_hint = false} : vector<400x256xf32>, vector<256x128xf32>, vector<400x128xf32> -> vector<400x128xf32>
    %swap3A = arith.constant 0 : index
    %swap3A_32 = arith.constant 0 : index
    %swap3A_33 = vector.load %arg7[%swap3A, %swap3A_32] : memref<400x128xf32, #tpu.memory_space<vmem>>, vector<400x128xf32>
    tpu.vector_store %arg7[%swap3A, %swap3A_32], %dot_general3A_31 {strides = array<i32>} : memref<400x128xf32, #tpu.memory_space<vmem>>, vector<400x128xf32>,
    return
  }
  func.func @transform_0(%arg0: i32) -> (i32, i32, i32) {
    %c0_i32 = arith.constant 0 : i32
    %c0_i32_0 = arith.constant 0 : i32
    %c0_i32_1 = arith.constant 0 : i32
    return %c0_i32, %arg0, %c0_i32_0 : i32, i32, i32
  }
  func.func @transform_1(%arg0: i32) -> (i32, i32) {
    %c0_i32 = arith.constant 0 : i32
    %c0_i32_0 = arith.constant 0 : i32
    return %arg0, %c0_i32 : i32, i32
  }
  func.func @transform_2(%arg0: i32) -> (i32, i32) {
    %c0_i32 = arith.constant 0 : i32
    %c0_i32_0 = arith.constant 0 : i32
    return %arg0, %c0_i32 : i32, i32
  }
  func.func @transform_3(%arg0: i32) -> (i32, i32) {
    %c0_i32 = arith.constant 0 : i32
    %c0_i32_0 = arith.constant 0 : i32
    %c0_i32_1 = arith.constant 0 : i32
    return %c0_i32, %c0_i32_0 : i32, i32
  }
  func.func @transform_4(%arg0: i32) -> (i32, i32) {
    %c0_i32 = arith.constant 0 : i32
    %c0_i32_0 = arith.constant 0 : i32
    %c0_i32_1 = arith.constant 0 : i32
    return %c0_i32, %c0_i32_0 : i32, i32
  }
  func.func @transform_5(%arg0: i32) -> (i32, i32) {
    %c0_i32 = arith.constant 0 : i32
    %c0_i32_0 = arith.constant 0 : i32
    %c0_i32_1 = arith.constant 0 : i32
    return %c0_i32, %c0_i32_0 : i32, i32
  }
  func.func @transform_6(%arg0: i32) -> (i32, i32) {
    %c0_i32 = arith.constant 0 : i32
    %c0_i32_0 = arith.constant 0 : i32
    return %arg0, %c0_i32 : i32, i32
  }
}

module attributes {stable_mosaic.version = 14 : i64} {
  func.func @body(%arg0: i32, %arg1: memref<2x400x128xf32, #tpu.memory_space<vmem>>, %arg2: memref<400x128xf32, #tpu.memory_space<vmem>>, %arg3: memref<400x128xf32, #tpu.memory_space<vmem>>, %arg4: memref<1x128xf32, #tpu.memory_space<vmem>>, %arg5: memref<128x64xf32, #tpu.memory_space<vmem>>, %arg6: memref<400x64xf32, #tpu.memory_space<vmem>>) attributes {dimension_semantics = [#tpu.dimension_semantics<parallel>], iteration_bounds = array<i64: 25>, scalar_prefetch = 0 : i64, scratch_operands = 0 : i64, tpu.core_type = #tpu.core_type<tc>, window_params = [{transform_indices = @transform_0, window_bounds = array<i64: 2, 400, 128>}, {transform_indices = @transform_1, window_bounds = array<i64: 400, 128>}, {transform_indices = @transform_2, window_bounds = array<i64: 400, 128>}, {pipeline_mode = #tpu.pipeline_mode<synchronous>, transform_indices = @transform_3, window_bounds = array<i64: 1, 128>}, {pipeline_mode = #tpu.pipeline_mode<synchronous>, transform_indices = @transform_4, window_bounds = array<i64: 128, 64>}, {transform_indices = @transform_5, window_bounds = array<i64: 400, 64>}]} {
    %get3A = arith.constant 0 : index
    %get3A_0 = arith.constant 0 : index
    %get3A_1 = arith.constant 0 : index
    %get3A_2 = vector.load %arg1[%get3A, %get3A_0, %get3A_1] : memref<2x400x128xf32, #tpu.memory_space<vmem>>, vector<2x400x128xf32>
    %get3A_3 = arith.constant 0 : index
    %get3A_4 = arith.constant 0 : index
    %get3A_5 = vector.load %arg2[%get3A_3, %get3A_4] : memref<400x128xf32, #tpu.memory_space<vmem>>, vector<400x128xf32>
    %get3A_6 = arith.constant 0 : index
    %get3A_7 = arith.constant 0 : index
    %get3A_8 = vector.load %arg3[%get3A_6, %get3A_7] : memref<400x128xf32, #tpu.memory_space<vmem>>, vector<400x128xf32>
    %get3A_9 = arith.constant 0 : index
    %get3A_10 = arith.constant 0 : index
    %get3A_11 = vector.load %arg4[%get3A_9, %get3A_10] : memref<1x128xf32, #tpu.memory_space<vmem>>, vector<1x128xf32>
    %get3A_12 = arith.constant 0 : index
    %get3A_13 = arith.constant 0 : index
    %get3A_14 = vector.load %arg5[%get3A_12, %get3A_13] : memref<128x64xf32, #tpu.memory_space<vmem>>, vector<128x64xf32>
    %slice3A = vector.extract_strided_slice %get3A_5 {offsets = [0, 0], sizes = [400, 1], strides = [1, 1]} : vector<400x128xf32> to vector<400x1xf32>
    %slice3A_15 = vector.extract_strided_slice %get3A_2 {offsets = [0, 0, 0], sizes = [1, 400, 128], strides = [1, 1, 1]} : vector<2x400x128xf32> to vector<1x400x128xf32>
    %squeeze3A = vector.shape_cast %slice3A_15 : vector<1x400x128xf32> to vector<400x128xf32>
    %slice3A_16 = vector.extract_strided_slice %get3A_2 {offsets = [1, 0, 0], sizes = [1, 400, 128], strides = [1, 1, 1]} : vector<2x400x128xf32> to vector<1x400x128xf32>
    %squeeze3A_17 = vector.shape_cast %slice3A_16 : vector<1x400x128xf32> to vector<400x128xf32>
    %add3A = arith.addf %squeeze3A, %squeeze3A_17 : vector<400x128xf32>
    %mul3A = vector.broadcast %slice3A : vector<400x1xf32> to vector<400x128xf32>
    %mul3A_18 = arith.mulf %mul3A, %add3A : vector<400x128xf32>
    %add3A_19 = vector.broadcast %get3A_11 : vector<1x128xf32> to vector<400x128xf32>
    %add3A_20 = arith.addf %mul3A_18, %add3A_19 : vector<400x128xf32>
    %max3A = arith.constant 0.000000e+00 : f32
    %max3A_21 = vector.broadcast %max3A : f32 to vector<400x128xf32>
    %max3A_22 = arith.maximumf %add3A_20, %max3A_21 : vector<400x128xf32>
    %add3A_23 = arith.addf %max3A_22, %get3A_8 : vector<400x128xf32>
    %mul3A_24 = vector.broadcast %slice3A : vector<400x1xf32> to vector<400x128xf32>
    %mul3A_25 = arith.mulf %mul3A_24, %add3A_23 : vector<400x128xf32>
    %dot_general3A = arith.constant dense<0.000000e+00> : vector<400x64xf32>
    %dot_general3A_26 = tpu.matmul %mul3A_25, %get3A_14, %dot_general3A {dimension_numbers = #tpu.dot_dimension_numbers<[1], [0], [0], [1], [0, 0, 1, 1], [], []>, transpose_lhs_hint = false} : vector<400x128xf32>, vector<128x64xf32>, vector<400x64xf32> -> vector<400x64xf32>
    %swap3A = arith.constant 0 : index
    %swap3A_27 = arith.constant 0 : index
    %swap3A_28 = vector.load %arg6[%swap3A, %swap3A_27] : memref<400x64xf32, #tpu.memory_space<vmem>>, vector<400x64xf32>
    tpu.vector_store %arg6[%swap3A, %swap3A_27], %dot_general3A_26 {strides = array<i32>} : memref<400x64xf32, #tpu.memory_space<vmem>>, vector<400x64xf32>,
    return
  }
  func.func @transform_0(%arg0: i32) -> (i32, i32, i32) {
    %c0_i32 = arith.constant 0 : i32
    %c0_i32_0 = arith.constant 0 : i32
    %c0_i32_1 = arith.constant 0 : i32
    return %c0_i32, %arg0, %c0_i32_0 : i32, i32, i32
  }
  func.func @transform_1(%arg0: i32) -> (i32, i32) {
    %c0_i32 = arith.constant 0 : i32
    %c0_i32_0 = arith.constant 0 : i32
    return %arg0, %c0_i32 : i32, i32
  }
  func.func @transform_2(%arg0: i32) -> (i32, i32) {
    %c0_i32 = arith.constant 0 : i32
    %c0_i32_0 = arith.constant 0 : i32
    return %arg0, %c0_i32 : i32, i32
  }
  func.func @transform_3(%arg0: i32) -> (i32, i32) {
    %c0_i32 = arith.constant 0 : i32
    %c0_i32_0 = arith.constant 0 : i32
    %c0_i32_1 = arith.constant 0 : i32
    return %c0_i32, %c0_i32_0 : i32, i32
  }
  func.func @transform_4(%arg0: i32) -> (i32, i32) {
    %c0_i32 = arith.constant 0 : i32
    %c0_i32_0 = arith.constant 0 : i32
    %c0_i32_1 = arith.constant 0 : i32
    return %c0_i32, %c0_i32_0 : i32, i32
  }
  func.func @transform_5(%arg0: i32) -> (i32, i32) {
    %c0_i32 = arith.constant 0 : i32
    %c0_i32_0 = arith.constant 0 : i32
    return %arg0, %c0_i32 : i32, i32
  }
}

module attributes {stable_mosaic.version = 14 : i64} {
  func.func @body(%arg0: i32, %arg1: memref<2x400x64xf32, #tpu.memory_space<vmem>>, %arg2: memref<400x128xf32, #tpu.memory_space<vmem>>, %arg3: memref<400x64xf32, #tpu.memory_space<vmem>>, %arg4: memref<1x64xf32, #tpu.memory_space<vmem>>, %arg5: memref<64x64xf32, #tpu.memory_space<vmem>>, %arg6: memref<400x64xf32, #tpu.memory_space<vmem>>) attributes {dimension_semantics = [#tpu.dimension_semantics<parallel>], iteration_bounds = array<i64: 25>, scalar_prefetch = 0 : i64, scratch_operands = 0 : i64, tpu.core_type = #tpu.core_type<tc>, window_params = [{transform_indices = @transform_0, window_bounds = array<i64: 2, 400, 64>}, {transform_indices = @transform_1, window_bounds = array<i64: 400, 128>}, {transform_indices = @transform_2, window_bounds = array<i64: 400, 64>}, {pipeline_mode = #tpu.pipeline_mode<synchronous>, transform_indices = @transform_3, window_bounds = array<i64: 1, 64>}, {pipeline_mode = #tpu.pipeline_mode<synchronous>, transform_indices = @transform_4, window_bounds = array<i64: 64, 64>}, {transform_indices = @transform_5, window_bounds = array<i64: 400, 64>}]} {
    %get3A = arith.constant 0 : index
    %get3A_0 = arith.constant 0 : index
    %get3A_1 = arith.constant 0 : index
    %get3A_2 = vector.load %arg1[%get3A, %get3A_0, %get3A_1] : memref<2x400x64xf32, #tpu.memory_space<vmem>>, vector<2x400x64xf32>
    %get3A_3 = arith.constant 0 : index
    %get3A_4 = arith.constant 0 : index
    %get3A_5 = vector.load %arg2[%get3A_3, %get3A_4] : memref<400x128xf32, #tpu.memory_space<vmem>>, vector<400x128xf32>
    %get3A_6 = arith.constant 0 : index
    %get3A_7 = arith.constant 0 : index
    %get3A_8 = vector.load %arg3[%get3A_6, %get3A_7] : memref<400x64xf32, #tpu.memory_space<vmem>>, vector<400x64xf32>
    %get3A_9 = arith.constant 0 : index
    %get3A_10 = arith.constant 0 : index
    %get3A_11 = vector.load %arg4[%get3A_9, %get3A_10] : memref<1x64xf32, #tpu.memory_space<vmem>>, vector<1x64xf32>
    %get3A_12 = arith.constant 0 : index
    %get3A_13 = arith.constant 0 : index
    %get3A_14 = vector.load %arg5[%get3A_12, %get3A_13] : memref<64x64xf32, #tpu.memory_space<vmem>>, vector<64x64xf32>
    %slice3A = vector.extract_strided_slice %get3A_5 {offsets = [0, 0], sizes = [400, 1], strides = [1, 1]} : vector<400x128xf32> to vector<400x1xf32>
    %slice3A_15 = vector.extract_strided_slice %get3A_2 {offsets = [0, 0, 0], sizes = [1, 400, 64], strides = [1, 1, 1]} : vector<2x400x64xf32> to vector<1x400x64xf32>
    %squeeze3A = vector.shape_cast %slice3A_15 : vector<1x400x64xf32> to vector<400x64xf32>
    %slice3A_16 = vector.extract_strided_slice %get3A_2 {offsets = [1, 0, 0], sizes = [1, 400, 64], strides = [1, 1, 1]} : vector<2x400x64xf32> to vector<1x400x64xf32>
    %squeeze3A_17 = vector.shape_cast %slice3A_16 : vector<1x400x64xf32> to vector<400x64xf32>
    %add3A = arith.addf %squeeze3A, %squeeze3A_17 : vector<400x64xf32>
    %mul3A = vector.broadcast %slice3A : vector<400x1xf32> to vector<400x64xf32>
    %mul3A_18 = arith.mulf %mul3A, %add3A : vector<400x64xf32>
    %add3A_19 = vector.broadcast %get3A_11 : vector<1x64xf32> to vector<400x64xf32>
    %add3A_20 = arith.addf %mul3A_18, %add3A_19 : vector<400x64xf32>
    %max3A = arith.constant 0.000000e+00 : f32
    %max3A_21 = vector.broadcast %max3A : f32 to vector<400x64xf32>
    %max3A_22 = arith.maximumf %add3A_20, %max3A_21 : vector<400x64xf32>
    %add3A_23 = arith.addf %max3A_22, %get3A_8 : vector<400x64xf32>
    %mul3A_24 = vector.broadcast %slice3A : vector<400x1xf32> to vector<400x64xf32>
    %mul3A_25 = arith.mulf %mul3A_24, %add3A_23 : vector<400x64xf32>
    %dot_general3A = arith.constant dense<0.000000e+00> : vector<400x64xf32>
    %dot_general3A_26 = tpu.matmul %mul3A_25, %get3A_14, %dot_general3A {dimension_numbers = #tpu.dot_dimension_numbers<[1], [0], [0], [1], [0, 0, 1, 1], [], []>, transpose_lhs_hint = false} : vector<400x64xf32>, vector<64x64xf32>, vector<400x64xf32> -> vector<400x64xf32>
    %swap3A = arith.constant 0 : index
    %swap3A_27 = arith.constant 0 : index
    %swap3A_28 = vector.load %arg6[%swap3A, %swap3A_27] : memref<400x64xf32, #tpu.memory_space<vmem>>, vector<400x64xf32>
    tpu.vector_store %arg6[%swap3A, %swap3A_27], %dot_general3A_26 {strides = array<i32>} : memref<400x64xf32, #tpu.memory_space<vmem>>, vector<400x64xf32>,
    return
  }
  func.func @transform_0(%arg0: i32) -> (i32, i32, i32) {
    %c0_i32 = arith.constant 0 : i32
    %c0_i32_0 = arith.constant 0 : i32
    %c0_i32_1 = arith.constant 0 : i32
    return %c0_i32, %arg0, %c0_i32_0 : i32, i32, i32
  }
  func.func @transform_1(%arg0: i32) -> (i32, i32) {
    %c0_i32 = arith.constant 0 : i32
    %c0_i32_0 = arith.constant 0 : i32
    return %arg0, %c0_i32 : i32, i32
  }
  func.func @transform_2(%arg0: i32) -> (i32, i32) {
    %c0_i32 = arith.constant 0 : i32
    %c0_i32_0 = arith.constant 0 : i32
    return %arg0, %c0_i32 : i32, i32
  }
  func.func @transform_3(%arg0: i32) -> (i32, i32) {
    %c0_i32 = arith.constant 0 : i32
    %c0_i32_0 = arith.constant 0 : i32
    %c0_i32_1 = arith.constant 0 : i32
    return %c0_i32, %c0_i32_0 : i32, i32
  }
  func.func @transform_4(%arg0: i32) -> (i32, i32) {
    %c0_i32 = arith.constant 0 : i32
    %c0_i32_0 = arith.constant 0 : i32
    %c0_i32_1 = arith.constant 0 : i32
    return %c0_i32, %c0_i32_0 : i32, i32
  }
  func.func @transform_5(%arg0: i32) -> (i32, i32) {
    %c0_i32 = arith.constant 0 : i32
    %c0_i32_0 = arith.constant 0 : i32
    return %arg0, %c0_i32 : i32, i32
  }
}

module attributes {stable_mosaic.version = 14 : i64} {
  func.func @body(%arg0: i32, %arg1: memref<2x400x64xf32, #tpu.memory_space<vmem>>, %arg2: memref<400x128xf32, #tpu.memory_space<vmem>>, %arg3: memref<1x64xf32, #tpu.memory_space<vmem>>, %arg4: memref<64x64xf32, #tpu.memory_space<vmem>>, %arg5: memref<400x64xf32, #tpu.memory_space<vmem>>, %arg6: memref<400x64xf32, #tpu.memory_space<vmem>>) attributes {dimension_semantics = [#tpu.dimension_semantics<parallel>], iteration_bounds = array<i64: 25>, scalar_prefetch = 0 : i64, scratch_operands = 0 : i64, tpu.core_type = #tpu.core_type<tc>, window_params = [{transform_indices = @transform_0, window_bounds = array<i64: 2, 400, 64>}, {transform_indices = @transform_1, window_bounds = array<i64: 400, 128>}, {pipeline_mode = #tpu.pipeline_mode<synchronous>, transform_indices = @transform_2, window_bounds = array<i64: 1, 64>}, {pipeline_mode = #tpu.pipeline_mode<synchronous>, transform_indices = @transform_3, window_bounds = array<i64: 64, 64>}, {transform_indices = @transform_4, window_bounds = array<i64: 400, 64>}, {transform_indices = @transform_5, window_bounds = array<i64: 400, 64>}]} {
    %get3A = arith.constant 0 : index
    %get3A_0 = arith.constant 0 : index
    %get3A_1 = arith.constant 0 : index
    %get3A_2 = vector.load %arg1[%get3A, %get3A_0, %get3A_1] : memref<2x400x64xf32, #tpu.memory_space<vmem>>, vector<2x400x64xf32>
    %get3A_3 = arith.constant 0 : index
    %get3A_4 = arith.constant 0 : index
    %get3A_5 = vector.load %arg2[%get3A_3, %get3A_4] : memref<400x128xf32, #tpu.memory_space<vmem>>, vector<400x128xf32>
    %get3A_6 = arith.constant 0 : index
    %get3A_7 = arith.constant 0 : index
    %get3A_8 = vector.load %arg3[%get3A_6, %get3A_7] : memref<1x64xf32, #tpu.memory_space<vmem>>, vector<1x64xf32>
    %get3A_9 = arith.constant 0 : index
    %get3A_10 = arith.constant 0 : index
    %get3A_11 = vector.load %arg4[%get3A_9, %get3A_10] : memref<64x64xf32, #tpu.memory_space<vmem>>, vector<64x64xf32>
    %slice3A = vector.extract_strided_slice %get3A_5 {offsets = [0, 0], sizes = [400, 1], strides = [1, 1]} : vector<400x128xf32> to vector<400x1xf32>
    %slice3A_12 = vector.extract_strided_slice %get3A_2 {offsets = [0, 0, 0], sizes = [1, 400, 64], strides = [1, 1, 1]} : vector<2x400x64xf32> to vector<1x400x64xf32>
    %squeeze3A = vector.shape_cast %slice3A_12 : vector<1x400x64xf32> to vector<400x64xf32>
    %slice3A_13 = vector.extract_strided_slice %get3A_2 {offsets = [1, 0, 0], sizes = [1, 400, 64], strides = [1, 1, 1]} : vector<2x400x64xf32> to vector<1x400x64xf32>
    %squeeze3A_14 = vector.shape_cast %slice3A_13 : vector<1x400x64xf32> to vector<400x64xf32>
    %add3A = arith.addf %squeeze3A, %squeeze3A_14 : vector<400x64xf32>
    %mul3A = vector.broadcast %slice3A : vector<400x1xf32> to vector<400x64xf32>
    %mul3A_15 = arith.mulf %mul3A, %add3A : vector<400x64xf32>
    %add3A_16 = vector.broadcast %get3A_8 : vector<1x64xf32> to vector<400x64xf32>
    %add3A_17 = arith.addf %mul3A_15, %add3A_16 : vector<400x64xf32>
    %max3A = arith.constant 0.000000e+00 : f32
    %max3A_18 = vector.broadcast %max3A : f32 to vector<400x64xf32>
    %max3A_19 = arith.maximumf %add3A_17, %max3A_18 : vector<400x64xf32>
    %mul3A_20 = vector.broadcast %slice3A : vector<400x1xf32> to vector<400x64xf32>
    %mul3A_21 = arith.mulf %mul3A_20, %max3A_19 : vector<400x64xf32>
    %dot_general3A = arith.constant dense<0.000000e+00> : vector<400x64xf32>
    %dot_general3A_22 = tpu.matmul %mul3A_21, %get3A_11, %dot_general3A {dimension_numbers = #tpu.dot_dimension_numbers<[1], [0], [0], [1], [0, 0, 1, 1], [], []>, transpose_lhs_hint = false} : vector<400x64xf32>, vector<64x64xf32>, vector<400x64xf32> -> vector<400x64xf32>
    %swap3A = arith.constant 0 : index
    %swap3A_23 = arith.constant 0 : index
    %swap3A_24 = vector.load %arg5[%swap3A, %swap3A_23] : memref<400x64xf32, #tpu.memory_space<vmem>>, vector<400x64xf32>
    tpu.vector_store %arg5[%swap3A, %swap3A_23], %max3A_19 {strides = array<i32>} : memref<400x64xf32, #tpu.memory_space<vmem>>, vector<400x64xf32>,
    %swap3A_25 = arith.constant 0 : index
    %swap3A_26 = arith.constant 0 : index
    %swap3A_27 = vector.load %arg6[%swap3A_25, %swap3A_26] : memref<400x64xf32, #tpu.memory_space<vmem>>, vector<400x64xf32>
    tpu.vector_store %arg6[%swap3A_25, %swap3A_26], %dot_general3A_22 {strides = array<i32>} : memref<400x64xf32, #tpu.memory_space<vmem>>, vector<400x64xf32>,
    return
  }
  func.func @transform_0(%arg0: i32) -> (i32, i32, i32) {
    %c0_i32 = arith.constant 0 : i32
    %c0_i32_0 = arith.constant 0 : i32
    %c0_i32_1 = arith.constant 0 : i32
    return %c0_i32, %arg0, %c0_i32_0 : i32, i32, i32
  }
  func.func @transform_1(%arg0: i32) -> (i32, i32) {
    %c0_i32 = arith.constant 0 : i32
    %c0_i32_0 = arith.constant 0 : i32
    return %arg0, %c0_i32 : i32, i32
  }
  func.func @transform_2(%arg0: i32) -> (i32, i32) {
    %c0_i32 = arith.constant 0 : i32
    %c0_i32_0 = arith.constant 0 : i32
    %c0_i32_1 = arith.constant 0 : i32
    return %c0_i32, %c0_i32_0 : i32, i32
  }
  func.func @transform_3(%arg0: i32) -> (i32, i32) {
    %c0_i32 = arith.constant 0 : i32
    %c0_i32_0 = arith.constant 0 : i32
    %c0_i32_1 = arith.constant 0 : i32
    return %c0_i32, %c0_i32_0 : i32, i32
  }
  func.func @transform_4(%arg0: i32) -> (i32, i32) {
    %c0_i32 = arith.constant 0 : i32
    %c0_i32_0 = arith.constant 0 : i32
    return %arg0, %c0_i32 : i32, i32
  }
  func.func @transform_5(%arg0: i32) -> (i32, i32) {
    %c0_i32 = arith.constant 0 : i32
    %c0_i32_0 = arith.constant 0 : i32
    return %arg0, %c0_i32 : i32, i32
  }
}

module attributes {stable_mosaic.version = 14 : i64} {
  func.func @body(%arg0: i32, %arg1: memref<2x400x64xf32, #tpu.memory_space<vmem>>, %arg2: memref<400x128xf32, #tpu.memory_space<vmem>>, %arg3: memref<1x64xf32, #tpu.memory_space<vmem>>, %arg4: memref<400x64xf32, #tpu.memory_space<vmem>>) attributes {dimension_semantics = [#tpu.dimension_semantics<parallel>], iteration_bounds = array<i64: 25>, scalar_prefetch = 0 : i64, scratch_operands = 0 : i64, tpu.core_type = #tpu.core_type<tc>, window_params = [{transform_indices = @transform_0, window_bounds = array<i64: 2, 400, 64>}, {transform_indices = @transform_1, window_bounds = array<i64: 400, 128>}, {pipeline_mode = #tpu.pipeline_mode<synchronous>, transform_indices = @transform_2, window_bounds = array<i64: 1, 64>}, {transform_indices = @transform_3, window_bounds = array<i64: 400, 64>}]} {
    %get3A = arith.constant 0 : index
    %get3A_0 = arith.constant 0 : index
    %get3A_1 = arith.constant 0 : index
    %get3A_2 = vector.load %arg1[%get3A, %get3A_0, %get3A_1] : memref<2x400x64xf32, #tpu.memory_space<vmem>>, vector<2x400x64xf32>
    %get3A_3 = arith.constant 0 : index
    %get3A_4 = arith.constant 0 : index
    %get3A_5 = vector.load %arg2[%get3A_3, %get3A_4] : memref<400x128xf32, #tpu.memory_space<vmem>>, vector<400x128xf32>
    %get3A_6 = arith.constant 0 : index
    %get3A_7 = arith.constant 0 : index
    %get3A_8 = vector.load %arg3[%get3A_6, %get3A_7] : memref<1x64xf32, #tpu.memory_space<vmem>>, vector<1x64xf32>
    %slice3A = vector.extract_strided_slice %get3A_5 {offsets = [0, 0], sizes = [400, 1], strides = [1, 1]} : vector<400x128xf32> to vector<400x1xf32>
    %slice3A_9 = vector.extract_strided_slice %get3A_2 {offsets = [0, 0, 0], sizes = [1, 400, 64], strides = [1, 1, 1]} : vector<2x400x64xf32> to vector<1x400x64xf32>
    %squeeze3A = vector.shape_cast %slice3A_9 : vector<1x400x64xf32> to vector<400x64xf32>
    %slice3A_10 = vector.extract_strided_slice %get3A_2 {offsets = [1, 0, 0], sizes = [1, 400, 64], strides = [1, 1, 1]} : vector<2x400x64xf32> to vector<1x400x64xf32>
    %squeeze3A_11 = vector.shape_cast %slice3A_10 : vector<1x400x64xf32> to vector<400x64xf32>
    %add3A = arith.addf %squeeze3A, %squeeze3A_11 : vector<400x64xf32>
    %mul3A = vector.broadcast %slice3A : vector<400x1xf32> to vector<400x64xf32>
    %mul3A_12 = arith.mulf %mul3A, %add3A : vector<400x64xf32>
    %add3A_13 = vector.broadcast %get3A_8 : vector<1x64xf32> to vector<400x64xf32>
    %add3A_14 = arith.addf %mul3A_12, %add3A_13 : vector<400x64xf32>
    %max3A = arith.constant 0.000000e+00 : f32
    %max3A_15 = vector.broadcast %max3A : f32 to vector<400x64xf32>
    %max3A_16 = arith.maximumf %add3A_14, %max3A_15 : vector<400x64xf32>
    %mul3A_17 = vector.broadcast %slice3A : vector<400x1xf32> to vector<400x64xf32>
    %mul3A_18 = arith.mulf %mul3A_17, %max3A_16 : vector<400x64xf32>
    %swap3A = arith.constant 0 : index
    %swap3A_19 = arith.constant 0 : index
    %swap3A_20 = vector.load %arg4[%swap3A, %swap3A_19] : memref<400x64xf32, #tpu.memory_space<vmem>>, vector<400x64xf32>
    tpu.vector_store %arg4[%swap3A, %swap3A_19], %mul3A_18 {strides = array<i32>} : memref<400x64xf32, #tpu.memory_space<vmem>>, vector<400x64xf32>,
    return
  }
  func.func @transform_0(%arg0: i32) -> (i32, i32, i32) {
    %c0_i32 = arith.constant 0 : i32
    %c0_i32_0 = arith.constant 0 : i32
    %c0_i32_1 = arith.constant 0 : i32
    return %c0_i32, %arg0, %c0_i32_0 : i32, i32, i32
  }
  func.func @transform_1(%arg0: i32) -> (i32, i32) {
    %c0_i32 = arith.constant 0 : i32
    %c0_i32_0 = arith.constant 0 : i32
    return %arg0, %c0_i32 : i32, i32
  }
  func.func @transform_2(%arg0: i32) -> (i32, i32) {
    %c0_i32 = arith.constant 0 : i32
    %c0_i32_0 = arith.constant 0 : i32
    %c0_i32_1 = arith.constant 0 : i32
    return %c0_i32, %c0_i32_0 : i32, i32
  }
  func.func @transform_3(%arg0: i32) -> (i32, i32) {
    %c0_i32 = arith.constant 0 : i32
    %c0_i32_0 = arith.constant 0 : i32
    return %arg0, %c0_i32 : i32, i32
  }
}

module attributes {stable_mosaic.version = 14 : i64} {
  func.func @body(%arg0: i32, %arg1: memref<2x400x64xf32, #tpu.memory_space<vmem>>, %arg2: memref<400x128xf32, #tpu.memory_space<vmem>>, %arg3: memref<64x128xf32, #tpu.memory_space<vmem>>, %arg4: memref<1x128xf32, #tpu.memory_space<vmem>>, %arg5: memref<400x128xf32, #tpu.memory_space<vmem>>) attributes {dimension_semantics = [#tpu.dimension_semantics<parallel>], iteration_bounds = array<i64: 25>, scalar_prefetch = 0 : i64, scratch_operands = 0 : i64, tpu.core_type = #tpu.core_type<tc>, window_params = [{transform_indices = @transform_0, window_bounds = array<i64: 2, 400, 64>}, {transform_indices = @transform_1, window_bounds = array<i64: 400, 128>}, {pipeline_mode = #tpu.pipeline_mode<synchronous>, transform_indices = @transform_2, window_bounds = array<i64: 64, 128>}, {pipeline_mode = #tpu.pipeline_mode<synchronous>, transform_indices = @transform_3, window_bounds = array<i64: 1, 128>}, {transform_indices = @transform_4, window_bounds = array<i64: 400, 128>}]} {
    %get3A = arith.constant 0 : index
    %get3A_0 = arith.constant 0 : index
    %get3A_1 = arith.constant 0 : index
    %get3A_2 = vector.load %arg1[%get3A, %get3A_0, %get3A_1] : memref<2x400x64xf32, #tpu.memory_space<vmem>>, vector<2x400x64xf32>
    %get3A_3 = arith.constant 0 : index
    %get3A_4 = arith.constant 0 : index
    %get3A_5 = vector.load %arg2[%get3A_3, %get3A_4] : memref<400x128xf32, #tpu.memory_space<vmem>>, vector<400x128xf32>
    %get3A_6 = arith.constant 0 : index
    %get3A_7 = arith.constant 0 : index
    %get3A_8 = vector.load %arg3[%get3A_6, %get3A_7] : memref<64x128xf32, #tpu.memory_space<vmem>>, vector<64x128xf32>
    %get3A_9 = arith.constant 0 : index
    %get3A_10 = arith.constant 0 : index
    %get3A_11 = vector.load %arg4[%get3A_9, %get3A_10] : memref<1x128xf32, #tpu.memory_space<vmem>>, vector<1x128xf32>
    %slice3A = vector.extract_strided_slice %get3A_5 {offsets = [0, 0], sizes = [400, 1], strides = [1, 1]} : vector<400x128xf32> to vector<400x1xf32>
    %slice3A_12 = vector.extract_strided_slice %get3A_2 {offsets = [0, 0, 0], sizes = [1, 400, 64], strides = [1, 1, 1]} : vector<2x400x64xf32> to vector<1x400x64xf32>
    %squeeze3A = vector.shape_cast %slice3A_12 : vector<1x400x64xf32> to vector<400x64xf32>
    %slice3A_13 = vector.extract_strided_slice %get3A_2 {offsets = [1, 0, 0], sizes = [1, 400, 64], strides = [1, 1, 1]} : vector<2x400x64xf32> to vector<1x400x64xf32>
    %squeeze3A_14 = vector.shape_cast %slice3A_13 : vector<1x400x64xf32> to vector<400x64xf32>
    %add3A = arith.addf %squeeze3A, %squeeze3A_14 : vector<400x64xf32>
    %mul3A = vector.broadcast %slice3A : vector<400x1xf32> to vector<400x64xf32>
    %mul3A_15 = arith.mulf %mul3A, %add3A : vector<400x64xf32>
    %dot_general3A = arith.constant dense<0.000000e+00> : vector<400x128xf32>
    %dot_general3A_16 = tpu.matmul %mul3A_15, %get3A_8, %dot_general3A {dimension_numbers = #tpu.dot_dimension_numbers<[1], [0], [0], [1], [0, 0, 1, 1], [], []>, transpose_lhs_hint = false} : vector<400x64xf32>, vector<64x128xf32>, vector<400x128xf32> -> vector<400x128xf32>
    %add3A_17 = vector.broadcast %get3A_11 : vector<1x128xf32> to vector<400x128xf32>
    %add3A_18 = arith.addf %dot_general3A_16, %add3A_17 : vector<400x128xf32>
    %max3A = arith.constant 0.000000e+00 : f32
    %max3A_19 = vector.broadcast %max3A : f32 to vector<400x128xf32>
    %max3A_20 = arith.maximumf %add3A_18, %max3A_19 : vector<400x128xf32>
    %mul3A_21 = vector.broadcast %slice3A : vector<400x1xf32> to vector<400x128xf32>
    %mul3A_22 = arith.mulf %mul3A_21, %max3A_20 : vector<400x128xf32>
    %swap3A = arith.constant 0 : index
    %swap3A_23 = arith.constant 0 : index
    %swap3A_24 = vector.load %arg5[%swap3A, %swap3A_23] : memref<400x128xf32, #tpu.memory_space<vmem>>, vector<400x128xf32>
    tpu.vector_store %arg5[%swap3A, %swap3A_23], %mul3A_22 {strides = array<i32>} : memref<400x128xf32, #tpu.memory_space<vmem>>, vector<400x128xf32>,
    return
  }
  func.func @transform_0(%arg0: i32) -> (i32, i32, i32) {
    %c0_i32 = arith.constant 0 : i32
    %c0_i32_0 = arith.constant 0 : i32
    %c0_i32_1 = arith.constant 0 : i32
    return %c0_i32, %arg0, %c0_i32_0 : i32, i32, i32
  }
  func.func @transform_1(%arg0: i32) -> (i32, i32) {
    %c0_i32 = arith.constant 0 : i32
    %c0_i32_0 = arith.constant 0 : i32
    return %arg0, %c0_i32 : i32, i32
  }
  func.func @transform_2(%arg0: i32) -> (i32, i32) {
    %c0_i32 = arith.constant 0 : i32
    %c0_i32_0 = arith.constant 0 : i32
    %c0_i32_1 = arith.constant 0 : i32
    return %c0_i32, %c0_i32_0 : i32, i32
  }
  func.func @transform_3(%arg0: i32) -> (i32, i32) {
    %c0_i32 = arith.constant 0 : i32
    %c0_i32_0 = arith.constant 0 : i32
    %c0_i32_1 = arith.constant 0 : i32
    return %c0_i32, %c0_i32_0 : i32, i32
  }
  func.func @transform_4(%arg0: i32) -> (i32, i32) {
    %c0_i32 = arith.constant 0 : i32
    %c0_i32_0 = arith.constant 0 : i32
    return %arg0, %c0_i32 : i32, i32
  }
}

module attributes {stable_mosaic.version = 14 : i64} {
  func.func @body(%arg0: i32, %arg1: memref<2x400x128xf32, #tpu.memory_space<vmem>>, %arg2: memref<400x128xf32, #tpu.memory_space<vmem>>, %arg3: memref<128x256xf32, #tpu.memory_space<vmem>>, %arg4: memref<1x256xf32, #tpu.memory_space<vmem>>, %arg5: memref<256x128xf32, #tpu.memory_space<vmem>>, %arg6: memref<400x128xf32, #tpu.memory_space<vmem>>) attributes {dimension_semantics = [#tpu.dimension_semantics<parallel>], iteration_bounds = array<i64: 25>, scalar_prefetch = 0 : i64, scratch_operands = 0 : i64, tpu.core_type = #tpu.core_type<tc>, window_params = [{transform_indices = @transform_0, window_bounds = array<i64: 2, 400, 128>}, {transform_indices = @transform_1, window_bounds = array<i64: 400, 128>}, {pipeline_mode = #tpu.pipeline_mode<synchronous>, transform_indices = @transform_2, window_bounds = array<i64: 128, 256>}, {pipeline_mode = #tpu.pipeline_mode<synchronous>, transform_indices = @transform_3, window_bounds = array<i64: 1, 256>}, {pipeline_mode = #tpu.pipeline_mode<synchronous>, transform_indices = @transform_4, window_bounds = array<i64: 256, 128>}, {transform_indices = @transform_5, window_bounds = array<i64: 400, 128>}]} {
    %get3A = arith.constant 0 : index
    %get3A_0 = arith.constant 0 : index
    %get3A_1 = arith.constant 0 : index
    %get3A_2 = vector.load %arg1[%get3A, %get3A_0, %get3A_1] : memref<2x400x128xf32, #tpu.memory_space<vmem>>, vector<2x400x128xf32>
    %get3A_3 = arith.constant 0 : index
    %get3A_4 = arith.constant 0 : index
    %get3A_5 = vector.load %arg2[%get3A_3, %get3A_4] : memref<400x128xf32, #tpu.memory_space<vmem>>, vector<400x128xf32>
    %get3A_6 = arith.constant 0 : index
    %get3A_7 = arith.constant 0 : index
    %get3A_8 = vector.load %arg3[%get3A_6, %get3A_7] : memref<128x256xf32, #tpu.memory_space<vmem>>, vector<128x256xf32>
    %get3A_9 = arith.constant 0 : index
    %get3A_10 = arith.constant 0 : index
    %get3A_11 = vector.load %arg4[%get3A_9, %get3A_10] : memref<1x256xf32, #tpu.memory_space<vmem>>, vector<1x256xf32>
    %get3A_12 = arith.constant 0 : index
    %get3A_13 = arith.constant 0 : index
    %get3A_14 = vector.load %arg5[%get3A_12, %get3A_13] : memref<256x128xf32, #tpu.memory_space<vmem>>, vector<256x128xf32>
    %slice3A = vector.extract_strided_slice %get3A_5 {offsets = [0, 0], sizes = [400, 1], strides = [1, 1]} : vector<400x128xf32> to vector<400x1xf32>
    %slice3A_15 = vector.extract_strided_slice %get3A_2 {offsets = [0, 0, 0], sizes = [1, 400, 128], strides = [1, 1, 1]} : vector<2x400x128xf32> to vector<1x400x128xf32>
    %squeeze3A = vector.shape_cast %slice3A_15 : vector<1x400x128xf32> to vector<400x128xf32>
    %slice3A_16 = vector.extract_strided_slice %get3A_2 {offsets = [1, 0, 0], sizes = [1, 400, 128], strides = [1, 1, 1]} : vector<2x400x128xf32> to vector<1x400x128xf32>
    %squeeze3A_17 = vector.shape_cast %slice3A_16 : vector<1x400x128xf32> to vector<400x128xf32>
    %add3A = arith.addf %squeeze3A, %squeeze3A_17 : vector<400x128xf32>
    %mul3A = vector.broadcast %slice3A : vector<400x1xf32> to vector<400x128xf32>
    %mul3A_18 = arith.mulf %mul3A, %add3A : vector<400x128xf32>
    %dot_general3A = arith.constant dense<0.000000e+00> : vector<400x256xf32>
    %dot_general3A_19 = tpu.matmul %mul3A_18, %get3A_8, %dot_general3A {dimension_numbers = #tpu.dot_dimension_numbers<[1], [0], [0], [1], [0, 0, 1, 1], [], []>, transpose_lhs_hint = false} : vector<400x128xf32>, vector<128x256xf32>, vector<400x256xf32> -> vector<400x256xf32>
    %add3A_20 = vector.broadcast %get3A_11 : vector<1x256xf32> to vector<400x256xf32>
    %add3A_21 = arith.addf %dot_general3A_19, %add3A_20 : vector<400x256xf32>
    %max3A = arith.constant 0.000000e+00 : f32
    %max3A_22 = vector.broadcast %max3A : f32 to vector<400x256xf32>
    %max3A_23 = arith.maximumf %add3A_21, %max3A_22 : vector<400x256xf32>
    %mul3A_24 = vector.broadcast %slice3A : vector<400x1xf32> to vector<400x256xf32>
    %mul3A_25 = arith.mulf %mul3A_24, %max3A_23 : vector<400x256xf32>
    %dot_general3A_26 = arith.constant dense<0.000000e+00> : vector<400x128xf32>
    %dot_general3A_27 = tpu.matmul %mul3A_25, %get3A_14, %dot_general3A_26 {dimension_numbers = #tpu.dot_dimension_numbers<[1], [0], [0], [1], [0, 0, 1, 1], [], []>, transpose_lhs_hint = false} : vector<400x256xf32>, vector<256x128xf32>, vector<400x128xf32> -> vector<400x128xf32>
    %swap3A = arith.constant 0 : index
    %swap3A_28 = arith.constant 0 : index
    %swap3A_29 = vector.load %arg6[%swap3A, %swap3A_28] : memref<400x128xf32, #tpu.memory_space<vmem>>, vector<400x128xf32>
    tpu.vector_store %arg6[%swap3A, %swap3A_28], %dot_general3A_27 {strides = array<i32>} : memref<400x128xf32, #tpu.memory_space<vmem>>, vector<400x128xf32>,
    return
  }
  func.func @transform_0(%arg0: i32) -> (i32, i32, i32) {
    %c0_i32 = arith.constant 0 : i32
    %c0_i32_0 = arith.constant 0 : i32
    %c0_i32_1 = arith.constant 0 : i32
    return %c0_i32, %arg0, %c0_i32_0 : i32, i32, i32
  }
  func.func @transform_1(%arg0: i32) -> (i32, i32) {
    %c0_i32 = arith.constant 0 : i32
    %c0_i32_0 = arith.constant 0 : i32
    return %arg0, %c0_i32 : i32, i32
  }
  func.func @transform_2(%arg0: i32) -> (i32, i32) {
    %c0_i32 = arith.constant 0 : i32
    %c0_i32_0 = arith.constant 0 : i32
    %c0_i32_1 = arith.constant 0 : i32
    return %c0_i32, %c0_i32_0 : i32, i32
  }
  func.func @transform_3(%arg0: i32) -> (i32, i32) {
    %c0_i32 = arith.constant 0 : i32
    %c0_i32_0 = arith.constant 0 : i32
    %c0_i32_1 = arith.constant 0 : i32
    return %c0_i32, %c0_i32_0 : i32, i32
  }
  func.func @transform_4(%arg0: i32) -> (i32, i32) {
    %c0_i32 = arith.constant 0 : i32
    %c0_i32_0 = arith.constant 0 : i32
    %c0_i32_1 = arith.constant 0 : i32
    return %c0_i32, %c0_i32_0 : i32, i32
  }
  func.func @transform_5(%arg0: i32) -> (i32, i32) {
    %c0_i32 = arith.constant 0 : i32
    %c0_i32_0 = arith.constant 0 : i32
    return %arg0, %c0_i32 : i32, i32
  }
}

module attributes {stable_mosaic.version = 14 : i64} {
  func.func @body(%arg0: i32, %arg1: memref<400x256xf32, #tpu.memory_space<vmem>>, %arg2: memref<256x10000xf32, #tpu.memory_space<vmem>>, %arg3: memref<1x10000xf32, #tpu.memory_space<vmem>>, %arg4: memref<400x10000xf32, #tpu.memory_space<vmem>>) attributes {dimension_semantics = [#tpu.dimension_semantics<parallel>], iteration_bounds = array<i64: 25>, scalar_prefetch = 0 : i64, scratch_operands = 0 : i64, tpu.core_type = #tpu.core_type<tc>, window_params = [{transform_indices = @transform_0, window_bounds = array<i64: 400, 256>}, {pipeline_mode = #tpu.pipeline_mode<synchronous>, transform_indices = @transform_1, window_bounds = array<i64: 256, 10000>}, {pipeline_mode = #tpu.pipeline_mode<synchronous>, transform_indices = @transform_2, window_bounds = array<i64: 1, 10000>}, {transform_indices = @transform_3, window_bounds = array<i64: 400, 10000>}]} {
    %get3A = arith.constant 0 : index
    %get3A_0 = arith.constant 0 : index
    %get3A_1 = vector.load %arg1[%get3A, %get3A_0] : memref<400x256xf32, #tpu.memory_space<vmem>>, vector<400x256xf32>
    %get3A_2 = arith.constant 0 : index
    %get3A_3 = arith.constant 0 : index
    %get3A_4 = vector.load %arg2[%get3A_2, %get3A_3] : memref<256x10000xf32, #tpu.memory_space<vmem>>, vector<256x10000xf32>
    %dot_general3A = arith.constant dense<0.000000e+00> : vector<400x10000xf32>
    %dot_general3A_5 = tpu.matmul %get3A_1, %get3A_4, %dot_general3A {dimension_numbers = #tpu.dot_dimension_numbers<[1], [0], [0], [1], [0, 0, 1, 1], [], []>, transpose_lhs_hint = false} : vector<400x256xf32>, vector<256x10000xf32>, vector<400x10000xf32> -> vector<400x10000xf32>
    %get3A_6 = arith.constant 0 : index
    %get3A_7 = arith.constant 0 : index
    %get3A_8 = vector.load %arg3[%get3A_6, %get3A_7] : memref<1x10000xf32, #tpu.memory_space<vmem>>, vector<1x10000xf32>
    %add3A = vector.broadcast %get3A_8 : vector<1x10000xf32> to vector<400x10000xf32>
    %add3A_9 = arith.addf %dot_general3A_5, %add3A : vector<400x10000xf32>
    %logistic3A = arith.negf %add3A_9 : vector<400x10000xf32>
    %logistic3A_10 = math.exp %logistic3A : vector<400x10000xf32>
    %logistic3A_11 = arith.constant 1.000000e+00 : f32
    %logistic3A_12 = vector.broadcast %logistic3A_11 : f32 to vector<400x10000xf32>
    %logistic3A_13 = arith.addf %logistic3A_12, %logistic3A_10 : vector<400x10000xf32>
    %logistic3A_14 = arith.divf %logistic3A_12, %logistic3A_13 : vector<400x10000xf32>
    %swap3A = arith.constant 0 : index
    %swap3A_15 = arith.constant 0 : index
    %swap3A_16 = vector.load %arg4[%swap3A, %swap3A_15] : memref<400x10000xf32, #tpu.memory_space<vmem>>, vector<400x10000xf32>
    tpu.vector_store %arg4[%swap3A, %swap3A_15], %logistic3A_14 {strides = array<i32>} : memref<400x10000xf32, #tpu.memory_space<vmem>>, vector<400x10000xf32>,
    return
  }
  func.func @transform_0(%arg0: i32) -> (i32, i32) {
    %c0_i32 = arith.constant 0 : i32
    %c0_i32_0 = arith.constant 0 : i32
    return %arg0, %c0_i32 : i32, i32
  }
  func.func @transform_1(%arg0: i32) -> (i32, i32) {
    %c0_i32 = arith.constant 0 : i32
    %c0_i32_0 = arith.constant 0 : i32
    %c0_i32_1 = arith.constant 0 : i32
    return %c0_i32, %c0_i32_0 : i32, i32
  }
  func.func @transform_2(%arg0: i32) -> (i32, i32) {
    %c0_i32 = arith.constant 0 : i32
    %c0_i32_0 = arith.constant 0 : i32
    %c0_i32_1 = arith.constant 0 : i32
    return %c0_i32, %c0_i32_0 : i32, i32
  }
  func.func @transform_3(%arg0: i32) -> (i32, i32) {
    %c0_i32 = arith.constant 0 : i32
    %c0_i32_0 = arith.constant 0 : i32
    return %arg0, %c0_i32 : i32, i32
  }
}

module attributes {stable_mosaic.version = 14 : i64} {
  func.func @body(%arg0: i32, %arg1: memref<400x64xf32, #tpu.memory_space<vmem>>, %arg2: memref<10000x64xf32, #tpu.memory_space<vmem>>, %arg3: memref<400x10000xf32, #tpu.memory_space<vmem>>) attributes {dimension_semantics = [#tpu.dimension_semantics<parallel>], iteration_bounds = array<i64: 25>, scalar_prefetch = 0 : i64, scratch_operands = 0 : i64, tpu.core_type = #tpu.core_type<tc>, window_params = [{transform_indices = @transform_0, window_bounds = array<i64: 400, 64>}, {pipeline_mode = #tpu.pipeline_mode<synchronous>, transform_indices = @transform_1, window_bounds = array<i64: 10000, 64>}, {transform_indices = @transform_2, window_bounds = array<i64: 400, 10000>}]} {
    %get3A = arith.constant 0 : index
    %get3A_0 = arith.constant 0 : index
    %get3A_1 = vector.load %arg1[%get3A, %get3A_0] : memref<400x64xf32, #tpu.memory_space<vmem>>, vector<400x64xf32>
    %get3A_2 = arith.constant 0 : index
    %get3A_3 = arith.constant 0 : index
    %get3A_4 = vector.load %arg2[%get3A_2, %get3A_3] : memref<10000x64xf32, #tpu.memory_space<vmem>>, vector<10000x64xf32>
    %dot_general3A = arith.constant dense<0.000000e+00> : vector<400x10000xf32>
    %dot_general3A_5 = tpu.matmul %get3A_1, %get3A_4, %dot_general3A {dimension_numbers = #tpu.dot_dimension_numbers<[1], [1], [0], [0], [0, 0, 1, 0], [], []>, transpose_lhs_hint = false} : vector<400x64xf32>, vector<10000x64xf32>, vector<400x10000xf32> -> vector<400x10000xf32>
    %logistic3A = arith.negf %dot_general3A_5 : vector<400x10000xf32>
    %logistic3A_6 = math.exp %logistic3A : vector<400x10000xf32>
    %logistic3A_7 = arith.constant 1.000000e+00 : f32
    %logistic3A_8 = vector.broadcast %logistic3A_7 : f32 to vector<400x10000xf32>
    %logistic3A_9 = arith.addf %logistic3A_8, %logistic3A_6 : vector<400x10000xf32>
    %logistic3A_10 = arith.divf %logistic3A_8, %logistic3A_9 : vector<400x10000xf32>
    %swap3A = arith.constant 0 : index
    %swap3A_11 = arith.constant 0 : index
    %swap3A_12 = vector.load %arg3[%swap3A, %swap3A_11] : memref<400x10000xf32, #tpu.memory_space<vmem>>, vector<400x10000xf32>
    tpu.vector_store %arg3[%swap3A, %swap3A_11], %logistic3A_10 {strides = array<i32>} : memref<400x10000xf32, #tpu.memory_space<vmem>>, vector<400x10000xf32>,
    return
  }
  func.func @transform_0(%arg0: i32) -> (i32, i32) {
    %c0_i32 = arith.constant 0 : i32
    %c0_i32_0 = arith.constant 0 : i32
    return %arg0, %c0_i32 : i32, i32
  }
  func.func @transform_1(%arg0: i32) -> (i32, i32) {
    %c0_i32 = arith.constant 0 : i32
    %c0_i32_0 = arith.constant 0 : i32
    %c0_i32_1 = arith.constant 0 : i32
    return %c0_i32, %c0_i32_0 : i32, i32
  }
  func.func @transform_2(%arg0: i32) -> (i32, i32) {
    %c0_i32 = arith.constant 0 : i32
    %c0_i32_0 = arith.constant 0 : i32
    return %arg0, %c0_i32 : i32, i32
  }
}

module attributes {stable_mosaic.version = 14 : i64} {
  func.func @body(%arg0: i32, %arg1: memref<2x400x128xf32, #tpu.memory_space<vmem>>, %arg2: memref<400x128xf32, #tpu.memory_space<vmem>>, %arg3: memref<1x128xf32, #tpu.memory_space<vmem>>, %arg4: memref<400x128xf32, #tpu.memory_space<vmem>>) attributes {dimension_semantics = [#tpu.dimension_semantics<parallel>], iteration_bounds = array<i64: 25>, scalar_prefetch = 0 : i64, scratch_operands = 0 : i64, tpu.core_type = #tpu.core_type<tc>, window_params = [{transform_indices = @transform_0, window_bounds = array<i64: 2, 400, 128>}, {transform_indices = @transform_1, window_bounds = array<i64: 400, 128>}, {pipeline_mode = #tpu.pipeline_mode<synchronous>, transform_indices = @transform_2, window_bounds = array<i64: 1, 128>}, {transform_indices = @transform_3, window_bounds = array<i64: 400, 128>}]} {
    %get3A = arith.constant 0 : index
    %get3A_0 = arith.constant 0 : index
    %get3A_1 = arith.constant 0 : index
    %get3A_2 = vector.load %arg1[%get3A, %get3A_0, %get3A_1] : memref<2x400x128xf32, #tpu.memory_space<vmem>>, vector<2x400x128xf32>
    %get3A_3 = arith.constant 0 : index
    %get3A_4 = arith.constant 0 : index
    %get3A_5 = vector.load %arg2[%get3A_3, %get3A_4] : memref<400x128xf32, #tpu.memory_space<vmem>>, vector<400x128xf32>
    %get3A_6 = arith.constant 0 : index
    %get3A_7 = arith.constant 0 : index
    %get3A_8 = vector.load %arg3[%get3A_6, %get3A_7] : memref<1x128xf32, #tpu.memory_space<vmem>>, vector<1x128xf32>
    %slice3A = vector.extract_strided_slice %get3A_5 {offsets = [0, 0], sizes = [400, 1], strides = [1, 1]} : vector<400x128xf32> to vector<400x1xf32>
    %slice3A_9 = vector.extract_strided_slice %get3A_2 {offsets = [0, 0, 0], sizes = [1, 400, 128], strides = [1, 1, 1]} : vector<2x400x128xf32> to vector<1x400x128xf32>
    %squeeze3A = vector.shape_cast %slice3A_9 : vector<1x400x128xf32> to vector<400x128xf32>
    %slice3A_10 = vector.extract_strided_slice %get3A_2 {offsets = [1, 0, 0], sizes = [1, 400, 128], strides = [1, 1, 1]} : vector<2x400x128xf32> to vector<1x400x128xf32>
    %squeeze3A_11 = vector.shape_cast %slice3A_10 : vector<1x400x128xf32> to vector<400x128xf32>
    %add3A = arith.addf %squeeze3A, %squeeze3A_11 : vector<400x128xf32>
    %mul3A = vector.broadcast %slice3A : vector<400x1xf32> to vector<400x128xf32>
    %mul3A_12 = arith.mulf %mul3A, %add3A : vector<400x128xf32>
    %add3A_13 = vector.broadcast %get3A_8 : vector<1x128xf32> to vector<400x128xf32>
    %add3A_14 = arith.addf %mul3A_12, %add3A_13 : vector<400x128xf32>
    %max3A = arith.constant 0.000000e+00 : f32
    %max3A_15 = vector.broadcast %max3A : f32 to vector<400x128xf32>
    %max3A_16 = arith.maximumf %add3A_14, %max3A_15 : vector<400x128xf32>
    %swap3A = arith.constant 0 : index
    %swap3A_17 = arith.constant 0 : index
    %swap3A_18 = vector.load %arg4[%swap3A, %swap3A_17] : memref<400x128xf32, #tpu.memory_space<vmem>>, vector<400x128xf32>
    tpu.vector_store %arg4[%swap3A, %swap3A_17], %max3A_16 {strides = array<i32>} : memref<400x128xf32, #tpu.memory_space<vmem>>, vector<400x128xf32>,
    return
  }
  func.func @transform_0(%arg0: i32) -> (i32, i32, i32) {
    %c0_i32 = arith.constant 0 : i32
    %c0_i32_0 = arith.constant 0 : i32
    %c0_i32_1 = arith.constant 0 : i32
    return %c0_i32, %arg0, %c0_i32_0 : i32, i32, i32
  }
  func.func @transform_1(%arg0: i32) -> (i32, i32) {
    %c0_i32 = arith.constant 0 : i32
    %c0_i32_0 = arith.constant 0 : i32
    return %arg0, %c0_i32 : i32, i32
  }
  func.func @transform_2(%arg0: i32) -> (i32, i32) {
    %c0_i32 = arith.constant 0 : i32
    %c0_i32_0 = arith.constant 0 : i32
    %c0_i32_1 = arith.constant 0 : i32
    return %c0_i32, %c0_i32_0 : i32, i32
  }
  func.func @transform_3(%arg0: i32) -> (i32, i32) {
    %c0_i32 = arith.constant 0 : i32
    %c0_i32_0 = arith.constant 0 : i32
    return %arg0, %c0_i32 : i32, i32
  }
}

</mosaic_0001>

<sc_bundles>
// kernel: kernel.24.cloned.1.call-start
scs
__scs_entry_jumppad:
0x0: {  	(pc) =	sbr.rel $0x88, $3  }
0x1: {  	(tag) =	ssettag $0x0;
	lr =	simm.s32 $0x1  }
0x2: {  	[smem:$0x3F82] =	sst lr;
	_ =	strace $0xD0000000  }
0x3: {  	_ = 	snop  }
0x4: {  	_ = 	snop  }
0x5: {  	_ = 	snop  }
0x6: {  	_ = 	snop  }
0x7: {  	_ = 	snop  }
__scs_overlays_trampoline_lowered:
0x8: {  	[smem:$0x3F91] =	sst s0  }
0x9: {  	[smem:$0x3F92] =	sst s1  }
0xa: {  	[smem:$0x3F93] =	sst s2  }
0xb: {  	[smem:$0x3F94] =	sst s3  }
0xc: {  	[smem:$0x3F95] =	sst s4  }
0xd: {  	[smem:$0x3F96] =	sst s5  }
0xe: {  	[smem:$0x3F97] =	sst s6  }
0xf: {  	[smem:$0x3F98] =	sst s7  }
0x10: {  	[smem:$0x3F99] =	sst s8  }
0x11: {  	[smem:$0x3F9A] =	sst s9;
	s0 =	simm.s32 @!p0 $0x0  }
0x12: {  	s1 =	sld [smem:$0x3F80];
	s0 =	simm.s32 @p0 $0x1  }
0x13: {  	[smem:$0x3F9B] =	sst s0;
	s0 =	simm.s32 @!p1 $0x0  }
0x14: {  	s2 =	sld [smem:$0x3F7F];
	s0 =	simm.s32 @p1 $0x1  }
0x15: {  	[smem:$0x3F9C] =	sst s0;
	s0 =	simm.s32 @!p2 $0x0  }
0x16: {  	s3 =	sld [smem:$0x3FDB];
	s0 =	simm.s32 @p2 $0x1  }
0x17: {  	s4 =	simm.s32 $0x1BF5;
	[smem:$0x3F9E] =	sst s0  }
0x18: {  	s0 =	sld [smem:$0x3F81];
	_ =	swait.ge [sflag:s4], $0x0  }
0x19: {  	s7 =	sld [smem:$0x3F82]  }
0x1a: {  	s8 =	sadd.s32 $0xFFFFE003, lr  }
0x1b: {  	s9 =	sadd.s32 $0xFFFFFEF7, lr;
	s5 =	simm.s32 $0xFFFFFFFF;
	p2 =	slt.u32 s8, $0xFFFFF086  }
0x1c: {  	p1 =	slt.u32 s9, $0xF7A;
	s5 =	simm.s32 @!p2 $0x0  }
0x1d: {  	s5 =	simm.s32 @p1 $0x1;
	p0 =	seq.s32 s7, s2  }
0x1e: {  	s7 =	smul.u32 @!p0 $0xF7A, s2;
	p2 =	seq.s32 @!p0 s5, $0x0  }
0x1f: {  	s9 =	smul.u32 $0xF7A, s1;
	s8 =	simm.s32 @!p0 $0x1BF5;
	p2 =	por !p2, p0  }
0x20: {  	[sflag:s8] =	ssyncset.s32 @!p0 $0xFFFFF086;
	s6 =	sadd.s32 @!p0 s3, s7;
	s7 =	simm.s32 @!p0 $0x108  }
0x21: {  	s3 =	sadd.s32 s3, s9;
	s6 =	sadd.s32 @!p0 $0x88, s6;
	s7 =	simm.s32 @p2 $0x1082  }
0x22: {  	[simem:s7], [sflag:s8] =	dma.local @!p0 [hbm:s6], $0xF7A  }
0x23: {  	s9 =	sor.u32 $0xD0000000, s2;
	s6 =	simm.s32 $0x108;
	_ =	swait.ge @!p0 [sflag:s8], $0x0  }
0x24: {  	s3 =	sadd.s32 $0x88, s3;
	s6 =	simm.s32 @!p1 $0x1082;
	[sflag:s4] =	ssyncset.s32 $0xFFFFF086  }
0x25: {  	[simem:s6], [sflag:s4] =	dma.local [hbm:s3], $0xF7A  }
0x26: {  	[smem:$0x3F82] =	sst s1;
	(tag) =	ssettag s2;
	_ =	strace s9  }
0x27: {  	s1 =	sld [smem:$0x3F92]  }
0x28: {  	s2 =	sld [smem:$0x3F93]  }
0x29: {  	s4 =	sld [smem:$0x3F95]  }
0x2a: {  	p0 =	seq.s32 s5, $0x0;
	s5 =	sld [smem:$0x3F96]  }
0x2b: {  	s6 =	sld [smem:$0x3F97]  }
0x2c: {  	s7 =	sld [smem:$0x3F98]  }
0x2d: {  	s3 =	simm.s32 $0x108;
	s8 =	sld [smem:$0x3F99]  }
0x2e: {  	s3 =	simm.s32 @!p0 $0x1082;
	s9 =	sld [smem:$0x3F9A]  }
0x2f: {  	lr =	sadd.s32 s0, s3;
	s0 =	sld [smem:$0x3F91]  }
0x30: {  	s3 =	sld [smem:$0x3F94]  }
0x31: {  	[smem:$0x3F9D] =	sst s10  }
0x32: {  	s10 =	sld [smem:$0x3F9B];
	_ =	sdelay $0x3  }
0x33: {  	p0 =	seq.s32 s10, $0x1;
	s10 =	sld [smem:$0x3F9D];
	_ =	sdelay $0x3  }
0x34: {  	[smem:$0x3F9D] =	sst s10  }
0x35: {  	s10 =	sld [smem:$0x3F9C];
	_ =	sdelay $0x3  }
0x36: {  	p1 =	seq.s32 s10, $0x1;
	s10 =	sld [smem:$0x3F9D];
	_ =	sdelay $0x3  }
0x37: {  	[smem:$0x3F9D] =	sst s10  }
0x38: {  	s10 =	sld [smem:$0x3F9E]  }
0x39: {  	_ = 	snop;
	(pc) =	sbr.ind lr, $3  }
0x3a: {  	_ = 	snop  }
0x3b: {  	_ = 	snop  }
0x3c: {  	p2 =	seq.s32 s10, $0x1;
	s10 =	sld [smem:$0x3F9D]  }
0x3d: {  	_ =	shalt  }
0x3e: {  	_ =	shalt  }
0x3f: {  	_ =	shalt  }
0x40: {  	_ =	shalt  }
0x41: {  	_ =	shalt  }
0x42: {  	_ =	shalt  }
0x43: {  	_ =	shalt  }
0x44: {  	_ =	shalt  }
0x45: {  	_ =	shalt  }
0x46: {  	_ =	shalt  }
0x47: {  	_ =	shalt  }
0x48: {  	_ =	shalt  }
0x49: {  	_ =	shalt  }
0x4a: {  	_ =	shalt  }
0x4b: {  	_ =	shalt  }
0x4c: {  	_ =	shalt  }
0x4d: {  	_ =	shalt  }
0x4e: {  	_ =	shalt  }
0x4f: {  	_ =	shalt  }
0x50: {  	_ =	shalt  }
0x51: {  	_ =	shalt  }
0x52: {  	_ =	shalt  }
0x53: {  	_ =	shalt  }
0x54: {  	_ =	shalt  }
0x55: {  	_ =	shalt  }
0x56: {  	_ =	shalt  }
0x57: {  	_ =	shalt  }
0x58: {  	_ =	shalt  }
0x59: {  	_ =	shalt  }
0x5a: {  	_ =	shalt  }
0x5b: {  	_ =	shalt  }
0x5c: {  	_ =	shalt  }
0x5d: {  	_ =	shalt  }
0x5e: {  	_ =	shalt  }
0x5f: {  	_ =	shalt  }
0x60: {  	_ =	shalt  }
0x61: {  	_ =	shalt  }
0x62: {  	_ =	shalt  }
0x63: {  	_ =	shalt  }
0x64: {  	_ =	shalt  }
0x65: {  	_ =	shalt  }
0x66: {  	_ =	shalt  }
0x67: {  	_ =	shalt  }
0x68: {  	_ =	shalt  }
0x69: {  	_ =	shalt  }
0x6a: {  	_ =	shalt  }
0x6b: {  	_ =	shalt  }
0x6c: {  	_ =	shalt  }
0x6d: {  	_ =	shalt  }
0x6e: {  	_ =	shalt  }
0x6f: {  	_ =	shalt  }
0x70: {  	_ =	shalt  }
0x71: {  	_ =	shalt  }
0x72: {  	_ =	shalt  }
0x73: {  	_ =	shalt  }
0x74: {  	_ =	shalt  }
0x75: {  	_ =	shalt  }
0x76: {  	_ =	shalt  }
0x77: {  	_ =	shalt  }
0x78: {  	_ =	shalt  }
0x79: {  	_ =	shalt  }
0x7a: {  	_ =	shalt  }
0x7b: {  	_ =	shalt  }
0x7c: {  	_ =	shalt  }
0x7d: {  	_ =	shalt  }
0x7e: {  	_ =	shalt  }
0x7f: {  	_ =	shalt  }
0x80: {  	_ =	shalt  }
0x81: {  	_ =	shalt  }
0x82: {  	_ =	shalt  }
0x83: {  	_ =	shalt  }
0x84: {  	_ =	shalt  }
0x85: {  	_ =	shalt  }
0x86: {  	_ =	shalt  }
0x87: {  	_ =	shalt  }
.Lfunc_end0:
.L_simem_size_0:
called_computation_lowered:
.L_overlay_start_0:
0x88: {  	s2 =	sld [smem:$0x3FD9]  }
0x89: {  	s3 =	sld [smem:$0x3FFE];
	_ =	sdelay $0x1  }
0x8a: {  	s1 =	srdreg.scid  }
0x8b: {  	s0 =	sand.u32 $0x1, s1  }
0x8c: {  	s14 =	sshll.u32 s0, $0xA;
	s2 =	sadd.s32 s3, s2  }
0x8d: {  	s2 =	sadd.s32 s2, s14  }
0x8e: {  	[smem:$0x3FA9] =	sst s2  }
0x8f: {  	_ = 	snop  }
0x90: {  	s2 =	sld [smem:$0x3FD0];
	_ =	sdelay $0x2  }
0x91: {  	s15 =	simm.s32 $0xA;
	s4 =	simm.s32 $0x10  }
0x92: {  	[smem:s4], [sflag:s15] =	dma.local [hbm:s2], $0x1  }
0x93: {  	_ =	swait.eq [sflag:s15], $0x1  }
0x94: {  	[sflag:s15] =	ssyncset.done $0x0  }
0x95: {  	s16 =	sld [smem:$0x11];
	[sflag:s15] =	ssyncadd.s32 $0xFFFFFFFF  }
0x96: {  	s17 =	sld [smem:$0x12];
	(tm) =	ssettm $0x1  }
0x97: {  	s18 =	sld [smem:$0x3FFB];
	_ =	sdelay $0x3  }
0x98: {  	_ =	strace s18  }
0x99: {  	s4 =	sld [smem:$0x3FFC];
	_ =	sdelay $0x3  }
0x9a: {  	_ =	strace s4  }
0x9b: {  	s4 =	sld [smem:$0x3FFD];
	_ =	sdelay $0x3  }
0x9c: {  	_ =	strace s4  }
0x9d: {  	_ =	strace $0x8FFFFFFF  }
0x9e: {  	s19 =	sld [smem:$0x3FDB];
	_ =	sdelay $0x1  }
0x9f: {  	s5 =	simm.s32 $_scs_section_size  }
0xa0: {  	s6 =	simm.s32 $_size__tile_overlayer_lowered;
	s7 =	simm.s32 $_tile_overlayer_lowered  }
0xa1: {  	s22 =	simm.s32 $0x1BFF;
	s21 =	sshll.u32 s7, $0x1;
	s4 =	sadd.s32 s5, s19  }
0xa2: {  	s8 =	simm.s32 $0x0;
	s20 =	sshll.u32 s6, $0x1;
	s6 =	sadd.s32 s21, s4  }
0xa3: {  	[timem:s8], [sflag:s22] =	dma.local [hbm:s6], s20  }
0xa4: {  	_ =	swait.ge [sflag:s22], s20  }
0xa5: {  	s5 =	ssub.s32 $0x0, s20;
	[sflag:s22] =	ssyncset.done $0x0  }
0xa6: {  	[sflag:s22] =	ssyncadd.s32 s5;
	_ =	sdelay $0x1  }
0xa7: {  	s23 =	simm.s32 $0x1B8B  }
0xa8: {  	_ =	swait.ge [sflag:s23], $0x1  }
0xa9: {  	[sflag:s23] =	ssyncset.done $0x0  }
0xaa: {  	s25 =	simm.s32 $0x1B8E;
	s24 =	sld [smem:$0x3FFE];
	[sflag:s23] =	ssyncadd.s32 $0xFFFFFFFF  }
0xab: {  	s26 =	simm.s32 $execute0_lowered;
	[smem:$0x3FD2] =	sst s25  }
0xac: {  	s6 =	sshll.u32 s26, $0x1;
	_ =	strace $0x80000046;
	[dreg:$0x1] =	wrdreg $0xFFFFFFFF  }
0xad: {  	s28 =	simm.s32 $_size_execute0_lowered;
	s4 =	sadd.s32 s4, s6;
	[dreg:$0x0] =	wrdreg $0x0  }
0xae: {  	s6 =	sshll.u32 s28, $0x1;
	[dreg:$0x2] =	wrdreg s4  }
0xaf: {  	[dreg:$0x3] =	wrdreg s6  }
0xb0: {  	[dreg:$0x4] =	wrdreg $0xC0  }
0xb1: {  	_ =	task [dreg:s8], $0x5FFFF  }
0xb2: {  	[dreg:$0x1] =	wrdreg $0xFFFFFFFF  }
0xb3: {  	[dreg:$0x0] =	wrdreg $0x60  }
0xb4: {  	[dreg:$0x2] =	wrdreg s24  }
0xb5: {  	[dreg:$0x3] =	wrdreg s17  }
0xb6: {  	[dreg:$0x4] =	wrdreg s16  }
0xb7: {  	[dreg:$0x5] =	wrdreg $0x1C000  }
0xb8: {  	[dreg:$0x6] =	wrdreg $0x9  }
0xb9: {  	_ =	task.clear_ibuf [dreg:s8], $0x7FFFF;
	_ =	strace $0x90000046  }
0xba: {  	s29 =	simm.s32 $0x9;
	_ =	strace $0x80000048  }
0xbb: {  	_ =	swait.ge [sflag:s29], $0x1  }
0xbc: {  	[sflag:s29] =	ssyncadd.s32 $0xFFFFFFFF  }
0xbd: {  	_ =	strace $0x90000048  }
0xbe: {  	_ =	sfence  }
0xbf: {  	s30 =	sld [smem:$0x0];
	_ =	sdelay $0x2  }
0xc0: {  	s31 =	sshll.u32 s1, $0xD;
	s1 =	sshrl.u32 s1, $0x2  }
0xc1: {  	s3 =	sand.u32 $0x4000, s31;
	s1 =	sadd.s32 s1, s30  }
0xc2: {  	s0 =	sor.u32 s3, s0;
	s1 =	sshll.u32 s1, $0x11  }
0xc3: {  	s0 =	sor.u32 s1, s0  }
0xc4: {  	s0 =	sadd.s32 $0x8F2B, s0  }
0xc5: {  	[sflag:s0] =	ssyncadd.remote.s32 $0x1  }
0xc6: {  	_ =	sfence.sel $0xFFFF  }
0xc7: {  	[dreg:$0x0] =	wrdreg $0xFFFFFFFF;
	(pc) =	sbr.abs _section_cstart, $3  }
0xc8: {  	[dreg:$0x1] =	wrdreg $0xFFFFFFFF  }
0xc9: {  	_ =	task.clear_ibuf [dreg:s8], $0x2FFFF;
	_ =	strace $0x9FFFFFFF  }
0xca: {  	(tm) =	ssettm $0x7FFFFFFF  }
0xcb: {  	_ =	shalt  }
tec
execute0_lowered:
.L_overlay_start_1:
0x0: {  	(tag) =	ssettag $0x1  }
0x1: {  	s6 =	rddreg [dreg:$0x0]  }
0x2: {  	s1 =	rddreg [dreg:$0x1]  }
0x3: {  	s0 =	srdreg.scid;
	s7 =	rddreg [dreg:$0x2]  }
0x4: {  	s3 =	rddreg [dreg:$0x3];
	s4 =	simm.s32 $0x0;
	s13 =	simm.s32 $0x80  }
0x5: {  	s14 =	simm.s32 $0x0;
	s5 =	sand.u32 $0x1, s0;
	s0 =	stileid.u32  }
0x6: {  	[smem:$0x7FF] =	sst s4;
	s2 =	sshll.u32 s5, $0x4;
	s9 =	smul.u32 $0x2780, s0  }
0x7: {  	s10 =	ssub.s32 $0x2, s5;
	s11 =	smul.u32 $0x27800, s5;
	s5 =	sadd.s32 $0xEE00, s6  }
0x8: {  	s31 =	sshll.u32 s0, $0x6;
	s2 =	sor.u32 s0, s2;
	s12 =	sshrl.u32 s10, $0x1  }
0x9: {  	s8 =	smul.u32 $0x280, s2;
	s2 =	rddreg [dreg:$0x4];
	_ =	strace $0x80000047  }
0xa: {  	s26 =	ssub.s32 s10, s12;
	s28 =	sadd.s32 s9, s11;
	s29 =	sadd.s32 s9, s3  }
0xb: {  	s9 =	simm.s32 $0x1;
	s10 =	simm.s32 $0x1400;
	s11 =	sor.u32 $0x1C01, s31  }
0xc: {  	s30 =	sshrl.u32 s28, $0x3;
	s12 =	sshrl.u32 s29, $0x3;
	s6 =	sadd.s32 s8, s6  }
0xd: {  	s7 =	sadd.s32 s7, s30;
	s8 =	smax.u32 s26, $0x1;
	s6 =	sadd.s32 $0x9E00, s6  }
.LBB2_1:
0xe: {  	[tilespmem:s4], [sflag:$0x1] =	stream.linear.gather [hbm4b:s6+s4], $0x1400, $0x38;
	[tilespmem:$0x4380] =	vst v63  }
0xf: {  	_ =	swait.ge [sflag:s9], $0x1400  }
0x10: {  	[sflag:s9] =	ssyncset.done $0x0  }
0x11: {  	[sflag:s9] =	ssyncadd.s32 $0xFFFFEC00  }
0x12: {  	[tilespmem:s10], [sflag:$0x1] =	stream.linear.gather [hbm4b:s5+s4], $0x800, $0x38;
	[tilespmem:$0x4380] =	vst v63  }
0x13: {  	_ =	swait.ge [sflag:s9], $0x800  }
0x14: {  	[sflag:s9] =	ssyncset.done $0x0  }
0x15: {  	[sflag:s9] =	ssyncadd.s32 $0xFFFFF800  }
0x16: {  	[spmem:s12], [sflag:s11] =	dma.local [hbm:s1], $0x4F0  }
0x17: {  	_ =	swait.ge [sflag:s9], $0x4F0  }
0x18: {  	[sflag:s9] =	ssyncset.done $0x0  }
0x19: {  	[sflag:s9] =	ssyncadd.s32 $0xFFFFFB10  }
0x1a: {  	s15 =	simm.s32 $0x0;
	[bflag:$0x0] =	sbarrier.arrive $0xFFFF  }
0x1b: {  	[spmem:s3] =	stream.indirect.scatter.add.f32 [tilespmem:s10], [sflag:$0x1], $0x10, s15, s13, $0xb8;
	[tilespmem:$0x4380] =	vst v63  }
0x1c: {  	_ =	swait.ge [sflag:s9], $0x800  }
0x1d: {  	s15 =	simm.s32 $0x200;
	[sflag:s9] =	ssyncset.done $0x0  }
.LBB2_2:
0x1e: {  	s16 =	sshra.s32 s15, $0x2;
	[sflag:s9] =	ssyncadd.s32 $0xFFFFF800;
	p0 =	sne.s32 s15, $0x4E00  }
0x1f: {  	[spmem:s3] =	stream.indirect.scatter.add.f32 [tilespmem:s10], [sflag:$0x1], $0x10, s16, s13, $0xb8;
	[tilespmem:$0x4380] =	vst v63  }
.Ltmp0:
0x20: {  	_ = 	snop;
	(pc) =	sbr.rel @p0 .LBB2_2-.Ltmp0, $4  }
0x21: {  	_ = 	snop  }
0x22: {  	s15 =	sadd.s32 $0x200, s15  }
0x23: {  	_ =	swait.ge [sflag:s9], $0x800  }
0x24: {  	[sflag:s9] =	ssyncset.done $0x0  }
0x25: {  	s14 =	sadd.s32 $0x1, s14  }
0x26: {  	[sflag:s9] =	ssyncadd.s32 $0xFFFFF800;
	p0 =	sne.s32 s14, s8  }
.Ltmp1:
0x27: {  	[bflag:$0x0] =	sbarrier.arrive $0xFFFF;
	(pc) =	sbr.rel @p0 .LBB2_1-.Ltmp1, $4  }
0x28: {  	[hbm:s7], [sflag:s11] =	dma.local [spmem:s12], $0x4F0  }
0x29: {  	_ =	swait.ge [sflag:s9], $0x4F0  }
0x2a: {  	[sflag:s9] =	ssyncset.done $0x0  }
0x2b: {  	[sflag:s9] =	ssyncadd.s32 $0xFFFFFB10  }
0x2c: {  	_ =	sfence.sel $0x180000  }
0x2d: {  	[bflag:$0x0] =	sbarrier.arrive $0xFFFF  }
0x2e: {  	p0 =	sne.s32 s0, $0x0;
	_ =	strace $0x90000047  }
0x2f: {  	s0 =	sadd.s32 @!p0 $0x100000, s2;
	[bflag:$0x2] =	sbarrier.arrive $0xFFFF  }
0x30: {  	[sflag:s0] =	ssyncadd.tile.s32 @!p0 $0x1;
	_ =	shalt  }
.Lfunc_end2:
_tile_overlayer_lowered:
.L_overlay_start_2:
0x31: {  	(tag) =	ssettag $0x2  }
0x32: {  	s0 =	rddreg [dreg:$0x0];
	s2 =	stileid.u32  }
0x33: {  	s1 =	rddreg [dreg:$0x1];
	p0 =	sne.s32 s2, $0x0  }
0x34: {  	s3 =	rddreg [dreg:$0x2];
	[bflag:$0x3] =	sbarrier.arrive $0xFFFF;
	s2 =	simm.s32 @!p0 $0x1C01  }
0x35: {  	[timem:s3], [sflag:s2] =	dma.local @!p0 [hbm:s0], s1  }
0x36: {  	s0 =	simm.s32 @!p0 $0x1  }
0x37: {  	_ =	swait.ge @!p0 [sflag:s0], s1  }
0x38: {  	s1 =	ssub.s32 @!p0 $0x0, s1;
	[sflag:s0] =	ssyncset.done @!p0 $0x0  }
0x39: {  	[sflag:s0] =	ssyncadd.s32 @!p0 s1  }
0x3a: {  	[bflag:$0x3] =	sbarrier.arrive $0xFFFF  }
0x3b: {  	_ =	shalt  }

// kernel: kernel.27.cloned.1.call-start
scs
__scs_entry_jumppad:
0x0: {  	(pc) =	sbr.rel $0x88, $3  }
0x1: {  	(tag) =	ssettag $0x0;
	lr =	simm.s32 $0x1  }
0x2: {  	[smem:$0x3F82] =	sst lr;
	_ =	strace $0xD0000000  }
0x3: {  	_ = 	snop  }
0x4: {  	_ = 	snop  }
0x5: {  	_ = 	snop  }
0x6: {  	_ = 	snop  }
0x7: {  	_ = 	snop  }
__scs_overlays_trampoline_lowered:
0x8: {  	[smem:$0x3F91] =	sst s0  }
0x9: {  	[smem:$0x3F92] =	sst s1  }
0xa: {  	[smem:$0x3F93] =	sst s2  }
0xb: {  	[smem:$0x3F94] =	sst s3  }
0xc: {  	[smem:$0x3F95] =	sst s4  }
0xd: {  	[smem:$0x3F96] =	sst s5  }
0xe: {  	[smem:$0x3F97] =	sst s6  }
0xf: {  	[smem:$0x3F98] =	sst s7  }
0x10: {  	[smem:$0x3F99] =	sst s8  }
0x11: {  	[smem:$0x3F9A] =	sst s9;
	s0 =	simm.s32 @!p0 $0x0  }
0x12: {  	s1 =	sld [smem:$0x3F80];
	s0 =	simm.s32 @p0 $0x1  }
0x13: {  	[smem:$0x3F9B] =	sst s0;
	s0 =	simm.s32 @!p1 $0x0  }
0x14: {  	s2 =	sld [smem:$0x3F7F];
	s0 =	simm.s32 @p1 $0x1  }
0x15: {  	[smem:$0x3F9C] =	sst s0;
	s0 =	simm.s32 @!p2 $0x0  }
0x16: {  	s3 =	sld [smem:$0x3FDB];
	s0 =	simm.s32 @p2 $0x1  }
0x17: {  	s4 =	simm.s32 $0x1BF5;
	[smem:$0x3F9E] =	sst s0  }
0x18: {  	s0 =	sld [smem:$0x3F81];
	_ =	swait.ge [sflag:s4], $0x0  }
0x19: {  	s7 =	sld [smem:$0x3F82]  }
0x1a: {  	s8 =	sadd.s32 $0xFFFFE003, lr  }
0x1b: {  	s9 =	sadd.s32 $0xFFFFFEF7, lr;
	s5 =	simm.s32 $0xFFFFFFFF;
	p2 =	slt.u32 s8, $0xFFFFF086  }
0x1c: {  	p1 =	slt.u32 s9, $0xF7A;
	s5 =	simm.s32 @!p2 $0x0  }
0x1d: {  	s5 =	simm.s32 @p1 $0x1;
	p0 =	seq.s32 s7, s2  }
0x1e: {  	s7 =	smul.u32 @!p0 $0xF7A, s2;
	p2 =	seq.s32 @!p0 s5, $0x0  }
0x1f: {  	s9 =	smul.u32 $0xF7A, s1;
	s8 =	simm.s32 @!p0 $0x1BF5;
	p2 =	por !p2, p0  }
0x20: {  	[sflag:s8] =	ssyncset.s32 @!p0 $0xFFFFF086;
	s6 =	sadd.s32 @!p0 s3, s7;
	s7 =	simm.s32 @!p0 $0x108  }
0x21: {  	s3 =	sadd.s32 s3, s9;
	s6 =	sadd.s32 @!p0 $0x88, s6;
	s7 =	simm.s32 @p2 $0x1082  }
0x22: {  	[simem:s7], [sflag:s8] =	dma.local @!p0 [hbm:s6], $0xF7A  }
0x23: {  	s9 =	sor.u32 $0xD0000000, s2;
	s6 =	simm.s32 $0x108;
	_ =	swait.ge @!p0 [sflag:s8], $0x0  }
0x24: {  	s3 =	sadd.s32 $0x88, s3;
	s6 =	simm.s32 @!p1 $0x1082;
	[sflag:s4] =	ssyncset.s32 $0xFFFFF086  }
0x25: {  	[simem:s6], [sflag:s4] =	dma.local [hbm:s3], $0xF7A  }
0x26: {  	[smem:$0x3F82] =	sst s1;
	(tag) =	ssettag s2;
	_ =	strace s9  }
0x27: {  	s1 =	sld [smem:$0x3F92]  }
0x28: {  	s2 =	sld [smem:$0x3F93]  }
0x29: {  	s4 =	sld [smem:$0x3F95]  }
0x2a: {  	p0 =	seq.s32 s5, $0x0;
	s5 =	sld [smem:$0x3F96]  }
0x2b: {  	s6 =	sld [smem:$0x3F97]  }
0x2c: {  	s7 =	sld [smem:$0x3F98]  }
0x2d: {  	s3 =	simm.s32 $0x108;
	s8 =	sld [smem:$0x3F99]  }
0x2e: {  	s3 =	simm.s32 @!p0 $0x1082;
	s9 =	sld [smem:$0x3F9A]  }
0x2f: {  	lr =	sadd.s32 s0, s3;
	s0 =	sld [smem:$0x3F91]  }
0x30: {  	s3 =	sld [smem:$0x3F94]  }
0x31: {  	[smem:$0x3F9D] =	sst s10  }
0x32: {  	s10 =	sld [smem:$0x3F9B];
	_ =	sdelay $0x3  }
0x33: {  	p0 =	seq.s32 s10, $0x1;
	s10 =	sld [smem:$0x3F9D];
	_ =	sdelay $0x3  }
0x34: {  	[smem:$0x3F9D] =	sst s10  }
0x35: {  	s10 =	sld [smem:$0x3F9C];
	_ =	sdelay $0x3  }
0x36: {  	p1 =	seq.s32 s10, $0x1;
	s10 =	sld [smem:$0x3F9D];
	_ =	sdelay $0x3  }
0x37: {  	[smem:$0x3F9D] =	sst s10  }
0x38: {  	s10 =	sld [smem:$0x3F9E]  }
0x39: {  	_ = 	snop;
	(pc) =	sbr.ind lr, $3  }
0x3a: {  	_ = 	snop  }
0x3b: {  	_ = 	snop  }
0x3c: {  	p2 =	seq.s32 s10, $0x1;
	s10 =	sld [smem:$0x3F9D]  }
0x3d: {  	_ =	shalt  }
0x3e: {  	_ =	shalt  }
0x3f: {  	_ =	shalt  }
0x40: {  	_ =	shalt  }
0x41: {  	_ =	shalt  }
0x42: {  	_ =	shalt  }
0x43: {  	_ =	shalt  }
0x44: {  	_ =	shalt  }
0x45: {  	_ =	shalt  }
0x46: {  	_ =	shalt  }
0x47: {  	_ =	shalt  }
0x48: {  	_ =	shalt  }
0x49: {  	_ =	shalt  }
0x4a: {  	_ =	shalt  }
0x4b: {  	_ =	shalt  }
0x4c: {  	_ =	shalt  }
0x4d: {  	_ =	shalt  }
0x4e: {  	_ =	shalt  }
0x4f: {  	_ =	shalt  }
0x50: {  	_ =	shalt  }
0x51: {  	_ =	shalt  }
0x52: {  	_ =	shalt  }
0x53: {  	_ =	shalt  }
0x54: {  	_ =	shalt  }
0x55: {  	_ =	shalt  }
0x56: {  	_ =	shalt  }
0x57: {  	_ =	shalt  }
0x58: {  	_ =	shalt  }
0x59: {  	_ =	shalt  }
0x5a: {  	_ =	shalt  }
0x5b: {  	_ =	shalt  }
0x5c: {  	_ =	shalt  }
0x5d: {  	_ =	shalt  }
0x5e: {  	_ =	shalt  }
0x5f: {  	_ =	shalt  }
0x60: {  	_ =	shalt  }
0x61: {  	_ =	shalt  }
0x62: {  	_ =	shalt  }
0x63: {  	_ =	shalt  }
0x64: {  	_ =	shalt  }
0x65: {  	_ =	shalt  }
0x66: {  	_ =	shalt  }
0x67: {  	_ =	shalt  }
0x68: {  	_ =	shalt  }
0x69: {  	_ =	shalt  }
0x6a: {  	_ =	shalt  }
0x6b: {  	_ =	shalt  }
0x6c: {  	_ =	shalt  }
0x6d: {  	_ =	shalt  }
0x6e: {  	_ =	shalt  }
0x6f: {  	_ =	shalt  }
0x70: {  	_ =	shalt  }
0x71: {  	_ =	shalt  }
0x72: {  	_ =	shalt  }
0x73: {  	_ =	shalt  }
0x74: {  	_ =	shalt  }
0x75: {  	_ =	shalt  }
0x76: {  	_ =	shalt  }
0x77: {  	_ =	shalt  }
0x78: {  	_ =	shalt  }
0x79: {  	_ =	shalt  }
0x7a: {  	_ =	shalt  }
0x7b: {  	_ =	shalt  }
0x7c: {  	_ =	shalt  }
0x7d: {  	_ =	shalt  }
0x7e: {  	_ =	shalt  }
0x7f: {  	_ =	shalt  }
0x80: {  	_ =	shalt  }
0x81: {  	_ =	shalt  }
0x82: {  	_ =	shalt  }
0x83: {  	_ =	shalt  }
0x84: {  	_ =	shalt  }
0x85: {  	_ =	shalt  }
0x86: {  	_ =	shalt  }
0x87: {  	_ =	shalt  }
.Lfunc_end0:
.L_simem_size_0:
called_computation.1_lowered:
.L_overlay_start_0:
0x88: {  	s2 =	sld [smem:$0x3FD9]  }
0x89: {  	s3 =	sld [smem:$0x3FFE];
	_ =	sdelay $0x1  }
0x8a: {  	s1 =	srdreg.scid  }
0x8b: {  	s0 =	sand.u32 $0x1, s1  }
0x8c: {  	s14 =	sshll.u32 s0, $0xA;
	s2 =	sadd.s32 s3, s2  }
0x8d: {  	s2 =	sadd.s32 s2, s14  }
0x8e: {  	[smem:$0x3FA9] =	sst s2  }
0x8f: {  	_ = 	snop  }
0x90: {  	s2 =	sld [smem:$0x3FD0];
	_ =	sdelay $0x2  }
0x91: {  	s15 =	simm.s32 $0xA;
	s4 =	simm.s32 $0x10  }
0x92: {  	[smem:s4], [sflag:s15] =	dma.local [hbm:s2], $0x1  }
0x93: {  	_ =	swait.eq [sflag:s15], $0x1  }
0x94: {  	[sflag:s15] =	ssyncset.done $0x0  }
0x95: {  	[sflag:s15] =	ssyncadd.s32 $0xFFFFFFFF  }
0x96: {  	s16 =	sld [smem:$0x12];
	(tm) =	ssettm $0x1  }
0x97: {  	s17 =	sld [smem:$0x3FFB];
	_ =	sdelay $0x3  }
0x98: {  	_ =	strace s17  }
0x99: {  	s3 =	sld [smem:$0x3FFC];
	_ =	sdelay $0x3  }
0x9a: {  	_ =	strace s3  }
0x9b: {  	s3 =	sld [smem:$0x3FFD];
	_ =	sdelay $0x3  }
0x9c: {  	_ =	strace s3  }
0x9d: {  	_ =	strace $0x8FFFFFFF  }
0x9e: {  	s18 =	sld [smem:$0x3FDB];
	_ =	sdelay $0x1  }
0x9f: {  	s19 =	simm.s32 $_scs_section_size  }
0xa0: {  	s5 =	simm.s32 $_size__tile_overlayer_lowered;
	s6 =	simm.s32 $_tile_overlayer_lowered  }
0xa1: {  	s22 =	simm.s32 $0x1BFF;
	s21 =	sshll.u32 s6, $0x1;
	s3 =	sadd.s32 s19, s18  }
0xa2: {  	s7 =	simm.s32 $0x0;
	s20 =	sshll.u32 s5, $0x1;
	s5 =	sadd.s32 s21, s3  }
0xa3: {  	[timem:s7], [sflag:s22] =	dma.local [hbm:s5], s20  }
0xa4: {  	_ =	swait.ge [sflag:s22], s20  }
0xa5: {  	s4 =	ssub.s32 $0x0, s20;
	[sflag:s22] =	ssyncset.done $0x0  }
0xa6: {  	[sflag:s22] =	ssyncadd.s32 s4;
	_ =	sdelay $0x1  }
0xa7: {  	s23 =	simm.s32 $0x1B8B  }
0xa8: {  	_ =	swait.ge [sflag:s23], $0x1  }
0xa9: {  	[sflag:s23] =	ssyncset.done $0x0  }
0xaa: {  	s25 =	simm.s32 $0x1B8E;
	s24 =	sld [smem:$0x3FFE];
	[sflag:s23] =	ssyncadd.s32 $0xFFFFFFFF  }
0xab: {  	s26 =	simm.s32 $execute0_lowered;
	[smem:$0x3FD2] =	sst s25  }
0xac: {  	s5 =	sshll.u32 s26, $0x1;
	_ =	strace $0x80000049;
	[dreg:$0x1] =	wrdreg $0xFFFFFFFF  }
0xad: {  	s28 =	simm.s32 $_size_execute0_lowered;
	s3 =	sadd.s32 s3, s5;
	[dreg:$0x0] =	wrdreg $0x0  }
0xae: {  	s5 =	sshll.u32 s28, $0x1;
	[dreg:$0x2] =	wrdreg s3  }
0xaf: {  	[dreg:$0x3] =	wrdreg s5  }
0xb0: {  	[dreg:$0x4] =	wrdreg $0xC0  }
0xb1: {  	_ =	task [dreg:s7], $0x5FFFF  }
0xb2: {  	[dreg:$0x1] =	wrdreg $0xFFFFFFFF  }
0xb3: {  	[dreg:$0x0] =	wrdreg $0x60  }
0xb4: {  	[dreg:$0x2] =	wrdreg s24  }
0xb5: {  	[dreg:$0x3] =	wrdreg s16  }
0xb6: {  	[dreg:$0x4] =	wrdreg $0xA8000  }
0xb7: {  	[dreg:$0x5] =	wrdreg $0x9  }
0xb8: {  	_ =	task.clear_ibuf [dreg:s7], $0x6FFFF;
	_ =	strace $0x90000049  }
0xb9: {  	s29 =	simm.s32 $0x9;
	_ =	strace $0x8000004B  }
0xba: {  	_ =	swait.ge [sflag:s29], $0x1  }
0xbb: {  	[sflag:s29] =	ssyncadd.s32 $0xFFFFFFFF  }
0xbc: {  	_ =	strace $0x9000004B  }
0xbd: {  	_ =	sfence  }
0xbe: {  	s30 =	sld [smem:$0x0];
	_ =	sdelay $0x2  }
0xbf: {  	s31 =	sshll.u32 s1, $0xD;
	s1 =	sshrl.u32 s1, $0x2  }
0xc0: {  	s3 =	sand.u32 $0x4000, s31;
	s1 =	sadd.s32 s1, s30  }
0xc1: {  	s0 =	sor.u32 s3, s0;
	s1 =	sshll.u32 s1, $0x11  }
0xc2: {  	s0 =	sor.u32 s1, s0  }
0xc3: {  	s0 =	sadd.s32 $0x8F2B, s0  }
0xc4: {  	[sflag:s0] =	ssyncadd.remote.s32 $0x1  }
0xc5: {  	_ =	sfence.sel $0xFFFF  }
0xc6: {  	[dreg:$0x0] =	wrdreg $0xFFFFFFFF;
	(pc) =	sbr.abs _section_cstart, $3  }
0xc7: {  	[dreg:$0x1] =	wrdreg $0xFFFFFFFF  }
0xc8: {  	_ =	task.clear_ibuf [dreg:s7], $0x2FFFF;
	_ =	strace $0x9FFFFFFF  }
0xc9: {  	(tm) =	ssettm $0x7FFFFFFF  }
tec
execute0_lowered:
.L_overlay_start_1:
0x0: {  	(tag) =	ssettag $0x1  }
0x1: {  	s5 =	rddreg [dreg:$0x0]  }
0x2: {  	s8 =	rddreg [dreg:$0x1]  }
0x3: {  	s0 =	srdreg.scid;
	s2 =	rddreg [dreg:$0x2]  }
0x4: {  	s3 =	simm.s32 $0x0;
	s14 =	simm.s32 $0x6800;
	s17 =	simm.s32 $0x1  }
0x5: {  	s18 =	simm.s32 $0x2;
	s19 =	simm.s32 $0x2700;
	s20 =	simm.s32 $0x2780  }
0x6: {  	s21 =	simm.s32 $0x0;
	s4 =	sand.u32 $0x1, s0;
	s0 =	stileid.u32  }
0x7: {  	[smem:$0x7FF] =	sst s3;
	s1 =	sshll.u32 s4, $0x4;
	s7 =	smul.u32 $0x4F000, s0  }
0x8: {  	s9 =	ssub.s32 $0x2, s4;
	s10 =	smul.u32 $0x13C000, s4;
	s4 =	sadd.s32 $0x62200, s5  }
0x9: {  	s12 =	smul.u32 $0x13C00, s0;
	s15 =	sshll.u32 s0, $0x6;
	s6 =	sor.u32 s0, s1  }
0xa: {  	s1 =	rddreg [dreg:$0x3];
	_ =	strace $0x8000004A;
	s11 =	sshrl.u32 s9, $0x1  }
0xb: {  	s15 =	sor.u32 $0x1C03, s15;
	s6 =	smul.u32 $0x280, s6;
	s9 =	ssub.s32 s9, s11  }
0xc: {  	s31 =	sshrl.u32 s7, $0x2;
	s10 =	sadd.s32 s12, s10;
	s11 =	simm.s32 $0x1400  }
0xd: {  	s12 =	simm.s32 $0x80;
	s16 =	sadd.s32 s31, s2;
	s10 =	sshrl.u32 s10, $0x3  }
0xe: {  	s9 =	smax.u32 s9, $0x1;
	s13 =	sadd.s32 s6, s5;
	s5 =	sadd.s32 $0xB0600, s5  }
0xf: {  	s8 =	sadd.s32 s8, s10;
	s10 =	simm.s32 $0x3;
	s16 =	sshrl.u32 s16, $0x3  }
0x10: {  	s6 =	sadd.s32 $0xF000, s13;
	s7 =	sadd.s32 $0x9E00, s13;
	s13 =	simm.s32 $0x2800  }
.LBB2_1:
0x11: {  	[tilespmem:s3], [sflag:$0x3] =	stream.linear.gather [hbm4b:s6+s3], $0x1400, $0x38;
	[tilespmem:$0x1E400] =	vst v63  }
0x12: {  	_ =	swait.ge [sflag:s10], $0x1400  }
0x13: {  	[sflag:s10] =	ssyncset.done $0x0  }
0x14: {  	[sflag:s10] =	ssyncadd.s32 $0xFFFFEC00  }
0x15: {  	[tilespmem:s11], [sflag:$0x3] =	stream.linear.gather [hbm4b:s7+s3], $0x1400, $0x38;
	[tilespmem:$0x1E400] =	vst v63  }
0x16: {  	_ =	swait.ge [sflag:s10], $0x1400  }
0x17: {  	[sflag:s10] =	ssyncset.done $0x0  }
0x18: {  	[sflag:s10] =	ssyncadd.s32 $0xFFFFEC00  }
0x19: {  	[tilespmem:s13], [sflag:$0x1] =	stream.indirect.gather [hbm4b:s4+s12], $0x80, s3, s12, $0xb8;
	[tilespmem:$0x1E400] =	vst v63  }
0x1a: {  	_ = 	snop  }
0x1b: {  	[tilespmem:s14], [sflag:$0x2] =	stream.indirect.gather [hbm4b:s4+s12], $0x80, s12, s12, $0xb8;
	[tilespmem:$0x1E400] =	vst v63  }
0x1c: {  	[spmem:s16], [sflag:s15] =	dma.local [hbm:s5], $0x2780  }
0x1d: {  	_ =	swait.ge [sflag:s10], $0x2780  }
0x1e: {  	[sflag:s10] =	ssyncset.done $0x0  }
0x1f: {  	[sflag:s10] =	ssyncadd.s32 $0xFFFFD880  }
0x20: {  	[bflag:$0x0] =	sbarrier.arrive $0xFFFF  }
0x21: {  	_ =	swait.ge [sflag:s17], $0x4000  }
0x22: {  	[sflag:s17] =	ssyncset.done $0x0  }
0x23: {  	s22 =	simm.s32 $0x1400;
	[sflag:s17] =	ssyncadd.s32 $0xFFFFC000  }
0x24: {  	[spmem:s2] =	stream.indirect.scatter.add.f32 [tilespmem:s13], [sflag:$0x3], $0x80, s22, s12, $0xb8;
	[tilespmem:$0x1E400] =	vst v63  }
0x25: {  	_ =	swait.ge [sflag:s10], $0x4000  }
0x26: {  	[sflag:s10] =	ssyncset.done $0x0  }
0x27: {  	s30 =	simm.s32 $0x100;
	[sflag:s10] =	ssyncadd.s32 $0xFFFFC000  }
0x28: {  	[tilespmem:s13], [sflag:$0x1] =	stream.indirect.gather [hbm4b:s4+s12], $0x80, s30, s12, $0xb8;
	[tilespmem:$0x1E400] =	vst v63  }
0x29: {  	_ =	swait.ge [sflag:s18], $0x4000  }
0x2a: {  	[sflag:s18] =	ssyncset.done $0x0  }
0x2b: {  	s31 =	simm.s32 $0x1480;
	[sflag:s18] =	ssyncadd.s32 $0xFFFFC000  }
0x2c: {  	[spmem:s2] =	stream.indirect.scatter.add.f32 [tilespmem:s14], [sflag:$0x3], $0x80, s31, s12, $0xb8;
	[tilespmem:$0x1E400] =	vst v63  }
0x2d: {  	_ =	swait.ge [sflag:s10], $0x4000  }
0x2e: {  	[sflag:s10] =	ssyncset.done $0x0  }
0x2f: {  	s23 =	simm.s32 $0x180;
	s22 =	simm.s32 $0x400;
	[sflag:s10] =	ssyncadd.s32 $0xFFFFC000  }
.LBB2_2:
0x30: {  	[tilespmem:s14], [sflag:$0x2] =	stream.indirect.gather [hbm4b:s4+s12], $0x80, s23, s12, $0xb8;
	[tilespmem:$0x1E400] =	vst v63  }
0x31: {  	s23 =	smov.u32 s22  }
0x32: {  	p0 =	sne.s32 s22, $0x4800;
	s22 =	sadd.s32 $0x400, s22;
	_ =	swait.ge [sflag:s17], $0x4000  }
0x33: {  	s23 =	sshra.s32 s23, $0x2;
	[sflag:s17] =	ssyncset.done $0x0  }
0x34: {  	s24 =	sadd.s32 $0x1400, s23;
	[sflag:s17] =	ssyncadd.s32 $0xFFFFC000  }
0x35: {  	[spmem:s2] =	stream.indirect.scatter.add.f32 [tilespmem:s13], [sflag:$0x3], $0x80, s24, s12, $0xb8;
	[tilespmem:$0x1E400] =	vst v63  }
0x36: {  	_ =	swait.ge [sflag:s10], $0x4000  }
0x37: {  	[sflag:s10] =	ssyncset.done $0x0  }
0x38: {  	s24 =	sadd.s32 $0x100, s23;
	[sflag:s10] =	ssyncadd.s32 $0xFFFFC000  }
0x39: {  	[tilespmem:s13], [sflag:$0x1] =	stream.indirect.gather [hbm4b:s4+s12], $0x80, s24, s12, $0xb8;
	[tilespmem:$0x1E400] =	vst v63  }
0x3a: {  	_ =	swait.ge [sflag:s18], $0x4000  }
0x3b: {  	[sflag:s18] =	ssyncset.done $0x0  }
.Ltmp0:
0x3c: {  	s24 =	sadd.s32 $0x1480, s23;
	[sflag:s18] =	ssyncadd.s32 $0xFFFFC000;
	(pc) =	sbr.rel @p0 .LBB2_2-.Ltmp0, $4  }
0x3d: {  	[spmem:s2] =	stream.indirect.scatter.add.f32 [tilespmem:s14], [sflag:$0x3], $0x80, s24, s12, $0xb8;
	[tilespmem:$0x1E400] =	vst v63  }
0x3e: {  	_ =	swait.ge [sflag:s10], $0x4000  }
0x3f: {  	[sflag:s10] =	ssyncset.done $0x0  }
0x40: {  	s23 =	sadd.s32 $0x180, s23;
	[sflag:s10] =	ssyncadd.s32 $0xFFFFC000  }
0x41: {  	[tilespmem:s14], [sflag:$0x2] =	stream.indirect.gather [hbm4b:s4+s12], $0x80, s23, s12, $0xb8;
	[tilespmem:$0x1E400] =	vst v63  }
0x42: {  	_ =	swait.ge [sflag:s17], $0x4000  }
0x43: {  	[sflag:s17] =	ssyncset.done $0x0  }
0x44: {  	[sflag:s17] =	ssyncadd.s32 $0xFFFFC000  }
0x45: {  	[spmem:s2] =	stream.indirect.scatter.add.f32 [tilespmem:s13], [sflag:$0x3], $0x80, s19, s12, $0xb8;
	[tilespmem:$0x1E400] =	vst v63  }
0x46: {  	_ =	swait.ge [sflag:s10], $0x4000  }
0x47: {  	[sflag:s10] =	ssyncset.done $0x0  }
0x48: {  	[sflag:s10] =	ssyncadd.s32 $0xFFFFC000  }
0x49: {  	_ =	swait.ge [sflag:s18], $0x4000  }
0x4a: {  	[sflag:s18] =	ssyncset.done $0x0  }
0x4b: {  	[sflag:s18] =	ssyncadd.s32 $0xFFFFC000  }
0x4c: {  	[spmem:s2] =	stream.indirect.scatter.add.f32 [tilespmem:s14], [sflag:$0x3], $0x80, s20, s12, $0xb8;
	[tilespmem:$0x1E400] =	vst v63  }
0x4d: {  	_ =	swait.ge [sflag:s10], $0x4000  }
0x4e: {  	s21 =	sadd.s32 $0x1, s21;
	[sflag:s10] =	ssyncset.done $0x0  }
0x4f: {  	p0 =	sne.s32 s21, s9;
	[sflag:s10] =	ssyncadd.s32 $0xFFFFC000  }
.Ltmp1:
0x50: {  	[bflag:$0x0] =	sbarrier.arrive $0xFFFF;
	(pc) =	sbr.rel @p0 .LBB2_1-.Ltmp1, $4  }
0x51: {  	[hbm:s8], [sflag:s15] =	dma.local [spmem:s16], $0x2780  }
0x52: {  	_ =	swait.ge [sflag:s10], $0x2780  }
0x53: {  	[sflag:s10] =	ssyncset.done $0x0  }
0x54: {  	[sflag:s10] =	ssyncadd.s32 $0xFFFFD880  }
0x55: {  	_ =	sfence.sel $0x180000  }
0x56: {  	[bflag:$0x0] =	sbarrier.arrive $0xFFFF  }
0x57: {  	p0 =	sne.s32 s0, $0x0;
	_ =	strace $0x9000004A  }
0x58: {  	s0 =	sadd.s32 @!p0 $0x100000, s1;
	[bflag:$0x2] =	sbarrier.arrive $0xFFFF  }
0x59: {  	[sflag:s0] =	ssyncadd.tile.s32 @!p0 $0x1;
	_ =	shalt  }
.Lfunc_end2:
_tile_overlayer_lowered:
.L_overlay_start_2:
0x5a: {  	(tag) =	ssettag $0x2  }
0x5b: {  	s0 =	rddreg [dreg:$0x0];
	s2 =	stileid.u32  }
0x5c: {  	s1 =	rddreg [dreg:$0x1];
	p0 =	sne.s32 s2, $0x0  }
0x5d: {  	s3 =	rddreg [dreg:$0x2];
	[bflag:$0x3] =	sbarrier.arrive $0xFFFF;
	s2 =	simm.s32 @!p0 $0x1C03  }
0x5e: {  	[timem:s3], [sflag:s2] =	dma.local @!p0 [hbm:s0], s1  }
0x5f: {  	s0 =	simm.s32 @!p0 $0x3  }
0x60: {  	_ =	swait.ge @!p0 [sflag:s0], s1  }
0x61: {  	s1 =	ssub.s32 @!p0 $0x0, s1;
	[sflag:s0] =	ssyncset.done @!p0 $0x0  }
0x62: {  	[sflag:s0] =	ssyncadd.s32 @!p0 s1  }
0x63: {  	[bflag:$0x3] =	sbarrier.arrive $0xFFFF  }
0x64: {  	_ =	shalt  }

// kernel: kernel.30.cloned.1.call-start
scs
__scs_entry_jumppad:
0x0: {  	(pc) =	sbr.rel $0x88, $3  }
0x1: {  	(tag) =	ssettag $0x0;
	lr =	simm.s32 $0x1  }
0x2: {  	[smem:$0x3F82] =	sst lr;
	_ =	strace $0xD0000000  }
0x3: {  	_ = 	snop  }
0x4: {  	_ = 	snop  }
0x5: {  	_ = 	snop  }
0x6: {  	_ = 	snop  }
0x7: {  	_ = 	snop  }
__scs_overlays_trampoline_lowered:
0x8: {  	[smem:$0x3F91] =	sst s0  }
0x9: {  	[smem:$0x3F92] =	sst s1  }
0xa: {  	[smem:$0x3F93] =	sst s2  }
0xb: {  	[smem:$0x3F94] =	sst s3  }
0xc: {  	[smem:$0x3F95] =	sst s4  }
0xd: {  	[smem:$0x3F96] =	sst s5  }
0xe: {  	[smem:$0x3F97] =	sst s6  }
0xf: {  	[smem:$0x3F98] =	sst s7  }
0x10: {  	[smem:$0x3F99] =	sst s8  }
0x11: {  	[smem:$0x3F9A] =	sst s9;
	s0 =	simm.s32 @!p0 $0x0  }
0x12: {  	s1 =	sld [smem:$0x3F80];
	s0 =	simm.s32 @p0 $0x1  }
0x13: {  	[smem:$0x3F9B] =	sst s0;
	s0 =	simm.s32 @!p1 $0x0  }
0x14: {  	s2 =	sld [smem:$0x3F7F];
	s0 =	simm.s32 @p1 $0x1  }
0x15: {  	[smem:$0x3F9C] =	sst s0;
	s0 =	simm.s32 @!p2 $0x0  }
0x16: {  	s3 =	sld [smem:$0x3FDB];
	s0 =	simm.s32 @p2 $0x1  }
0x17: {  	s4 =	simm.s32 $0x1BF5;
	[smem:$0x3F9E] =	sst s0  }
0x18: {  	s0 =	sld [smem:$0x3F81];
	_ =	swait.ge [sflag:s4], $0x0  }
0x19: {  	s7 =	sld [smem:$0x3F82]  }
0x1a: {  	s8 =	sadd.s32 $0xFFFFE003, lr  }
0x1b: {  	s9 =	sadd.s32 $0xFFFFFEF7, lr;
	s5 =	simm.s32 $0xFFFFFFFF;
	p2 =	slt.u32 s8, $0xFFFFF086  }
0x1c: {  	p1 =	slt.u32 s9, $0xF7A;
	s5 =	simm.s32 @!p2 $0x0  }
0x1d: {  	s5 =	simm.s32 @p1 $0x1;
	p0 =	seq.s32 s7, s2  }
0x1e: {  	s7 =	smul.u32 @!p0 $0xF7A, s2;
	p2 =	seq.s32 @!p0 s5, $0x0  }
0x1f: {  	s9 =	smul.u32 $0xF7A, s1;
	s8 =	simm.s32 @!p0 $0x1BF5;
	p2 =	por !p2, p0  }
0x20: {  	[sflag:s8] =	ssyncset.s32 @!p0 $0xFFFFF086;
	s6 =	sadd.s32 @!p0 s3, s7;
	s7 =	simm.s32 @!p0 $0x108  }
0x21: {  	s3 =	sadd.s32 s3, s9;
	s6 =	sadd.s32 @!p0 $0x88, s6;
	s7 =	simm.s32 @p2 $0x1082  }
0x22: {  	[simem:s7], [sflag:s8] =	dma.local @!p0 [hbm:s6], $0xF7A  }
0x23: {  	s9 =	sor.u32 $0xD0000000, s2;
	s6 =	simm.s32 $0x108;
	_ =	swait.ge @!p0 [sflag:s8], $0x0  }
0x24: {  	s3 =	sadd.s32 $0x88, s3;
	s6 =	simm.s32 @!p1 $0x1082;
	[sflag:s4] =	ssyncset.s32 $0xFFFFF086  }
0x25: {  	[simem:s6], [sflag:s4] =	dma.local [hbm:s3], $0xF7A  }
0x26: {  	[smem:$0x3F82] =	sst s1;
	(tag) =	ssettag s2;
	_ =	strace s9  }
0x27: {  	s1 =	sld [smem:$0x3F92]  }
0x28: {  	s2 =	sld [smem:$0x3F93]  }
0x29: {  	s4 =	sld [smem:$0x3F95]  }
0x2a: {  	p0 =	seq.s32 s5, $0x0;
	s5 =	sld [smem:$0x3F96]  }
0x2b: {  	s6 =	sld [smem:$0x3F97]  }
0x2c: {  	s7 =	sld [smem:$0x3F98]  }
0x2d: {  	s3 =	simm.s32 $0x108;
	s8 =	sld [smem:$0x3F99]  }
0x2e: {  	s3 =	simm.s32 @!p0 $0x1082;
	s9 =	sld [smem:$0x3F9A]  }
0x2f: {  	lr =	sadd.s32 s0, s3;
	s0 =	sld [smem:$0x3F91]  }
0x30: {  	s3 =	sld [smem:$0x3F94]  }
0x31: {  	[smem:$0x3F9D] =	sst s10  }
0x32: {  	s10 =	sld [smem:$0x3F9B];
	_ =	sdelay $0x3  }
0x33: {  	p0 =	seq.s32 s10, $0x1;
	s10 =	sld [smem:$0x3F9D];
	_ =	sdelay $0x3  }
0x34: {  	[smem:$0x3F9D] =	sst s10  }
0x35: {  	s10 =	sld [smem:$0x3F9C];
	_ =	sdelay $0x3  }
0x36: {  	p1 =	seq.s32 s10, $0x1;
	s10 =	sld [smem:$0x3F9D];
	_ =	sdelay $0x3  }
0x37: {  	[smem:$0x3F9D] =	sst s10  }
0x38: {  	s10 =	sld [smem:$0x3F9E]  }
0x39: {  	_ = 	snop;
	(pc) =	sbr.ind lr, $3  }
0x3a: {  	_ = 	snop  }
0x3b: {  	_ = 	snop  }
0x3c: {  	p2 =	seq.s32 s10, $0x1;
	s10 =	sld [smem:$0x3F9D]  }
0x3d: {  	_ =	shalt  }
0x3e: {  	_ =	shalt  }
0x3f: {  	_ =	shalt  }
0x40: {  	_ =	shalt  }
0x41: {  	_ =	shalt  }
0x42: {  	_ =	shalt  }
0x43: {  	_ =	shalt  }
0x44: {  	_ =	shalt  }
0x45: {  	_ =	shalt  }
0x46: {  	_ =	shalt  }
0x47: {  	_ =	shalt  }
0x48: {  	_ =	shalt  }
0x49: {  	_ =	shalt  }
0x4a: {  	_ =	shalt  }
0x4b: {  	_ =	shalt  }
0x4c: {  	_ =	shalt  }
0x4d: {  	_ =	shalt  }
0x4e: {  	_ =	shalt  }
0x4f: {  	_ =	shalt  }
0x50: {  	_ =	shalt  }
0x51: {  	_ =	shalt  }
0x52: {  	_ =	shalt  }
0x53: {  	_ =	shalt  }
0x54: {  	_ =	shalt  }
0x55: {  	_ =	shalt  }
0x56: {  	_ =	shalt  }
0x57: {  	_ =	shalt  }
0x58: {  	_ =	shalt  }
0x59: {  	_ =	shalt  }
0x5a: {  	_ =	shalt  }
0x5b: {  	_ =	shalt  }
0x5c: {  	_ =	shalt  }
0x5d: {  	_ =	shalt  }
0x5e: {  	_ =	shalt  }
0x5f: {  	_ =	shalt  }
0x60: {  	_ =	shalt  }
0x61: {  	_ =	shalt  }
0x62: {  	_ =	shalt  }
0x63: {  	_ =	shalt  }
0x64: {  	_ =	shalt  }
0x65: {  	_ =	shalt  }
0x66: {  	_ =	shalt  }
0x67: {  	_ =	shalt  }
0x68: {  	_ =	shalt  }
0x69: {  	_ =	shalt  }
0x6a: {  	_ =	shalt  }
0x6b: {  	_ =	shalt  }
0x6c: {  	_ =	shalt  }
0x6d: {  	_ =	shalt  }
0x6e: {  	_ =	shalt  }
0x6f: {  	_ =	shalt  }
0x70: {  	_ =	shalt  }
0x71: {  	_ =	shalt  }
0x72: {  	_ =	shalt  }
0x73: {  	_ =	shalt  }
0x74: {  	_ =	shalt  }
0x75: {  	_ =	shalt  }
0x76: {  	_ =	shalt  }
0x77: {  	_ =	shalt  }
0x78: {  	_ =	shalt  }
0x79: {  	_ =	shalt  }
0x7a: {  	_ =	shalt  }
0x7b: {  	_ =	shalt  }
0x7c: {  	_ =	shalt  }
0x7d: {  	_ =	shalt  }
0x7e: {  	_ =	shalt  }
0x7f: {  	_ =	shalt  }
0x80: {  	_ =	shalt  }
0x81: {  	_ =	shalt  }
0x82: {  	_ =	shalt  }
0x83: {  	_ =	shalt  }
0x84: {  	_ =	shalt  }
0x85: {  	_ =	shalt  }
0x86: {  	_ =	shalt  }
0x87: {  	_ =	shalt  }
.Lfunc_end0:
.L_simem_size_0:
called_computation.2_lowered:
.L_overlay_start_0:
0x88: {  	s2 =	sld [smem:$0x3FD9]  }
0x89: {  	s3 =	sld [smem:$0x3FFE];
	_ =	sdelay $0x1  }
0x8a: {  	s1 =	srdreg.scid  }
0x8b: {  	s0 =	sand.u32 $0x1, s1  }
0x8c: {  	s14 =	sshll.u32 s0, $0xA;
	s2 =	sadd.s32 s3, s2  }
0x8d: {  	s2 =	sadd.s32 s2, s14  }
0x8e: {  	[smem:$0x3FA9] =	sst s2  }
0x8f: {  	_ = 	snop  }
0x90: {  	s2 =	sld [smem:$0x3FD0];
	_ =	sdelay $0x2  }
0x91: {  	s15 =	simm.s32 $0xA;
	s4 =	simm.s32 $0x10  }
0x92: {  	[smem:s4], [sflag:s15] =	dma.local [hbm:s2], $0x1  }
0x93: {  	_ =	swait.eq [sflag:s15], $0x1  }
0x94: {  	[sflag:s15] =	ssyncset.done $0x0  }
0x95: {  	s16 =	sld [smem:$0x10];
	[sflag:s15] =	ssyncadd.s32 $0xFFFFFFFF  }
0x96: {  	s17 =	sld [smem:$0x12];
	(tm) =	ssettm $0x1  }
0x97: {  	s18 =	sld [smem:$0x3FFB];
	_ =	sdelay $0x3  }
0x98: {  	_ =	strace s18  }
0x99: {  	s4 =	sld [smem:$0x3FFC];
	_ =	sdelay $0x3  }
0x9a: {  	_ =	strace s4  }
0x9b: {  	s4 =	sld [smem:$0x3FFD];
	_ =	sdelay $0x3  }
0x9c: {  	_ =	strace s4  }
0x9d: {  	_ =	strace $0x8FFFFFFF  }
0x9e: {  	s19 =	sld [smem:$0x3FDB];
	_ =	sdelay $0x1  }
0x9f: {  	s5 =	simm.s32 $_scs_section_size  }
0xa0: {  	s6 =	simm.s32 $_size__tile_overlayer_lowered;
	s7 =	simm.s32 $_tile_overlayer_lowered  }
0xa1: {  	s22 =	simm.s32 $0x1BFF;
	s21 =	sshll.u32 s7, $0x1;
	s4 =	sadd.s32 s5, s19  }
0xa2: {  	s8 =	simm.s32 $0x0;
	s20 =	sshll.u32 s6, $0x1;
	s6 =	sadd.s32 s21, s4  }
0xa3: {  	[timem:s8], [sflag:s22] =	dma.local [hbm:s6], s20  }
0xa4: {  	_ =	swait.ge [sflag:s22], s20  }
0xa5: {  	s5 =	ssub.s32 $0x0, s20;
	[sflag:s22] =	ssyncset.done $0x0  }
0xa6: {  	[sflag:s22] =	ssyncadd.s32 s5;
	_ =	sdelay $0x1  }
0xa7: {  	s23 =	simm.s32 $0x1B8B  }
0xa8: {  	_ =	swait.ge [sflag:s23], $0x1  }
0xa9: {  	[sflag:s23] =	ssyncset.done $0x0  }
0xaa: {  	s25 =	simm.s32 $0x1B8E;
	s24 =	sld [smem:$0x3FFE];
	[sflag:s23] =	ssyncadd.s32 $0xFFFFFFFF  }
0xab: {  	s26 =	simm.s32 $execute0_lowered;
	[smem:$0x3FD2] =	sst s25  }
0xac: {  	s6 =	sshll.u32 s26, $0x1;
	_ =	strace $0x8000004C;
	[dreg:$0x1] =	wrdreg $0xFFFFFFFF  }
0xad: {  	s28 =	simm.s32 $_size_execute0_lowered;
	s4 =	sadd.s32 s4, s6;
	[dreg:$0x0] =	wrdreg $0x0  }
0xae: {  	s6 =	sshll.u32 s28, $0x1;
	[dreg:$0x2] =	wrdreg s4  }
0xaf: {  	[dreg:$0x3] =	wrdreg s6  }
0xb0: {  	[dreg:$0x4] =	wrdreg $0xC0  }
0xb1: {  	_ =	task [dreg:s8], $0x5FFFF  }
0xb2: {  	[dreg:$0x1] =	wrdreg $0xFFFFFFFF  }
0xb3: {  	[dreg:$0x0] =	wrdreg $0x60  }
0xb4: {  	[dreg:$0x2] =	wrdreg s16  }
0xb5: {  	[dreg:$0x3] =	wrdreg s24  }
0xb6: {  	[dreg:$0x4] =	wrdreg s17  }
0xb7: {  	[dreg:$0x5] =	wrdreg $0xA8000  }
0xb8: {  	[dreg:$0x6] =	wrdreg $0x9  }
0xb9: {  	_ =	task.clear_ibuf [dreg:s8], $0x7FFFF;
	_ =	strace $0x9000004C  }
0xba: {  	s29 =	simm.s32 $0x9;
	_ =	strace $0x8000004E  }
0xbb: {  	_ =	swait.ge [sflag:s29], $0x1  }
0xbc: {  	[sflag:s29] =	ssyncadd.s32 $0xFFFFFFFF  }
0xbd: {  	_ =	strace $0x9000004E  }
0xbe: {  	_ =	sfence  }
0xbf: {  	s30 =	sld [smem:$0x0];
	_ =	sdelay $0x2  }
0xc0: {  	s31 =	sshll.u32 s1, $0xD;
	s1 =	sshrl.u32 s1, $0x2  }
0xc1: {  	s3 =	sand.u32 $0x4000, s31;
	s1 =	sadd.s32 s1, s30  }
0xc2: {  	s0 =	sor.u32 s3, s0;
	s1 =	sshll.u32 s1, $0x11  }
0xc3: {  	s0 =	sor.u32 s1, s0  }
0xc4: {  	s0 =	sadd.s32 $0x8F2B, s0  }
0xc5: {  	[sflag:s0] =	ssyncadd.remote.s32 $0x1  }
0xc6: {  	_ =	sfence.sel $0xFFFF  }
0xc7: {  	[dreg:$0x0] =	wrdreg $0xFFFFFFFF;
	(pc) =	sbr.abs _section_cstart, $3  }
0xc8: {  	[dreg:$0x1] =	wrdreg $0xFFFFFFFF  }
0xc9: {  	_ =	task.clear_ibuf [dreg:s8], $0x2FFFF;
	_ =	strace $0x9FFFFFFF  }
0xca: {  	(tm) =	ssettm $0x7FFFFFFF  }
0xcb: {  	_ =	shalt  }
tec
execute0_lowered:
.L_overlay_start_1:
0x0: {  	(tag) =	ssettag $0x1  }
0x1: {  	s1 =	rddreg [dreg:$0x0]  }
0x2: {  	s6 =	rddreg [dreg:$0x1]  }
0x3: {  	s0 =	srdreg.scid;
	s8 =	rddreg [dreg:$0x2]  }
0x4: {  	s3 =	rddreg [dreg:$0x3];
	s4 =	simm.s32 $0x0;
	s14 =	simm.s32 $0x6800  }
0x5: {  	s17 =	simm.s32 $0x1;
	s18 =	simm.s32 $0x2;
	s19 =	simm.s32 $0x2700  }
0x6: {  	s20 =	simm.s32 $0x2780;
	s5 =	sand.u32 $0x1, s0;
	s0 =	stileid.u32  }
0x7: {  	s21 =	simm.s32 $0x0;
	[smem:$0x7FF] =	sst s4;
	s9 =	smul.u32 $0x4F000, s0  }
0x8: {  	s2 =	sshll.u32 s5, $0x4;
	s10 =	ssub.s32 $0x2, s5;
	s11 =	smul.u32 $0x13C000, s5  }
0x9: {  	s13 =	smul.u32 $0x13C00, s0;
	s5 =	sadd.s32 $0xB0600, s6;
	s15 =	sshll.u32 s0, $0x6  }
0xa: {  	s2 =	sor.u32 s0, s2;
	s12 =	sshrl.u32 s10, $0x1;
	s15 =	sor.u32 $0x1C03, s15  }
0xb: {  	s7 =	smul.u32 $0x280, s2;
	s2 =	rddreg [dreg:$0x4];
	_ =	strace $0x8000004D  }
0xc: {  	s10 =	ssub.s32 s10, s12;
	s9 =	sshrl.u32 s9, $0x2;
	s11 =	sadd.s32 s13, s11  }
0xd: {  	s12 =	simm.s32 $0x80;
	s13 =	simm.s32 $0x2800;
	s16 =	sadd.s32 s9, s3  }
0xe: {  	s31 =	sshrl.u32 s11, $0x3;
	s9 =	smax.u32 s10, $0x1;
	s10 =	simm.s32 $0x3  }
0xf: {  	s11 =	simm.s32 $0x1400;
	s7 =	sadd.s32 s7, s6;
	s8 =	sadd.s32 s8, s31  }
0x10: {  	s16 =	sshrl.u32 s16, $0x3;
	s6 =	sadd.s32 $0xF000, s7;
	s7 =	sadd.s32 $0x9E00, s7  }
.LBB2_1:
0x11: {  	[tilespmem:s4], [sflag:$0x3] =	stream.linear.gather [hbm4b:s6+s4], $0x1400, $0x38;
	[tilespmem:$0x1E400] =	vst v63  }
0x12: {  	_ =	swait.ge [sflag:s10], $0x1400  }
0x13: {  	[sflag:s10] =	ssyncset.done $0x0  }
0x14: {  	[sflag:s10] =	ssyncadd.s32 $0xFFFFEC00  }
0x15: {  	[tilespmem:s11], [sflag:$0x3] =	stream.linear.gather [hbm4b:s7+s4], $0x1400, $0x38;
	[tilespmem:$0x1E400] =	vst v63  }
0x16: {  	_ =	swait.ge [sflag:s10], $0x1400  }
0x17: {  	[sflag:s10] =	ssyncset.done $0x0  }
0x18: {  	[sflag:s10] =	ssyncadd.s32 $0xFFFFEC00  }
0x19: {  	[tilespmem:s13], [sflag:$0x1] =	stream.indirect.gather [hbm4b:s1+s12], $0x80, s4, s12, $0xb8;
	[tilespmem:$0x1E400] =	vst v63  }
0x1a: {  	_ = 	snop  }
0x1b: {  	[tilespmem:s14], [sflag:$0x2] =	stream.indirect.gather [hbm4b:s1+s12], $0x80, s12, s12, $0xb8;
	[tilespmem:$0x1E400] =	vst v63  }
0x1c: {  	[spmem:s16], [sflag:s15] =	dma.local [hbm:s5], $0x2780  }
0x1d: {  	_ =	swait.ge [sflag:s10], $0x2780  }
0x1e: {  	[sflag:s10] =	ssyncset.done $0x0  }
0x1f: {  	[sflag:s10] =	ssyncadd.s32 $0xFFFFD880  }
0x20: {  	[bflag:$0x0] =	sbarrier.arrive $0xFFFF  }
0x21: {  	_ =	swait.ge [sflag:s17], $0x4000  }
0x22: {  	[sflag:s17] =	ssyncset.done $0x0  }
0x23: {  	s22 =	simm.s32 $0x1400;
	[sflag:s17] =	ssyncadd.s32 $0xFFFFC000  }
0x24: {  	[spmem:s3] =	stream.indirect.scatter.add.f32 [tilespmem:s13], [sflag:$0x3], $0x80, s22, s12, $0xb8;
	[tilespmem:$0x1E400] =	vst v63  }
0x25: {  	_ =	swait.ge [sflag:s10], $0x4000  }
0x26: {  	[sflag:s10] =	ssyncset.done $0x0  }
0x27: {  	s30 =	simm.s32 $0x100;
	[sflag:s10] =	ssyncadd.s32 $0xFFFFC000  }
0x28: {  	[tilespmem:s13], [sflag:$0x1] =	stream.indirect.gather [hbm4b:s1+s12], $0x80, s30, s12, $0xb8;
	[tilespmem:$0x1E400] =	vst v63  }
0x29: {  	_ =	swait.ge [sflag:s18], $0x4000  }
0x2a: {  	[sflag:s18] =	ssyncset.done $0x0  }
0x2b: {  	s31 =	simm.s32 $0x1480;
	[sflag:s18] =	ssyncadd.s32 $0xFFFFC000  }
0x2c: {  	[spmem:s3] =	stream.indirect.scatter.add.f32 [tilespmem:s14], [sflag:$0x3], $0x80, s31, s12, $0xb8;
	[tilespmem:$0x1E400] =	vst v63  }
0x2d: {  	_ =	swait.ge [sflag:s10], $0x4000  }
0x2e: {  	[sflag:s10] =	ssyncset.done $0x0  }
0x2f: {  	s23 =	simm.s32 $0x180;
	s22 =	simm.s32 $0x400;
	[sflag:s10] =	ssyncadd.s32 $0xFFFFC000  }
.LBB2_2:
0x30: {  	[tilespmem:s14], [sflag:$0x2] =	stream.indirect.gather [hbm4b:s1+s12], $0x80, s23, s12, $0xb8;
	[tilespmem:$0x1E400] =	vst v63  }
0x31: {  	s23 =	smov.u32 s22  }
0x32: {  	p0 =	sne.s32 s22, $0x4800;
	s22 =	sadd.s32 $0x400, s22;
	_ =	swait.ge [sflag:s17], $0x4000  }
0x33: {  	s23 =	sshra.s32 s23, $0x2;
	[sflag:s17] =	ssyncset.done $0x0  }
0x34: {  	s24 =	sadd.s32 $0x1400, s23;
	[sflag:s17] =	ssyncadd.s32 $0xFFFFC000  }
0x35: {  	[spmem:s3] =	stream.indirect.scatter.add.f32 [tilespmem:s13], [sflag:$0x3], $0x80, s24, s12, $0xb8;
	[tilespmem:$0x1E400] =	vst v63  }
0x36: {  	_ =	swait.ge [sflag:s10], $0x4000  }
0x37: {  	[sflag:s10] =	ssyncset.done $0x0  }
0x38: {  	s24 =	sadd.s32 $0x100, s23;
	[sflag:s10] =	ssyncadd.s32 $0xFFFFC000  }
0x39: {  	[tilespmem:s13], [sflag:$0x1] =	stream.indirect.gather [hbm4b:s1+s12], $0x80, s24, s12, $0xb8;
	[tilespmem:$0x1E400] =	vst v63  }
0x3a: {  	_ =	swait.ge [sflag:s18], $0x4000  }
0x3b: {  	[sflag:s18] =	ssyncset.done $0x0  }
.Ltmp0:
0x3c: {  	s24 =	sadd.s32 $0x1480, s23;
	[sflag:s18] =	ssyncadd.s32 $0xFFFFC000;
	(pc) =	sbr.rel @p0 .LBB2_2-.Ltmp0, $4  }
0x3d: {  	[spmem:s3] =	stream.indirect.scatter.add.f32 [tilespmem:s14], [sflag:$0x3], $0x80, s24, s12, $0xb8;
	[tilespmem:$0x1E400] =	vst v63  }
0x3e: {  	_ =	swait.ge [sflag:s10], $0x4000  }
0x3f: {  	[sflag:s10] =	ssyncset.done $0x0  }
0x40: {  	s23 =	sadd.s32 $0x180, s23;
	[sflag:s10] =	ssyncadd.s32 $0xFFFFC000  }
0x41: {  	[tilespmem:s14], [sflag:$0x2] =	stream.indirect.gather [hbm4b:s1+s12], $0x80, s23, s12, $0xb8;
	[tilespmem:$0x1E400] =	vst v63  }
0x42: {  	_ =	swait.ge [sflag:s17], $0x4000  }
0x43: {  	[sflag:s17] =	ssyncset.done $0x0  }
0x44: {  	[sflag:s17] =	ssyncadd.s32 $0xFFFFC000  }
0x45: {  	[spmem:s3] =	stream.indirect.scatter.add.f32 [tilespmem:s13], [sflag:$0x3], $0x80, s19, s12, $0xb8;
	[tilespmem:$0x1E400] =	vst v63  }
0x46: {  	_ =	swait.ge [sflag:s10], $0x4000  }
0x47: {  	[sflag:s10] =	ssyncset.done $0x0  }
0x48: {  	[sflag:s10] =	ssyncadd.s32 $0xFFFFC000  }
0x49: {  	_ =	swait.ge [sflag:s18], $0x4000  }
0x4a: {  	[sflag:s18] =	ssyncset.done $0x0  }
0x4b: {  	[sflag:s18] =	ssyncadd.s32 $0xFFFFC000  }
0x4c: {  	[spmem:s3] =	stream.indirect.scatter.add.f32 [tilespmem:s14], [sflag:$0x3], $0x80, s20, s12, $0xb8;
	[tilespmem:$0x1E400] =	vst v63  }
0x4d: {  	_ =	swait.ge [sflag:s10], $0x4000  }
0x4e: {  	s21 =	sadd.s32 $0x1, s21;
	[sflag:s10] =	ssyncset.done $0x0  }
0x4f: {  	p0 =	sne.s32 s21, s9;
	[sflag:s10] =	ssyncadd.s32 $0xFFFFC000  }
.Ltmp1:
0x50: {  	[bflag:$0x0] =	sbarrier.arrive $0xFFFF;
	(pc) =	sbr.rel @p0 .LBB2_1-.Ltmp1, $4  }
0x51: {  	[hbm:s8], [sflag:s15] =	dma.local [spmem:s16], $0x2780  }
0x52: {  	_ =	swait.ge [sflag:s10], $0x2780  }
0x53: {  	[sflag:s10] =	ssyncset.done $0x0  }
0x54: {  	[sflag:s10] =	ssyncadd.s32 $0xFFFFD880  }
0x55: {  	_ =	sfence.sel $0x180000  }
0x56: {  	[bflag:$0x0] =	sbarrier.arrive $0xFFFF  }
0x57: {  	p0 =	sne.s32 s0, $0x0;
	_ =	strace $0x9000004D  }
0x58: {  	s0 =	sadd.s32 @!p0 $0x100000, s2;
	[bflag:$0x2] =	sbarrier.arrive $0xFFFF  }
0x59: {  	[sflag:s0] =	ssyncadd.tile.s32 @!p0 $0x1;
	_ =	shalt  }
.Lfunc_end2:
_tile_overlayer_lowered:
.L_overlay_start_2:
0x5a: {  	(tag) =	ssettag $0x2  }
0x5b: {  	s0 =	rddreg [dreg:$0x0];
	s2 =	stileid.u32  }
0x5c: {  	s1 =	rddreg [dreg:$0x1];
	p0 =	sne.s32 s2, $0x0  }
0x5d: {  	s3 =	rddreg [dreg:$0x2];
	[bflag:$0x3] =	sbarrier.arrive $0xFFFF;
	s2 =	simm.s32 @!p0 $0x1C03  }
0x5e: {  	[timem:s3], [sflag:s2] =	dma.local @!p0 [hbm:s0], s1  }
0x5f: {  	s0 =	simm.s32 @!p0 $0x3  }
0x60: {  	_ =	swait.ge @!p0 [sflag:s0], s1  }
0x61: {  	s1 =	ssub.s32 @!p0 $0x0, s1;
	[sflag:s0] =	ssyncset.done @!p0 $0x0  }
0x62: {  	[sflag:s0] =	ssyncadd.s32 @!p0 s1  }
0x63: {  	[bflag:$0x3] =	sbarrier.arrive $0xFFFF  }
0x64: {  	_ =	shalt  }

// kernel: kernel.33.cloned.1.call-start
scs
__scs_entry_jumppad:
0x0: {  	(pc) =	sbr.rel $0x88, $3  }
0x1: {  	(tag) =	ssettag $0x0;
	lr =	simm.s32 $0x1  }
0x2: {  	[smem:$0x3F82] =	sst lr;
	_ =	strace $0xD0000000  }
0x3: {  	_ = 	snop  }
0x4: {  	_ = 	snop  }
0x5: {  	_ = 	snop  }
0x6: {  	_ = 	snop  }
0x7: {  	_ = 	snop  }
__scs_overlays_trampoline_lowered:
0x8: {  	[smem:$0x3F91] =	sst s0  }
0x9: {  	[smem:$0x3F92] =	sst s1  }
0xa: {  	[smem:$0x3F93] =	sst s2  }
0xb: {  	[smem:$0x3F94] =	sst s3  }
0xc: {  	[smem:$0x3F95] =	sst s4  }
0xd: {  	[smem:$0x3F96] =	sst s5  }
0xe: {  	[smem:$0x3F97] =	sst s6  }
0xf: {  	[smem:$0x3F98] =	sst s7  }
0x10: {  	[smem:$0x3F99] =	sst s8  }
0x11: {  	[smem:$0x3F9A] =	sst s9;
	s0 =	simm.s32 @!p0 $0x0  }
0x12: {  	s1 =	sld [smem:$0x3F80];
	s0 =	simm.s32 @p0 $0x1  }
0x13: {  	[smem:$0x3F9B] =	sst s0;
	s0 =	simm.s32 @!p1 $0x0  }
0x14: {  	s2 =	sld [smem:$0x3F7F];
	s0 =	simm.s32 @p1 $0x1  }
0x15: {  	[smem:$0x3F9C] =	sst s0;
	s0 =	simm.s32 @!p2 $0x0  }
0x16: {  	s3 =	sld [smem:$0x3FDB];
	s0 =	simm.s32 @p2 $0x1  }
0x17: {  	s4 =	simm.s32 $0x1BF5;
	[smem:$0x3F9E] =	sst s0  }
0x18: {  	s0 =	sld [smem:$0x3F81];
	_ =	swait.ge [sflag:s4], $0x0  }
0x19: {  	s7 =	sld [smem:$0x3F82]  }
0x1a: {  	s8 =	sadd.s32 $0xFFFFE003, lr  }
0x1b: {  	s9 =	sadd.s32 $0xFFFFFEF7, lr;
	s5 =	simm.s32 $0xFFFFFFFF;
	p2 =	slt.u32 s8, $0xFFFFF086  }
0x1c: {  	p1 =	slt.u32 s9, $0xF7A;
	s5 =	simm.s32 @!p2 $0x0  }
0x1d: {  	s5 =	simm.s32 @p1 $0x1;
	p0 =	seq.s32 s7, s2  }
0x1e: {  	s7 =	smul.u32 @!p0 $0xF7A, s2;
	p2 =	seq.s32 @!p0 s5, $0x0  }
0x1f: {  	s9 =	smul.u32 $0xF7A, s1;
	s8 =	simm.s32 @!p0 $0x1BF5;
	p2 =	por !p2, p0  }
0x20: {  	[sflag:s8] =	ssyncset.s32 @!p0 $0xFFFFF086;
	s6 =	sadd.s32 @!p0 s3, s7;
	s7 =	simm.s32 @!p0 $0x108  }
0x21: {  	s3 =	sadd.s32 s3, s9;
	s6 =	sadd.s32 @!p0 $0x88, s6;
	s7 =	simm.s32 @p2 $0x1082  }
0x22: {  	[simem:s7], [sflag:s8] =	dma.local @!p0 [hbm:s6], $0xF7A  }
0x23: {  	s9 =	sor.u32 $0xD0000000, s2;
	s6 =	simm.s32 $0x108;
	_ =	swait.ge @!p0 [sflag:s8], $0x0  }
0x24: {  	s3 =	sadd.s32 $0x88, s3;
	s6 =	simm.s32 @!p1 $0x1082;
	[sflag:s4] =	ssyncset.s32 $0xFFFFF086  }
0x25: {  	[simem:s6], [sflag:s4] =	dma.local [hbm:s3], $0xF7A  }
0x26: {  	[smem:$0x3F82] =	sst s1;
	(tag) =	ssettag s2;
	_ =	strace s9  }
0x27: {  	s1 =	sld [smem:$0x3F92]  }
0x28: {  	s2 =	sld [smem:$0x3F93]  }
0x29: {  	s4 =	sld [smem:$0x3F95]  }
0x2a: {  	p0 =	seq.s32 s5, $0x0;
	s5 =	sld [smem:$0x3F96]  }
0x2b: {  	s6 =	sld [smem:$0x3F97]  }
0x2c: {  	s7 =	sld [smem:$0x3F98]  }
0x2d: {  	s3 =	simm.s32 $0x108;
	s8 =	sld [smem:$0x3F99]  }
0x2e: {  	s3 =	simm.s32 @!p0 $0x1082;
	s9 =	sld [smem:$0x3F9A]  }
0x2f: {  	lr =	sadd.s32 s0, s3;
	s0 =	sld [smem:$0x3F91]  }
0x30: {  	s3 =	sld [smem:$0x3F94]  }
0x31: {  	[smem:$0x3F9D] =	sst s10  }
0x32: {  	s10 =	sld [smem:$0x3F9B];
	_ =	sdelay $0x3  }
0x33: {  	p0 =	seq.s32 s10, $0x1;
	s10 =	sld [smem:$0x3F9D];
	_ =	sdelay $0x3  }
0x34: {  	[smem:$0x3F9D] =	sst s10  }
0x35: {  	s10 =	sld [smem:$0x3F9C];
	_ =	sdelay $0x3  }
0x36: {  	p1 =	seq.s32 s10, $0x1;
	s10 =	sld [smem:$0x3F9D];
	_ =	sdelay $0x3  }
0x37: {  	[smem:$0x3F9D] =	sst s10  }
0x38: {  	s10 =	sld [smem:$0x3F9E]  }
0x39: {  	_ = 	snop;
	(pc) =	sbr.ind lr, $3  }
0x3a: {  	_ = 	snop  }
0x3b: {  	_ = 	snop  }
0x3c: {  	p2 =	seq.s32 s10, $0x1;
	s10 =	sld [smem:$0x3F9D]  }
0x3d: {  	_ =	shalt  }
0x3e: {  	_ =	shalt  }
0x3f: {  	_ =	shalt  }
0x40: {  	_ =	shalt  }
0x41: {  	_ =	shalt  }
0x42: {  	_ =	shalt  }
0x43: {  	_ =	shalt  }
0x44: {  	_ =	shalt  }
0x45: {  	_ =	shalt  }
0x46: {  	_ =	shalt  }
0x47: {  	_ =	shalt  }
0x48: {  	_ =	shalt  }
0x49: {  	_ =	shalt  }
0x4a: {  	_ =	shalt  }
0x4b: {  	_ =	shalt  }
0x4c: {  	_ =	shalt  }
0x4d: {  	_ =	shalt  }
0x4e: {  	_ =	shalt  }
0x4f: {  	_ =	shalt  }
0x50: {  	_ =	shalt  }
0x51: {  	_ =	shalt  }
0x52: {  	_ =	shalt  }
0x53: {  	_ =	shalt  }
0x54: {  	_ =	shalt  }
0x55: {  	_ =	shalt  }
0x56: {  	_ =	shalt  }
0x57: {  	_ =	shalt  }
0x58: {  	_ =	shalt  }
0x59: {  	_ =	shalt  }
0x5a: {  	_ =	shalt  }
0x5b: {  	_ =	shalt  }
0x5c: {  	_ =	shalt  }
0x5d: {  	_ =	shalt  }
0x5e: {  	_ =	shalt  }
0x5f: {  	_ =	shalt  }
0x60: {  	_ =	shalt  }
0x61: {  	_ =	shalt  }
0x62: {  	_ =	shalt  }
0x63: {  	_ =	shalt  }
0x64: {  	_ =	shalt  }
0x65: {  	_ =	shalt  }
0x66: {  	_ =	shalt  }
0x67: {  	_ =	shalt  }
0x68: {  	_ =	shalt  }
0x69: {  	_ =	shalt  }
0x6a: {  	_ =	shalt  }
0x6b: {  	_ =	shalt  }
0x6c: {  	_ =	shalt  }
0x6d: {  	_ =	shalt  }
0x6e: {  	_ =	shalt  }
0x6f: {  	_ =	shalt  }
0x70: {  	_ =	shalt  }
0x71: {  	_ =	shalt  }
0x72: {  	_ =	shalt  }
0x73: {  	_ =	shalt  }
0x74: {  	_ =	shalt  }
0x75: {  	_ =	shalt  }
0x76: {  	_ =	shalt  }
0x77: {  	_ =	shalt  }
0x78: {  	_ =	shalt  }
0x79: {  	_ =	shalt  }
0x7a: {  	_ =	shalt  }
0x7b: {  	_ =	shalt  }
0x7c: {  	_ =	shalt  }
0x7d: {  	_ =	shalt  }
0x7e: {  	_ =	shalt  }
0x7f: {  	_ =	shalt  }
0x80: {  	_ =	shalt  }
0x81: {  	_ =	shalt  }
0x82: {  	_ =	shalt  }
0x83: {  	_ =	shalt  }
0x84: {  	_ =	shalt  }
0x85: {  	_ =	shalt  }
0x86: {  	_ =	shalt  }
0x87: {  	_ =	shalt  }
.Lfunc_end0:
.L_simem_size_0:
called_computation.3_lowered:
.L_overlay_start_0:
0x88: {  	s2 =	sld [smem:$0x3FD9]  }
0x89: {  	s3 =	sld [smem:$0x3FFE];
	_ =	sdelay $0x1  }
0x8a: {  	s1 =	srdreg.scid  }
0x8b: {  	s0 =	sand.u32 $0x1, s1  }
0x8c: {  	s14 =	sshll.u32 s0, $0xA;
	s2 =	sadd.s32 s3, s2  }
0x8d: {  	s2 =	sadd.s32 s2, s14  }
0x8e: {  	[smem:$0x3FA9] =	sst s2  }
0x8f: {  	_ = 	snop  }
0x90: {  	s2 =	sld [smem:$0x3FD0];
	_ =	sdelay $0x2  }
0x91: {  	s15 =	simm.s32 $0xA;
	s4 =	simm.s32 $0x10  }
0x92: {  	[smem:s4], [sflag:s15] =	dma.local [hbm:s2], $0x1  }
0x93: {  	_ =	swait.eq [sflag:s15], $0x1  }
0x94: {  	[sflag:s15] =	ssyncset.done $0x0  }
0x95: {  	s16 =	sld [smem:$0x10];
	[sflag:s15] =	ssyncadd.s32 $0xFFFFFFFF  }
0x96: {  	s17 =	sld [smem:$0x12];
	(tm) =	ssettm $0x1  }
0x97: {  	s18 =	sld [smem:$0x3FFB];
	_ =	sdelay $0x3  }
0x98: {  	_ =	strace s18  }
0x99: {  	s4 =	sld [smem:$0x3FFC];
	_ =	sdelay $0x3  }
0x9a: {  	_ =	strace s4  }
0x9b: {  	s4 =	sld [smem:$0x3FFD];
	_ =	sdelay $0x3  }
0x9c: {  	_ =	strace s4  }
0x9d: {  	_ =	strace $0x8FFFFFFF  }
0x9e: {  	s19 =	sld [smem:$0x3FDB];
	_ =	sdelay $0x1  }
0x9f: {  	s5 =	simm.s32 $_scs_section_size  }
0xa0: {  	s6 =	simm.s32 $_size__tile_overlayer_lowered;
	s7 =	simm.s32 $_tile_overlayer_lowered  }
0xa1: {  	s22 =	simm.s32 $0x1BFF;
	s21 =	sshll.u32 s7, $0x1;
	s4 =	sadd.s32 s5, s19  }
0xa2: {  	s8 =	simm.s32 $0x0;
	s20 =	sshll.u32 s6, $0x1;
	s6 =	sadd.s32 s21, s4  }
0xa3: {  	[timem:s8], [sflag:s22] =	dma.local [hbm:s6], s20  }
0xa4: {  	_ =	swait.ge [sflag:s22], s20  }
0xa5: {  	s5 =	ssub.s32 $0x0, s20;
	[sflag:s22] =	ssyncset.done $0x0  }
0xa6: {  	[sflag:s22] =	ssyncadd.s32 s5;
	_ =	sdelay $0x1  }
0xa7: {  	s23 =	simm.s32 $0x1B8B  }
0xa8: {  	_ =	swait.ge [sflag:s23], $0x1  }
0xa9: {  	[sflag:s23] =	ssyncset.done $0x0  }
0xaa: {  	s25 =	simm.s32 $0x1B8E;
	s24 =	sld [smem:$0x3FFE];
	[sflag:s23] =	ssyncadd.s32 $0xFFFFFFFF  }
0xab: {  	s26 =	simm.s32 $execute0_lowered;
	[smem:$0x3FD2] =	sst s25  }
0xac: {  	s6 =	sshll.u32 s26, $0x1;
	_ =	strace $0x8000004F;
	[dreg:$0x1] =	wrdreg $0xFFFFFFFF  }
0xad: {  	s28 =	simm.s32 $_size_execute0_lowered;
	s4 =	sadd.s32 s4, s6;
	[dreg:$0x0] =	wrdreg $0x0  }
0xae: {  	s6 =	sshll.u32 s28, $0x1;
	[dreg:$0x2] =	wrdreg s4  }
0xaf: {  	[dreg:$0x3] =	wrdreg s6  }
0xb0: {  	[dreg:$0x4] =	wrdreg $0xC0  }
0xb1: {  	_ =	task [dreg:s8], $0x5FFFF  }
0xb2: {  	[dreg:$0x1] =	wrdreg $0xFFFFFFFF  }
0xb3: {  	[dreg:$0x0] =	wrdreg $0x60  }
0xb4: {  	[dreg:$0x2] =	wrdreg s17  }
0xb5: {  	[dreg:$0x3] =	wrdreg s24  }
0xb6: {  	[dreg:$0x4] =	wrdreg s16  }
0xb7: {  	[dreg:$0x5] =	wrdreg $0x68000  }
0xb8: {  	[dreg:$0x6] =	wrdreg $0x9  }
0xb9: {  	_ =	task.clear_ibuf [dreg:s8], $0x7FFFF;
	_ =	strace $0x9000004F  }
0xba: {  	s29 =	simm.s32 $0x9;
	_ =	strace $0x80000051  }
0xbb: {  	_ =	swait.ge [sflag:s29], $0x1  }
0xbc: {  	[sflag:s29] =	ssyncadd.s32 $0xFFFFFFFF  }
0xbd: {  	_ =	strace $0x90000051  }
0xbe: {  	_ =	sfence  }
0xbf: {  	s30 =	sld [smem:$0x0];
	_ =	sdelay $0x2  }
0xc0: {  	s31 =	sshll.u32 s1, $0xD;
	s1 =	sshrl.u32 s1, $0x2  }
0xc1: {  	s3 =	sand.u32 $0x4000, s31;
	s1 =	sadd.s32 s1, s30  }
0xc2: {  	s0 =	sor.u32 s3, s0;
	s1 =	sshll.u32 s1, $0x11  }
0xc3: {  	s0 =	sor.u32 s1, s0  }
0xc4: {  	s0 =	sadd.s32 $0x8F2B, s0  }
0xc5: {  	[sflag:s0] =	ssyncadd.remote.s32 $0x1  }
0xc6: {  	_ =	sfence.sel $0xFFFF  }
0xc7: {  	[dreg:$0x0] =	wrdreg $0xFFFFFFFF;
	(pc) =	sbr.abs _section_cstart, $3  }
0xc8: {  	[dreg:$0x1] =	wrdreg $0xFFFFFFFF  }
0xc9: {  	_ =	task.clear_ibuf [dreg:s8], $0x2FFFF;
	_ =	strace $0x9FFFFFFF  }
0xca: {  	(tm) =	ssettm $0x7FFFFFFF  }
0xcb: {  	_ =	shalt  }
tec
execute0_lowered:
.L_overlay_start_1:
0x0: {  	(tag) =	ssettag $0x1  }
0x1: {  	s0 =	rddreg [dreg:$0x0]  }
0x2: {  	s5 =	rddreg [dreg:$0x1]  }
0x3: {  	s8 =	rddreg [dreg:$0x2]  }
0x4: {  	s1 =	srdreg.scid;
	s3 =	rddreg [dreg:$0x3]  }
0x5: {  	s4 =	simm.s32 $0x0;
	s12 =	simm.s32 $0x80;
	s13 =	simm.s32 $0x2800  }
0x6: {  	s14 =	simm.s32 $0x4800;
	s17 =	simm.s32 $0x1;
	s18 =	simm.s32 $0x2  }
0x7: {  	s19 =	simm.s32 $0x2700;
	s20 =	simm.s32 $0x2780;
	s21 =	simm.s32 $0x0  }
0x8: {  	s6 =	sand.u32 $0x1, s1;
	s1 =	stileid.u32;
	[smem:$0x7FF] =	sst s4  }
0x9: {  	s2 =	sshll.u32 s6, $0x4;
	s9 =	smul.u32 $0x9E00, s1;
	s10 =	ssub.s32 $0x2, s6  }
0xa: {  	s11 =	smul.u32 $0x9E000, s6;
	s15 =	sshll.u32 s1, $0x6;
	s7 =	sor.u32 s1, s2  }
0xb: {  	s2 =	rddreg [dreg:$0x4];
	_ =	strace $0x80000050;
	s30 =	sshrl.u32 s10, $0x1  }
0xc: {  	s15 =	sor.u32 $0x1C03, s15;
	s7 =	smul.u32 $0x280, s7;
	s11 =	sadd.s32 s9, s11  }
0xd: {  	s10 =	ssub.s32 s10, s30;
	s16 =	sadd.s32 s9, s3;
	s31 =	sshrl.u32 s11, $0x3  }
0xe: {  	s9 =	smax.u32 s10, $0x1;
	s10 =	simm.s32 $0x3;
	s11 =	simm.s32 $0x1400  }
0xf: {  	s16 =	sshrl.u32 s16, $0x3;
	s7 =	sadd.s32 s7, s5;
	s5 =	sadd.s32 $0x62200, s5  }
0x10: {  	s8 =	sadd.s32 s8, s31;
	s6 =	sadd.s32 $0xF000, s7;
	s7 =	sadd.s32 $0x9E00, s7  }
.LBB2_1:
0x11: {  	[tilespmem:s4], [sflag:$0x3] =	stream.linear.gather [hbm4b:s6+s4], $0x1400, $0x38;
	[tilespmem:$0x10600] =	vst v63  }
0x12: {  	_ =	swait.ge [sflag:s10], $0x1400  }
0x13: {  	[sflag:s10] =	ssyncset.done $0x0  }
0x14: {  	[sflag:s10] =	ssyncadd.s32 $0xFFFFEC00  }
0x15: {  	[tilespmem:s11], [sflag:$0x3] =	stream.linear.gather [hbm4b:s7+s4], $0x1400, $0x38;
	[tilespmem:$0x10600] =	vst v63  }
0x16: {  	_ =	swait.ge [sflag:s10], $0x1400  }
0x17: {  	[sflag:s10] =	ssyncset.done $0x0  }
0x18: {  	[sflag:s10] =	ssyncadd.s32 $0xFFFFEC00  }
0x19: {  	[tilespmem:s13], [sflag:$0x1] =	stream.indirect.gather [hbm4b:s0+s12], $0x40, s4, s12, $0xb8;
	[tilespmem:$0x10600] =	vst v63  }
0x1a: {  	_ = 	snop  }
0x1b: {  	[tilespmem:s14], [sflag:$0x2] =	stream.indirect.gather [hbm4b:s0+s12], $0x40, s12, s12, $0xb8;
	[tilespmem:$0x10600] =	vst v63  }
0x1c: {  	[spmem:s16], [sflag:s15] =	dma.local [hbm:s5], $0x13C0  }
0x1d: {  	_ =	swait.ge [sflag:s10], $0x13C0  }
0x1e: {  	[sflag:s10] =	ssyncset.done $0x0  }
0x1f: {  	[sflag:s10] =	ssyncadd.s32 $0xFFFFEC40  }
0x20: {  	[bflag:$0x0] =	sbarrier.arrive $0xFFFF  }
0x21: {  	_ =	swait.ge [sflag:s17], $0x2000  }
0x22: {  	[sflag:s17] =	ssyncset.done $0x0  }
0x23: {  	s22 =	simm.s32 $0x1400;
	[sflag:s17] =	ssyncadd.s32 $0xFFFFE000  }
0x24: {  	[spmem:s3] =	stream.indirect.scatter.add.f32 [tilespmem:s13], [sflag:$0x3], $0x40, s22, s12, $0xb8;
	[tilespmem:$0x10600] =	vst v63  }
0x25: {  	_ =	swait.ge [sflag:s10], $0x2000  }
0x26: {  	[sflag:s10] =	ssyncset.done $0x0  }
0x27: {  	s30 =	simm.s32 $0x100;
	[sflag:s10] =	ssyncadd.s32 $0xFFFFE000  }
0x28: {  	[tilespmem:s13], [sflag:$0x1] =	stream.indirect.gather [hbm4b:s0+s12], $0x40, s30, s12, $0xb8;
	[tilespmem:$0x10600] =	vst v63  }
0x29: {  	_ =	swait.ge [sflag:s18], $0x2000  }
0x2a: {  	[sflag:s18] =	ssyncset.done $0x0  }
0x2b: {  	s31 =	simm.s32 $0x1480;
	[sflag:s18] =	ssyncadd.s32 $0xFFFFE000  }
0x2c: {  	[spmem:s3] =	stream.indirect.scatter.add.f32 [tilespmem:s14], [sflag:$0x3], $0x40, s31, s12, $0xb8;
	[tilespmem:$0x10600] =	vst v63  }
0x2d: {  	_ =	swait.ge [sflag:s10], $0x2000  }
0x2e: {  	[sflag:s10] =	ssyncset.done $0x0  }
0x2f: {  	s23 =	simm.s32 $0x180;
	s22 =	simm.s32 $0x400;
	[sflag:s10] =	ssyncadd.s32 $0xFFFFE000  }
.LBB2_2:
0x30: {  	[tilespmem:s14], [sflag:$0x2] =	stream.indirect.gather [hbm4b:s0+s12], $0x40, s23, s12, $0xb8;
	[tilespmem:$0x10600] =	vst v63  }
0x31: {  	s23 =	smov.u32 s22  }
0x32: {  	p0 =	sne.s32 s22, $0x4800;
	s22 =	sadd.s32 $0x400, s22;
	_ =	swait.ge [sflag:s17], $0x2000  }
0x33: {  	s23 =	sshra.s32 s23, $0x2;
	[sflag:s17] =	ssyncset.done $0x0  }
0x34: {  	s24 =	sadd.s32 $0x1400, s23;
	[sflag:s17] =	ssyncadd.s32 $0xFFFFE000  }
0x35: {  	[spmem:s3] =	stream.indirect.scatter.add.f32 [tilespmem:s13], [sflag:$0x3], $0x40, s24, s12, $0xb8;
	[tilespmem:$0x10600] =	vst v63  }
0x36: {  	_ =	swait.ge [sflag:s10], $0x2000  }
0x37: {  	[sflag:s10] =	ssyncset.done $0x0  }
0x38: {  	s24 =	sadd.s32 $0x100, s23;
	[sflag:s10] =	ssyncadd.s32 $0xFFFFE000  }
0x39: {  	[tilespmem:s13], [sflag:$0x1] =	stream.indirect.gather [hbm4b:s0+s12], $0x40, s24, s12, $0xb8;
	[tilespmem:$0x10600] =	vst v63  }
0x3a: {  	_ =	swait.ge [sflag:s18], $0x2000  }
0x3b: {  	[sflag:s18] =	ssyncset.done $0x0  }
.Ltmp0:
0x3c: {  	s24 =	sadd.s32 $0x1480, s23;
	[sflag:s18] =	ssyncadd.s32 $0xFFFFE000;
	(pc) =	sbr.rel @p0 .LBB2_2-.Ltmp0, $4  }
0x3d: {  	[spmem:s3] =	stream.indirect.scatter.add.f32 [tilespmem:s14], [sflag:$0x3], $0x40, s24, s12, $0xb8;
	[tilespmem:$0x10600] =	vst v63  }
0x3e: {  	_ =	swait.ge [sflag:s10], $0x2000  }
0x3f: {  	[sflag:s10] =	ssyncset.done $0x0  }
0x40: {  	s23 =	sadd.s32 $0x180, s23;
	[sflag:s10] =	ssyncadd.s32 $0xFFFFE000  }
0x41: {  	[tilespmem:s14], [sflag:$0x2] =	stream.indirect.gather [hbm4b:s0+s12], $0x40, s23, s12, $0xb8;
	[tilespmem:$0x10600] =	vst v63  }
0x42: {  	_ =	swait.ge [sflag:s17], $0x2000  }
0x43: {  	[sflag:s17] =	ssyncset.done $0x0  }
0x44: {  	[sflag:s17] =	ssyncadd.s32 $0xFFFFE000  }
0x45: {  	[spmem:s3] =	stream.indirect.scatter.add.f32 [tilespmem:s13], [sflag:$0x3], $0x40, s19, s12, $0xb8;
	[tilespmem:$0x10600] =	vst v63  }
0x46: {  	_ =	swait.ge [sflag:s10], $0x2000  }
0x47: {  	[sflag:s10] =	ssyncset.done $0x0  }
0x48: {  	[sflag:s10] =	ssyncadd.s32 $0xFFFFE000  }
0x49: {  	_ =	swait.ge [sflag:s18], $0x2000  }
0x4a: {  	[sflag:s18] =	ssyncset.done $0x0  }
0x4b: {  	[sflag:s18] =	ssyncadd.s32 $0xFFFFE000  }
0x4c: {  	[spmem:s3] =	stream.indirect.scatter.add.f32 [tilespmem:s14], [sflag:$0x3], $0x40, s20, s12, $0xb8;
	[tilespmem:$0x10600] =	vst v63  }
0x4d: {  	_ =	swait.ge [sflag:s10], $0x2000  }
0x4e: {  	s21 =	sadd.s32 $0x1, s21;
	[sflag:s10] =	ssyncset.done $0x0  }
0x4f: {  	p0 =	sne.s32 s21, s9;
	[sflag:s10] =	ssyncadd.s32 $0xFFFFE000  }
.Ltmp1:
0x50: {  	[bflag:$0x0] =	sbarrier.arrive $0xFFFF;
	(pc) =	sbr.rel @p0 .LBB2_1-.Ltmp1, $4  }
0x51: {  	[hbm:s8], [sflag:s15] =	dma.local [spmem:s16], $0x13C0  }
0x52: {  	_ =	swait.ge [sflag:s10], $0x13C0  }
0x53: {  	[sflag:s10] =	ssyncset.done $0x0  }
0x54: {  	[sflag:s10] =	ssyncadd.s32 $0xFFFFEC40  }
0x55: {  	_ =	sfence.sel $0x180000  }
0x56: {  	[bflag:$0x0] =	sbarrier.arrive $0xFFFF  }
0x57: {  	p0 =	sne.s32 s1, $0x0;
	_ =	strace $0x90000050  }
0x58: {  	s0 =	sadd.s32 @!p0 $0x100000, s2;
	[bflag:$0x2] =	sbarrier.arrive $0xFFFF  }
0x59: {  	[sflag:s0] =	ssyncadd.tile.s32 @!p0 $0x1;
	_ =	shalt  }
.Lfunc_end2:
_tile_overlayer_lowered:
.L_overlay_start_2:
0x5a: {  	(tag) =	ssettag $0x2  }
0x5b: {  	s0 =	rddreg [dreg:$0x0];
	s2 =	stileid.u32  }
0x5c: {  	s1 =	rddreg [dreg:$0x1];
	p0 =	sne.s32 s2, $0x0  }
0x5d: {  	s3 =	rddreg [dreg:$0x2];
	[bflag:$0x3] =	sbarrier.arrive $0xFFFF;
	s2 =	simm.s32 @!p0 $0x1C03  }
0x5e: {  	[timem:s3], [sflag:s2] =	dma.local @!p0 [hbm:s0], s1  }
0x5f: {  	s0 =	simm.s32 @!p0 $0x3  }
0x60: {  	_ =	swait.ge @!p0 [sflag:s0], s1  }
0x61: {  	s1 =	ssub.s32 @!p0 $0x0, s1;
	[sflag:s0] =	ssyncset.done @!p0 $0x0  }
0x62: {  	[sflag:s0] =	ssyncadd.s32 @!p0 s1  }
0x63: {  	[bflag:$0x3] =	sbarrier.arrive $0xFFFF  }
0x64: {  	_ =	shalt  }

// kernel: kernel.36.cloned.1.call-start
scs
__scs_entry_jumppad:
0x0: {  	(pc) =	sbr.rel $0x88, $3  }
0x1: {  	(tag) =	ssettag $0x0;
	lr =	simm.s32 $0x1  }
0x2: {  	[smem:$0x3F82] =	sst lr;
	_ =	strace $0xD0000000  }
0x3: {  	_ = 	snop  }
0x4: {  	_ = 	snop  }
0x5: {  	_ = 	snop  }
0x6: {  	_ = 	snop  }
0x7: {  	_ = 	snop  }
__scs_overlays_trampoline_lowered:
0x8: {  	[smem:$0x3F91] =	sst s0  }
0x9: {  	[smem:$0x3F92] =	sst s1  }
0xa: {  	[smem:$0x3F93] =	sst s2  }
0xb: {  	[smem:$0x3F94] =	sst s3  }
0xc: {  	[smem:$0x3F95] =	sst s4  }
0xd: {  	[smem:$0x3F96] =	sst s5  }
0xe: {  	[smem:$0x3F97] =	sst s6  }
0xf: {  	[smem:$0x3F98] =	sst s7  }
0x10: {  	[smem:$0x3F99] =	sst s8  }
0x11: {  	[smem:$0x3F9A] =	sst s9;
	s0 =	simm.s32 @!p0 $0x0  }
0x12: {  	s1 =	sld [smem:$0x3F80];
	s0 =	simm.s32 @p0 $0x1  }
0x13: {  	[smem:$0x3F9B] =	sst s0;
	s0 =	simm.s32 @!p1 $0x0  }
0x14: {  	s2 =	sld [smem:$0x3F7F];
	s0 =	simm.s32 @p1 $0x1  }
0x15: {  	[smem:$0x3F9C] =	sst s0;
	s0 =	simm.s32 @!p2 $0x0  }
0x16: {  	s3 =	sld [smem:$0x3FDB];
	s0 =	simm.s32 @p2 $0x1  }
0x17: {  	s4 =	simm.s32 $0x1BF5;
	[smem:$0x3F9E] =	sst s0  }
0x18: {  	s0 =	sld [smem:$0x3F81];
	_ =	swait.ge [sflag:s4], $0x0  }
0x19: {  	s7 =	sld [smem:$0x3F82]  }
0x1a: {  	s8 =	sadd.s32 $0xFFFFE003, lr  }
0x1b: {  	s9 =	sadd.s32 $0xFFFFFEF7, lr;
	s5 =	simm.s32 $0xFFFFFFFF;
	p2 =	slt.u32 s8, $0xFFFFF086  }
0x1c: {  	p1 =	slt.u32 s9, $0xF7A;
	s5 =	simm.s32 @!p2 $0x0  }
0x1d: {  	s5 =	simm.s32 @p1 $0x1;
	p0 =	seq.s32 s7, s2  }
0x1e: {  	s7 =	smul.u32 @!p0 $0xF7A, s2;
	p2 =	seq.s32 @!p0 s5, $0x0  }
0x1f: {  	s9 =	smul.u32 $0xF7A, s1;
	s8 =	simm.s32 @!p0 $0x1BF5;
	p2 =	por !p2, p0  }
0x20: {  	[sflag:s8] =	ssyncset.s32 @!p0 $0xFFFFF086;
	s6 =	sadd.s32 @!p0 s3, s7;
	s7 =	simm.s32 @!p0 $0x108  }
0x21: {  	s3 =	sadd.s32 s3, s9;
	s6 =	sadd.s32 @!p0 $0x88, s6;
	s7 =	simm.s32 @p2 $0x1082  }
0x22: {  	[simem:s7], [sflag:s8] =	dma.local @!p0 [hbm:s6], $0xF7A  }
0x23: {  	s9 =	sor.u32 $0xD0000000, s2;
	s6 =	simm.s32 $0x108;
	_ =	swait.ge @!p0 [sflag:s8], $0x0  }
0x24: {  	s3 =	sadd.s32 $0x88, s3;
	s6 =	simm.s32 @!p1 $0x1082;
	[sflag:s4] =	ssyncset.s32 $0xFFFFF086  }
0x25: {  	[simem:s6], [sflag:s4] =	dma.local [hbm:s3], $0xF7A  }
0x26: {  	[smem:$0x3F82] =	sst s1;
	(tag) =	ssettag s2;
	_ =	strace s9  }
0x27: {  	s1 =	sld [smem:$0x3F92]  }
0x28: {  	s2 =	sld [smem:$0x3F93]  }
0x29: {  	s4 =	sld [smem:$0x3F95]  }
0x2a: {  	p0 =	seq.s32 s5, $0x0;
	s5 =	sld [smem:$0x3F96]  }
0x2b: {  	s6 =	sld [smem:$0x3F97]  }
0x2c: {  	s7 =	sld [smem:$0x3F98]  }
0x2d: {  	s3 =	simm.s32 $0x108;
	s8 =	sld [smem:$0x3F99]  }
0x2e: {  	s3 =	simm.s32 @!p0 $0x1082;
	s9 =	sld [smem:$0x3F9A]  }
0x2f: {  	lr =	sadd.s32 s0, s3;
	s0 =	sld [smem:$0x3F91]  }
0x30: {  	s3 =	sld [smem:$0x3F94]  }
0x31: {  	[smem:$0x3F9D] =	sst s10  }
0x32: {  	s10 =	sld [smem:$0x3F9B];
	_ =	sdelay $0x3  }
0x33: {  	p0 =	seq.s32 s10, $0x1;
	s10 =	sld [smem:$0x3F9D];
	_ =	sdelay $0x3  }
0x34: {  	[smem:$0x3F9D] =	sst s10  }
0x35: {  	s10 =	sld [smem:$0x3F9C];
	_ =	sdelay $0x3  }
0x36: {  	p1 =	seq.s32 s10, $0x1;
	s10 =	sld [smem:$0x3F9D];
	_ =	sdelay $0x3  }
0x37: {  	[smem:$0x3F9D] =	sst s10  }
0x38: {  	s10 =	sld [smem:$0x3F9E]  }
0x39: {  	_ = 	snop;
	(pc) =	sbr.ind lr, $3  }
0x3a: {  	_ = 	snop  }
0x3b: {  	_ = 	snop  }
0x3c: {  	p2 =	seq.s32 s10, $0x1;
	s10 =	sld [smem:$0x3F9D]  }
0x3d: {  	_ =	shalt  }
0x3e: {  	_ =	shalt  }
0x3f: {  	_ =	shalt  }
0x40: {  	_ =	shalt  }
0x41: {  	_ =	shalt  }
0x42: {  	_ =	shalt  }
0x43: {  	_ =	shalt  }
0x44: {  	_ =	shalt  }
0x45: {  	_ =	shalt  }
0x46: {  	_ =	shalt  }
0x47: {  	_ =	shalt  }
0x48: {  	_ =	shalt  }
0x49: {  	_ =	shalt  }
0x4a: {  	_ =	shalt  }
0x4b: {  	_ =	shalt  }
0x4c: {  	_ =	shalt  }
0x4d: {  	_ =	shalt  }
0x4e: {  	_ =	shalt  }
0x4f: {  	_ =	shalt  }
0x50: {  	_ =	shalt  }
0x51: {  	_ =	shalt  }
0x52: {  	_ =	shalt  }
0x53: {  	_ =	shalt  }
0x54: {  	_ =	shalt  }
0x55: {  	_ =	shalt  }
0x56: {  	_ =	shalt  }
0x57: {  	_ =	shalt  }
0x58: {  	_ =	shalt  }
0x59: {  	_ =	shalt  }
0x5a: {  	_ =	shalt  }
0x5b: {  	_ =	shalt  }
0x5c: {  	_ =	shalt  }
0x5d: {  	_ =	shalt  }
0x5e: {  	_ =	shalt  }
0x5f: {  	_ =	shalt  }
0x60: {  	_ =	shalt  }
0x61: {  	_ =	shalt  }
0x62: {  	_ =	shalt  }
0x63: {  	_ =	shalt  }
0x64: {  	_ =	shalt  }
0x65: {  	_ =	shalt  }
0x66: {  	_ =	shalt  }
0x67: {  	_ =	shalt  }
0x68: {  	_ =	shalt  }
0x69: {  	_ =	shalt  }
0x6a: {  	_ =	shalt  }
0x6b: {  	_ =	shalt  }
0x6c: {  	_ =	shalt  }
0x6d: {  	_ =	shalt  }
0x6e: {  	_ =	shalt  }
0x6f: {  	_ =	shalt  }
0x70: {  	_ =	shalt  }
0x71: {  	_ =	shalt  }
0x72: {  	_ =	shalt  }
0x73: {  	_ =	shalt  }
0x74: {  	_ =	shalt  }
0x75: {  	_ =	shalt  }
0x76: {  	_ =	shalt  }
0x77: {  	_ =	shalt  }
0x78: {  	_ =	shalt  }
0x79: {  	_ =	shalt  }
0x7a: {  	_ =	shalt  }
0x7b: {  	_ =	shalt  }
0x7c: {  	_ =	shalt  }
0x7d: {  	_ =	shalt  }
0x7e: {  	_ =	shalt  }
0x7f: {  	_ =	shalt  }
0x80: {  	_ =	shalt  }
0x81: {  	_ =	shalt  }
0x82: {  	_ =	shalt  }
0x83: {  	_ =	shalt  }
0x84: {  	_ =	shalt  }
0x85: {  	_ =	shalt  }
0x86: {  	_ =	shalt  }
0x87: {  	_ =	shalt  }
.Lfunc_end0:
.L_simem_size_0:
called_computation.4_lowered:
.L_overlay_start_0:
0x88: {  	s2 =	sld [smem:$0x3FD9]  }
0x89: {  	s3 =	sld [smem:$0x3FFE];
	_ =	sdelay $0x1  }
0x8a: {  	s1 =	srdreg.scid  }
0x8b: {  	s0 =	sand.u32 $0x1, s1  }
0x8c: {  	s14 =	sshll.u32 s0, $0xA;
	s2 =	sadd.s32 s3, s2  }
0x8d: {  	s2 =	sadd.s32 s2, s14  }
0x8e: {  	[smem:$0x3FA9] =	sst s2  }
0x8f: {  	_ = 	snop  }
0x90: {  	s2 =	sld [smem:$0x3FD0];
	_ =	sdelay $0x2  }
0x91: {  	s15 =	simm.s32 $0xA;
	s4 =	simm.s32 $0x10  }
0x92: {  	[smem:s4], [sflag:s15] =	dma.local [hbm:s2], $0x1  }
0x93: {  	_ =	swait.eq [sflag:s15], $0x1  }
0x94: {  	[sflag:s15] =	ssyncset.done $0x0  }
0x95: {  	s16 =	sld [smem:$0x10];
	[sflag:s15] =	ssyncadd.s32 $0xFFFFFFFF  }
0x96: {  	s17 =	sld [smem:$0x12];
	(tm) =	ssettm $0x1  }
0x97: {  	s18 =	sld [smem:$0x3FFB];
	_ =	sdelay $0x3  }
0x98: {  	_ =	strace s18  }
0x99: {  	s4 =	sld [smem:$0x3FFC];
	_ =	sdelay $0x3  }
0x9a: {  	_ =	strace s4  }
0x9b: {  	s4 =	sld [smem:$0x3FFD];
	_ =	sdelay $0x3  }
0x9c: {  	_ =	strace s4  }
0x9d: {  	_ =	strace $0x8FFFFFFF  }
0x9e: {  	s19 =	sld [smem:$0x3FDB];
	_ =	sdelay $0x1  }
0x9f: {  	s5 =	simm.s32 $_scs_section_size  }
0xa0: {  	s6 =	simm.s32 $_size__tile_overlayer_lowered;
	s7 =	simm.s32 $_tile_overlayer_lowered  }
0xa1: {  	s22 =	simm.s32 $0x1BFF;
	s21 =	sshll.u32 s7, $0x1;
	s4 =	sadd.s32 s5, s19  }
0xa2: {  	s8 =	simm.s32 $0x0;
	s20 =	sshll.u32 s6, $0x1;
	s6 =	sadd.s32 s21, s4  }
0xa3: {  	[timem:s8], [sflag:s22] =	dma.local [hbm:s6], s20  }
0xa4: {  	_ =	swait.ge [sflag:s22], s20  }
0xa5: {  	s5 =	ssub.s32 $0x0, s20;
	[sflag:s22] =	ssyncset.done $0x0  }
0xa6: {  	[sflag:s22] =	ssyncadd.s32 s5;
	_ =	sdelay $0x1  }
0xa7: {  	s23 =	simm.s32 $0x1B8B  }
0xa8: {  	_ =	swait.ge [sflag:s23], $0x1  }
0xa9: {  	[sflag:s23] =	ssyncset.done $0x0  }
0xaa: {  	s25 =	simm.s32 $0x1B8E;
	s24 =	sld [smem:$0x3FFE];
	[sflag:s23] =	ssyncadd.s32 $0xFFFFFFFF  }
0xab: {  	s26 =	simm.s32 $execute0_lowered;
	[smem:$0x3FD2] =	sst s25  }
0xac: {  	s6 =	sshll.u32 s26, $0x1;
	_ =	strace $0x80000052;
	[dreg:$0x1] =	wrdreg $0xFFFFFFFF  }
0xad: {  	s28 =	simm.s32 $_size_execute0_lowered;
	s4 =	sadd.s32 s4, s6;
	[dreg:$0x0] =	wrdreg $0x0  }
0xae: {  	s6 =	sshll.u32 s28, $0x1;
	[dreg:$0x2] =	wrdreg s4  }
0xaf: {  	[dreg:$0x3] =	wrdreg s6  }
0xb0: {  	[dreg:$0x4] =	wrdreg $0xC0  }
0xb1: {  	_ =	task [dreg:s8], $0x5FFFF  }
0xb2: {  	[dreg:$0x1] =	wrdreg $0xFFFFFFFF  }
0xb3: {  	[dreg:$0x0] =	wrdreg $0x60  }
0xb4: {  	[dreg:$0x2] =	wrdreg s17  }
0xb5: {  	[dreg:$0x3] =	wrdreg s24  }
0xb6: {  	[dreg:$0x4] =	wrdreg s16  }
0xb7: {  	[dreg:$0x5] =	wrdreg $0x68000  }
0xb8: {  	[dreg:$0x6] =	wrdreg $0x9  }
0xb9: {  	_ =	task.clear_ibuf [dreg:s8], $0x7FFFF;
	_ =	strace $0x90000052  }
0xba: {  	s29 =	simm.s32 $0x9;
	_ =	strace $0x80000054  }
0xbb: {  	_ =	swait.ge [sflag:s29], $0x1  }
0xbc: {  	[sflag:s29] =	ssyncadd.s32 $0xFFFFFFFF  }
0xbd: {  	_ =	strace $0x90000054  }
0xbe: {  	_ =	sfence  }
0xbf: {  	s30 =	sld [smem:$0x0];
	_ =	sdelay $0x2  }
0xc0: {  	s31 =	sshll.u32 s1, $0xD;
	s1 =	sshrl.u32 s1, $0x2  }
0xc1: {  	s3 =	sand.u32 $0x4000, s31;
	s1 =	sadd.s32 s1, s30  }
0xc2: {  	s0 =	sor.u32 s3, s0;
	s1 =	sshll.u32 s1, $0x11  }
0xc3: {  	s0 =	sor.u32 s1, s0  }
0xc4: {  	s0 =	sadd.s32 $0x8F2B, s0  }
0xc5: {  	[sflag:s0] =	ssyncadd.remote.s32 $0x1  }
0xc6: {  	_ =	sfence.sel $0xFFFF  }
0xc7: {  	[dreg:$0x0] =	wrdreg $0xFFFFFFFF;
	(pc) =	sbr.abs _section_cstart, $3  }
0xc8: {  	[dreg:$0x1] =	wrdreg $0xFFFFFFFF  }
0xc9: {  	_ =	task.clear_ibuf [dreg:s8], $0x2FFFF;
	_ =	strace $0x9FFFFFFF  }
0xca: {  	(tm) =	ssettm $0x7FFFFFFF  }
0xcb: {  	_ =	shalt  }
tec
execute0_lowered:
.L_overlay_start_1:
0x0: {  	(tag) =	ssettag $0x1  }
0x1: {  	s0 =	rddreg [dreg:$0x0]  }
0x2: {  	s5 =	rddreg [dreg:$0x1]  }
0x3: {  	s8 =	rddreg [dreg:$0x2]  }
0x4: {  	s1 =	srdreg.scid;
	s3 =	rddreg [dreg:$0x3]  }
0x5: {  	s4 =	simm.s32 $0x0;
	s12 =	simm.s32 $0x80;
	s13 =	simm.s32 $0x2800  }
0x6: {  	s14 =	simm.s32 $0x4800;
	s17 =	simm.s32 $0x1;
	s18 =	simm.s32 $0x2  }
0x7: {  	s19 =	simm.s32 $0x2700;
	s20 =	simm.s32 $0x2780;
	s21 =	simm.s32 $0x0  }
0x8: {  	s6 =	sand.u32 $0x1, s1;
	s1 =	stileid.u32;
	[smem:$0x7FF] =	sst s4  }
0x9: {  	s2 =	sshll.u32 s6, $0x4;
	s9 =	smul.u32 $0x9E00, s1;
	s10 =	ssub.s32 $0x2, s6  }
0xa: {  	s11 =	smul.u32 $0x9E000, s6;
	s15 =	sshll.u32 s1, $0x6;
	s7 =	sor.u32 s1, s2  }
0xb: {  	s2 =	rddreg [dreg:$0x4];
	_ =	strace $0x80000053;
	s30 =	sshrl.u32 s10, $0x1  }
0xc: {  	s15 =	sor.u32 $0x1C03, s15;
	s7 =	smul.u32 $0x280, s7;
	s11 =	sadd.s32 s9, s11  }
0xd: {  	s10 =	ssub.s32 s10, s30;
	s16 =	sadd.s32 s9, s3;
	s31 =	sshrl.u32 s11, $0x3  }
0xe: {  	s9 =	smax.u32 s10, $0x1;
	s10 =	simm.s32 $0x3;
	s11 =	simm.s32 $0x1400  }
0xf: {  	s16 =	sshrl.u32 s16, $0x3;
	s7 =	sadd.s32 s7, s5;
	s5 =	sadd.s32 $0x62200, s5  }
0x10: {  	s8 =	sadd.s32 s8, s31;
	s6 =	sadd.s32 $0xF000, s7;
	s7 =	sadd.s32 $0x9E00, s7  }
.LBB2_1:
0x11: {  	[tilespmem:s4], [sflag:$0x3] =	stream.linear.gather [hbm4b:s6+s4], $0x1400, $0x38;
	[tilespmem:$0x10600] =	vst v63  }
0x12: {  	_ =	swait.ge [sflag:s10], $0x1400  }
0x13: {  	[sflag:s10] =	ssyncset.done $0x0  }
0x14: {  	[sflag:s10] =	ssyncadd.s32 $0xFFFFEC00  }
0x15: {  	[tilespmem:s11], [sflag:$0x3] =	stream.linear.gather [hbm4b:s7+s4], $0x1400, $0x38;
	[tilespmem:$0x10600] =	vst v63  }
0x16: {  	_ =	swait.ge [sflag:s10], $0x1400  }
0x17: {  	[sflag:s10] =	ssyncset.done $0x0  }
0x18: {  	[sflag:s10] =	ssyncadd.s32 $0xFFFFEC00  }
0x19: {  	[tilespmem:s13], [sflag:$0x1] =	stream.indirect.gather [hbm4b:s0+s12], $0x40, s4, s12, $0xb8;
	[tilespmem:$0x10600] =	vst v63  }
0x1a: {  	_ = 	snop  }
0x1b: {  	[tilespmem:s14], [sflag:$0x2] =	stream.indirect.gather [hbm4b:s0+s12], $0x40, s12, s12, $0xb8;
	[tilespmem:$0x10600] =	vst v63  }
0x1c: {  	[spmem:s16], [sflag:s15] =	dma.local [hbm:s5], $0x13C0  }
0x1d: {  	_ =	swait.ge [sflag:s10], $0x13C0  }
0x1e: {  	[sflag:s10] =	ssyncset.done $0x0  }
0x1f: {  	[sflag:s10] =	ssyncadd.s32 $0xFFFFEC40  }
0x20: {  	[bflag:$0x0] =	sbarrier.arrive $0xFFFF  }
0x21: {  	_ =	swait.ge [sflag:s17], $0x2000  }
0x22: {  	[sflag:s17] =	ssyncset.done $0x0  }
0x23: {  	s22 =	simm.s32 $0x1400;
	[sflag:s17] =	ssyncadd.s32 $0xFFFFE000  }
0x24: {  	[spmem:s3] =	stream.indirect.scatter.add.f32 [tilespmem:s13], [sflag:$0x3], $0x40, s22, s12, $0xb8;
	[tilespmem:$0x10600] =	vst v63  }
0x25: {  	_ =	swait.ge [sflag:s10], $0x2000  }
0x26: {  	[sflag:s10] =	ssyncset.done $0x0  }
0x27: {  	s30 =	simm.s32 $0x100;
	[sflag:s10] =	ssyncadd.s32 $0xFFFFE000  }
0x28: {  	[tilespmem:s13], [sflag:$0x1] =	stream.indirect.gather [hbm4b:s0+s12], $0x40, s30, s12, $0xb8;
	[tilespmem:$0x10600] =	vst v63  }
0x29: {  	_ =	swait.ge [sflag:s18], $0x2000  }
0x2a: {  	[sflag:s18] =	ssyncset.done $0x0  }
0x2b: {  	s31 =	simm.s32 $0x1480;
	[sflag:s18] =	ssyncadd.s32 $0xFFFFE000  }
0x2c: {  	[spmem:s3] =	stream.indirect.scatter.add.f32 [tilespmem:s14], [sflag:$0x3], $0x40, s31, s12, $0xb8;
	[tilespmem:$0x10600] =	vst v63  }
0x2d: {  	_ =	swait.ge [sflag:s10], $0x2000  }
0x2e: {  	[sflag:s10] =	ssyncset.done $0x0  }
0x2f: {  	s23 =	simm.s32 $0x180;
	s22 =	simm.s32 $0x400;
	[sflag:s10] =	ssyncadd.s32 $0xFFFFE000  }
.LBB2_2:
0x30: {  	[tilespmem:s14], [sflag:$0x2] =	stream.indirect.gather [hbm4b:s0+s12], $0x40, s23, s12, $0xb8;
	[tilespmem:$0x10600] =	vst v63  }
0x31: {  	s23 =	smov.u32 s22  }
0x32: {  	p0 =	sne.s32 s22, $0x4800;
	s22 =	sadd.s32 $0x400, s22;
	_ =	swait.ge [sflag:s17], $0x2000  }
0x33: {  	s23 =	sshra.s32 s23, $0x2;
	[sflag:s17] =	ssyncset.done $0x0  }
0x34: {  	s24 =	sadd.s32 $0x1400, s23;
	[sflag:s17] =	ssyncadd.s32 $0xFFFFE000  }
0x35: {  	[spmem:s3] =	stream.indirect.scatter.add.f32 [tilespmem:s13], [sflag:$0x3], $0x40, s24, s12, $0xb8;
	[tilespmem:$0x10600] =	vst v63  }
0x36: {  	_ =	swait.ge [sflag:s10], $0x2000  }
0x37: {  	[sflag:s10] =	ssyncset.done $0x0  }
0x38: {  	s24 =	sadd.s32 $0x100, s23;
	[sflag:s10] =	ssyncadd.s32 $0xFFFFE000  }
0x39: {  	[tilespmem:s13], [sflag:$0x1] =	stream.indirect.gather [hbm4b:s0+s12], $0x40, s24, s12, $0xb8;
	[tilespmem:$0x10600] =	vst v63  }
0x3a: {  	_ =	swait.ge [sflag:s18], $0x2000  }
0x3b: {  	[sflag:s18] =	ssyncset.done $0x0  }
.Ltmp0:
0x3c: {  	s24 =	sadd.s32 $0x1480, s23;
	[sflag:s18] =	ssyncadd.s32 $0xFFFFE000;
	(pc) =	sbr.rel @p0 .LBB2_2-.Ltmp0, $4  }
0x3d: {  	[spmem:s3] =	stream.indirect.scatter.add.f32 [tilespmem:s14], [sflag:$0x3], $0x40, s24, s12, $0xb8;
	[tilespmem:$0x10600] =	vst v63  }
0x3e: {  	_ =	swait.ge [sflag:s10], $0x2000  }
0x3f: {  	[sflag:s10] =	ssyncset.done $0x0  }
0x40: {  	s23 =	sadd.s32 $0x180, s23;
	[sflag:s10] =	ssyncadd.s32 $0xFFFFE000  }
0x41: {  	[tilespmem:s14], [sflag:$0x2] =	stream.indirect.gather [hbm4b:s0+s12], $0x40, s23, s12, $0xb8;
	[tilespmem:$0x10600] =	vst v63  }
0x42: {  	_ =	swait.ge [sflag:s17], $0x2000  }
0x43: {  	[sflag:s17] =	ssyncset.done $0x0  }
0x44: {  	[sflag:s17] =	ssyncadd.s32 $0xFFFFE000  }
0x45: {  	[spmem:s3] =	stream.indirect.scatter.add.f32 [tilespmem:s13], [sflag:$0x3], $0x40, s19, s12, $0xb8;
	[tilespmem:$0x10600] =	vst v63  }
0x46: {  	_ =	swait.ge [sflag:s10], $0x2000  }
0x47: {  	[sflag:s10] =	ssyncset.done $0x0  }
0x48: {  	[sflag:s10] =	ssyncadd.s32 $0xFFFFE000  }
0x49: {  	_ =	swait.ge [sflag:s18], $0x2000  }
0x4a: {  	[sflag:s18] =	ssyncset.done $0x0  }
0x4b: {  	[sflag:s18] =	ssyncadd.s32 $0xFFFFE000  }
0x4c: {  	[spmem:s3] =	stream.indirect.scatter.add.f32 [tilespmem:s14], [sflag:$0x3], $0x40, s20, s12, $0xb8;
	[tilespmem:$0x10600] =	vst v63  }
0x4d: {  	_ =	swait.ge [sflag:s10], $0x2000  }
0x4e: {  	s21 =	sadd.s32 $0x1, s21;
	[sflag:s10] =	ssyncset.done $0x0  }
0x4f: {  	p0 =	sne.s32 s21, s9;
	[sflag:s10] =	ssyncadd.s32 $0xFFFFE000  }
.Ltmp1:
0x50: {  	[bflag:$0x0] =	sbarrier.arrive $0xFFFF;
	(pc) =	sbr.rel @p0 .LBB2_1-.Ltmp1, $4  }
0x51: {  	[hbm:s8], [sflag:s15] =	dma.local [spmem:s16], $0x13C0  }
0x52: {  	_ =	swait.ge [sflag:s10], $0x13C0  }
0x53: {  	[sflag:s10] =	ssyncset.done $0x0  }
0x54: {  	[sflag:s10] =	ssyncadd.s32 $0xFFFFEC40  }
0x55: {  	_ =	sfence.sel $0x180000  }
0x56: {  	[bflag:$0x0] =	sbarrier.arrive $0xFFFF  }
0x57: {  	p0 =	sne.s32 s1, $0x0;
	_ =	strace $0x90000053  }
0x58: {  	s0 =	sadd.s32 @!p0 $0x100000, s2;
	[bflag:$0x2] =	sbarrier.arrive $0xFFFF  }
0x59: {  	[sflag:s0] =	ssyncadd.tile.s32 @!p0 $0x1;
	_ =	shalt  }
.Lfunc_end2:
_tile_overlayer_lowered:
.L_overlay_start_2:
0x5a: {  	(tag) =	ssettag $0x2  }
0x5b: {  	s0 =	rddreg [dreg:$0x0];
	s2 =	stileid.u32  }
0x5c: {  	s1 =	rddreg [dreg:$0x1];
	p0 =	sne.s32 s2, $0x0  }
0x5d: {  	s3 =	rddreg [dreg:$0x2];
	[bflag:$0x3] =	sbarrier.arrive $0xFFFF;
	s2 =	simm.s32 @!p0 $0x1C03  }
0x5e: {  	[timem:s3], [sflag:s2] =	dma.local @!p0 [hbm:s0], s1  }
0x5f: {  	s0 =	simm.s32 @!p0 $0x3  }
0x60: {  	_ =	swait.ge @!p0 [sflag:s0], s1  }
0x61: {  	s1 =	ssub.s32 @!p0 $0x0, s1;
	[sflag:s0] =	ssyncset.done @!p0 $0x0  }
0x62: {  	[sflag:s0] =	ssyncadd.s32 @!p0 s1  }
0x63: {  	[bflag:$0x3] =	sbarrier.arrive $0xFFFF  }
0x64: {  	_ =	shalt  }

// kernel: kernel.39.cloned.1.call-start
scs
__scs_entry_jumppad:
0x0: {  	(pc) =	sbr.rel $0x88, $3  }
0x1: {  	(tag) =	ssettag $0x0;
	lr =	simm.s32 $0x1  }
0x2: {  	[smem:$0x3F82] =	sst lr;
	_ =	strace $0xD0000000  }
0x3: {  	_ = 	snop  }
0x4: {  	_ = 	snop  }
0x5: {  	_ = 	snop  }
0x6: {  	_ = 	snop  }
0x7: {  	_ = 	snop  }
__scs_overlays_trampoline_lowered:
0x8: {  	[smem:$0x3F91] =	sst s0  }
0x9: {  	[smem:$0x3F92] =	sst s1  }
0xa: {  	[smem:$0x3F93] =	sst s2  }
0xb: {  	[smem:$0x3F94] =	sst s3  }
0xc: {  	[smem:$0x3F95] =	sst s4  }
0xd: {  	[smem:$0x3F96] =	sst s5  }
0xe: {  	[smem:$0x3F97] =	sst s6  }
0xf: {  	[smem:$0x3F98] =	sst s7  }
0x10: {  	[smem:$0x3F99] =	sst s8  }
0x11: {  	[smem:$0x3F9A] =	sst s9;
	s0 =	simm.s32 @!p0 $0x0  }
0x12: {  	s1 =	sld [smem:$0x3F80];
	s0 =	simm.s32 @p0 $0x1  }
0x13: {  	[smem:$0x3F9B] =	sst s0;
	s0 =	simm.s32 @!p1 $0x0  }
0x14: {  	s2 =	sld [smem:$0x3F7F];
	s0 =	simm.s32 @p1 $0x1  }
0x15: {  	[smem:$0x3F9C] =	sst s0;
	s0 =	simm.s32 @!p2 $0x0  }
0x16: {  	s3 =	sld [smem:$0x3FDB];
	s0 =	simm.s32 @p2 $0x1  }
0x17: {  	s4 =	simm.s32 $0x1BF5;
	[smem:$0x3F9E] =	sst s0  }
0x18: {  	s0 =	sld [smem:$0x3F81];
	_ =	swait.ge [sflag:s4], $0x0  }
0x19: {  	s7 =	sld [smem:$0x3F82]  }
0x1a: {  	s8 =	sadd.s32 $0xFFFFE003, lr  }
0x1b: {  	s9 =	sadd.s32 $0xFFFFFEF7, lr;
	s5 =	simm.s32 $0xFFFFFFFF;
	p2 =	slt.u32 s8, $0xFFFFF086  }
0x1c: {  	p1 =	slt.u32 s9, $0xF7A;
	s5 =	simm.s32 @!p2 $0x0  }
0x1d: {  	s5 =	simm.s32 @p1 $0x1;
	p0 =	seq.s32 s7, s2  }
0x1e: {  	s7 =	smul.u32 @!p0 $0xF7A, s2;
	p2 =	seq.s32 @!p0 s5, $0x0  }
0x1f: {  	s9 =	smul.u32 $0xF7A, s1;
	s8 =	simm.s32 @!p0 $0x1BF5;
	p2 =	por !p2, p0  }
0x20: {  	[sflag:s8] =	ssyncset.s32 @!p0 $0xFFFFF086;
	s6 =	sadd.s32 @!p0 s3, s7;
	s7 =	simm.s32 @!p0 $0x108  }
0x21: {  	s3 =	sadd.s32 s3, s9;
	s6 =	sadd.s32 @!p0 $0x88, s6;
	s7 =	simm.s32 @p2 $0x1082  }
0x22: {  	[simem:s7], [sflag:s8] =	dma.local @!p0 [hbm:s6], $0xF7A  }
0x23: {  	s9 =	sor.u32 $0xD0000000, s2;
	s6 =	simm.s32 $0x108;
	_ =	swait.ge @!p0 [sflag:s8], $0x0  }
0x24: {  	s3 =	sadd.s32 $0x88, s3;
	s6 =	simm.s32 @!p1 $0x1082;
	[sflag:s4] =	ssyncset.s32 $0xFFFFF086  }
0x25: {  	[simem:s6], [sflag:s4] =	dma.local [hbm:s3], $0xF7A  }
0x26: {  	[smem:$0x3F82] =	sst s1;
	(tag) =	ssettag s2;
	_ =	strace s9  }
0x27: {  	s1 =	sld [smem:$0x3F92]  }
0x28: {  	s2 =	sld [smem:$0x3F93]  }
0x29: {  	s4 =	sld [smem:$0x3F95]  }
0x2a: {  	p0 =	seq.s32 s5, $0x0;
	s5 =	sld [smem:$0x3F96]  }
0x2b: {  	s6 =	sld [smem:$0x3F97]  }
0x2c: {  	s7 =	sld [smem:$0x3F98]  }
0x2d: {  	s3 =	simm.s32 $0x108;
	s8 =	sld [smem:$0x3F99]  }
0x2e: {  	s3 =	simm.s32 @!p0 $0x1082;
	s9 =	sld [smem:$0x3F9A]  }
0x2f: {  	lr =	sadd.s32 s0, s3;
	s0 =	sld [smem:$0x3F91]  }
0x30: {  	s3 =	sld [smem:$0x3F94]  }
0x31: {  	[smem:$0x3F9D] =	sst s10  }
0x32: {  	s10 =	sld [smem:$0x3F9B];
	_ =	sdelay $0x3  }
0x33: {  	p0 =	seq.s32 s10, $0x1;
	s10 =	sld [smem:$0x3F9D];
	_ =	sdelay $0x3  }
0x34: {  	[smem:$0x3F9D] =	sst s10  }
0x35: {  	s10 =	sld [smem:$0x3F9C];
	_ =	sdelay $0x3  }
0x36: {  	p1 =	seq.s32 s10, $0x1;
	s10 =	sld [smem:$0x3F9D];
	_ =	sdelay $0x3  }
0x37: {  	[smem:$0x3F9D] =	sst s10  }
0x38: {  	s10 =	sld [smem:$0x3F9E]  }
0x39: {  	_ = 	snop;
	(pc) =	sbr.ind lr, $3  }
0x3a: {  	_ = 	snop  }
0x3b: {  	_ = 	snop  }
0x3c: {  	p2 =	seq.s32 s10, $0x1;
	s10 =	sld [smem:$0x3F9D]  }
0x3d: {  	_ =	shalt  }
0x3e: {  	_ =	shalt  }
0x3f: {  	_ =	shalt  }
0x40: {  	_ =	shalt  }
0x41: {  	_ =	shalt  }
0x42: {  	_ =	shalt  }
0x43: {  	_ =	shalt  }
0x44: {  	_ =	shalt  }
0x45: {  	_ =	shalt  }
0x46: {  	_ =	shalt  }
0x47: {  	_ =	shalt  }
0x48: {  	_ =	shalt  }
0x49: {  	_ =	shalt  }
0x4a: {  	_ =	shalt  }
0x4b: {  	_ =	shalt  }
0x4c: {  	_ =	shalt  }
0x4d: {  	_ =	shalt  }
0x4e: {  	_ =	shalt  }
0x4f: {  	_ =	shalt  }
0x50: {  	_ =	shalt  }
0x51: {  	_ =	shalt  }
0x52: {  	_ =	shalt  }
0x53: {  	_ =	shalt  }
0x54: {  	_ =	shalt  }
0x55: {  	_ =	shalt  }
0x56: {  	_ =	shalt  }
0x57: {  	_ =	shalt  }
0x58: {  	_ =	shalt  }
0x59: {  	_ =	shalt  }
0x5a: {  	_ =	shalt  }
0x5b: {  	_ =	shalt  }
0x5c: {  	_ =	shalt  }
0x5d: {  	_ =	shalt  }
0x5e: {  	_ =	shalt  }
0x5f: {  	_ =	shalt  }
0x60: {  	_ =	shalt  }
0x61: {  	_ =	shalt  }
0x62: {  	_ =	shalt  }
0x63: {  	_ =	shalt  }
0x64: {  	_ =	shalt  }
0x65: {  	_ =	shalt  }
0x66: {  	_ =	shalt  }
0x67: {  	_ =	shalt  }
0x68: {  	_ =	shalt  }
0x69: {  	_ =	shalt  }
0x6a: {  	_ =	shalt  }
0x6b: {  	_ =	shalt  }
0x6c: {  	_ =	shalt  }
0x6d: {  	_ =	shalt  }
0x6e: {  	_ =	shalt  }
0x6f: {  	_ =	shalt  }
0x70: {  	_ =	shalt  }
0x71: {  	_ =	shalt  }
0x72: {  	_ =	shalt  }
0x73: {  	_ =	shalt  }
0x74: {  	_ =	shalt  }
0x75: {  	_ =	shalt  }
0x76: {  	_ =	shalt  }
0x77: {  	_ =	shalt  }
0x78: {  	_ =	shalt  }
0x79: {  	_ =	shalt  }
0x7a: {  	_ =	shalt  }
0x7b: {  	_ =	shalt  }
0x7c: {  	_ =	shalt  }
0x7d: {  	_ =	shalt  }
0x7e: {  	_ =	shalt  }
0x7f: {  	_ =	shalt  }
0x80: {  	_ =	shalt  }
0x81: {  	_ =	shalt  }
0x82: {  	_ =	shalt  }
0x83: {  	_ =	shalt  }
0x84: {  	_ =	shalt  }
0x85: {  	_ =	shalt  }
0x86: {  	_ =	shalt  }
0x87: {  	_ =	shalt  }
.Lfunc_end0:
.L_simem_size_0:
called_computation.5_lowered:
.L_overlay_start_0:
0x88: {  	s2 =	sld [smem:$0x3FD9]  }
0x89: {  	s3 =	sld [smem:$0x3FFE];
	_ =	sdelay $0x1  }
0x8a: {  	s1 =	srdreg.scid  }
0x8b: {  	s0 =	sand.u32 $0x1, s1  }
0x8c: {  	s14 =	sshll.u32 s0, $0xA;
	s2 =	sadd.s32 s3, s2  }
0x8d: {  	s2 =	sadd.s32 s2, s14  }
0x8e: {  	[smem:$0x3FA9] =	sst s2  }
0x8f: {  	_ = 	snop  }
0x90: {  	s2 =	sld [smem:$0x3FD0];
	_ =	sdelay $0x2  }
0x91: {  	s15 =	simm.s32 $0xA;
	s4 =	simm.s32 $0x10  }
0x92: {  	[smem:s4], [sflag:s15] =	dma.local [hbm:s2], $0x1  }
0x93: {  	_ =	swait.eq [sflag:s15], $0x1  }
0x94: {  	[sflag:s15] =	ssyncset.done $0x0  }
0x95: {  	[sflag:s15] =	ssyncadd.s32 $0xFFFFFFFF  }
0x96: {  	s16 =	sld [smem:$0x12];
	(tm) =	ssettm $0x1  }
0x97: {  	s17 =	sld [smem:$0x3FFB];
	_ =	sdelay $0x3  }
0x98: {  	_ =	strace s17  }
0x99: {  	s3 =	sld [smem:$0x3FFC];
	_ =	sdelay $0x3  }
0x9a: {  	_ =	strace s3  }
0x9b: {  	s3 =	sld [smem:$0x3FFD];
	_ =	sdelay $0x3  }
0x9c: {  	_ =	strace s3  }
0x9d: {  	_ =	strace $0x8FFFFFFF  }
0x9e: {  	s18 =	sld [smem:$0x3FDB];
	_ =	sdelay $0x1  }
0x9f: {  	s19 =	simm.s32 $_scs_section_size  }
0xa0: {  	s5 =	simm.s32 $_size__tile_overlayer_lowered;
	s6 =	simm.s32 $_tile_overlayer_lowered  }
0xa1: {  	s22 =	simm.s32 $0x1BFF;
	s21 =	sshll.u32 s6, $0x1;
	s3 =	sadd.s32 s19, s18  }
0xa2: {  	s7 =	simm.s32 $0x0;
	s20 =	sshll.u32 s5, $0x1;
	s5 =	sadd.s32 s21, s3  }
0xa3: {  	[timem:s7], [sflag:s22] =	dma.local [hbm:s5], s20  }
0xa4: {  	_ =	swait.ge [sflag:s22], s20  }
0xa5: {  	s4 =	ssub.s32 $0x0, s20;
	[sflag:s22] =	ssyncset.done $0x0  }
0xa6: {  	[sflag:s22] =	ssyncadd.s32 s4;
	_ =	sdelay $0x1  }
0xa7: {  	s23 =	simm.s32 $0x1B8B  }
0xa8: {  	_ =	swait.ge [sflag:s23], $0x1  }
0xa9: {  	[sflag:s23] =	ssyncset.done $0x0  }
0xaa: {  	s25 =	simm.s32 $0x1B8E;
	s24 =	sld [smem:$0x3FFE];
	[sflag:s23] =	ssyncadd.s32 $0xFFFFFFFF  }
0xab: {  	s26 =	simm.s32 $execute0_lowered;
	[smem:$0x3FD2] =	sst s25  }
0xac: {  	s5 =	sshll.u32 s26, $0x1;
	_ =	strace $0x80000055;
	[dreg:$0x1] =	wrdreg $0xFFFFFFFF  }
0xad: {  	s28 =	simm.s32 $_size_execute0_lowered;
	s3 =	sadd.s32 s3, s5;
	[dreg:$0x0] =	wrdreg $0x0  }
0xae: {  	s5 =	sshll.u32 s28, $0x1;
	[dreg:$0x2] =	wrdreg s3  }
0xaf: {  	[dreg:$0x3] =	wrdreg s5  }
0xb0: {  	[dreg:$0x4] =	wrdreg $0xC0  }
0xb1: {  	_ =	task [dreg:s7], $0x5FFFF  }
0xb2: {  	[dreg:$0x1] =	wrdreg $0xFFFFFFFF  }
0xb3: {  	[dreg:$0x0] =	wrdreg $0x60  }
0xb4: {  	[dreg:$0x2] =	wrdreg s24  }
0xb5: {  	[dreg:$0x3] =	wrdreg s16  }
0xb6: {  	[dreg:$0x4] =	wrdreg $0x68000  }
0xb7: {  	[dreg:$0x5] =	wrdreg $0x9  }
0xb8: {  	_ =	task.clear_ibuf [dreg:s7], $0x6FFFF;
	_ =	strace $0x90000055  }
0xb9: {  	s29 =	simm.s32 $0x9;
	_ =	strace $0x80000057  }
0xba: {  	_ =	swait.ge [sflag:s29], $0x1  }
0xbb: {  	[sflag:s29] =	ssyncadd.s32 $0xFFFFFFFF  }
0xbc: {  	_ =	strace $0x90000057  }
0xbd: {  	_ =	sfence  }
0xbe: {  	s30 =	sld [smem:$0x0];
	_ =	sdelay $0x2  }
0xbf: {  	s31 =	sshll.u32 s1, $0xD;
	s1 =	sshrl.u32 s1, $0x2  }
0xc0: {  	s3 =	sand.u32 $0x4000, s31;
	s1 =	sadd.s32 s1, s30  }
0xc1: {  	s0 =	sor.u32 s3, s0;
	s1 =	sshll.u32 s1, $0x11  }
0xc2: {  	s0 =	sor.u32 s1, s0  }
0xc3: {  	s0 =	sadd.s32 $0x8F2B, s0  }
0xc4: {  	[sflag:s0] =	ssyncadd.remote.s32 $0x1  }
0xc5: {  	_ =	sfence.sel $0xFFFF  }
0xc6: {  	[dreg:$0x0] =	wrdreg $0xFFFFFFFF;
	(pc) =	sbr.abs _section_cstart, $3  }
0xc7: {  	[dreg:$0x1] =	wrdreg $0xFFFFFFFF  }
0xc8: {  	_ =	task.clear_ibuf [dreg:s7], $0x2FFFF;
	_ =	strace $0x9FFFFFFF  }
0xc9: {  	(tm) =	ssettm $0x7FFFFFFF  }
tec
execute0_lowered:
.L_overlay_start_1:
0x0: {  	(tag) =	ssettag $0x1  }
0x1: {  	s5 =	rddreg [dreg:$0x0]  }
0x2: {  	s0 =	srdreg.scid;
	s8 =	rddreg [dreg:$0x1]  }
0x3: {  	s2 =	rddreg [dreg:$0x2];
	s1 =	stileid.u32  }
0x4: {  	s3 =	simm.s32 $0x0;
	s12 =	simm.s32 $0x80;
	s13 =	simm.s32 $0x2800  }
0x5: {  	s14 =	simm.s32 $0x4800;
	s17 =	simm.s32 $0x1;
	s18 =	simm.s32 $0x2  }
0x6: {  	s19 =	simm.s32 $0x2700;
	s6 =	sand.u32 $0x1, s0;
	s0 =	rddreg [dreg:$0x3]  }
0x7: {  	s20 =	simm.s32 $0x2780;
	s21 =	simm.s32 $0x0;
	[smem:$0x7FF] =	sst s3  }
0x8: {  	s9 =	smul.u32 $0x9E00, s1;
	s15 =	sshll.u32 s1, $0x6;
	s4 =	sshll.u32 s6, $0x4  }
0x9: {  	_ =	strace $0x80000056;
	s10 =	ssub.s32 $0x2, s6;
	s11 =	smul.u32 $0x9E000, s6  }
0xa: {  	s15 =	sor.u32 $0x1C03, s15;
	s4 =	sor.u32 s1, s4;
	s30 =	sshrl.u32 s10, $0x1  }
0xb: {  	s16 =	sadd.s32 s9, s2;
	s7 =	smul.u32 $0x280, s4;
	s4 =	sadd.s32 $0x63600, s5  }
0xc: {  	s10 =	ssub.s32 s10, s30;
	s11 =	sadd.s32 s9, s11;
	s16 =	sshrl.u32 s16, $0x3  }
0xd: {  	s31 =	sshrl.u32 s11, $0x3;
	s9 =	smax.u32 s10, $0x1;
	s10 =	simm.s32 $0x3  }
0xe: {  	s11 =	simm.s32 $0x1400;
	s7 =	sadd.s32 s7, s5;
	s5 =	sadd.s32 $0x62200, s5  }
0xf: {  	s8 =	sadd.s32 s8, s31;
	s6 =	sadd.s32 $0xF000, s7;
	s7 =	sadd.s32 $0x9E00, s7  }
.LBB2_1:
0x10: {  	[tilespmem:s3], [sflag:$0x3] =	stream.linear.gather [hbm4b:s6+s3], $0x1400, $0x38;
	[tilespmem:$0x10600] =	vst v63  }
0x11: {  	_ =	swait.ge [sflag:s10], $0x1400  }
0x12: {  	[sflag:s10] =	ssyncset.done $0x0  }
0x13: {  	[sflag:s10] =	ssyncadd.s32 $0xFFFFEC00  }
0x14: {  	[tilespmem:s11], [sflag:$0x3] =	stream.linear.gather [hbm4b:s7+s3], $0x1400, $0x38;
	[tilespmem:$0x10600] =	vst v63  }
0x15: {  	_ =	swait.ge [sflag:s10], $0x1400  }
0x16: {  	[sflag:s10] =	ssyncset.done $0x0  }
0x17: {  	[sflag:s10] =	ssyncadd.s32 $0xFFFFEC00  }
0x18: {  	[tilespmem:s13], [sflag:$0x1] =	stream.indirect.gather [hbm4b:s4+s12], $0x40, s3, s12, $0xb8;
	[tilespmem:$0x10600] =	vst v63  }
0x19: {  	_ = 	snop  }
0x1a: {  	[tilespmem:s14], [sflag:$0x2] =	stream.indirect.gather [hbm4b:s4+s12], $0x40, s12, s12, $0xb8;
	[tilespmem:$0x10600] =	vst v63  }
0x1b: {  	[spmem:s16], [sflag:s15] =	dma.local [hbm:s5], $0x13C0  }
0x1c: {  	_ =	swait.ge [sflag:s10], $0x13C0  }
0x1d: {  	[sflag:s10] =	ssyncset.done $0x0  }
0x1e: {  	[sflag:s10] =	ssyncadd.s32 $0xFFFFEC40  }
0x1f: {  	[bflag:$0x0] =	sbarrier.arrive $0xFFFF  }
0x20: {  	_ =	swait.ge [sflag:s17], $0x2000  }
0x21: {  	[sflag:s17] =	ssyncset.done $0x0  }
0x22: {  	s22 =	simm.s32 $0x1400;
	[sflag:s17] =	ssyncadd.s32 $0xFFFFE000  }
0x23: {  	[spmem:s2] =	stream.indirect.scatter.add.f32 [tilespmem:s13], [sflag:$0x3], $0x40, s22, s12, $0xb8;
	[tilespmem:$0x10600] =	vst v63  }
0x24: {  	_ =	swait.ge [sflag:s10], $0x2000  }
0x25: {  	[sflag:s10] =	ssyncset.done $0x0  }
0x26: {  	s30 =	simm.s32 $0x100;
	[sflag:s10] =	ssyncadd.s32 $0xFFFFE000  }
0x27: {  	[tilespmem:s13], [sflag:$0x1] =	stream.indirect.gather [hbm4b:s4+s12], $0x40, s30, s12, $0xb8;
	[tilespmem:$0x10600] =	vst v63  }
0x28: {  	_ =	swait.ge [sflag:s18], $0x2000  }
0x29: {  	[sflag:s18] =	ssyncset.done $0x0  }
0x2a: {  	s31 =	simm.s32 $0x1480;
	[sflag:s18] =	ssyncadd.s32 $0xFFFFE000  }
0x2b: {  	[spmem:s2] =	stream.indirect.scatter.add.f32 [tilespmem:s14], [sflag:$0x3], $0x40, s31, s12, $0xb8;
	[tilespmem:$0x10600] =	vst v63  }
0x2c: {  	_ =	swait.ge [sflag:s10], $0x2000  }
0x2d: {  	[sflag:s10] =	ssyncset.done $0x0  }
0x2e: {  	s23 =	simm.s32 $0x180;
	s22 =	simm.s32 $0x400;
	[sflag:s10] =	ssyncadd.s32 $0xFFFFE000  }
.LBB2_2:
0x2f: {  	[tilespmem:s14], [sflag:$0x2] =	stream.indirect.gather [hbm4b:s4+s12], $0x40, s23, s12, $0xb8;
	[tilespmem:$0x10600] =	vst v63  }
0x30: {  	s23 =	smov.u32 s22  }
0x31: {  	p0 =	sne.s32 s22, $0x4800;
	s22 =	sadd.s32 $0x400, s22;
	_ =	swait.ge [sflag:s17], $0x2000  }
0x32: {  	s23 =	sshra.s32 s23, $0x2;
	[sflag:s17] =	ssyncset.done $0x0  }
0x33: {  	s24 =	sadd.s32 $0x1400, s23;
	[sflag:s17] =	ssyncadd.s32 $0xFFFFE000  }
0x34: {  	[spmem:s2] =	stream.indirect.scatter.add.f32 [tilespmem:s13], [sflag:$0x3], $0x40, s24, s12, $0xb8;
	[tilespmem:$0x10600] =	vst v63  }
0x35: {  	_ =	swait.ge [sflag:s10], $0x2000  }
0x36: {  	[sflag:s10] =	ssyncset.done $0x0  }
0x37: {  	s24 =	sadd.s32 $0x100, s23;
	[sflag:s10] =	ssyncadd.s32 $0xFFFFE000  }
0x38: {  	[tilespmem:s13], [sflag:$0x1] =	stream.indirect.gather [hbm4b:s4+s12], $0x40, s24, s12, $0xb8;
	[tilespmem:$0x10600] =	vst v63  }
0x39: {  	_ =	swait.ge [sflag:s18], $0x2000  }
0x3a: {  	[sflag:s18] =	ssyncset.done $0x0  }
.Ltmp0:
0x3b: {  	s24 =	sadd.s32 $0x1480, s23;
	[sflag:s18] =	ssyncadd.s32 $0xFFFFE000;
	(pc) =	sbr.rel @p0 .LBB2_2-.Ltmp0, $4  }
0x3c: {  	[spmem:s2] =	stream.indirect.scatter.add.f32 [tilespmem:s14], [sflag:$0x3], $0x40, s24, s12, $0xb8;
	[tilespmem:$0x10600] =	vst v63  }
0x3d: {  	_ =	swait.ge [sflag:s10], $0x2000  }
0x3e: {  	[sflag:s10] =	ssyncset.done $0x0  }
0x3f: {  	s23 =	sadd.s32 $0x180, s23;
	[sflag:s10] =	ssyncadd.s32 $0xFFFFE000  }
0x40: {  	[tilespmem:s14], [sflag:$0x2] =	stream.indirect.gather [hbm4b:s4+s12], $0x40, s23, s12, $0xb8;
	[tilespmem:$0x10600] =	vst v63  }
0x41: {  	_ =	swait.ge [sflag:s17], $0x2000  }
0x42: {  	[sflag:s17] =	ssyncset.done $0x0  }
0x43: {  	[sflag:s17] =	ssyncadd.s32 $0xFFFFE000  }
0x44: {  	[spmem:s2] =	stream.indirect.scatter.add.f32 [tilespmem:s13], [sflag:$0x3], $0x40, s19, s12, $0xb8;
	[tilespmem:$0x10600] =	vst v63  }
0x45: {  	_ =	swait.ge [sflag:s10], $0x2000  }
0x46: {  	[sflag:s10] =	ssyncset.done $0x0  }
0x47: {  	[sflag:s10] =	ssyncadd.s32 $0xFFFFE000  }
0x48: {  	_ =	swait.ge [sflag:s18], $0x2000  }
0x49: {  	[sflag:s18] =	ssyncset.done $0x0  }
0x4a: {  	[sflag:s18] =	ssyncadd.s32 $0xFFFFE000  }
0x4b: {  	[spmem:s2] =	stream.indirect.scatter.add.f32 [tilespmem:s14], [sflag:$0x3], $0x40, s20, s12, $0xb8;
	[tilespmem:$0x10600] =	vst v63  }
0x4c: {  	_ =	swait.ge [sflag:s10], $0x2000  }
0x4d: {  	s21 =	sadd.s32 $0x1, s21;
	[sflag:s10] =	ssyncset.done $0x0  }
0x4e: {  	p0 =	sne.s32 s21, s9;
	[sflag:s10] =	ssyncadd.s32 $0xFFFFE000  }
.Ltmp1:
0x4f: {  	[bflag:$0x0] =	sbarrier.arrive $0xFFFF;
	(pc) =	sbr.rel @p0 .LBB2_1-.Ltmp1, $4  }
0x50: {  	[hbm:s8], [sflag:s15] =	dma.local [spmem:s16], $0x13C0  }
0x51: {  	_ =	swait.ge [sflag:s10], $0x13C0  }
0x52: {  	[sflag:s10] =	ssyncset.done $0x0  }
0x53: {  	[sflag:s10] =	ssyncadd.s32 $0xFFFFEC40  }
0x54: {  	_ =	sfence.sel $0x180000  }
0x55: {  	[bflag:$0x0] =	sbarrier.arrive $0xFFFF  }
0x56: {  	p0 =	sne.s32 s1, $0x0;
	_ =	strace $0x90000056  }
0x57: {  	s0 =	sadd.s32 @!p0 $0x100000, s0;
	[bflag:$0x2] =	sbarrier.arrive $0xFFFF  }
0x58: {  	[sflag:s0] =	ssyncadd.tile.s32 @!p0 $0x1;
	_ =	shalt  }
.Lfunc_end2:
_tile_overlayer_lowered:
.L_overlay_start_2:
0x59: {  	(tag) =	ssettag $0x2  }
0x5a: {  	s0 =	rddreg [dreg:$0x0];
	s2 =	stileid.u32  }
0x5b: {  	s1 =	rddreg [dreg:$0x1];
	p0 =	sne.s32 s2, $0x0  }
0x5c: {  	s3 =	rddreg [dreg:$0x2];
	[bflag:$0x3] =	sbarrier.arrive $0xFFFF;
	s2 =	simm.s32 @!p0 $0x1C03  }
0x5d: {  	[timem:s3], [sflag:s2] =	dma.local @!p0 [hbm:s0], s1  }
0x5e: {  	s0 =	simm.s32 @!p0 $0x3  }
0x5f: {  	_ =	swait.ge @!p0 [sflag:s0], s1  }
0x60: {  	s1 =	ssub.s32 @!p0 $0x0, s1;
	[sflag:s0] =	ssyncset.done @!p0 $0x0  }
0x61: {  	[sflag:s0] =	ssyncadd.s32 @!p0 s1  }
0x62: {  	[bflag:$0x3] =	sbarrier.arrive $0xFFFF  }
0x63: {  	_ =	shalt  }

// kernel: kernel.42.cloned.1.call-start
scs
__scs_entry_jumppad:
0x0: {  	(pc) =	sbr.rel $0x88, $3  }
0x1: {  	(tag) =	ssettag $0x0;
	lr =	simm.s32 $0x1  }
0x2: {  	[smem:$0x3F82] =	sst lr;
	_ =	strace $0xD0000000  }
0x3: {  	_ = 	snop  }
0x4: {  	_ = 	snop  }
0x5: {  	_ = 	snop  }
0x6: {  	_ = 	snop  }
0x7: {  	_ = 	snop  }
__scs_overlays_trampoline_lowered:
0x8: {  	[smem:$0x3F91] =	sst s0  }
0x9: {  	[smem:$0x3F92] =	sst s1  }
0xa: {  	[smem:$0x3F93] =	sst s2  }
0xb: {  	[smem:$0x3F94] =	sst s3  }
0xc: {  	[smem:$0x3F95] =	sst s4  }
0xd: {  	[smem:$0x3F96] =	sst s5  }
0xe: {  	[smem:$0x3F97] =	sst s6  }
0xf: {  	[smem:$0x3F98] =	sst s7  }
0x10: {  	[smem:$0x3F99] =	sst s8  }
0x11: {  	[smem:$0x3F9A] =	sst s9;
	s0 =	simm.s32 @!p0 $0x0  }
0x12: {  	s1 =	sld [smem:$0x3F80];
	s0 =	simm.s32 @p0 $0x1  }
0x13: {  	[smem:$0x3F9B] =	sst s0;
	s0 =	simm.s32 @!p1 $0x0  }
0x14: {  	s2 =	sld [smem:$0x3F7F];
	s0 =	simm.s32 @p1 $0x1  }
0x15: {  	[smem:$0x3F9C] =	sst s0;
	s0 =	simm.s32 @!p2 $0x0  }
0x16: {  	s3 =	sld [smem:$0x3FDB];
	s0 =	simm.s32 @p2 $0x1  }
0x17: {  	s4 =	simm.s32 $0x1BF5;
	[smem:$0x3F9E] =	sst s0  }
0x18: {  	s0 =	sld [smem:$0x3F81];
	_ =	swait.ge [sflag:s4], $0x0  }
0x19: {  	s7 =	sld [smem:$0x3F82]  }
0x1a: {  	s8 =	sadd.s32 $0xFFFFE003, lr  }
0x1b: {  	s9 =	sadd.s32 $0xFFFFFEF7, lr;
	s5 =	simm.s32 $0xFFFFFFFF;
	p2 =	slt.u32 s8, $0xFFFFF086  }
0x1c: {  	p1 =	slt.u32 s9, $0xF7A;
	s5 =	simm.s32 @!p2 $0x0  }
0x1d: {  	s5 =	simm.s32 @p1 $0x1;
	p0 =	seq.s32 s7, s2  }
0x1e: {  	s7 =	smul.u32 @!p0 $0xF7A, s2;
	p2 =	seq.s32 @!p0 s5, $0x0  }
0x1f: {  	s9 =	smul.u32 $0xF7A, s1;
	s8 =	simm.s32 @!p0 $0x1BF5;
	p2 =	por !p2, p0  }
0x20: {  	[sflag:s8] =	ssyncset.s32 @!p0 $0xFFFFF086;
	s6 =	sadd.s32 @!p0 s3, s7;
	s7 =	simm.s32 @!p0 $0x108  }
0x21: {  	s3 =	sadd.s32 s3, s9;
	s6 =	sadd.s32 @!p0 $0x88, s6;
	s7 =	simm.s32 @p2 $0x1082  }
0x22: {  	[simem:s7], [sflag:s8] =	dma.local @!p0 [hbm:s6], $0xF7A  }
0x23: {  	s9 =	sor.u32 $0xD0000000, s2;
	s6 =	simm.s32 $0x108;
	_ =	swait.ge @!p0 [sflag:s8], $0x0  }
0x24: {  	s3 =	sadd.s32 $0x88, s3;
	s6 =	simm.s32 @!p1 $0x1082;
	[sflag:s4] =	ssyncset.s32 $0xFFFFF086  }
0x25: {  	[simem:s6], [sflag:s4] =	dma.local [hbm:s3], $0xF7A  }
0x26: {  	[smem:$0x3F82] =	sst s1;
	(tag) =	ssettag s2;
	_ =	strace s9  }
0x27: {  	s1 =	sld [smem:$0x3F92]  }
0x28: {  	s2 =	sld [smem:$0x3F93]  }
0x29: {  	s4 =	sld [smem:$0x3F95]  }
0x2a: {  	p0 =	seq.s32 s5, $0x0;
	s5 =	sld [smem:$0x3F96]  }
0x2b: {  	s6 =	sld [smem:$0x3F97]  }
0x2c: {  	s7 =	sld [smem:$0x3F98]  }
0x2d: {  	s3 =	simm.s32 $0x108;
	s8 =	sld [smem:$0x3F99]  }
0x2e: {  	s3 =	simm.s32 @!p0 $0x1082;
	s9 =	sld [smem:$0x3F9A]  }
0x2f: {  	lr =	sadd.s32 s0, s3;
	s0 =	sld [smem:$0x3F91]  }
0x30: {  	s3 =	sld [smem:$0x3F94]  }
0x31: {  	[smem:$0x3F9D] =	sst s10  }
0x32: {  	s10 =	sld [smem:$0x3F9B];
	_ =	sdelay $0x3  }
0x33: {  	p0 =	seq.s32 s10, $0x1;
	s10 =	sld [smem:$0x3F9D];
	_ =	sdelay $0x3  }
0x34: {  	[smem:$0x3F9D] =	sst s10  }
0x35: {  	s10 =	sld [smem:$0x3F9C];
	_ =	sdelay $0x3  }
0x36: {  	p1 =	seq.s32 s10, $0x1;
	s10 =	sld [smem:$0x3F9D];
	_ =	sdelay $0x3  }
0x37: {  	[smem:$0x3F9D] =	sst s10  }
0x38: {  	s10 =	sld [smem:$0x3F9E]  }
0x39: {  	_ = 	snop;
	(pc) =	sbr.ind lr, $3  }
0x3a: {  	_ = 	snop  }
0x3b: {  	_ = 	snop  }
0x3c: {  	p2 =	seq.s32 s10, $0x1;
	s10 =	sld [smem:$0x3F9D]  }
0x3d: {  	_ =	shalt  }
0x3e: {  	_ =	shalt  }
0x3f: {  	_ =	shalt  }
0x40: {  	_ =	shalt  }
0x41: {  	_ =	shalt  }
0x42: {  	_ =	shalt  }
0x43: {  	_ =	shalt  }
0x44: {  	_ =	shalt  }
0x45: {  	_ =	shalt  }
0x46: {  	_ =	shalt  }
0x47: {  	_ =	shalt  }
0x48: {  	_ =	shalt  }
0x49: {  	_ =	shalt  }
0x4a: {  	_ =	shalt  }
0x4b: {  	_ =	shalt  }
0x4c: {  	_ =	shalt  }
0x4d: {  	_ =	shalt  }
0x4e: {  	_ =	shalt  }
0x4f: {  	_ =	shalt  }
0x50: {  	_ =	shalt  }
0x51: {  	_ =	shalt  }
0x52: {  	_ =	shalt  }
0x53: {  	_ =	shalt  }
0x54: {  	_ =	shalt  }
0x55: {  	_ =	shalt  }
0x56: {  	_ =	shalt  }
0x57: {  	_ =	shalt  }
0x58: {  	_ =	shalt  }
0x59: {  	_ =	shalt  }
0x5a: {  	_ =	shalt  }
0x5b: {  	_ =	shalt  }
0x5c: {  	_ =	shalt  }
0x5d: {  	_ =	shalt  }
0x5e: {  	_ =	shalt  }
0x5f: {  	_ =	shalt  }
0x60: {  	_ =	shalt  }
0x61: {  	_ =	shalt  }
0x62: {  	_ =	shalt  }
0x63: {  	_ =	shalt  }
0x64: {  	_ =	shalt  }
0x65: {  	_ =	shalt  }
0x66: {  	_ =	shalt  }
0x67: {  	_ =	shalt  }
0x68: {  	_ =	shalt  }
0x69: {  	_ =	shalt  }
0x6a: {  	_ =	shalt  }
0x6b: {  	_ =	shalt  }
0x6c: {  	_ =	shalt  }
0x6d: {  	_ =	shalt  }
0x6e: {  	_ =	shalt  }
0x6f: {  	_ =	shalt  }
0x70: {  	_ =	shalt  }
0x71: {  	_ =	shalt  }
0x72: {  	_ =	shalt  }
0x73: {  	_ =	shalt  }
0x74: {  	_ =	shalt  }
0x75: {  	_ =	shalt  }
0x76: {  	_ =	shalt  }
0x77: {  	_ =	shalt  }
0x78: {  	_ =	shalt  }
0x79: {  	_ =	shalt  }
0x7a: {  	_ =	shalt  }
0x7b: {  	_ =	shalt  }
0x7c: {  	_ =	shalt  }
0x7d: {  	_ =	shalt  }
0x7e: {  	_ =	shalt  }
0x7f: {  	_ =	shalt  }
0x80: {  	_ =	shalt  }
0x81: {  	_ =	shalt  }
0x82: {  	_ =	shalt  }
0x83: {  	_ =	shalt  }
0x84: {  	_ =	shalt  }
0x85: {  	_ =	shalt  }
0x86: {  	_ =	shalt  }
0x87: {  	_ =	shalt  }
.Lfunc_end0:
.L_simem_size_0:
called_computation.6_lowered:
.L_overlay_start_0:
0x88: {  	s2 =	sld [smem:$0x3FD9]  }
0x89: {  	s3 =	sld [smem:$0x3FFE];
	_ =	sdelay $0x1  }
0x8a: {  	s1 =	srdreg.scid  }
0x8b: {  	s0 =	sand.u32 $0x1, s1  }
0x8c: {  	s14 =	sshll.u32 s0, $0xA;
	s2 =	sadd.s32 s3, s2  }
0x8d: {  	s2 =	sadd.s32 s2, s14  }
0x8e: {  	[smem:$0x3FA9] =	sst s2  }
0x8f: {  	_ = 	snop  }
0x90: {  	s2 =	sld [smem:$0x3FD0];
	_ =	sdelay $0x2  }
0x91: {  	s15 =	simm.s32 $0xA;
	s4 =	simm.s32 $0x10  }
0x92: {  	[smem:s4], [sflag:s15] =	dma.local [hbm:s2], $0x1  }
0x93: {  	_ =	swait.eq [sflag:s15], $0x1  }
0x94: {  	[sflag:s15] =	ssyncset.done $0x0  }
0x95: {  	[sflag:s15] =	ssyncadd.s32 $0xFFFFFFFF  }
0x96: {  	s16 =	sld [smem:$0x12];
	(tm) =	ssettm $0x1  }
0x97: {  	s17 =	sld [smem:$0x3FFB];
	_ =	sdelay $0x3  }
0x98: {  	_ =	strace s17  }
0x99: {  	s3 =	sld [smem:$0x3FFC];
	_ =	sdelay $0x3  }
0x9a: {  	_ =	strace s3  }
0x9b: {  	s3 =	sld [smem:$0x3FFD];
	_ =	sdelay $0x3  }
0x9c: {  	_ =	strace s3  }
0x9d: {  	_ =	strace $0x8FFFFFFF  }
0x9e: {  	s18 =	sld [smem:$0x3FDB];
	_ =	sdelay $0x1  }
0x9f: {  	s19 =	simm.s32 $_scs_section_size  }
0xa0: {  	s5 =	simm.s32 $_size__tile_overlayer_lowered;
	s6 =	simm.s32 $_tile_overlayer_lowered  }
0xa1: {  	s22 =	simm.s32 $0x1BFF;
	s21 =	sshll.u32 s6, $0x1;
	s3 =	sadd.s32 s19, s18  }
0xa2: {  	s7 =	simm.s32 $0x0;
	s20 =	sshll.u32 s5, $0x1;
	s5 =	sadd.s32 s21, s3  }
0xa3: {  	[timem:s7], [sflag:s22] =	dma.local [hbm:s5], s20  }
0xa4: {  	_ =	swait.ge [sflag:s22], s20  }
0xa5: {  	s4 =	ssub.s32 $0x0, s20;
	[sflag:s22] =	ssyncset.done $0x0  }
0xa6: {  	[sflag:s22] =	ssyncadd.s32 s4;
	_ =	sdelay $0x1  }
0xa7: {  	s23 =	simm.s32 $0x1B8B  }
0xa8: {  	_ =	swait.ge [sflag:s23], $0x1  }
0xa9: {  	[sflag:s23] =	ssyncset.done $0x0  }
0xaa: {  	s25 =	simm.s32 $0x1B8E;
	s24 =	sld [smem:$0x3FFE];
	[sflag:s23] =	ssyncadd.s32 $0xFFFFFFFF  }
0xab: {  	s26 =	simm.s32 $execute0_lowered;
	[smem:$0x3FD2] =	sst s25  }
0xac: {  	s5 =	sshll.u32 s26, $0x1;
	_ =	strace $0x80000058;
	[dreg:$0x1] =	wrdreg $0xFFFFFFFF  }
0xad: {  	s28 =	simm.s32 $_size_execute0_lowered;
	s3 =	sadd.s32 s3, s5;
	[dreg:$0x0] =	wrdreg $0x0  }
0xae: {  	s5 =	sshll.u32 s28, $0x1;
	[dreg:$0x2] =	wrdreg s3  }
0xaf: {  	[dreg:$0x3] =	wrdreg s5  }
0xb0: {  	[dreg:$0x4] =	wrdreg $0xC0  }
0xb1: {  	_ =	task [dreg:s7], $0x5FFFF  }
0xb2: {  	[dreg:$0x1] =	wrdreg $0xFFFFFFFF  }
0xb3: {  	[dreg:$0x0] =	wrdreg $0x60  }
0xb4: {  	[dreg:$0x2] =	wrdreg s24  }
0xb5: {  	[dreg:$0x3] =	wrdreg s16  }
0xb6: {  	[dreg:$0x4] =	wrdreg $0x68000  }
0xb7: {  	[dreg:$0x5] =	wrdreg $0x9  }
0xb8: {  	_ =	task.clear_ibuf [dreg:s7], $0x6FFFF;
	_ =	strace $0x90000058  }
0xb9: {  	s29 =	simm.s32 $0x9;
	_ =	strace $0x8000005A  }
0xba: {  	_ =	swait.ge [sflag:s29], $0x1  }
0xbb: {  	[sflag:s29] =	ssyncadd.s32 $0xFFFFFFFF  }
0xbc: {  	_ =	strace $0x9000005A  }
0xbd: {  	_ =	sfence  }
0xbe: {  	s30 =	sld [smem:$0x0];
	_ =	sdelay $0x2  }
0xbf: {  	s31 =	sshll.u32 s1, $0xD;
	s1 =	sshrl.u32 s1, $0x2  }
0xc0: {  	s3 =	sand.u32 $0x4000, s31;
	s1 =	sadd.s32 s1, s30  }
0xc1: {  	s0 =	sor.u32 s3, s0;
	s1 =	sshll.u32 s1, $0x11  }
0xc2: {  	s0 =	sor.u32 s1, s0  }
0xc3: {  	s0 =	sadd.s32 $0x8F2B, s0  }
0xc4: {  	[sflag:s0] =	ssyncadd.remote.s32 $0x1  }
0xc5: {  	_ =	sfence.sel $0xFFFF  }
0xc6: {  	[dreg:$0x0] =	wrdreg $0xFFFFFFFF;
	(pc) =	sbr.abs _section_cstart, $3  }
0xc7: {  	[dreg:$0x1] =	wrdreg $0xFFFFFFFF  }
0xc8: {  	_ =	task.clear_ibuf [dreg:s7], $0x2FFFF;
	_ =	strace $0x9FFFFFFF  }
0xc9: {  	(tm) =	ssettm $0x7FFFFFFF  }
tec
execute0_lowered:
.L_overlay_start_1:
0x0: {  	(tag) =	ssettag $0x1  }
0x1: {  	s5 =	rddreg [dreg:$0x0]  }
0x2: {  	s0 =	srdreg.scid;
	s8 =	rddreg [dreg:$0x1]  }
0x3: {  	s2 =	rddreg [dreg:$0x2];
	s1 =	stileid.u32  }
0x4: {  	s3 =	simm.s32 $0x0;
	s12 =	simm.s32 $0x80;
	s13 =	simm.s32 $0x2800  }
0x5: {  	s14 =	simm.s32 $0x4800;
	s17 =	simm.s32 $0x1;
	s18 =	simm.s32 $0x2  }
0x6: {  	s19 =	simm.s32 $0x2700;
	s6 =	sand.u32 $0x1, s0;
	s0 =	rddreg [dreg:$0x3]  }
0x7: {  	s20 =	simm.s32 $0x2780;
	s21 =	simm.s32 $0x0;
	[smem:$0x7FF] =	sst s3  }
0x8: {  	s9 =	smul.u32 $0x9E00, s1;
	s15 =	sshll.u32 s1, $0x6;
	s4 =	sshll.u32 s6, $0x4  }
0x9: {  	_ =	strace $0x80000059;
	s10 =	ssub.s32 $0x2, s6;
	s11 =	smul.u32 $0x9E000, s6  }
0xa: {  	s15 =	sor.u32 $0x1C03, s15;
	s4 =	sor.u32 s1, s4;
	s30 =	sshrl.u32 s10, $0x1  }
0xb: {  	s16 =	sadd.s32 s9, s2;
	s7 =	smul.u32 $0x280, s4;
	s4 =	sadd.s32 $0x63600, s5  }
0xc: {  	s10 =	ssub.s32 s10, s30;
	s11 =	sadd.s32 s9, s11;
	s16 =	sshrl.u32 s16, $0x3  }
0xd: {  	s31 =	sshrl.u32 s11, $0x3;
	s9 =	smax.u32 s10, $0x1;
	s10 =	simm.s32 $0x3  }
0xe: {  	s11 =	simm.s32 $0x1400;
	s7 =	sadd.s32 s7, s5;
	s5 =	sadd.s32 $0x62200, s5  }
0xf: {  	s8 =	sadd.s32 s8, s31;
	s6 =	sadd.s32 $0xF000, s7;
	s7 =	sadd.s32 $0x9E00, s7  }
.LBB2_1:
0x10: {  	[tilespmem:s3], [sflag:$0x3] =	stream.linear.gather [hbm4b:s6+s3], $0x1400, $0x38;
	[tilespmem:$0x10600] =	vst v63  }
0x11: {  	_ =	swait.ge [sflag:s10], $0x1400  }
0x12: {  	[sflag:s10] =	ssyncset.done $0x0  }
0x13: {  	[sflag:s10] =	ssyncadd.s32 $0xFFFFEC00  }
0x14: {  	[tilespmem:s11], [sflag:$0x3] =	stream.linear.gather [hbm4b:s7+s3], $0x1400, $0x38;
	[tilespmem:$0x10600] =	vst v63  }
0x15: {  	_ =	swait.ge [sflag:s10], $0x1400  }
0x16: {  	[sflag:s10] =	ssyncset.done $0x0  }
0x17: {  	[sflag:s10] =	ssyncadd.s32 $0xFFFFEC00  }
0x18: {  	[tilespmem:s13], [sflag:$0x1] =	stream.indirect.gather [hbm4b:s4+s12], $0x40, s3, s12, $0xb8;
	[tilespmem:$0x10600] =	vst v63  }
0x19: {  	_ = 	snop  }
0x1a: {  	[tilespmem:s14], [sflag:$0x2] =	stream.indirect.gather [hbm4b:s4+s12], $0x40, s12, s12, $0xb8;
	[tilespmem:$0x10600] =	vst v63  }
0x1b: {  	[spmem:s16], [sflag:s15] =	dma.local [hbm:s5], $0x13C0  }
0x1c: {  	_ =	swait.ge [sflag:s10], $0x13C0  }
0x1d: {  	[sflag:s10] =	ssyncset.done $0x0  }
0x1e: {  	[sflag:s10] =	ssyncadd.s32 $0xFFFFEC40  }
0x1f: {  	[bflag:$0x0] =	sbarrier.arrive $0xFFFF  }
0x20: {  	_ =	swait.ge [sflag:s17], $0x2000  }
0x21: {  	[sflag:s17] =	ssyncset.done $0x0  }
0x22: {  	s22 =	simm.s32 $0x1400;
	[sflag:s17] =	ssyncadd.s32 $0xFFFFE000  }
0x23: {  	[spmem:s2] =	stream.indirect.scatter.add.f32 [tilespmem:s13], [sflag:$0x3], $0x40, s22, s12, $0xb8;
	[tilespmem:$0x10600] =	vst v63  }
0x24: {  	_ =	swait.ge [sflag:s10], $0x2000  }
0x25: {  	[sflag:s10] =	ssyncset.done $0x0  }
0x26: {  	s30 =	simm.s32 $0x100;
	[sflag:s10] =	ssyncadd.s32 $0xFFFFE000  }
0x27: {  	[tilespmem:s13], [sflag:$0x1] =	stream.indirect.gather [hbm4b:s4+s12], $0x40, s30, s12, $0xb8;
	[tilespmem:$0x10600] =	vst v63  }
0x28: {  	_ =	swait.ge [sflag:s18], $0x2000  }
0x29: {  	[sflag:s18] =	ssyncset.done $0x0  }
0x2a: {  	s31 =	simm.s32 $0x1480;
	[sflag:s18] =	ssyncadd.s32 $0xFFFFE000  }
0x2b: {  	[spmem:s2] =	stream.indirect.scatter.add.f32 [tilespmem:s14], [sflag:$0x3], $0x40, s31, s12, $0xb8;
	[tilespmem:$0x10600] =	vst v63  }
0x2c: {  	_ =	swait.ge [sflag:s10], $0x2000  }
0x2d: {  	[sflag:s10] =	ssyncset.done $0x0  }
0x2e: {  	s23 =	simm.s32 $0x180;
	s22 =	simm.s32 $0x400;
	[sflag:s10] =	ssyncadd.s32 $0xFFFFE000  }
.LBB2_2:
0x2f: {  	[tilespmem:s14], [sflag:$0x2] =	stream.indirect.gather [hbm4b:s4+s12], $0x40, s23, s12, $0xb8;
	[tilespmem:$0x10600] =	vst v63  }
0x30: {  	s23 =	smov.u32 s22  }
0x31: {  	p0 =	sne.s32 s22, $0x4800;
	s22 =	sadd.s32 $0x400, s22;
	_ =	swait.ge [sflag:s17], $0x2000  }
0x32: {  	s23 =	sshra.s32 s23, $0x2;
	[sflag:s17] =	ssyncset.done $0x0  }
0x33: {  	s24 =	sadd.s32 $0x1400, s23;
	[sflag:s17] =	ssyncadd.s32 $0xFFFFE000  }
0x34: {  	[spmem:s2] =	stream.indirect.scatter.add.f32 [tilespmem:s13], [sflag:$0x3], $0x40, s24, s12, $0xb8;
	[tilespmem:$0x10600] =	vst v63  }
0x35: {  	_ =	swait.ge [sflag:s10], $0x2000  }
0x36: {  	[sflag:s10] =	ssyncset.done $0x0  }
0x37: {  	s24 =	sadd.s32 $0x100, s23;
	[sflag:s10] =	ssyncadd.s32 $0xFFFFE000  }
0x38: {  	[tilespmem:s13], [sflag:$0x1] =	stream.indirect.gather [hbm4b:s4+s12], $0x40, s24, s12, $0xb8;
	[tilespmem:$0x10600] =	vst v63  }
0x39: {  	_ =	swait.ge [sflag:s18], $0x2000  }
0x3a: {  	[sflag:s18] =	ssyncset.done $0x0  }
.Ltmp0:
0x3b: {  	s24 =	sadd.s32 $0x1480, s23;
	[sflag:s18] =	ssyncadd.s32 $0xFFFFE000;
	(pc) =	sbr.rel @p0 .LBB2_2-.Ltmp0, $4  }
0x3c: {  	[spmem:s2] =	stream.indirect.scatter.add.f32 [tilespmem:s14], [sflag:$0x3], $0x40, s24, s12, $0xb8;
	[tilespmem:$0x10600] =	vst v63  }
0x3d: {  	_ =	swait.ge [sflag:s10], $0x2000  }
0x3e: {  	[sflag:s10] =	ssyncset.done $0x0  }
0x3f: {  	s23 =	sadd.s32 $0x180, s23;
	[sflag:s10] =	ssyncadd.s32 $0xFFFFE000  }
0x40: {  	[tilespmem:s14], [sflag:$0x2] =	stream.indirect.gather [hbm4b:s4+s12], $0x40, s23, s12, $0xb8;
	[tilespmem:$0x10600] =	vst v63  }
0x41: {  	_ =	swait.ge [sflag:s17], $0x2000  }
0x42: {  	[sflag:s17] =	ssyncset.done $0x0  }
0x43: {  	[sflag:s17] =	ssyncadd.s32 $0xFFFFE000  }
0x44: {  	[spmem:s2] =	stream.indirect.scatter.add.f32 [tilespmem:s13], [sflag:$0x3], $0x40, s19, s12, $0xb8;
	[tilespmem:$0x10600] =	vst v63  }
0x45: {  	_ =	swait.ge [sflag:s10], $0x2000  }
0x46: {  	[sflag:s10] =	ssyncset.done $0x0  }
0x47: {  	[sflag:s10] =	ssyncadd.s32 $0xFFFFE000  }
0x48: {  	_ =	swait.ge [sflag:s18], $0x2000  }
0x49: {  	[sflag:s18] =	ssyncset.done $0x0  }
0x4a: {  	[sflag:s18] =	ssyncadd.s32 $0xFFFFE000  }
0x4b: {  	[spmem:s2] =	stream.indirect.scatter.add.f32 [tilespmem:s14], [sflag:$0x3], $0x40, s20, s12, $0xb8;
	[tilespmem:$0x10600] =	vst v63  }
0x4c: {  	_ =	swait.ge [sflag:s10], $0x2000  }
0x4d: {  	s21 =	sadd.s32 $0x1, s21;
	[sflag:s10] =	ssyncset.done $0x0  }
0x4e: {  	p0 =	sne.s32 s21, s9;
	[sflag:s10] =	ssyncadd.s32 $0xFFFFE000  }
.Ltmp1:
0x4f: {  	[bflag:$0x0] =	sbarrier.arrive $0xFFFF;
	(pc) =	sbr.rel @p0 .LBB2_1-.Ltmp1, $4  }
0x50: {  	[hbm:s8], [sflag:s15] =	dma.local [spmem:s16], $0x13C0  }
0x51: {  	_ =	swait.ge [sflag:s10], $0x13C0  }
0x52: {  	[sflag:s10] =	ssyncset.done $0x0  }
0x53: {  	[sflag:s10] =	ssyncadd.s32 $0xFFFFEC40  }
0x54: {  	_ =	sfence.sel $0x180000  }
0x55: {  	[bflag:$0x0] =	sbarrier.arrive $0xFFFF  }
0x56: {  	p0 =	sne.s32 s1, $0x0;
	_ =	strace $0x90000059  }
0x57: {  	s0 =	sadd.s32 @!p0 $0x100000, s0;
	[bflag:$0x2] =	sbarrier.arrive $0xFFFF  }
0x58: {  	[sflag:s0] =	ssyncadd.tile.s32 @!p0 $0x1;
	_ =	shalt  }
.Lfunc_end2:
_tile_overlayer_lowered:
.L_overlay_start_2:
0x59: {  	(tag) =	ssettag $0x2  }
0x5a: {  	s0 =	rddreg [dreg:$0x0];
	s2 =	stileid.u32  }
0x5b: {  	s1 =	rddreg [dreg:$0x1];
	p0 =	sne.s32 s2, $0x0  }
0x5c: {  	s3 =	rddreg [dreg:$0x2];
	[bflag:$0x3] =	sbarrier.arrive $0xFFFF;
	s2 =	simm.s32 @!p0 $0x1C03  }
0x5d: {  	[timem:s3], [sflag:s2] =	dma.local @!p0 [hbm:s0], s1  }
0x5e: {  	s0 =	simm.s32 @!p0 $0x3  }
0x5f: {  	_ =	swait.ge @!p0 [sflag:s0], s1  }
0x60: {  	s1 =	ssub.s32 @!p0 $0x0, s1;
	[sflag:s0] =	ssyncset.done @!p0 $0x0  }
0x61: {  	[sflag:s0] =	ssyncadd.s32 @!p0 s1  }
0x62: {  	[bflag:$0x3] =	sbarrier.arrive $0xFFFF  }
0x63: {  	_ =	shalt  }

// kernel: kernel.45.cloned.1.call-start
scs
__scs_entry_jumppad:
0x0: {  	(pc) =	sbr.rel $0x88, $3  }
0x1: {  	(tag) =	ssettag $0x0;
	lr =	simm.s32 $0x1  }
0x2: {  	[smem:$0x3F82] =	sst lr;
	_ =	strace $0xD0000000  }
0x3: {  	_ = 	snop  }
0x4: {  	_ = 	snop  }
0x5: {  	_ = 	snop  }
0x6: {  	_ = 	snop  }
0x7: {  	_ = 	snop  }
__scs_overlays_trampoline_lowered:
0x8: {  	[smem:$0x3F91] =	sst s0  }
0x9: {  	[smem:$0x3F92] =	sst s1  }
0xa: {  	[smem:$0x3F93] =	sst s2  }
0xb: {  	[smem:$0x3F94] =	sst s3  }
0xc: {  	[smem:$0x3F95] =	sst s4  }
0xd: {  	[smem:$0x3F96] =	sst s5  }
0xe: {  	[smem:$0x3F97] =	sst s6  }
0xf: {  	[smem:$0x3F98] =	sst s7  }
0x10: {  	[smem:$0x3F99] =	sst s8  }
0x11: {  	[smem:$0x3F9A] =	sst s9;
	s0 =	simm.s32 @!p0 $0x0  }
0x12: {  	s1 =	sld [smem:$0x3F80];
	s0 =	simm.s32 @p0 $0x1  }
0x13: {  	[smem:$0x3F9B] =	sst s0;
	s0 =	simm.s32 @!p1 $0x0  }
0x14: {  	s2 =	sld [smem:$0x3F7F];
	s0 =	simm.s32 @p1 $0x1  }
0x15: {  	[smem:$0x3F9C] =	sst s0;
	s0 =	simm.s32 @!p2 $0x0  }
0x16: {  	s3 =	sld [smem:$0x3FDB];
	s0 =	simm.s32 @p2 $0x1  }
0x17: {  	s4 =	simm.s32 $0x1BF5;
	[smem:$0x3F9E] =	sst s0  }
0x18: {  	s0 =	sld [smem:$0x3F81];
	_ =	swait.ge [sflag:s4], $0x0  }
0x19: {  	s7 =	sld [smem:$0x3F82]  }
0x1a: {  	s8 =	sadd.s32 $0xFFFFE003, lr  }
0x1b: {  	s9 =	sadd.s32 $0xFFFFFEF7, lr;
	s5 =	simm.s32 $0xFFFFFFFF;
	p2 =	slt.u32 s8, $0xFFFFF086  }
0x1c: {  	p1 =	slt.u32 s9, $0xF7A;
	s5 =	simm.s32 @!p2 $0x0  }
0x1d: {  	s5 =	simm.s32 @p1 $0x1;
	p0 =	seq.s32 s7, s2  }
0x1e: {  	s7 =	smul.u32 @!p0 $0xF7A, s2;
	p2 =	seq.s32 @!p0 s5, $0x0  }
0x1f: {  	s9 =	smul.u32 $0xF7A, s1;
	s8 =	simm.s32 @!p0 $0x1BF5;
	p2 =	por !p2, p0  }
0x20: {  	[sflag:s8] =	ssyncset.s32 @!p0 $0xFFFFF086;
	s6 =	sadd.s32 @!p0 s3, s7;
	s7 =	simm.s32 @!p0 $0x108  }
0x21: {  	s3 =	sadd.s32 s3, s9;
	s6 =	sadd.s32 @!p0 $0x88, s6;
	s7 =	simm.s32 @p2 $0x1082  }
0x22: {  	[simem:s7], [sflag:s8] =	dma.local @!p0 [hbm:s6], $0xF7A  }
0x23: {  	s9 =	sor.u32 $0xD0000000, s2;
	s6 =	simm.s32 $0x108;
	_ =	swait.ge @!p0 [sflag:s8], $0x0  }
0x24: {  	s3 =	sadd.s32 $0x88, s3;
	s6 =	simm.s32 @!p1 $0x1082;
	[sflag:s4] =	ssyncset.s32 $0xFFFFF086  }
0x25: {  	[simem:s6], [sflag:s4] =	dma.local [hbm:s3], $0xF7A  }
0x26: {  	[smem:$0x3F82] =	sst s1;
	(tag) =	ssettag s2;
	_ =	strace s9  }
0x27: {  	s1 =	sld [smem:$0x3F92]  }
0x28: {  	s2 =	sld [smem:$0x3F93]  }
0x29: {  	s4 =	sld [smem:$0x3F95]  }
0x2a: {  	p0 =	seq.s32 s5, $0x0;
	s5 =	sld [smem:$0x3F96]  }
0x2b: {  	s6 =	sld [smem:$0x3F97]  }
0x2c: {  	s7 =	sld [smem:$0x3F98]  }
0x2d: {  	s3 =	simm.s32 $0x108;
	s8 =	sld [smem:$0x3F99]  }
0x2e: {  	s3 =	simm.s32 @!p0 $0x1082;
	s9 =	sld [smem:$0x3F9A]  }
0x2f: {  	lr =	sadd.s32 s0, s3;
	s0 =	sld [smem:$0x3F91]  }
0x30: {  	s3 =	sld [smem:$0x3F94]  }
0x31: {  	[smem:$0x3F9D] =	sst s10  }
0x32: {  	s10 =	sld [smem:$0x3F9B];
	_ =	sdelay $0x3  }
0x33: {  	p0 =	seq.s32 s10, $0x1;
	s10 =	sld [smem:$0x3F9D];
	_ =	sdelay $0x3  }
0x34: {  	[smem:$0x3F9D] =	sst s10  }
0x35: {  	s10 =	sld [smem:$0x3F9C];
	_ =	sdelay $0x3  }
0x36: {  	p1 =	seq.s32 s10, $0x1;
	s10 =	sld [smem:$0x3F9D];
	_ =	sdelay $0x3  }
0x37: {  	[smem:$0x3F9D] =	sst s10  }
0x38: {  	s10 =	sld [smem:$0x3F9E]  }
0x39: {  	_ = 	snop;
	(pc) =	sbr.ind lr, $3  }
0x3a: {  	_ = 	snop  }
0x3b: {  	_ = 	snop  }
0x3c: {  	p2 =	seq.s32 s10, $0x1;
	s10 =	sld [smem:$0x3F9D]  }
0x3d: {  	_ =	shalt  }
0x3e: {  	_ =	shalt  }
0x3f: {  	_ =	shalt  }
0x40: {  	_ =	shalt  }
0x41: {  	_ =	shalt  }
0x42: {  	_ =	shalt  }
0x43: {  	_ =	shalt  }
0x44: {  	_ =	shalt  }
0x45: {  	_ =	shalt  }
0x46: {  	_ =	shalt  }
0x47: {  	_ =	shalt  }
0x48: {  	_ =	shalt  }
0x49: {  	_ =	shalt  }
0x4a: {  	_ =	shalt  }
0x4b: {  	_ =	shalt  }
0x4c: {  	_ =	shalt  }
0x4d: {  	_ =	shalt  }
0x4e: {  	_ =	shalt  }
0x4f: {  	_ =	shalt  }
0x50: {  	_ =	shalt  }
0x51: {  	_ =	shalt  }
0x52: {  	_ =	shalt  }
0x53: {  	_ =	shalt  }
0x54: {  	_ =	shalt  }
0x55: {  	_ =	shalt  }
0x56: {  	_ =	shalt  }
0x57: {  	_ =	shalt  }
0x58: {  	_ =	shalt  }
0x59: {  	_ =	shalt  }
0x5a: {  	_ =	shalt  }
0x5b: {  	_ =	shalt  }
0x5c: {  	_ =	shalt  }
0x5d: {  	_ =	shalt  }
0x5e: {  	_ =	shalt  }
0x5f: {  	_ =	shalt  }
0x60: {  	_ =	shalt  }
0x61: {  	_ =	shalt  }
0x62: {  	_ =	shalt  }
0x63: {  	_ =	shalt  }
0x64: {  	_ =	shalt  }
0x65: {  	_ =	shalt  }
0x66: {  	_ =	shalt  }
0x67: {  	_ =	shalt  }
0x68: {  	_ =	shalt  }
0x69: {  	_ =	shalt  }
0x6a: {  	_ =	shalt  }
0x6b: {  	_ =	shalt  }
0x6c: {  	_ =	shalt  }
0x6d: {  	_ =	shalt  }
0x6e: {  	_ =	shalt  }
0x6f: {  	_ =	shalt  }
0x70: {  	_ =	shalt  }
0x71: {  	_ =	shalt  }
0x72: {  	_ =	shalt  }
0x73: {  	_ =	shalt  }
0x74: {  	_ =	shalt  }
0x75: {  	_ =	shalt  }
0x76: {  	_ =	shalt  }
0x77: {  	_ =	shalt  }
0x78: {  	_ =	shalt  }
0x79: {  	_ =	shalt  }
0x7a: {  	_ =	shalt  }
0x7b: {  	_ =	shalt  }
0x7c: {  	_ =	shalt  }
0x7d: {  	_ =	shalt  }
0x7e: {  	_ =	shalt  }
0x7f: {  	_ =	shalt  }
0x80: {  	_ =	shalt  }
0x81: {  	_ =	shalt  }
0x82: {  	_ =	shalt  }
0x83: {  	_ =	shalt  }
0x84: {  	_ =	shalt  }
0x85: {  	_ =	shalt  }
0x86: {  	_ =	shalt  }
0x87: {  	_ =	shalt  }
.Lfunc_end0:
.L_simem_size_0:
called_computation.7_lowered:
.L_overlay_start_0:
0x88: {  	s2 =	sld [smem:$0x3FD9]  }
0x89: {  	s3 =	sld [smem:$0x3FFE];
	_ =	sdelay $0x1  }
0x8a: {  	s1 =	srdreg.scid  }
0x8b: {  	s0 =	sand.u32 $0x1, s1  }
0x8c: {  	s14 =	sshll.u32 s0, $0xA;
	s2 =	sadd.s32 s3, s2  }
0x8d: {  	s2 =	sadd.s32 s2, s14  }
0x8e: {  	[smem:$0x3FA9] =	sst s2  }
0x8f: {  	_ = 	snop  }
0x90: {  	s2 =	sld [smem:$0x3FD0];
	_ =	sdelay $0x2  }
0x91: {  	s15 =	simm.s32 $0xA;
	s4 =	simm.s32 $0x10  }
0x92: {  	[smem:s4], [sflag:s15] =	dma.local [hbm:s2], $0x1  }
0x93: {  	_ =	swait.eq [sflag:s15], $0x1  }
0x94: {  	[sflag:s15] =	ssyncset.done $0x0  }
0x95: {  	[sflag:s15] =	ssyncadd.s32 $0xFFFFFFFF  }
0x96: {  	s16 =	sld [smem:$0x12];
	(tm) =	ssettm $0x1  }
0x97: {  	s17 =	sld [smem:$0x3FFB];
	_ =	sdelay $0x3  }
0x98: {  	_ =	strace s17  }
0x99: {  	s3 =	sld [smem:$0x3FFC];
	_ =	sdelay $0x3  }
0x9a: {  	_ =	strace s3  }
0x9b: {  	s3 =	sld [smem:$0x3FFD];
	_ =	sdelay $0x3  }
0x9c: {  	_ =	strace s3  }
0x9d: {  	_ =	strace $0x8FFFFFFF  }
0x9e: {  	s18 =	sld [smem:$0x3FDB];
	_ =	sdelay $0x1  }
0x9f: {  	s19 =	simm.s32 $_scs_section_size  }
0xa0: {  	s5 =	simm.s32 $_size__tile_overlayer_lowered;
	s6 =	simm.s32 $_tile_overlayer_lowered  }
0xa1: {  	s22 =	simm.s32 $0x1BFF;
	s21 =	sshll.u32 s6, $0x1;
	s3 =	sadd.s32 s19, s18  }
0xa2: {  	s7 =	simm.s32 $0x0;
	s20 =	sshll.u32 s5, $0x1;
	s5 =	sadd.s32 s21, s3  }
0xa3: {  	[timem:s7], [sflag:s22] =	dma.local [hbm:s5], s20  }
0xa4: {  	_ =	swait.ge [sflag:s22], s20  }
0xa5: {  	s4 =	ssub.s32 $0x0, s20;
	[sflag:s22] =	ssyncset.done $0x0  }
0xa6: {  	[sflag:s22] =	ssyncadd.s32 s4;
	_ =	sdelay $0x1  }
0xa7: {  	s23 =	simm.s32 $0x1B8B  }
0xa8: {  	_ =	swait.ge [sflag:s23], $0x1  }
0xa9: {  	[sflag:s23] =	ssyncset.done $0x0  }
0xaa: {  	s25 =	simm.s32 $0x1B8E;
	s24 =	sld [smem:$0x3FFE];
	[sflag:s23] =	ssyncadd.s32 $0xFFFFFFFF  }
0xab: {  	s26 =	simm.s32 $execute0_lowered;
	[smem:$0x3FD2] =	sst s25  }
0xac: {  	s5 =	sshll.u32 s26, $0x1;
	_ =	strace $0x8000005B;
	[dreg:$0x1] =	wrdreg $0xFFFFFFFF  }
0xad: {  	s28 =	simm.s32 $_size_execute0_lowered;
	s3 =	sadd.s32 s3, s5;
	[dreg:$0x0] =	wrdreg $0x0  }
0xae: {  	s5 =	sshll.u32 s28, $0x1;
	[dreg:$0x2] =	wrdreg s3  }
0xaf: {  	[dreg:$0x3] =	wrdreg s5  }
0xb0: {  	[dreg:$0x4] =	wrdreg $0xC0  }
0xb1: {  	_ =	task [dreg:s7], $0x5FFFF  }
0xb2: {  	[dreg:$0x1] =	wrdreg $0xFFFFFFFF  }
0xb3: {  	[dreg:$0x0] =	wrdreg $0x60  }
0xb4: {  	[dreg:$0x2] =	wrdreg s24  }
0xb5: {  	[dreg:$0x3] =	wrdreg s16  }
0xb6: {  	[dreg:$0x4] =	wrdreg $0xA8000  }
0xb7: {  	[dreg:$0x5] =	wrdreg $0x9  }
0xb8: {  	_ =	task.clear_ibuf [dreg:s7], $0x6FFFF;
	_ =	strace $0x9000005B  }
0xb9: {  	s29 =	simm.s32 $0x9;
	_ =	strace $0x8000005D  }
0xba: {  	_ =	swait.ge [sflag:s29], $0x1  }
0xbb: {  	[sflag:s29] =	ssyncadd.s32 $0xFFFFFFFF  }
0xbc: {  	_ =	strace $0x9000005D  }
0xbd: {  	_ =	sfence  }
0xbe: {  	s30 =	sld [smem:$0x0];
	_ =	sdelay $0x2  }
0xbf: {  	s31 =	sshll.u32 s1, $0xD;
	s1 =	sshrl.u32 s1, $0x2  }
0xc0: {  	s3 =	sand.u32 $0x4000, s31;
	s1 =	sadd.s32 s1, s30  }
0xc1: {  	s0 =	sor.u32 s3, s0;
	s1 =	sshll.u32 s1, $0x11  }
0xc2: {  	s0 =	sor.u32 s1, s0  }
0xc3: {  	s0 =	sadd.s32 $0x8F2B, s0  }
0xc4: {  	[sflag:s0] =	ssyncadd.remote.s32 $0x1  }
0xc5: {  	_ =	sfence.sel $0xFFFF  }
0xc6: {  	[dreg:$0x0] =	wrdreg $0xFFFFFFFF;
	(pc) =	sbr.abs _section_cstart, $3  }
0xc7: {  	[dreg:$0x1] =	wrdreg $0xFFFFFFFF  }
0xc8: {  	_ =	task.clear_ibuf [dreg:s7], $0x2FFFF;
	_ =	strace $0x9FFFFFFF  }
0xc9: {  	(tm) =	ssettm $0x7FFFFFFF  }
tec
execute0_lowered:
.L_overlay_start_1:
0x0: {  	(tag) =	ssettag $0x1  }
0x1: {  	s5 =	rddreg [dreg:$0x0]  }
0x2: {  	s8 =	rddreg [dreg:$0x1]  }
0x3: {  	s0 =	srdreg.scid;
	s2 =	rddreg [dreg:$0x2]  }
0x4: {  	s3 =	simm.s32 $0x0;
	s14 =	simm.s32 $0x6800;
	s17 =	simm.s32 $0x1  }
0x5: {  	s18 =	simm.s32 $0x2;
	s19 =	simm.s32 $0x2700;
	s20 =	simm.s32 $0x2780  }
0x6: {  	s21 =	simm.s32 $0x0;
	s4 =	sand.u32 $0x1, s0;
	s0 =	stileid.u32  }
0x7: {  	[smem:$0x7FF] =	sst s3;
	s1 =	sshll.u32 s4, $0x4;
	s7 =	smul.u32 $0x4F000, s0  }
0x8: {  	s9 =	ssub.s32 $0x2, s4;
	s10 =	smul.u32 $0x13C000, s4;
	s4 =	sadd.s32 $0x62200, s5  }
0x9: {  	s12 =	smul.u32 $0x13C00, s0;
	s15 =	sshll.u32 s0, $0x6;
	s6 =	sor.u32 s0, s1  }
0xa: {  	s1 =	rddreg [dreg:$0x3];
	_ =	strace $0x8000005C;
	s11 =	sshrl.u32 s9, $0x1  }
0xb: {  	s15 =	sor.u32 $0x1C03, s15;
	s6 =	smul.u32 $0x280, s6;
	s9 =	ssub.s32 s9, s11  }
0xc: {  	s31 =	sshrl.u32 s7, $0x2;
	s10 =	sadd.s32 s12, s10;
	s11 =	simm.s32 $0x1400  }
0xd: {  	s12 =	simm.s32 $0x80;
	s16 =	sadd.s32 s31, s2;
	s10 =	sshrl.u32 s10, $0x3  }
0xe: {  	s9 =	smax.u32 s9, $0x1;
	s13 =	sadd.s32 s6, s5;
	s5 =	sadd.s32 $0xB0600, s5  }
0xf: {  	s8 =	sadd.s32 s8, s10;
	s10 =	simm.s32 $0x3;
	s16 =	sshrl.u32 s16, $0x3  }
0x10: {  	s6 =	sadd.s32 $0xF000, s13;
	s7 =	sadd.s32 $0x9E00, s13;
	s13 =	simm.s32 $0x2800  }
.LBB2_1:
0x11: {  	[tilespmem:s3], [sflag:$0x3] =	stream.linear.gather [hbm4b:s6+s3], $0x1400, $0x38;
	[tilespmem:$0x1E400] =	vst v63  }
0x12: {  	_ =	swait.ge [sflag:s10], $0x1400  }
0x13: {  	[sflag:s10] =	ssyncset.done $0x0  }
0x14: {  	[sflag:s10] =	ssyncadd.s32 $0xFFFFEC00  }
0x15: {  	[tilespmem:s11], [sflag:$0x3] =	stream.linear.gather [hbm4b:s7+s3], $0x1400, $0x38;
	[tilespmem:$0x1E400] =	vst v63  }
0x16: {  	_ =	swait.ge [sflag:s10], $0x1400  }
0x17: {  	[sflag:s10] =	ssyncset.done $0x0  }
0x18: {  	[sflag:s10] =	ssyncadd.s32 $0xFFFFEC00  }
0x19: {  	[tilespmem:s13], [sflag:$0x1] =	stream.indirect.gather [hbm4b:s4+s12], $0x80, s3, s12, $0xb8;
	[tilespmem:$0x1E400] =	vst v63  }
0x1a: {  	_ = 	snop  }
0x1b: {  	[tilespmem:s14], [sflag:$0x2] =	stream.indirect.gather [hbm4b:s4+s12], $0x80, s12, s12, $0xb8;
	[tilespmem:$0x1E400] =	vst v63  }
0x1c: {  	[spmem:s16], [sflag:s15] =	dma.local [hbm:s5], $0x2780  }
0x1d: {  	_ =	swait.ge [sflag:s10], $0x2780  }
0x1e: {  	[sflag:s10] =	ssyncset.done $0x0  }
0x1f: {  	[sflag:s10] =	ssyncadd.s32 $0xFFFFD880  }
0x20: {  	[bflag:$0x0] =	sbarrier.arrive $0xFFFF  }
0x21: {  	_ =	swait.ge [sflag:s17], $0x4000  }
0x22: {  	[sflag:s17] =	ssyncset.done $0x0  }
0x23: {  	s22 =	simm.s32 $0x1400;
	[sflag:s17] =	ssyncadd.s32 $0xFFFFC000  }
0x24: {  	[spmem:s2] =	stream.indirect.scatter.add.f32 [tilespmem:s13], [sflag:$0x3], $0x80, s22, s12, $0xb8;
	[tilespmem:$0x1E400] =	vst v63  }
0x25: {  	_ =	swait.ge [sflag:s10], $0x4000  }
0x26: {  	[sflag:s10] =	ssyncset.done $0x0  }
0x27: {  	s30 =	simm.s32 $0x100;
	[sflag:s10] =	ssyncadd.s32 $0xFFFFC000  }
0x28: {  	[tilespmem:s13], [sflag:$0x1] =	stream.indirect.gather [hbm4b:s4+s12], $0x80, s30, s12, $0xb8;
	[tilespmem:$0x1E400] =	vst v63  }
0x29: {  	_ =	swait.ge [sflag:s18], $0x4000  }
0x2a: {  	[sflag:s18] =	ssyncset.done $0x0  }
0x2b: {  	s31 =	simm.s32 $0x1480;
	[sflag:s18] =	ssyncadd.s32 $0xFFFFC000  }
0x2c: {  	[spmem:s2] =	stream.indirect.scatter.add.f32 [tilespmem:s14], [sflag:$0x3], $0x80, s31, s12, $0xb8;
	[tilespmem:$0x1E400] =	vst v63  }
0x2d: {  	_ =	swait.ge [sflag:s10], $0x4000  }
0x2e: {  	[sflag:s10] =	ssyncset.done $0x0  }
0x2f: {  	s23 =	simm.s32 $0x180;
	s22 =	simm.s32 $0x400;
	[sflag:s10] =	ssyncadd.s32 $0xFFFFC000  }
.LBB2_2:
0x30: {  	[tilespmem:s14], [sflag:$0x2] =	stream.indirect.gather [hbm4b:s4+s12], $0x80, s23, s12, $0xb8;
	[tilespmem:$0x1E400] =	vst v63  }
0x31: {  	s23 =	smov.u32 s22  }
0x32: {  	p0 =	sne.s32 s22, $0x4800;
	s22 =	sadd.s32 $0x400, s22;
	_ =	swait.ge [sflag:s17], $0x4000  }
0x33: {  	s23 =	sshra.s32 s23, $0x2;
	[sflag:s17] =	ssyncset.done $0x0  }
0x34: {  	s24 =	sadd.s32 $0x1400, s23;
	[sflag:s17] =	ssyncadd.s32 $0xFFFFC000  }
0x35: {  	[spmem:s2] =	stream.indirect.scatter.add.f32 [tilespmem:s13], [sflag:$0x3], $0x80, s24, s12, $0xb8;
	[tilespmem:$0x1E400] =	vst v63  }
0x36: {  	_ =	swait.ge [sflag:s10], $0x4000  }
0x37: {  	[sflag:s10] =	ssyncset.done $0x0  }
0x38: {  	s24 =	sadd.s32 $0x100, s23;
	[sflag:s10] =	ssyncadd.s32 $0xFFFFC000  }
0x39: {  	[tilespmem:s13], [sflag:$0x1] =	stream.indirect.gather [hbm4b:s4+s12], $0x80, s24, s12, $0xb8;
	[tilespmem:$0x1E400] =	vst v63  }
0x3a: {  	_ =	swait.ge [sflag:s18], $0x4000  }
0x3b: {  	[sflag:s18] =	ssyncset.done $0x0  }
.Ltmp0:
0x3c: {  	s24 =	sadd.s32 $0x1480, s23;
	[sflag:s18] =	ssyncadd.s32 $0xFFFFC000;
	(pc) =	sbr.rel @p0 .LBB2_2-.Ltmp0, $4  }
0x3d: {  	[spmem:s2] =	stream.indirect.scatter.add.f32 [tilespmem:s14], [sflag:$0x3], $0x80, s24, s12, $0xb8;
	[tilespmem:$0x1E400] =	vst v63  }
0x3e: {  	_ =	swait.ge [sflag:s10], $0x4000  }
0x3f: {  	[sflag:s10] =	ssyncset.done $0x0  }
0x40: {  	s23 =	sadd.s32 $0x180, s23;
	[sflag:s10] =	ssyncadd.s32 $0xFFFFC000  }
0x41: {  	[tilespmem:s14], [sflag:$0x2] =	stream.indirect.gather [hbm4b:s4+s12], $0x80, s23, s12, $0xb8;
	[tilespmem:$0x1E400] =	vst v63  }
0x42: {  	_ =	swait.ge [sflag:s17], $0x4000  }
0x43: {  	[sflag:s17] =	ssyncset.done $0x0  }
0x44: {  	[sflag:s17] =	ssyncadd.s32 $0xFFFFC000  }
0x45: {  	[spmem:s2] =	stream.indirect.scatter.add.f32 [tilespmem:s13], [sflag:$0x3], $0x80, s19, s12, $0xb8;
	[tilespmem:$0x1E400] =	vst v63  }
0x46: {  	_ =	swait.ge [sflag:s10], $0x4000  }
0x47: {  	[sflag:s10] =	ssyncset.done $0x0  }
0x48: {  	[sflag:s10] =	ssyncadd.s32 $0xFFFFC000  }
0x49: {  	_ =	swait.ge [sflag:s18], $0x4000  }
0x4a: {  	[sflag:s18] =	ssyncset.done $0x0  }
0x4b: {  	[sflag:s18] =	ssyncadd.s32 $0xFFFFC000  }
0x4c: {  	[spmem:s2] =	stream.indirect.scatter.add.f32 [tilespmem:s14], [sflag:$0x3], $0x80, s20, s12, $0xb8;
	[tilespmem:$0x1E400] =	vst v63  }
0x4d: {  	_ =	swait.ge [sflag:s10], $0x4000  }
0x4e: {  	s21 =	sadd.s32 $0x1, s21;
	[sflag:s10] =	ssyncset.done $0x0  }
0x4f: {  	p0 =	sne.s32 s21, s9;
	[sflag:s10] =	ssyncadd.s32 $0xFFFFC000  }
.Ltmp1:
0x50: {  	[bflag:$0x0] =	sbarrier.arrive $0xFFFF;
	(pc) =	sbr.rel @p0 .LBB2_1-.Ltmp1, $4  }
0x51: {  	[hbm:s8], [sflag:s15] =	dma.local [spmem:s16], $0x2780  }
0x52: {  	_ =	swait.ge [sflag:s10], $0x2780  }
0x53: {  	[sflag:s10] =	ssyncset.done $0x0  }
0x54: {  	[sflag:s10] =	ssyncadd.s32 $0xFFFFD880  }
0x55: {  	_ =	sfence.sel $0x180000  }
0x56: {  	[bflag:$0x0] =	sbarrier.arrive $0xFFFF  }
0x57: {  	p0 =	sne.s32 s0, $0x0;
	_ =	strace $0x9000005C  }
0x58: {  	s0 =	sadd.s32 @!p0 $0x100000, s1;
	[bflag:$0x2] =	sbarrier.arrive $0xFFFF  }
0x59: {  	[sflag:s0] =	ssyncadd.tile.s32 @!p0 $0x1;
	_ =	shalt  }
.Lfunc_end2:
_tile_overlayer_lowered:
.L_overlay_start_2:
0x5a: {  	(tag) =	ssettag $0x2  }
0x5b: {  	s0 =	rddreg [dreg:$0x0];
	s2 =	stileid.u32  }
0x5c: {  	s1 =	rddreg [dreg:$0x1];
	p0 =	sne.s32 s2, $0x0  }
0x5d: {  	s3 =	rddreg [dreg:$0x2];
	[bflag:$0x3] =	sbarrier.arrive $0xFFFF;
	s2 =	simm.s32 @!p0 $0x1C03  }
0x5e: {  	[timem:s3], [sflag:s2] =	dma.local @!p0 [hbm:s0], s1  }
0x5f: {  	s0 =	simm.s32 @!p0 $0x3  }
0x60: {  	_ =	swait.ge @!p0 [sflag:s0], s1  }
0x61: {  	s1 =	ssub.s32 @!p0 $0x0, s1;
	[sflag:s0] =	ssyncset.done @!p0 $0x0  }
0x62: {  	[sflag:s0] =	ssyncadd.s32 @!p0 s1  }
0x63: {  	[bflag:$0x3] =	sbarrier.arrive $0xFFFF  }
0x64: {  	_ =	shalt  }

// kernel: kernel.48.cloned.1.call-start
scs
__scs_entry_jumppad:
0x0: {  	(pc) =	sbr.rel $0x88, $3  }
0x1: {  	(tag) =	ssettag $0x0;
	lr =	simm.s32 $0x1  }
0x2: {  	[smem:$0x3F82] =	sst lr;
	_ =	strace $0xD0000000  }
0x3: {  	_ = 	snop  }
0x4: {  	_ = 	snop  }
0x5: {  	_ = 	snop  }
0x6: {  	_ = 	snop  }
0x7: {  	_ = 	snop  }
__scs_overlays_trampoline_lowered:
0x8: {  	[smem:$0x3F91] =	sst s0  }
0x9: {  	[smem:$0x3F92] =	sst s1  }
0xa: {  	[smem:$0x3F93] =	sst s2  }
0xb: {  	[smem:$0x3F94] =	sst s3  }
0xc: {  	[smem:$0x3F95] =	sst s4  }
0xd: {  	[smem:$0x3F96] =	sst s5  }
0xe: {  	[smem:$0x3F97] =	sst s6  }
0xf: {  	[smem:$0x3F98] =	sst s7  }
0x10: {  	[smem:$0x3F99] =	sst s8  }
0x11: {  	[smem:$0x3F9A] =	sst s9;
	s0 =	simm.s32 @!p0 $0x0  }
0x12: {  	s1 =	sld [smem:$0x3F80];
	s0 =	simm.s32 @p0 $0x1  }
0x13: {  	[smem:$0x3F9B] =	sst s0;
	s0 =	simm.s32 @!p1 $0x0  }
0x14: {  	s2 =	sld [smem:$0x3F7F];
	s0 =	simm.s32 @p1 $0x1  }
0x15: {  	[smem:$0x3F9C] =	sst s0;
	s0 =	simm.s32 @!p2 $0x0  }
0x16: {  	s3 =	sld [smem:$0x3FDB];
	s0 =	simm.s32 @p2 $0x1  }
0x17: {  	s4 =	simm.s32 $0x1BF5;
	[smem:$0x3F9E] =	sst s0  }
0x18: {  	s0 =	sld [smem:$0x3F81];
	_ =	swait.ge [sflag:s4], $0x0  }
0x19: {  	s7 =	sld [smem:$0x3F82]  }
0x1a: {  	s8 =	sadd.s32 $0xFFFFE003, lr  }
0x1b: {  	s9 =	sadd.s32 $0xFFFFFEF7, lr;
	s5 =	simm.s32 $0xFFFFFFFF;
	p2 =	slt.u32 s8, $0xFFFFF086  }
0x1c: {  	p1 =	slt.u32 s9, $0xF7A;
	s5 =	simm.s32 @!p2 $0x0  }
0x1d: {  	s5 =	simm.s32 @p1 $0x1;
	p0 =	seq.s32 s7, s2  }
0x1e: {  	s7 =	smul.u32 @!p0 $0xF7A, s2;
	p2 =	seq.s32 @!p0 s5, $0x0  }
0x1f: {  	s9 =	smul.u32 $0xF7A, s1;
	s8 =	simm.s32 @!p0 $0x1BF5;
	p2 =	por !p2, p0  }
0x20: {  	[sflag:s8] =	ssyncset.s32 @!p0 $0xFFFFF086;
	s6 =	sadd.s32 @!p0 s3, s7;
	s7 =	simm.s32 @!p0 $0x108  }
0x21: {  	s3 =	sadd.s32 s3, s9;
	s6 =	sadd.s32 @!p0 $0x88, s6;
	s7 =	simm.s32 @p2 $0x1082  }
0x22: {  	[simem:s7], [sflag:s8] =	dma.local @!p0 [hbm:s6], $0xF7A  }
0x23: {  	s9 =	sor.u32 $0xD0000000, s2;
	s6 =	simm.s32 $0x108;
	_ =	swait.ge @!p0 [sflag:s8], $0x0  }
0x24: {  	s3 =	sadd.s32 $0x88, s3;
	s6 =	simm.s32 @!p1 $0x1082;
	[sflag:s4] =	ssyncset.s32 $0xFFFFF086  }
0x25: {  	[simem:s6], [sflag:s4] =	dma.local [hbm:s3], $0xF7A  }
0x26: {  	[smem:$0x3F82] =	sst s1;
	(tag) =	ssettag s2;
	_ =	strace s9  }
0x27: {  	s1 =	sld [smem:$0x3F92]  }
0x28: {  	s2 =	sld [smem:$0x3F93]  }
0x29: {  	s4 =	sld [smem:$0x3F95]  }
0x2a: {  	p0 =	seq.s32 s5, $0x0;
	s5 =	sld [smem:$0x3F96]  }
0x2b: {  	s6 =	sld [smem:$0x3F97]  }
0x2c: {  	s7 =	sld [smem:$0x3F98]  }
0x2d: {  	s3 =	simm.s32 $0x108;
	s8 =	sld [smem:$0x3F99]  }
0x2e: {  	s3 =	simm.s32 @!p0 $0x1082;
	s9 =	sld [smem:$0x3F9A]  }
0x2f: {  	lr =	sadd.s32 s0, s3;
	s0 =	sld [smem:$0x3F91]  }
0x30: {  	s3 =	sld [smem:$0x3F94]  }
0x31: {  	[smem:$0x3F9D] =	sst s10  }
0x32: {  	s10 =	sld [smem:$0x3F9B];
	_ =	sdelay $0x3  }
0x33: {  	p0 =	seq.s32 s10, $0x1;
	s10 =	sld [smem:$0x3F9D];
	_ =	sdelay $0x3  }
0x34: {  	[smem:$0x3F9D] =	sst s10  }
0x35: {  	s10 =	sld [smem:$0x3F9C];
	_ =	sdelay $0x3  }
0x36: {  	p1 =	seq.s32 s10, $0x1;
	s10 =	sld [smem:$0x3F9D];
	_ =	sdelay $0x3  }
0x37: {  	[smem:$0x3F9D] =	sst s10  }
0x38: {  	s10 =	sld [smem:$0x3F9E]  }
0x39: {  	_ = 	snop;
	(pc) =	sbr.ind lr, $3  }
0x3a: {  	_ = 	snop  }
0x3b: {  	_ = 	snop  }
0x3c: {  	p2 =	seq.s32 s10, $0x1;
	s10 =	sld [smem:$0x3F9D]  }
0x3d: {  	_ =	shalt  }
0x3e: {  	_ =	shalt  }
0x3f: {  	_ =	shalt  }
0x40: {  	_ =	shalt  }
0x41: {  	_ =	shalt  }
0x42: {  	_ =	shalt  }
0x43: {  	_ =	shalt  }
0x44: {  	_ =	shalt  }
0x45: {  	_ =	shalt  }
0x46: {  	_ =	shalt  }
0x47: {  	_ =	shalt  }
0x48: {  	_ =	shalt  }
0x49: {  	_ =	shalt  }
0x4a: {  	_ =	shalt  }
0x4b: {  	_ =	shalt  }
0x4c: {  	_ =	shalt  }
0x4d: {  	_ =	shalt  }
0x4e: {  	_ =	shalt  }
0x4f: {  	_ =	shalt  }
0x50: {  	_ =	shalt  }
0x51: {  	_ =	shalt  }
0x52: {  	_ =	shalt  }
0x53: {  	_ =	shalt  }
0x54: {  	_ =	shalt  }
0x55: {  	_ =	shalt  }
0x56: {  	_ =	shalt  }
0x57: {  	_ =	shalt  }
0x58: {  	_ =	shalt  }
0x59: {  	_ =	shalt  }
0x5a: {  	_ =	shalt  }
0x5b: {  	_ =	shalt  }
0x5c: {  	_ =	shalt  }
0x5d: {  	_ =	shalt  }
0x5e: {  	_ =	shalt  }
0x5f: {  	_ =	shalt  }
0x60: {  	_ =	shalt  }
0x61: {  	_ =	shalt  }
0x62: {  	_ =	shalt  }
0x63: {  	_ =	shalt  }
0x64: {  	_ =	shalt  }
0x65: {  	_ =	shalt  }
0x66: {  	_ =	shalt  }
0x67: {  	_ =	shalt  }
0x68: {  	_ =	shalt  }
0x69: {  	_ =	shalt  }
0x6a: {  	_ =	shalt  }
0x6b: {  	_ =	shalt  }
0x6c: {  	_ =	shalt  }
0x6d: {  	_ =	shalt  }
0x6e: {  	_ =	shalt  }
0x6f: {  	_ =	shalt  }
0x70: {  	_ =	shalt  }
0x71: {  	_ =	shalt  }
0x72: {  	_ =	shalt  }
0x73: {  	_ =	shalt  }
0x74: {  	_ =	shalt  }
0x75: {  	_ =	shalt  }
0x76: {  	_ =	shalt  }
0x77: {  	_ =	shalt  }
0x78: {  	_ =	shalt  }
0x79: {  	_ =	shalt  }
0x7a: {  	_ =	shalt  }
0x7b: {  	_ =	shalt  }
0x7c: {  	_ =	shalt  }
0x7d: {  	_ =	shalt  }
0x7e: {  	_ =	shalt  }
0x7f: {  	_ =	shalt  }
0x80: {  	_ =	shalt  }
0x81: {  	_ =	shalt  }
0x82: {  	_ =	shalt  }
0x83: {  	_ =	shalt  }
0x84: {  	_ =	shalt  }
0x85: {  	_ =	shalt  }
0x86: {  	_ =	shalt  }
0x87: {  	_ =	shalt  }
.Lfunc_end0:
.L_simem_size_0:
called_computation.8_lowered:
.L_overlay_start_0:
0x88: {  	s2 =	sld [smem:$0x3FD9]  }
0x89: {  	s3 =	sld [smem:$0x3FFE];
	_ =	sdelay $0x1  }
0x8a: {  	s1 =	srdreg.scid  }
0x8b: {  	s0 =	sand.u32 $0x1, s1  }
0x8c: {  	s16 =	sshll.u32 s0, $0xA;
	s2 =	sadd.s32 s3, s2  }
0x8d: {  	s2 =	sadd.s32 s2, s16  }
0x8e: {  	[smem:$0x3FA9] =	sst s2  }
0x8f: {  	_ = 	snop  }
0x90: {  	(tm) =	ssettm $0x1  }
0x91: {  	s17 =	sld [smem:$0x3FFB];
	_ =	sdelay $0x3  }
0x92: {  	_ =	strace s17  }
0x93: {  	s2 =	sld [smem:$0x3FFC];
	_ =	sdelay $0x3  }
0x94: {  	_ =	strace s2  }
0x95: {  	s2 =	sld [smem:$0x3FFD];
	_ =	sdelay $0x3  }
0x96: {  	_ =	strace s2  }
0x97: {  	_ =	strace $0x8FFFFFFF  }
0x98: {  	s18 =	sld [smem:$0x3FDB];
	_ =	sdelay $0x1  }
0x99: {  	s19 =	simm.s32 $_scs_section_size  }
0x9a: {  	s4 =	simm.s32 $_size__tile_overlayer_lowered;
	s5 =	simm.s32 $_tile_overlayer_lowered  }
0x9b: {  	s22 =	simm.s32 $0x1BFF;
	s21 =	sshll.u32 s5, $0x1;
	s2 =	sadd.s32 s19, s18  }
0x9c: {  	s6 =	simm.s32 $0x0;
	s20 =	sshll.u32 s4, $0x1;
	s4 =	sadd.s32 s21, s2  }
0x9d: {  	[timem:s6], [sflag:s22] =	dma.local [hbm:s4], s20  }
0x9e: {  	_ =	swait.ge [sflag:s22], s20  }
0x9f: {  	s3 =	ssub.s32 $0x0, s20;
	[sflag:s22] =	ssyncset.done $0x0  }
0xa0: {  	[sflag:s22] =	ssyncadd.s32 s3;
	_ =	sdelay $0x1  }
0xa1: {  	s23 =	simm.s32 $0x1B8B  }
0xa2: {  	_ =	swait.ge [sflag:s23], $0x1  }
0xa3: {  	[sflag:s23] =	ssyncset.done $0x0  }
0xa4: {  	s25 =	simm.s32 $0x1B8E;
	s24 =	sld [smem:$0x3FFE];
	[sflag:s23] =	ssyncadd.s32 $0xFFFFFFFF  }
0xa5: {  	s26 =	simm.s32 $execute0_lowered;
	[smem:$0x3FD2] =	sst s25  }
0xa6: {  	s4 =	sshll.u32 s26, $0x1;
	_ =	strace $0x8000005E;
	[dreg:$0x1] =	wrdreg $0xFFFFFFFF  }
0xa7: {  	s28 =	simm.s32 $_size_execute0_lowered;
	s2 =	sadd.s32 s2, s4;
	[dreg:$0x0] =	wrdreg $0x0  }
0xa8: {  	s4 =	sshll.u32 s28, $0x1;
	[dreg:$0x2] =	wrdreg s2  }
0xa9: {  	[dreg:$0x3] =	wrdreg s4  }
0xaa: {  	[dreg:$0x4] =	wrdreg $0xC0  }
0xab: {  	_ =	task [dreg:s6], $0x5FFFF  }
0xac: {  	[dreg:$0x1] =	wrdreg $0xFFFFFFFF  }
0xad: {  	[dreg:$0x0] =	wrdreg $0x60  }
0xae: {  	[dreg:$0x2] =	wrdreg s24  }
0xaf: {  	[dreg:$0x3] =	wrdreg $0xA8000  }
0xb0: {  	[dreg:$0x4] =	wrdreg $0x9  }
0xb1: {  	_ =	task.clear_ibuf [dreg:s6], $0x5FFFF;
	_ =	strace $0x9000005E  }
0xb2: {  	s29 =	simm.s32 $0x9;
	_ =	strace $0x80000060  }
0xb3: {  	_ =	swait.ge [sflag:s29], $0x1  }
0xb4: {  	[sflag:s29] =	ssyncadd.s32 $0xFFFFFFFF  }
0xb5: {  	_ =	strace $0x90000060  }
0xb6: {  	_ =	sfence  }
0xb7: {  	s30 =	sld [smem:$0x0];
	_ =	sdelay $0x2  }
0xb8: {  	s31 =	sshll.u32 s1, $0xD;
	s1 =	sshrl.u32 s1, $0x2  }
0xb9: {  	s3 =	sand.u32 $0x4000, s31;
	s1 =	sadd.s32 s1, s30  }
0xba: {  	s0 =	sor.u32 s3, s0;
	s1 =	sshll.u32 s1, $0x11  }
0xbb: {  	s0 =	sor.u32 s1, s0  }
0xbc: {  	s0 =	sadd.s32 $0x8F2B, s0  }
0xbd: {  	[sflag:s0] =	ssyncadd.remote.s32 $0x1  }
0xbe: {  	_ =	sfence.sel $0xFFFF  }
0xbf: {  	[dreg:$0x0] =	wrdreg $0xFFFFFFFF;
	(pc) =	sbr.abs _section_cstart, $3  }
0xc0: {  	[dreg:$0x1] =	wrdreg $0xFFFFFFFF  }
0xc1: {  	_ =	task.clear_ibuf [dreg:s6], $0x2FFFF;
	_ =	strace $0x9FFFFFFF  }
0xc2: {  	(tm) =	ssettm $0x7FFFFFFF  }
0xc3: {  	_ =	shalt  }
tec
execute0_lowered:
.L_overlay_start_1:
0x0: {  	(tag) =	ssettag $0x1  }
0x1: {  	s6 =	rddreg [dreg:$0x0]  }
0x2: {  	s0 =	srdreg.scid;
	s2 =	rddreg [dreg:$0x1];
	s3 =	simm.s32 $0x0  }
0x3: {  	s12 =	simm.s32 $0x80;
	s13 =	simm.s32 $0x2800;
	s14 =	simm.s32 $0x6800  }
0x4: {  	s17 =	simm.s32 $0x1;
	s18 =	simm.s32 $0x2;
	s19 =	simm.s32 $0x2700  }
0x5: {  	s20 =	simm.s32 $0x2780;
	s5 =	sand.u32 $0x1, s0;
	s0 =	stileid.u32  }
0x6: {  	s21 =	simm.s32 $0x0;
	[smem:$0x7FF] =	sst s3;
	s8 =	smul.u32 $0x13C000, s5  }
0x7: {  	s4 =	sadd.s32 $0x62200, s6;
	s1 =	sshll.u32 s5, $0x4;
	s9 =	smul.u32 $0x13C00, s0  }
0x8: {  	s31 =	ssub.s32 $0x2, s5;
	s10 =	smul.u32 $0x4F000, s0;
	s5 =	sadd.s32 $0xB0600, s6  }
0x9: {  	s15 =	sshll.u32 s0, $0x6;
	s1 =	sor.u32 s0, s1;
	s11 =	sshrl.u32 s31, $0x1  }
0xa: {  	s15 =	sor.u32 $0x1C03, s15;
	s7 =	smul.u32 $0x280, s1;
	s1 =	rddreg [dreg:$0x2]  }
0xb: {  	_ =	strace $0x8000005F;
	s8 =	sadd.s32 s9, s8;
	s9 =	ssub.s32 s31, s11  }
0xc: {  	s10 =	sshrl.u32 s10, $0x2;
	s11 =	simm.s32 $0x1400;
	s8 =	sshrl.u32 s8, $0x3  }
0xd: {  	s16 =	sadd.s32 s10, s2;
	s9 =	smax.u32 s9, $0x1;
	s10 =	simm.s32 $0x3  }
0xe: {  	s7 =	sadd.s32 s7, s6;
	s8 =	sadd.s32 s8, s6;
	s16 =	sshrl.u32 s16, $0x3  }
0xf: {  	s6 =	sadd.s32 $0xF000, s7;
	s7 =	sadd.s32 $0x9E00, s7;
	s8 =	sadd.s32 $0xB2E00, s8  }
.LBB2_1:
0x10: {  	[tilespmem:s3], [sflag:$0x3] =	stream.linear.gather [hbm4b:s6+s3], $0x1400, $0x38;
	[tilespmem:$0x1E400] =	vst v63  }
0x11: {  	_ =	swait.ge [sflag:s10], $0x1400  }
0x12: {  	[sflag:s10] =	ssyncset.done $0x0  }
0x13: {  	[sflag:s10] =	ssyncadd.s32 $0xFFFFEC00  }
0x14: {  	[tilespmem:s11], [sflag:$0x3] =	stream.linear.gather [hbm4b:s7+s3], $0x1400, $0x38;
	[tilespmem:$0x1E400] =	vst v63  }
0x15: {  	_ =	swait.ge [sflag:s10], $0x1400  }
0x16: {  	[sflag:s10] =	ssyncset.done $0x0  }
0x17: {  	[sflag:s10] =	ssyncadd.s32 $0xFFFFEC00  }
0x18: {  	[tilespmem:s13], [sflag:$0x1] =	stream.indirect.gather [hbm4b:s4+s12], $0x80, s3, s12, $0xb8;
	[tilespmem:$0x1E400] =	vst v63  }
0x19: {  	_ = 	snop  }
0x1a: {  	[tilespmem:s14], [sflag:$0x2] =	stream.indirect.gather [hbm4b:s4+s12], $0x80, s12, s12, $0xb8;
	[tilespmem:$0x1E400] =	vst v63  }
0x1b: {  	[spmem:s16], [sflag:s15] =	dma.local [hbm:s5], $0x2780  }
0x1c: {  	_ =	swait.ge [sflag:s10], $0x2780  }
0x1d: {  	[sflag:s10] =	ssyncset.done $0x0  }
0x1e: {  	[sflag:s10] =	ssyncadd.s32 $0xFFFFD880  }
0x1f: {  	[bflag:$0x0] =	sbarrier.arrive $0xFFFF  }
0x20: {  	_ =	swait.ge [sflag:s17], $0x4000  }
0x21: {  	[sflag:s17] =	ssyncset.done $0x0  }
0x22: {  	s22 =	simm.s32 $0x1400;
	[sflag:s17] =	ssyncadd.s32 $0xFFFFC000  }
0x23: {  	[spmem:s2] =	stream.indirect.scatter.add.f32 [tilespmem:s13], [sflag:$0x3], $0x80, s22, s12, $0xb8;
	[tilespmem:$0x1E400] =	vst v63  }
0x24: {  	_ =	swait.ge [sflag:s10], $0x4000  }
0x25: {  	[sflag:s10] =	ssyncset.done $0x0  }
0x26: {  	s30 =	simm.s32 $0x100;
	[sflag:s10] =	ssyncadd.s32 $0xFFFFC000  }
0x27: {  	[tilespmem:s13], [sflag:$0x1] =	stream.indirect.gather [hbm4b:s4+s12], $0x80, s30, s12, $0xb8;
	[tilespmem:$0x1E400] =	vst v63  }
0x28: {  	_ =	swait.ge [sflag:s18], $0x4000  }
0x29: {  	[sflag:s18] =	ssyncset.done $0x0  }
0x2a: {  	s31 =	simm.s32 $0x1480;
	[sflag:s18] =	ssyncadd.s32 $0xFFFFC000  }
0x2b: {  	[spmem:s2] =	stream.indirect.scatter.add.f32 [tilespmem:s14], [sflag:$0x3], $0x80, s31, s12, $0xb8;
	[tilespmem:$0x1E400] =	vst v63  }
0x2c: {  	_ =	swait.ge [sflag:s10], $0x4000  }
0x2d: {  	[sflag:s10] =	ssyncset.done $0x0  }
0x2e: {  	s23 =	simm.s32 $0x180;
	s22 =	simm.s32 $0x400;
	[sflag:s10] =	ssyncadd.s32 $0xFFFFC000  }
.LBB2_2:
0x2f: {  	[tilespmem:s14], [sflag:$0x2] =	stream.indirect.gather [hbm4b:s4+s12], $0x80, s23, s12, $0xb8;
	[tilespmem:$0x1E400] =	vst v63  }
0x30: {  	s23 =	smov.u32 s22  }
0x31: {  	p0 =	sne.s32 s22, $0x4800;
	s22 =	sadd.s32 $0x400, s22;
	_ =	swait.ge [sflag:s17], $0x4000  }
0x32: {  	s23 =	sshra.s32 s23, $0x2;
	[sflag:s17] =	ssyncset.done $0x0  }
0x33: {  	s24 =	sadd.s32 $0x1400, s23;
	[sflag:s17] =	ssyncadd.s32 $0xFFFFC000  }
0x34: {  	[spmem:s2] =	stream.indirect.scatter.add.f32 [tilespmem:s13], [sflag:$0x3], $0x80, s24, s12, $0xb8;
	[tilespmem:$0x1E400] =	vst v63  }
0x35: {  	_ =	swait.ge [sflag:s10], $0x4000  }
0x36: {  	[sflag:s10] =	ssyncset.done $0x0  }
0x37: {  	s24 =	sadd.s32 $0x100, s23;
	[sflag:s10] =	ssyncadd.s32 $0xFFFFC000  }
0x38: {  	[tilespmem:s13], [sflag:$0x1] =	stream.indirect.gather [hbm4b:s4+s12], $0x80, s24, s12, $0xb8;
	[tilespmem:$0x1E400] =	vst v63  }
0x39: {  	_ =	swait.ge [sflag:s18], $0x4000  }
0x3a: {  	[sflag:s18] =	ssyncset.done $0x0  }
.Ltmp0:
0x3b: {  	s24 =	sadd.s32 $0x1480, s23;
	[sflag:s18] =	ssyncadd.s32 $0xFFFFC000;
	(pc) =	sbr.rel @p0 .LBB2_2-.Ltmp0, $4  }
0x3c: {  	[spmem:s2] =	stream.indirect.scatter.add.f32 [tilespmem:s14], [sflag:$0x3], $0x80, s24, s12, $0xb8;
	[tilespmem:$0x1E400] =	vst v63  }
0x3d: {  	_ =	swait.ge [sflag:s10], $0x4000  }
0x3e: {  	[sflag:s10] =	ssyncset.done $0x0  }
0x3f: {  	s23 =	sadd.s32 $0x180, s23;
	[sflag:s10] =	ssyncadd.s32 $0xFFFFC000  }
0x40: {  	[tilespmem:s14], [sflag:$0x2] =	stream.indirect.gather [hbm4b:s4+s12], $0x80, s23, s12, $0xb8;
	[tilespmem:$0x1E400] =	vst v63  }
0x41: {  	_ =	swait.ge [sflag:s17], $0x4000  }
0x42: {  	[sflag:s17] =	ssyncset.done $0x0  }
0x43: {  	[sflag:s17] =	ssyncadd.s32 $0xFFFFC000  }
0x44: {  	[spmem:s2] =	stream.indirect.scatter.add.f32 [tilespmem:s13], [sflag:$0x3], $0x80, s19, s12, $0xb8;
	[tilespmem:$0x1E400] =	vst v63  }
0x45: {  	_ =	swait.ge [sflag:s10], $0x4000  }
0x46: {  	[sflag:s10] =	ssyncset.done $0x0  }
0x47: {  	[sflag:s10] =	ssyncadd.s32 $0xFFFFC000  }
0x48: {  	_ =	swait.ge [sflag:s18], $0x4000  }
0x49: {  	[sflag:s18] =	ssyncset.done $0x0  }
0x4a: {  	[sflag:s18] =	ssyncadd.s32 $0xFFFFC000  }
0x4b: {  	[spmem:s2] =	stream.indirect.scatter.add.f32 [tilespmem:s14], [sflag:$0x3], $0x80, s20, s12, $0xb8;
	[tilespmem:$0x1E400] =	vst v63  }
0x4c: {  	_ =	swait.ge [sflag:s10], $0x4000  }
0x4d: {  	s21 =	sadd.s32 $0x1, s21;
	[sflag:s10] =	ssyncset.done $0x0  }
0x4e: {  	p0 =	sne.s32 s21, s9;
	[sflag:s10] =	ssyncadd.s32 $0xFFFFC000  }
.Ltmp1:
0x4f: {  	[bflag:$0x0] =	sbarrier.arrive $0xFFFF;
	(pc) =	sbr.rel @p0 .LBB2_1-.Ltmp1, $4  }
0x50: {  	[hbm:s8], [sflag:s15] =	dma.local [spmem:s16], $0x2780  }
0x51: {  	_ =	swait.ge [sflag:s10], $0x2780  }
0x52: {  	[sflag:s10] =	ssyncset.done $0x0  }
0x53: {  	[sflag:s10] =	ssyncadd.s32 $0xFFFFD880  }
0x54: {  	_ =	sfence.sel $0x180000  }
0x55: {  	[bflag:$0x0] =	sbarrier.arrive $0xFFFF  }
0x56: {  	p0 =	sne.s32 s0, $0x0;
	_ =	strace $0x9000005F  }
0x57: {  	s0 =	sadd.s32 @!p0 $0x100000, s1;
	[bflag:$0x2] =	sbarrier.arrive $0xFFFF  }
0x58: {  	[sflag:s0] =	ssyncadd.tile.s32 @!p0 $0x1;
	_ =	shalt  }
.Lfunc_end2:
_tile_overlayer_lowered:
.L_overlay_start_2:
0x59: {  	(tag) =	ssettag $0x2  }
0x5a: {  	s0 =	rddreg [dreg:$0x0];
	s2 =	stileid.u32  }
0x5b: {  	s1 =	rddreg [dreg:$0x1];
	p0 =	sne.s32 s2, $0x0  }
0x5c: {  	s3 =	rddreg [dreg:$0x2];
	[bflag:$0x3] =	sbarrier.arrive $0xFFFF;
	s2 =	simm.s32 @!p0 $0x1C03  }
0x5d: {  	[timem:s3], [sflag:s2] =	dma.local @!p0 [hbm:s0], s1  }
0x5e: {  	s0 =	simm.s32 @!p0 $0x3  }
0x5f: {  	_ =	swait.ge @!p0 [sflag:s0], s1  }
0x60: {  	s1 =	ssub.s32 @!p0 $0x0, s1;
	[sflag:s0] =	ssyncset.done @!p0 $0x0  }
0x61: {  	[sflag:s0] =	ssyncadd.s32 @!p0 s1  }
0x62: {  	[bflag:$0x3] =	sbarrier.arrive $0xFFFF  }
0x63: {  	_ =	shalt  }

</sc_bundles>
